<compile_context>
chip_gen: v7x
topology: tpu7x:2x2x1
jax: 0.10.2.dev20260603
libtpu: 0.0.44.dev20260713+nightly
codegen_flags: <defaults>
</compile_context>

<pallas_src>
import functools

import jax
import jax.numpy as jnp
from jax import lax
from jax.experimental import pallas as pl
from jax.experimental.pallas import tpu as pltpu
from jax.experimental.pallas import tpu_sc as plsc

_N = 10000
_E = 160000
_NS = 16
_NC = 2
_EPT = _E // _NS
_K = 128
_NB = 80
_EPAD = _NB * _K
_HN = 5000
_HACC = 5008
_PBUF = 10752
_B = 128
_NH = 10240
_HPT = _NH // _NS


def _mesh():
    return plsc.VectorSubcoreMesh(core_axis_name="c", subcore_axis_name="s")


def _deg_body(idx2d, out_hbm, stage_hbm, sp_hbm, dp_hbm, cnt_hbm,
              didx_v, hist_v, red_v, sum_v, sidx_v, didx2_v, sp_v, dp_v,
              cnt_v):
    cid = lax.axis_index("c")
    sid = lax.axis_index("s")
    one16 = jnp.full((16,), 1.0, jnp.float32)
    zer16 = jnp.zeros((16,), jnp.float32)

    def _fill_zer(i, c):
        hist_v[pl.ds(i * 16, 16)] = zer16
        return c
    lax.fori_loop(0, _NH // 16, _fill_zer, 0)

    pltpu.sync_copy(idx2d.at[pl.ds(cid * (_NS * _NB) + sid * _NB, _NB)],
                    didx_v)

    def _hist(b, c):
        for j in range(_K // 16):
            idx16 = didx_v[b, pl.ds(j * 16, 16)]
            plsc.addupdate_scatter(hist_v, [idx16], one16)
        return c
    lax.fori_loop(0, _NB, _hist, 0)

    pltpu.sync_copy(hist_v, stage_hbm.at[cid * _NS + sid, 0])

    pltpu.sync_copy(idx2d.at[pl.ds(sid * _NB, _NB)], sidx_v)
    pltpu.sync_copy(idx2d.at[pl.ds(_NS * _NB + sid * _NB, _NB)], didx2_v)

    zero16i = jnp.zeros((16,), jnp.int32)
    trash16 = jnp.full((16,), _HN, jnp.int32)

    def _fill(i, c):
        sp_v[pl.ds(i * 16, 16)] = zero16i
        dp_v[pl.ds(i * 16, 16)] = trash16
        return c
    lax.fori_loop(0, _PBUF // 16, _fill, 0)

    lo = cid * _HN

    def _part(b, off):
        for j in range(_K // 16):
            d = didx2_v[b, pl.ds(j * 16, 16)]
            sv = sidx_v[b, pl.ds(j * 16, 16)]
            dl = d - lo
            msk = jnp.logical_and(dl >= 0, dl < _HN)
            plsc.store_compressed(sp_v.at[pl.ds(off, 16)], sv, mask=msk)
            plsc.store_compressed(dp_v.at[pl.ds(off, 16)], dl, mask=msk)
            off = off + plsc.all_reduce_population_count(msk)[0]
        return off
    cnt = lax.fori_loop(0, _NB, _part, 0)
    cnt_v[pl.ds(0, 16)] = zero16i + cnt
    row = cid * _NS + sid
    pltpu.sync_copy(sp_v, sp_hbm.at[row, 0])
    pltpu.sync_copy(dp_v, dp_hbm.at[row, 0])
    pltpu.sync_copy(cnt_v, cnt_hbm.at[row, 0])
    plsc.subcore_barrier()

    pltpu.sync_copy(
        stage_hbm.at[pl.ds(cid * _NS, _NS), 0, pl.ds(sid * _HPT, _HPT)],
        red_v)

    def _red(j, c):
        s = zer16
        for r in range(_NS):
            s = s + red_v[r, pl.ds(j * 16, 16)]
        sum_v[pl.ds(j * 16, 16)] = s
        return c
    lax.fori_loop(0, _HPT // 16, _red, 0)

    pltpu.sync_copy(sum_v, out_hbm.at[cid, 0, pl.ds(sid * _HPT, _HPT)])


def _deg_call(idx2d):
    f = functools.partial(
        pl.kernel, mesh=_mesh(),
        compiler_params=pltpu.CompilerParams(needs_layout_passes=False),
        out_type=(jax.ShapeDtypeStruct((_NC, 1, _NH), jnp.float32),
                  jax.ShapeDtypeStruct((_NC * _NS, 1, _NH), jnp.float32),
                  jax.ShapeDtypeStruct((_NC * _NS, 1, _PBUF), jnp.int32),
                  jax.ShapeDtypeStruct((_NC * _NS, 1, _PBUF), jnp.int32),
                  jax.ShapeDtypeStruct((_NC * _NS, 1, 16), jnp.int32)),
        scratch_types=[
            pltpu.VMEM((_NB, _K), jnp.int32),
            pltpu.VMEM((_NH,), jnp.float32),
            pltpu.VMEM((_NS, _HPT), jnp.float32),
            pltpu.VMEM((_HPT,), jnp.float32),
            pltpu.VMEM((_NB, _K), jnp.int32),
            pltpu.VMEM((_NB, _K), jnp.int32),
            pltpu.VMEM((_PBUF,), jnp.int32),
            pltpu.VMEM((_PBUF,), jnp.int32),
            pltpu.VMEM((16,), jnp.int32),
        ],
    )(_deg_body)
    out = f(idx2d)
    return out[0], out[2], out[3], out[4]


def _seg_body(m0, m1, m2, m3, sp_hbm, dp_hbm, cnt_hbm, zer_hbm,
              o0, o1, o2, o3,
              sp_v, dp_v, cnt_v, r0, r1, r2, r3, acc_sh, sem0, sem1):
    cid = lax.axis_index("c")
    sid = lax.axis_index("s")
    lo = cid * _HN
    row = cid * _NS + sid

    pltpu.sync_copy(sp_hbm.at[row, 0], sp_v)
    pltpu.sync_copy(dp_hbm.at[row, 0], dp_v)
    pltpu.sync_copy(cnt_hbm.at[row, 0], cnt_v)
    cnt = cnt_v[pl.ds(0, 16)][0]
    nb = ((cnt + 2 * _B - 1) // (2 * _B)) * 2

    bufs = (r0, r1, r2, r3)
    sems = (sem0, sem1, sem0, sem1)

    for ci, (mr, our) in enumerate(((m0, o0), (m1, o1), (m2, o2), (m3, o3))):
        pltpu.sync_copy(zer_hbm.at[pl.ds(0, 312)],
                        acc_sh.at[pl.ds(sid * 312, 312)])

        @pl.when(sid == _NS - 1)
        def _():
            pltpu.sync_copy(zer_hbm.at[pl.ds(0, 16)],
                            acc_sh.at[pl.ds(4992, 16)])
        plsc.subcore_barrier()

        def _gather(b, buf, sem, mr=mr):
            pltpu.async_copy(mr.at[sp_v.at[pl.ds(b * _B, _B)]], buf, sem)

        def _wait(buf, sem, mr=mr):
            pltpu.make_async_copy(mr.at[pl.ds(0, _B)], buf, sem).wait()

        for i in range(4):
            @pl.when(i < nb)
            def _(i=i):
                _gather(i, bufs[i], sems[i])

        def _quad(p, c):
            b0 = 4 * p
            for i in range(4):
                b = b0 + i

                @pl.when(b < nb)
                def _(b=b, i=i):
                    _wait(bufs[i], sems[i])
                    pltpu.sync_copy(
                        bufs[i], acc_sh.at[dp_v.at[pl.ds(b * _B, _B)]],
                        add=True)

                    @pl.when(b + 4 < nb)
                    def _():
                        _gather(b + 4, bufs[i], sems[i])
            return c
        lax.fori_loop(0, (nb + 3) // 4, _quad, 0)

        plsc.subcore_barrier()
        pltpu.sync_copy(acc_sh.at[pl.ds(sid * 312, 312)],
                        our.at[pl.ds(lo + sid * 312, 312)])

        @pl.when(sid == _NS - 1)
        def _():
            pltpu.sync_copy(acc_sh.at[pl.ds(4992, 8)],
                            our.at[pl.ds(lo + 4992, 8)])
        if ci < 3:
            plsc.subcore_barrier()


def _seg_call(ms, sp, dp, cnts, zer):
    f = functools.partial(
        pl.kernel, mesh=_mesh(),
        out_type=tuple(
            jax.ShapeDtypeStruct((_N, 128), jnp.float32) for _ in range(4)),
        scratch_types=[
            pltpu.VMEM((_PBUF,), jnp.int32),
            pltpu.VMEM((_PBUF,), jnp.int32),
            pltpu.VMEM((16,), jnp.int32),
            pltpu.VMEM((_B, 128), jnp.float32),
            pltpu.VMEM((_B, 128), jnp.float32),
            pltpu.VMEM((_B, 128), jnp.float32),
            pltpu.VMEM((_B, 128), jnp.float32),
            pltpu.VMEM_SHARED((_HACC, 128), jnp.float32),
            pltpu.SemaphoreType.DMA,
            pltpu.SemaphoreType.DMA,
        ],
    )(_seg_body)
    return f(ms[0], ms[1], ms[2], ms[3], sp, dp, cnts, zer)


def _m1_body(deg_ref, x_ref, w_ref, o0, o1, o2, o3):
    dso = lax.rsqrt(jnp.maximum(deg_ref[:, 0:1], 1.0))
    y = jnp.dot(x_ref[...] * dso, w_ref[...],
                preferred_element_type=jnp.float32)
    for j, o in enumerate((o0, o1, o2, o3)):
        o[...] = y[:, j * 128:(j + 1) * 128]


def _m1_call(degt, x, w1):
    return pl.pallas_call(
        _m1_body,
        grid=(_N // 400,),
        in_specs=[
            pl.BlockSpec((400, 2), lambda i: (i, 0)),
            pl.BlockSpec((400, 256), lambda i: (i, 0)),
            pl.BlockSpec((256, 512), lambda i: (0, 0)),
        ],
        out_specs=[pl.BlockSpec((400, 128), lambda i: (i, 0))
                   for _ in range(4)],
        out_shape=[jax.ShapeDtypeStruct((_N, 128), jnp.float32)
                   for _ in range(4)],
        compiler_params=pltpu.CompilerParams(
            dimension_semantics=("parallel",)),
    )(degt, x, w1)


def _layer_body(deg_ref, a0, a1, a2, a3, w_ref, b_ref, fl_ref,
                o0, o1, o2, o3):
    dsi = lax.rsqrt(jnp.maximum(deg_ref[:, 1:2], 1.0))
    h = jnp.concatenate([a0[...], a1[...], a2[...], a3[...]], axis=1) * dsi
    y = jnp.maximum(jnp.dot(h, w_ref[...],
                            preferred_element_type=jnp.float32) + b_ref[...],
                    0.0)
    dso = lax.rsqrt(jnp.maximum(deg_ref[:, 0:1], 1.0))
    fl = fl_ref[0, 0]
    y = y * (dso * fl + (1.0 - fl))
    for j, o in enumerate((o0, o1, o2, o3)):
        o[...] = y[:, j * 128:(j + 1) * 128]


def _layer_call(degt, aggs, w, b2d, fl):
    return pl.pallas_call(
        _layer_body,
        grid=(_N // 400,),
        in_specs=[pl.BlockSpec((400, 2), lambda i: (i, 0))]
        + [pl.BlockSpec((400, 128), lambda i: (i, 0)) for _ in range(4)]
        + [
            pl.BlockSpec((512, 512), lambda i: (0, 0)),
            pl.BlockSpec((1, 512), lambda i: (0, 0)),
            pl.BlockSpec((1, 1), lambda i: (0, 0)),
        ],
        out_specs=[pl.BlockSpec((400, 128), lambda i: (i, 0))
                   for _ in range(4)],
        out_shape=[jax.ShapeDtypeStruct((_N, 128), jnp.float32)
                   for _ in range(4)],
        compiler_params=pltpu.CompilerParams(
            dimension_semantics=("parallel",)),
    )(degt, aggs[0], aggs[1], aggs[2], aggs[3], w, b2d, fl)


def _pool_body(y0, y1, y2, y3, wfc_ref, bfc_ref, o_ref, sum_ref):
    i = pl.program_id(0)

    @pl.when(i == 0)
    def _():
        sum_ref[...] = jnp.zeros_like(sum_ref)

    yc = jnp.concatenate([y0[...], y1[...], y2[...], y3[...]], axis=1)
    sum_ref[...] += jnp.sum(yc, axis=0, keepdims=True)

    @pl.when(i == _N // 400 - 1)
    def _():
        total = jnp.sum(sum_ref[...] * wfc_ref[...])
        o_ref[...] = jnp.reshape(total / float(_N) + bfc_ref[0, 0], (1, 1))


def _pool_call(ys, wfc2d, bfc2d):
    return pl.pallas_call(
        _pool_body,
        grid=(_N // 400,),
        in_specs=[pl.BlockSpec((400, 128), lambda i: (i, 0))
                  for _ in range(4)]
        + [
            pl.BlockSpec((1, 512), lambda i: (0, 0)),
            pl.BlockSpec((1, 1), lambda i: (0, 0)),
        ],
        out_specs=pl.BlockSpec((1, 1), lambda i: (0, 0)),
        out_shape=jax.ShapeDtypeStruct((1, 1), jnp.float32),
        scratch_shapes=[pltpu.VMEM((1, 512), jnp.float32)],
        compiler_params=pltpu.CompilerParams(
            dimension_semantics=("arbitrary",)),
    )(ys[0], ys[1], ys[2], ys[3], wfc2d, bfc2d)


def kernel(x, edge_index, W1, b1, W2, b2, W3, b3, W_fc, b_fc):
    src = edge_index[0].reshape(_NS, _EPT)
    dst = edge_index[1].reshape(_NS, _EPT)
    pad = ((0, 0), (0, _EPAD - _EPT))
    sidx = jnp.pad(src, pad).reshape(_NS * _NB, _K)
    sidx_t = jnp.pad(src, pad, constant_values=_N).reshape(_NS * _NB, _K)
    didx_t = jnp.pad(dst, pad, constant_values=_N).reshape(_NS * _NB, _K)
    deg_idx = jnp.concatenate([sidx_t, didx_t], axis=0)

    deg, sp, dp, cnts = _deg_call(deg_idx)
    degt = jnp.stack([deg[0, 0, :_N], deg[1, 0, :_N]], axis=1)

    wstack = jnp.stack([jnp.eye(512, dtype=jnp.float32), W2, W3])
    bstack = jnp.stack([b1, b2, b3]).reshape(3, 1, 512)
    fstack = jnp.array([1.0, 1.0, 0.0], jnp.float32).reshape(3, 1, 1)
    zer = jnp.zeros((312, 128), jnp.float32)

    ms = tuple(_m1_call(degt, x, W1))

    def _layer(l, ms):
        aggs = _seg_call(ms, sp, dp, cnts, zer)
        wl = lax.dynamic_index_in_dim(wstack, l, keepdims=False)
        bl = lax.dynamic_index_in_dim(bstack, l, keepdims=False)
        fl = lax.dynamic_index_in_dim(fstack, l, keepdims=False)
        return tuple(_layer_call(degt, aggs, wl, bl, fl))

    ys = lax.fori_loop(0, 3, _layer, ms)
    out = _pool_call(ys, W_fc.reshape(1, 512), b_fc.reshape(1, 1))
    return out.reshape(())

# --- scband reference (transcript-rebuilt; emitter-appended) ---
"""Pipeline reference for scband-gcnregressor-14783277433379 (READ-ONLY COPY).

The authoritative reference and input builder live on the scoring server;
editing this copy changes nothing except your own understanding.
"""

import jax, jax.numpy as jnp
import numpy as np

N = 10000
E = 160000
IN_FEATS = 256
HIDDEN = 512


def _glorot(key, shape):
    fan_in, fan_out = shape[0], shape[1]
    scale = jnp.sqrt(2.0 / (fan_in + fan_out))
    return jax.random.normal(key, shape, dtype=jnp.float32) * scale


def setup_inputs(seed: int = 0) -> dict:
    key = jax.random.key(seed)
    ks = jax.random.split(key, 10)
    x = jax.random.normal(ks[0], (N, IN_FEATS), dtype=jnp.float32)
    edge_index = jax.random.randint(ks[1], (2, E), 0, N, dtype=jnp.int32)
    W1 = _glorot(ks[2], (IN_FEATS, HIDDEN))
    b1 = jnp.zeros((HIDDEN,), dtype=jnp.float32)
    W2 = _glorot(ks[3], (HIDDEN, HIDDEN))
    b2 = jnp.zeros((HIDDEN,), dtype=jnp.float32)
    W3 = _glorot(ks[4], (HIDDEN, HIDDEN))
    b3 = jnp.zeros((HIDDEN,), dtype=jnp.float32)
    W_fc = _glorot(ks[5], (HIDDEN, 1))
    b_fc = jnp.zeros((1,), dtype=jnp.float32)
    return {"x": x, "edge_index": edge_index, "W1": W1, "b1": b1,
            "W2": W2, "b2": b2, "W3": W3, "b3": b3,
            "W_fc": W_fc, "b_fc": b_fc}


def _gcn_conv(h, src, dst, dso, dsi, W, b):
    # DGL GraphConv norm='both': scale src feats by D_out^-1/2, matmul W,
    # sum-aggregate to dst, scale by D_in^-1/2, add bias.
    h = h * dso[:, None]
    h = h @ W
    msg = jnp.take(h, src, axis=0)
    agg = jax.ops.segment_sum(msg, dst, num_segments=N)
    agg = agg * dsi[:, None]
    return agg + b


def reference(x, edge_index, W1, b1, W2, b2, W3, b3, W_fc, b_fc):
    src = edge_index[0]
    dst = edge_index[1]
    deg_out = jnp.clip(jnp.bincount(src, length=N), 1, None).astype(jnp.float32)
    deg_in = jnp.clip(jnp.bincount(dst, length=N), 1, None).astype(jnp.float32)
    dso = deg_out ** -0.5
    dsi = deg_in ** -0.5
    h = jax.nn.relu(_gcn_conv(x, src, dst, dso, dsi, W1, b1))
    # dropout is identity in eval mode
    h = jax.nn.relu(_gcn_conv(h, src, dst, dso, dsi, W2, b2))
    h = jax.nn.relu(_gcn_conv(h, src, dst, dso, dsi, W3, b3))
    hg = jnp.mean(h, axis=0, keepdims=True)  # dgl.mean_nodes on single graph
    out = hg @ W_fc + b_fc  # [1, 1]
    return out.squeeze()

if __name__ == "__main__":
    import jax
    _d = setup_inputs()
    print(jax.jit(kernel)(*tuple(_d.values())))

</pallas_src>

<mosaic_0001>
#map = affine_map<(d0, d1) -> (0, 0)>
#map1 = affine_map<(d0, d1) -> (0, 0, 0)>
module attributes {stable_mosaic.version = 14 : i64} {
  func.func @_deg_body(%arg0: i32, %arg1: i32, %arg2: memref<2560x128xi32, #tpu.memory_space<hbm>>, %arg3: memref<2x1x10240xf32, #tpu.memory_space<hbm>>, %arg4: memref<32x1x10240xf32, #tpu.memory_space<hbm>>, %arg5: memref<32x1x10752xi32, #tpu.memory_space<hbm>>, %arg6: memref<32x1x10752xi32, #tpu.memory_space<hbm>>, %arg7: memref<32x1x16xi32, #tpu.memory_space<hbm>>, %arg8: memref<80x128xi32, #tpu.memory_space<vmem>>, %arg9: memref<10240xf32, #tpu.memory_space<vmem>>, %arg10: memref<16x640xf32, #tpu.memory_space<vmem>>, %arg11: memref<640xf32, #tpu.memory_space<vmem>>, %arg12: memref<80x128xi32, #tpu.memory_space<vmem>>, %arg13: memref<80x128xi32, #tpu.memory_space<vmem>>, %arg14: memref<10752xi32, #tpu.memory_space<vmem>>, %arg15: memref<10752xi32, #tpu.memory_space<vmem>>, %arg16: memref<16xi32, #tpu.memory_space<vmem>>) attributes {dimension_semantics = [#tpu.dimension_semantics<core_parallel>, #tpu.dimension_semantics<subcore_parallel>], iteration_bounds = array<i64: 2, 16>, scalar_prefetch = 0 : i64, scratch_operands = 9 : i64, tpu.core_type = #tpu.core_type<sc_vector_subcore>, window_params = [{transform_indices = #map}, {transform_indices = #map1}, {transform_indices = #map1}, {transform_indices = #map1}, {transform_indices = #map1}, {transform_indices = #map1}]} {
    %broadcast_in_dim3A = arith.constant 1.000000e+00 : f32
    %broadcast_in_dim3A_0 = vector.broadcast %broadcast_in_dim3A : f32 to vector<16xf32>
    %broadcast_in_dim3A_1 = arith.constant 0.000000e+00 : f32
    %broadcast_in_dim3A_2 = vector.broadcast %broadcast_in_dim3A_1 : f32 to vector<16xf32>
    %scan3A = arith.constant 0 : i32
    %scan3A_3 = arith.constant 0 : i32
    %scan3A_4 = arith.constant 640 : i32
    %scan3A_5 = arith.addi %scan3A_3, %scan3A_4 : i32
    %scan3A_6 = arith.constant 1 : i32
    scf.for %scan3A_68 = %scan3A_3 to %scan3A_5 step %scan3A_6  : i32 {
      %mul3A_69 = arith.constant 16 : i32
      %mul3A_70 = arith.muli %scan3A_68, %mul3A_69 : i32
      %swap3A_71 = arith.index_cast %mul3A_70 : i32 to index
      %swap3A_72 = tpu.vector_load %arg9[%swap3A_71] {strides = array<i32>} : memref<10240xf32, #tpu.memory_space<vmem>>, vector<16xf32>,
      tpu.vector_store %arg9[%swap3A_71], %broadcast_in_dim3A_2 {strides = array<i32>} : memref<10240xf32, #tpu.memory_space<vmem>>, vector<16xf32>,
    }
    %scan3A_7 = arith.constant 640 : i32
    %mul3A = arith.constant 1280 : i32
    %mul3A_8 = arith.muli %arg0, %mul3A : i32
    %mul3A_9 = arith.constant 80 : i32
    %mul3A_10 = arith.muli %arg1, %mul3A_9 : i32
    %add3A = arith.addi %mul3A_8, %mul3A_10 : i32
    "tpu.region"() ({
      %run_scoped3A_68 = tpu.sem_alloc : memref<!tpu.dma_semaphore, #tpu.memory_space<semaphore_mem>>
      %dma_start3A = arith.constant 0 : i32
      %dma_start3A_69 = tpu.memref_slice %arg2[%add3A, %dma_start3A] : memref<2560x128xi32, #tpu.memory_space<hbm>> -> memref<80x128xi32, #tpu.memory_space<hbm>>
      %dma_start3A_70 = arith.constant 0 : i32
      %dma_start3A_71 = tpu.memref_slice %arg2[%add3A, %dma_start3A_70] : memref<2560x128xi32, #tpu.memory_space<hbm>> -> memref<80x128xi32, #tpu.memory_space<hbm>>
      tpu.enqueue_dma source(%dma_start3A_71 : memref<80x128xi32, #tpu.memory_space<hbm>>) target(%arg8 : memref<80x128xi32, #tpu.memory_space<vmem>>) target_semaphore(%run_scoped3A_68 : memref<!tpu.dma_semaphore, #tpu.memory_space<semaphore_mem>>)
      %dma_wait3A = arith.constant 0 : i32
      %dma_wait3A_72 = tpu.memref_slice %arg2[%add3A, %dma_wait3A] : memref<2560x128xi32, #tpu.memory_space<hbm>> -> memref<80x128xi32, #tpu.memory_space<hbm>>
      %dma_wait3A_73 = arith.constant 0 : i32
      %dma_wait3A_74 = tpu.memref_slice %arg2[%add3A, %dma_wait3A_73] : memref<2560x128xi32, #tpu.memory_space<hbm>> -> memref<80x128xi32, #tpu.memory_space<hbm>>
      tpu.wait_dma2 semaphore(%run_scoped3A_68 : memref<!tpu.dma_semaphore, #tpu.memory_space<semaphore_mem>>) src(%dma_wait3A_74 : memref<80x128xi32, #tpu.memory_space<hbm>>) dst(%arg8 : memref<80x128xi32, #tpu.memory_space<vmem>>)
      tpu.yield
    }) : () -> ()
    %scan3A_11 = arith.constant 0 : i32
    %scan3A_12 = arith.constant 0 : i32
    %scan3A_13 = arith.constant 80 : i32
    %scan3A_14 = arith.addi %scan3A_12, %scan3A_13 : i32
    %scan3A_15 = arith.constant 1 : i32
    scf.for %scan3A_68 = %scan3A_12 to %scan3A_14 step %scan3A_15  : i32 {
      %get3A = arith.index_cast %scan3A_68 : i32 to index
      %get3A_69 = arith.constant 0 : index
      %get3A_70 = tpu.vector_load %arg8[%get3A, %get3A_69] {strides = array<i32>} : memref<80x128xi32, #tpu.memory_space<vmem>>, vector<16xi32>,
      tpu.vector_store_idx %arg9[%get3A_70], %broadcast_in_dim3A_0 {add = true} : memref<10240xf32, #tpu.memory_space<vmem>>[vector<16xi32>], vector<16xf32>,
      %get3A_71 = arith.index_cast %scan3A_68 : i32 to index
      %get3A_72 = arith.constant 16 : index
      %get3A_73 = tpu.vector_load %arg8[%get3A_71, %get3A_72] {strides = array<i32>} : memref<80x128xi32, #tpu.memory_space<vmem>>, vector<16xi32>,
      tpu.vector_store_idx %arg9[%get3A_73], %broadcast_in_dim3A_0 {add = true} : memref<10240xf32, #tpu.memory_space<vmem>>[vector<16xi32>], vector<16xf32>,
      %get3A_74 = arith.index_cast %scan3A_68 : i32 to index
      %get3A_75 = arith.constant 32 : index
      %get3A_76 = tpu.vector_load %arg8[%get3A_74, %get3A_75] {strides = array<i32>} : memref<80x128xi32, #tpu.memory_space<vmem>>, vector<16xi32>,
      tpu.vector_store_idx %arg9[%get3A_76], %broadcast_in_dim3A_0 {add = true} : memref<10240xf32, #tpu.memory_space<vmem>>[vector<16xi32>], vector<16xf32>,
      %get3A_77 = arith.index_cast %scan3A_68 : i32 to index
      %get3A_78 = arith.constant 48 : index
      %get3A_79 = tpu.vector_load %arg8[%get3A_77, %get3A_78] {strides = array<i32>} : memref<80x128xi32, #tpu.memory_space<vmem>>, vector<16xi32>,
      tpu.vector_store_idx %arg9[%get3A_79], %broadcast_in_dim3A_0 {add = true} : memref<10240xf32, #tpu.memory_space<vmem>>[vector<16xi32>], vector<16xf32>,
      %get3A_80 = arith.index_cast %scan3A_68 : i32 to index
      %get3A_81 = arith.constant 64 : index
      %get3A_82 = tpu.vector_load %arg8[%get3A_80, %get3A_81] {strides = array<i32>} : memref<80x128xi32, #tpu.memory_space<vmem>>, vector<16xi32>,
      tpu.vector_store_idx %arg9[%get3A_82], %broadcast_in_dim3A_0 {add = true} : memref<10240xf32, #tpu.memory_space<vmem>>[vector<16xi32>], vector<16xf32>,
      %get3A_83 = arith.index_cast %scan3A_68 : i32 to index
      %get3A_84 = arith.constant 80 : index
      %get3A_85 = tpu.vector_load %arg8[%get3A_83, %get3A_84] {strides = array<i32>} : memref<80x128xi32, #tpu.memory_space<vmem>>, vector<16xi32>,
      tpu.vector_store_idx %arg9[%get3A_85], %broadcast_in_dim3A_0 {add = true} : memref<10240xf32, #tpu.memory_space<vmem>>[vector<16xi32>], vector<16xf32>,
      %get3A_86 = arith.index_cast %scan3A_68 : i32 to index
      %get3A_87 = arith.constant 96 : index
      %get3A_88 = tpu.vector_load %arg8[%get3A_86, %get3A_87] {strides = array<i32>} : memref<80x128xi32, #tpu.memory_space<vmem>>, vector<16xi32>,
      tpu.vector_store_idx %arg9[%get3A_88], %broadcast_in_dim3A_0 {add = true} : memref<10240xf32, #tpu.memory_space<vmem>>[vector<16xi32>], vector<16xf32>,
      %get3A_89 = arith.index_cast %scan3A_68 : i32 to index
      %get3A_90 = arith.constant 112 : index
      %get3A_91 = tpu.vector_load %arg8[%get3A_89, %get3A_90] {strides = array<i32>} : memref<80x128xi32, #tpu.memory_space<vmem>>, vector<16xi32>,
      tpu.vector_store_idx %arg9[%get3A_91], %broadcast_in_dim3A_0 {add = true} : memref<10240xf32, #tpu.memory_space<vmem>>[vector<16xi32>], vector<16xf32>,
    }
    %scan3A_16 = arith.constant 80 : i32
    %mul3A_17 = arith.constant 16 : i32
    %mul3A_18 = arith.muli %arg0, %mul3A_17 : i32
    %add3A_19 = arith.addi %mul3A_18, %arg1 : i32
    %run_scoped3A = arith.constant 0 : i32
    "tpu.region"() ({
      %run_scoped3A_68 = tpu.sem_alloc : memref<!tpu.dma_semaphore, #tpu.memory_space<semaphore_mem>>
      %dma_start3A = arith.constant 0 : i32
      %dma_start3A_69 = tpu.memref_slice %arg4[%add3A_19, %run_scoped3A, %dma_start3A] : memref<32x1x10240xf32, #tpu.memory_space<hbm>> -> memref<1x1x10240xf32, #tpu.memory_space<hbm>>
      %dma_start3A_70 = tpu.memref_squeeze %dma_start3A_69 : memref<1x1x10240xf32, #tpu.memory_space<hbm>> -> memref<10240xf32, #tpu.memory_space<hbm>>
      %dma_start3A_71 = arith.constant 0 : i32
      %dma_start3A_72 = tpu.memref_slice %arg4[%add3A_19, %run_scoped3A, %dma_start3A_71] : memref<32x1x10240xf32, #tpu.memory_space<hbm>> -> memref<1x1x10240xf32, #tpu.memory_space<hbm>>
      %dma_start3A_73 = tpu.memref_squeeze %dma_start3A_72 : memref<1x1x10240xf32, #tpu.memory_space<hbm>> -> memref<10240xf32, #tpu.memory_space<hbm>>
      tpu.enqueue_dma source(%arg9 : memref<10240xf32, #tpu.memory_space<vmem>>) target(%dma_start3A_73 : memref<10240xf32, #tpu.memory_space<hbm>>) target_semaphore(%run_scoped3A_68 : memref<!tpu.dma_semaphore, #tpu.memory_space<semaphore_mem>>)
      %dma_wait3A = arith.constant 0 : i32
      %dma_wait3A_74 = tpu.memref_slice %arg4[%add3A_19, %run_scoped3A, %dma_wait3A] : memref<32x1x10240xf32, #tpu.memory_space<hbm>> -> memref<1x1x10240xf32, #tpu.memory_space<hbm>>
      %dma_wait3A_75 = tpu.memref_squeeze %dma_wait3A_74 : memref<1x1x10240xf32, #tpu.memory_space<hbm>> -> memref<10240xf32, #tpu.memory_space<hbm>>
      %dma_wait3A_76 = arith.constant 0 : i32
      %dma_wait3A_77 = tpu.memref_slice %arg4[%add3A_19, %run_scoped3A, %dma_wait3A_76] : memref<32x1x10240xf32, #tpu.memory_space<hbm>> -> memref<1x1x10240xf32, #tpu.memory_space<hbm>>
      %dma_wait3A_78 = tpu.memref_squeeze %dma_wait3A_77 : memref<1x1x10240xf32, #tpu.memory_space<hbm>> -> memref<10240xf32, #tpu.memory_space<hbm>>
      tpu.wait_dma2 semaphore(%run_scoped3A_68 : memref<!tpu.dma_semaphore, #tpu.memory_space<semaphore_mem>>) src(%arg9 : memref<10240xf32, #tpu.memory_space<vmem>>) dst(%dma_wait3A_78 : memref<10240xf32, #tpu.memory_space<hbm>>)
      tpu.yield
    }) : () -> ()
    %mul3A_20 = arith.constant 80 : i32
    %mul3A_21 = arith.muli %arg1, %mul3A_20 : i32
    "tpu.region"() ({
      %run_scoped3A_68 = tpu.sem_alloc : memref<!tpu.dma_semaphore, #tpu.memory_space<semaphore_mem>>
      %dma_start3A = arith.constant 0 : i32
      %dma_start3A_69 = tpu.memref_slice %arg2[%mul3A_21, %dma_start3A] : memref<2560x128xi32, #tpu.memory_space<hbm>> -> memref<80x128xi32, #tpu.memory_space<hbm>>
      %dma_start3A_70 = arith.constant 0 : i32
      %dma_start3A_71 = tpu.memref_slice %arg2[%mul3A_21, %dma_start3A_70] : memref<2560x128xi32, #tpu.memory_space<hbm>> -> memref<80x128xi32, #tpu.memory_space<hbm>>
      tpu.enqueue_dma source(%dma_start3A_71 : memref<80x128xi32, #tpu.memory_space<hbm>>) target(%arg12 : memref<80x128xi32, #tpu.memory_space<vmem>>) target_semaphore(%run_scoped3A_68 : memref<!tpu.dma_semaphore, #tpu.memory_space<semaphore_mem>>)
      %dma_wait3A = arith.constant 0 : i32
      %dma_wait3A_72 = tpu.memref_slice %arg2[%mul3A_21, %dma_wait3A] : memref<2560x128xi32, #tpu.memory_space<hbm>> -> memref<80x128xi32, #tpu.memory_space<hbm>>
      %dma_wait3A_73 = arith.constant 0 : i32
      %dma_wait3A_74 = tpu.memref_slice %arg2[%mul3A_21, %dma_wait3A_73] : memref<2560x128xi32, #tpu.memory_space<hbm>> -> memref<80x128xi32, #tpu.memory_space<hbm>>
      tpu.wait_dma2 semaphore(%run_scoped3A_68 : memref<!tpu.dma_semaphore, #tpu.memory_space<semaphore_mem>>) src(%dma_wait3A_74 : memref<80x128xi32, #tpu.memory_space<hbm>>) dst(%arg12 : memref<80x128xi32, #tpu.memory_space<vmem>>)
      tpu.yield
    }) : () -> ()
    %mul3A_22 = arith.constant 80 : i32
    %mul3A_23 = arith.muli %arg1, %mul3A_22 : i32
    %add3A_24 = arith.constant 1280 : i32
    %add3A_25 = arith.addi %add3A_24, %mul3A_23 : i32
    "tpu.region"() ({
      %run_scoped3A_68 = tpu.sem_alloc : memref<!tpu.dma_semaphore, #tpu.memory_space<semaphore_mem>>
      %dma_start3A = arith.constant 0 : i32
      %dma_start3A_69 = tpu.memref_slice %arg2[%add3A_25, %dma_start3A] : memref<2560x128xi32, #tpu.memory_space<hbm>> -> memref<80x128xi32, #tpu.memory_space<hbm>>
      %dma_start3A_70 = arith.constant 0 : i32
      %dma_start3A_71 = tpu.memref_slice %arg2[%add3A_25, %dma_start3A_70] : memref<2560x128xi32, #tpu.memory_space<hbm>> -> memref<80x128xi32, #tpu.memory_space<hbm>>
      tpu.enqueue_dma source(%dma_start3A_71 : memref<80x128xi32, #tpu.memory_space<hbm>>) target(%arg13 : memref<80x128xi32, #tpu.memory_space<vmem>>) target_semaphore(%run_scoped3A_68 : memref<!tpu.dma_semaphore, #tpu.memory_space<semaphore_mem>>)
      %dma_wait3A = arith.constant 0 : i32
      %dma_wait3A_72 = tpu.memref_slice %arg2[%add3A_25, %dma_wait3A] : memref<2560x128xi32, #tpu.memory_space<hbm>> -> memref<80x128xi32, #tpu.memory_space<hbm>>
      %dma_wait3A_73 = arith.constant 0 : i32
      %dma_wait3A_74 = tpu.memref_slice %arg2[%add3A_25, %dma_wait3A_73] : memref<2560x128xi32, #tpu.memory_space<hbm>> -> memref<80x128xi32, #tpu.memory_space<hbm>>
      tpu.wait_dma2 semaphore(%run_scoped3A_68 : memref<!tpu.dma_semaphore, #tpu.memory_space<semaphore_mem>>) src(%dma_wait3A_74 : memref<80x128xi32, #tpu.memory_space<hbm>>) dst(%arg13 : memref<80x128xi32, #tpu.memory_space<vmem>>)
      tpu.yield
    }) : () -> ()
    %broadcast_in_dim3A_26 = arith.constant 0 : i32
    %broadcast_in_dim3A_27 = vector.broadcast %broadcast_in_dim3A_26 : i32 to vector<16xi32>
    %broadcast_in_dim3A_28 = arith.constant 5000 : i32
    %broadcast_in_dim3A_29 = vector.broadcast %broadcast_in_dim3A_28 : i32 to vector<16xi32>
    %scan3A_30 = arith.constant 0 : i32
    %scan3A_31 = arith.constant 0 : i32
    %scan3A_32 = arith.constant 672 : i32
    %scan3A_33 = arith.addi %scan3A_31, %scan3A_32 : i32
    %scan3A_34 = arith.constant 1 : i32
    scf.for %scan3A_68 = %scan3A_31 to %scan3A_33 step %scan3A_34  : i32 {
      %mul3A_69 = arith.constant 16 : i32
      %mul3A_70 = arith.muli %scan3A_68, %mul3A_69 : i32
      %swap3A_71 = arith.index_cast %mul3A_70 : i32 to index
      %swap3A_72 = tpu.vector_load %arg14[%swap3A_71] {strides = array<i32>} : memref<10752xi32, #tpu.memory_space<vmem>>, vector<16xi32>,
      tpu.vector_store %arg14[%swap3A_71], %broadcast_in_dim3A_27 {strides = array<i32>} : memref<10752xi32, #tpu.memory_space<vmem>>, vector<16xi32>,
      %mul3A_73 = arith.constant 16 : i32
      %mul3A_74 = arith.muli %scan3A_68, %mul3A_73 : i32
      %swap3A_75 = arith.index_cast %mul3A_74 : i32 to index
      %swap3A_76 = tpu.vector_load %arg15[%swap3A_75] {strides = array<i32>} : memref<10752xi32, #tpu.memory_space<vmem>>, vector<16xi32>,
      tpu.vector_store %arg15[%swap3A_75], %broadcast_in_dim3A_29 {strides = array<i32>} : memref<10752xi32, #tpu.memory_space<vmem>>, vector<16xi32>,
    }
    %scan3A_35 = arith.constant 672 : i32
    %mul3A_36 = arith.constant 5000 : i32
    %mul3A_37 = arith.muli %arg0, %mul3A_36 : i32
    %scan3A_38 = arith.constant 0 : i32
    %scan3A_39 = arith.constant 0 : i32
    %scan3A_40 = arith.constant 80 : i32
    %scan3A_41 = arith.addi %scan3A_39, %scan3A_40 : i32
    %scan3A_42 = arith.constant 1 : i32
    %scan3A_43 = scf.for %scan3A_68 = %scan3A_39 to %scan3A_41 step %scan3A_42 iter_args(%scan3A_69 = %scan3A_38) -> (i32)  : i32 {
      %get3A = arith.index_cast %scan3A_68 : i32 to index
      %get3A_70 = arith.constant 0 : index
      %get3A_71 = tpu.vector_load %arg13[%get3A, %get3A_70] {strides = array<i32>} : memref<80x128xi32, #tpu.memory_space<vmem>>, vector<16xi32>,
      %get3A_72 = arith.index_cast %scan3A_68 : i32 to index
      %get3A_73 = arith.constant 0 : index
      %get3A_74 = tpu.vector_load %arg12[%get3A_72, %get3A_73] {strides = array<i32>} : memref<80x128xi32, #tpu.memory_space<vmem>>, vector<16xi32>,
      %sub3A = vector.broadcast %mul3A_37 : i32 to vector<16xi32>
      %sub3A_75 = arith.subi %get3A_71, %sub3A : vector<16xi32>
      %ge3A = arith.constant 0 : i32
      %ge3A_76 = vector.broadcast %ge3A : i32 to vector<16xi32>
      %ge3A_77 = arith.cmpi sge, %sub3A_75, %ge3A_76 : vector<16xi32>
      %lt3A = arith.constant 5000 : i32
      %lt3A_78 = vector.broadcast %lt3A : i32 to vector<16xi32>
      %lt3A_79 = arith.cmpi slt, %sub3A_75, %lt3A_78 : vector<16xi32>
      %and3A = arith.andi %ge3A_77, %lt3A_79 : vector<16xi1>
      %swap3A_80 = arith.index_cast %scan3A_69 : i32 to index
      %swap3A_81 = tpu.vector_load %arg14[%swap3A_80] masked %and3A {strides = array<i32>} : memref<10752xi32, #tpu.memory_space<vmem>>, vector<16xi32>, vector<16xi1>
      tpu.vector_store %arg14[%swap3A_80], %get3A_74 masked %and3A {strides = array<i32>} : memref<10752xi32, #tpu.memory_space<vmem>>, vector<16xi32>, vector<16xi1>
      %swap3A_82 = arith.index_cast %scan3A_69 : i32 to index
      %swap3A_83 = tpu.vector_load %arg15[%swap3A_82] masked %and3A {strides = array<i32>} : memref<10752xi32, #tpu.memory_space<vmem>>, vector<16xi32>, vector<16xi1>
      tpu.vector_store %arg15[%swap3A_82], %sub3A_75 masked %and3A {strides = array<i32>} : memref<10752xi32, #tpu.memory_space<vmem>>, vector<16xi32>, vector<16xi1>
      %all_reduce_population_count3A = tpu.all_reduce %and3A {dim = 0 : i64, kind = #tpu.reduction_kind<sum>} : vector<16xi1> -> vector<16xi32>
      %slice3A = vector.extract_strided_slice %all_reduce_population_count3A {offsets = [0], sizes = [1], strides = [1]} : vector<16xi32> to vector<1xi32>
      %squeeze3A = vector.extract %slice3A[0] : i32 from vector<1xi32>
      %add3A_84 = arith.addi %scan3A_69, %squeeze3A : i32
      %get3A_85 = arith.index_cast %scan3A_68 : i32 to index
      %get3A_86 = arith.constant 16 : index
      %get3A_87 = tpu.vector_load %arg13[%get3A_85, %get3A_86] {strides = array<i32>} : memref<80x128xi32, #tpu.memory_space<vmem>>, vector<16xi32>,
      %get3A_88 = arith.index_cast %scan3A_68 : i32 to index
      %get3A_89 = arith.constant 16 : index
      %get3A_90 = tpu.vector_load %arg12[%get3A_88, %get3A_89] {strides = array<i32>} : memref<80x128xi32, #tpu.memory_space<vmem>>, vector<16xi32>,
      %sub3A_91 = vector.broadcast %mul3A_37 : i32 to vector<16xi32>
      %sub3A_92 = arith.subi %get3A_87, %sub3A_91 : vector<16xi32>
      %ge3A_93 = arith.constant 0 : i32
      %ge3A_94 = vector.broadcast %ge3A_93 : i32 to vector<16xi32>
      %ge3A_95 = arith.cmpi sge, %sub3A_92, %ge3A_94 : vector<16xi32>
      %lt3A_96 = arith.constant 5000 : i32
      %lt3A_97 = vector.broadcast %lt3A_96 : i32 to vector<16xi32>
      %lt3A_98 = arith.cmpi slt, %sub3A_92, %lt3A_97 : vector<16xi32>
      %and3A_99 = arith.andi %ge3A_95, %lt3A_98 : vector<16xi1>
      %swap3A_100 = arith.index_cast %add3A_84 : i32 to index
      %swap3A_101 = tpu.vector_load %arg14[%swap3A_100] masked %and3A_99 {strides = array<i32>} : memref<10752xi32, #tpu.memory_space<vmem>>, vector<16xi32>, vector<16xi1>
      tpu.vector_store %arg14[%swap3A_100], %get3A_90 masked %and3A_99 {strides = array<i32>} : memref<10752xi32, #tpu.memory_space<vmem>>, vector<16xi32>, vector<16xi1>
      %swap3A_102 = arith.index_cast %add3A_84 : i32 to index
      %swap3A_103 = tpu.vector_load %arg15[%swap3A_102] masked %and3A_99 {strides = array<i32>} : memref<10752xi32, #tpu.memory_space<vmem>>, vector<16xi32>, vector<16xi1>
      tpu.vector_store %arg15[%swap3A_102], %sub3A_92 masked %and3A_99 {strides = array<i32>} : memref<10752xi32, #tpu.memory_space<vmem>>, vector<16xi32>, vector<16xi1>
      %all_reduce_population_count3A_104 = tpu.all_reduce %and3A_99 {dim = 0 : i64, kind = #tpu.reduction_kind<sum>} : vector<16xi1> -> vector<16xi32>
      %slice3A_105 = vector.extract_strided_slice %all_reduce_population_count3A_104 {offsets = [0], sizes = [1], strides = [1]} : vector<16xi32> to vector<1xi32>
      %squeeze3A_106 = vector.extract %slice3A_105[0] : i32 from vector<1xi32>
      %add3A_107 = arith.addi %add3A_84, %squeeze3A_106 : i32
      %get3A_108 = arith.index_cast %scan3A_68 : i32 to index
      %get3A_109 = arith.constant 32 : index
      %get3A_110 = tpu.vector_load %arg13[%get3A_108, %get3A_109] {strides = array<i32>} : memref<80x128xi32, #tpu.memory_space<vmem>>, vector<16xi32>,
      %get3A_111 = arith.index_cast %scan3A_68 : i32 to index
      %get3A_112 = arith.constant 32 : index
      %get3A_113 = tpu.vector_load %arg12[%get3A_111, %get3A_112] {strides = array<i32>} : memref<80x128xi32, #tpu.memory_space<vmem>>, vector<16xi32>,
      %sub3A_114 = vector.broadcast %mul3A_37 : i32 to vector<16xi32>
      %sub3A_115 = arith.subi %get3A_110, %sub3A_114 : vector<16xi32>
      %ge3A_116 = arith.constant 0 : i32
      %ge3A_117 = vector.broadcast %ge3A_116 : i32 to vector<16xi32>
      %ge3A_118 = arith.cmpi sge, %sub3A_115, %ge3A_117 : vector<16xi32>
      %lt3A_119 = arith.constant 5000 : i32
      %lt3A_120 = vector.broadcast %lt3A_119 : i32 to vector<16xi32>
      %lt3A_121 = arith.cmpi slt, %sub3A_115, %lt3A_120 : vector<16xi32>
      %and3A_122 = arith.andi %ge3A_118, %lt3A_121 : vector<16xi1>
      %swap3A_123 = arith.index_cast %add3A_107 : i32 to index
      %swap3A_124 = tpu.vector_load %arg14[%swap3A_123] masked %and3A_122 {strides = array<i32>} : memref<10752xi32, #tpu.memory_space<vmem>>, vector<16xi32>, vector<16xi1>
      tpu.vector_store %arg14[%swap3A_123], %get3A_113 masked %and3A_122 {strides = array<i32>} : memref<10752xi32, #tpu.memory_space<vmem>>, vector<16xi32>, vector<16xi1>
      %swap3A_125 = arith.index_cast %add3A_107 : i32 to index
      %swap3A_126 = tpu.vector_load %arg15[%swap3A_125] masked %and3A_122 {strides = array<i32>} : memref<10752xi32, #tpu.memory_space<vmem>>, vector<16xi32>, vector<16xi1>
      tpu.vector_store %arg15[%swap3A_125], %sub3A_115 masked %and3A_122 {strides = array<i32>} : memref<10752xi32, #tpu.memory_space<vmem>>, vector<16xi32>, vector<16xi1>
      %all_reduce_population_count3A_127 = tpu.all_reduce %and3A_122 {dim = 0 : i64, kind = #tpu.reduction_kind<sum>} : vector<16xi1> -> vector<16xi32>
      %slice3A_128 = vector.extract_strided_slice %all_reduce_population_count3A_127 {offsets = [0], sizes = [1], strides = [1]} : vector<16xi32> to vector<1xi32>
      %squeeze3A_129 = vector.extract %slice3A_128[0] : i32 from vector<1xi32>
      %add3A_130 = arith.addi %add3A_107, %squeeze3A_129 : i32
      %get3A_131 = arith.index_cast %scan3A_68 : i32 to index
      %get3A_132 = arith.constant 48 : index
      %get3A_133 = tpu.vector_load %arg13[%get3A_131, %get3A_132] {strides = array<i32>} : memref<80x128xi32, #tpu.memory_space<vmem>>, vector<16xi32>,
      %get3A_134 = arith.index_cast %scan3A_68 : i32 to index
      %get3A_135 = arith.constant 48 : index
      %get3A_136 = tpu.vector_load %arg12[%get3A_134, %get3A_135] {strides = array<i32>} : memref<80x128xi32, #tpu.memory_space<vmem>>, vector<16xi32>,
      %sub3A_137 = vector.broadcast %mul3A_37 : i32 to vector<16xi32>
      %sub3A_138 = arith.subi %get3A_133, %sub3A_137 : vector<16xi32>
      %ge3A_139 = arith.constant 0 : i32
      %ge3A_140 = vector.broadcast %ge3A_139 : i32 to vector<16xi32>
      %ge3A_141 = arith.cmpi sge, %sub3A_138, %ge3A_140 : vector<16xi32>
      %lt3A_142 = arith.constant 5000 : i32
      %lt3A_143 = vector.broadcast %lt3A_142 : i32 to vector<16xi32>
      %lt3A_144 = arith.cmpi slt, %sub3A_138, %lt3A_143 : vector<16xi32>
      %and3A_145 = arith.andi %ge3A_141, %lt3A_144 : vector<16xi1>
      %swap3A_146 = arith.index_cast %add3A_130 : i32 to index
      %swap3A_147 = tpu.vector_load %arg14[%swap3A_146] masked %and3A_145 {strides = array<i32>} : memref<10752xi32, #tpu.memory_space<vmem>>, vector<16xi32>, vector<16xi1>
      tpu.vector_store %arg14[%swap3A_146], %get3A_136 masked %and3A_145 {strides = array<i32>} : memref<10752xi32, #tpu.memory_space<vmem>>, vector<16xi32>, vector<16xi1>
      %swap3A_148 = arith.index_cast %add3A_130 : i32 to index
      %swap3A_149 = tpu.vector_load %arg15[%swap3A_148] masked %and3A_145 {strides = array<i32>} : memref<10752xi32, #tpu.memory_space<vmem>>, vector<16xi32>, vector<16xi1>
      tpu.vector_store %arg15[%swap3A_148], %sub3A_138 masked %and3A_145 {strides = array<i32>} : memref<10752xi32, #tpu.memory_space<vmem>>, vector<16xi32>, vector<16xi1>
      %all_reduce_population_count3A_150 = tpu.all_reduce %and3A_145 {dim = 0 : i64, kind = #tpu.reduction_kind<sum>} : vector<16xi1> -> vector<16xi32>
      %slice3A_151 = vector.extract_strided_slice %all_reduce_population_count3A_150 {offsets = [0], sizes = [1], strides = [1]} : vector<16xi32> to vector<1xi32>
      %squeeze3A_152 = vector.extract %slice3A_151[0] : i32 from vector<1xi32>
      %add3A_153 = arith.addi %add3A_130, %squeeze3A_152 : i32
      %get3A_154 = arith.index_cast %scan3A_68 : i32 to index
      %get3A_155 = arith.constant 64 : index
      %get3A_156 = tpu.vector_load %arg13[%get3A_154, %get3A_155] {strides = array<i32>} : memref<80x128xi32, #tpu.memory_space<vmem>>, vector<16xi32>,
      %get3A_157 = arith.index_cast %scan3A_68 : i32 to index
      %get3A_158 = arith.constant 64 : index
      %get3A_159 = tpu.vector_load %arg12[%get3A_157, %get3A_158] {strides = array<i32>} : memref<80x128xi32, #tpu.memory_space<vmem>>, vector<16xi32>,
      %sub3A_160 = vector.broadcast %mul3A_37 : i32 to vector<16xi32>
      %sub3A_161 = arith.subi %get3A_156, %sub3A_160 : vector<16xi32>
      %ge3A_162 = arith.constant 0 : i32
      %ge3A_163 = vector.broadcast %ge3A_162 : i32 to vector<16xi32>
      %ge3A_164 = arith.cmpi sge, %sub3A_161, %ge3A_163 : vector<16xi32>
      %lt3A_165 = arith.constant 5000 : i32
      %lt3A_166 = vector.broadcast %lt3A_165 : i32 to vector<16xi32>
      %lt3A_167 = arith.cmpi slt, %sub3A_161, %lt3A_166 : vector<16xi32>
      %and3A_168 = arith.andi %ge3A_164, %lt3A_167 : vector<16xi1>
      %swap3A_169 = arith.index_cast %add3A_153 : i32 to index
      %swap3A_170 = tpu.vector_load %arg14[%swap3A_169] masked %and3A_168 {strides = array<i32>} : memref<10752xi32, #tpu.memory_space<vmem>>, vector<16xi32>, vector<16xi1>
      tpu.vector_store %arg14[%swap3A_169], %get3A_159 masked %and3A_168 {strides = array<i32>} : memref<10752xi32, #tpu.memory_space<vmem>>, vector<16xi32>, vector<16xi1>
      %swap3A_171 = arith.index_cast %add3A_153 : i32 to index
      %swap3A_172 = tpu.vector_load %arg15[%swap3A_171] masked %and3A_168 {strides = array<i32>} : memref<10752xi32, #tpu.memory_space<vmem>>, vector<16xi32>, vector<16xi1>
      tpu.vector_store %arg15[%swap3A_171], %sub3A_161 masked %and3A_168 {strides = array<i32>} : memref<10752xi32, #tpu.memory_space<vmem>>, vector<16xi32>, vector<16xi1>
      %all_reduce_population_count3A_173 = tpu.all_reduce %and3A_168 {dim = 0 : i64, kind = #tpu.reduction_kind<sum>} : vector<16xi1> -> vector<16xi32>
      %slice3A_174 = vector.extract_strided_slice %all_reduce_population_count3A_173 {offsets = [0], sizes = [1], strides = [1]} : vector<16xi32> to vector<1xi32>
      %squeeze3A_175 = vector.extract %slice3A_174[0] : i32 from vector<1xi32>
      %add3A_176 = arith.addi %add3A_153, %squeeze3A_175 : i32
      %get3A_177 = arith.index_cast %scan3A_68 : i32 to index
      %get3A_178 = arith.constant 80 : index
      %get3A_179 = tpu.vector_load %arg13[%get3A_177, %get3A_178] {strides = array<i32>} : memref<80x128xi32, #tpu.memory_space<vmem>>, vector<16xi32>,
      %get3A_180 = arith.index_cast %scan3A_68 : i32 to index
      %get3A_181 = arith.constant 80 : index
      %get3A_182 = tpu.vector_load %arg12[%get3A_180, %get3A_181] {strides = array<i32>} : memref<80x128xi32, #tpu.memory_space<vmem>>, vector<16xi32>,
      %sub3A_183 = vector.broadcast %mul3A_37 : i32 to vector<16xi32>
      %sub3A_184 = arith.subi %get3A_179, %sub3A_183 : vector<16xi32>
      %ge3A_185 = arith.constant 0 : i32
      %ge3A_186 = vector.broadcast %ge3A_185 : i32 to vector<16xi32>
      %ge3A_187 = arith.cmpi sge, %sub3A_184, %ge3A_186 : vector<16xi32>
      %lt3A_188 = arith.constant 5000 : i32
      %lt3A_189 = vector.broadcast %lt3A_188 : i32 to vector<16xi32>
      %lt3A_190 = arith.cmpi slt, %sub3A_184, %lt3A_189 : vector<16xi32>
      %and3A_191 = arith.andi %ge3A_187, %lt3A_190 : vector<16xi1>
      %swap3A_192 = arith.index_cast %add3A_176 : i32 to index
      %swap3A_193 = tpu.vector_load %arg14[%swap3A_192] masked %and3A_191 {strides = array<i32>} : memref<10752xi32, #tpu.memory_space<vmem>>, vector<16xi32>, vector<16xi1>
      tpu.vector_store %arg14[%swap3A_192], %get3A_182 masked %and3A_191 {strides = array<i32>} : memref<10752xi32, #tpu.memory_space<vmem>>, vector<16xi32>, vector<16xi1>
      %swap3A_194 = arith.index_cast %add3A_176 : i32 to index
      %swap3A_195 = tpu.vector_load %arg15[%swap3A_194] masked %and3A_191 {strides = array<i32>} : memref<10752xi32, #tpu.memory_space<vmem>>, vector<16xi32>, vector<16xi1>
      tpu.vector_store %arg15[%swap3A_194], %sub3A_184 masked %and3A_191 {strides = array<i32>} : memref<10752xi32, #tpu.memory_space<vmem>>, vector<16xi32>, vector<16xi1>
      %all_reduce_population_count3A_196 = tpu.all_reduce %and3A_191 {dim = 0 : i64, kind = #tpu.reduction_kind<sum>} : vector<16xi1> -> vector<16xi32>
      %slice3A_197 = vector.extract_strided_slice %all_reduce_population_count3A_196 {offsets = [0], sizes = [1], strides = [1]} : vector<16xi32> to vector<1xi32>
      %squeeze3A_198 = vector.extract %slice3A_197[0] : i32 from vector<1xi32>
      %add3A_199 = arith.addi %add3A_176, %squeeze3A_198 : i32
      %get3A_200 = arith.index_cast %scan3A_68 : i32 to index
      %get3A_201 = arith.constant 96 : index
      %get3A_202 = tpu.vector_load %arg13[%get3A_200, %get3A_201] {strides = array<i32>} : memref<80x128xi32, #tpu.memory_space<vmem>>, vector<16xi32>,
      %get3A_203 = arith.index_cast %scan3A_68 : i32 to index
      %get3A_204 = arith.constant 96 : index
      %get3A_205 = tpu.vector_load %arg12[%get3A_203, %get3A_204] {strides = array<i32>} : memref<80x128xi32, #tpu.memory_space<vmem>>, vector<16xi32>,
      %sub3A_206 = vector.broadcast %mul3A_37 : i32 to vector<16xi32>
      %sub3A_207 = arith.subi %get3A_202, %sub3A_206 : vector<16xi32>
      %ge3A_208 = arith.constant 0 : i32
      %ge3A_209 = vector.broadcast %ge3A_208 : i32 to vector<16xi32>
      %ge3A_210 = arith.cmpi sge, %sub3A_207, %ge3A_209 : vector<16xi32>
      %lt3A_211 = arith.constant 5000 : i32
      %lt3A_212 = vector.broadcast %lt3A_211 : i32 to vector<16xi32>
      %lt3A_213 = arith.cmpi slt, %sub3A_207, %lt3A_212 : vector<16xi32>
      %and3A_214 = arith.andi %ge3A_210, %lt3A_213 : vector<16xi1>
      %swap3A_215 = arith.index_cast %add3A_199 : i32 to index
      %swap3A_216 = tpu.vector_load %arg14[%swap3A_215] masked %and3A_214 {strides = array<i32>} : memref<10752xi32, #tpu.memory_space<vmem>>, vector<16xi32>, vector<16xi1>
      tpu.vector_store %arg14[%swap3A_215], %get3A_205 masked %and3A_214 {strides = array<i32>} : memref<10752xi32, #tpu.memory_space<vmem>>, vector<16xi32>, vector<16xi1>
      %swap3A_217 = arith.index_cast %add3A_199 : i32 to index
      %swap3A_218 = tpu.vector_load %arg15[%swap3A_217] masked %and3A_214 {strides = array<i32>} : memref<10752xi32, #tpu.memory_space<vmem>>, vector<16xi32>, vector<16xi1>
      tpu.vector_store %arg15[%swap3A_217], %sub3A_207 masked %and3A_214 {strides = array<i32>} : memref<10752xi32, #tpu.memory_space<vmem>>, vector<16xi32>, vector<16xi1>
      %all_reduce_population_count3A_219 = tpu.all_reduce %and3A_214 {dim = 0 : i64, kind = #tpu.reduction_kind<sum>} : vector<16xi1> -> vector<16xi32>
      %slice3A_220 = vector.extract_strided_slice %all_reduce_population_count3A_219 {offsets = [0], sizes = [1], strides = [1]} : vector<16xi32> to vector<1xi32>
      %squeeze3A_221 = vector.extract %slice3A_220[0] : i32 from vector<1xi32>
      %add3A_222 = arith.addi %add3A_199, %squeeze3A_221 : i32
      %get3A_223 = arith.index_cast %scan3A_68 : i32 to index
      %get3A_224 = arith.constant 112 : index
      %get3A_225 = tpu.vector_load %arg13[%get3A_223, %get3A_224] {strides = array<i32>} : memref<80x128xi32, #tpu.memory_space<vmem>>, vector<16xi32>,
      %get3A_226 = arith.index_cast %scan3A_68 : i32 to index
      %get3A_227 = arith.constant 112 : index
      %get3A_228 = tpu.vector_load %arg12[%get3A_226, %get3A_227] {strides = array<i32>} : memref<80x128xi32, #tpu.memory_space<vmem>>, vector<16xi32>,
      %sub3A_229 = vector.broadcast %mul3A_37 : i32 to vector<16xi32>
      %sub3A_230 = arith.subi %get3A_225, %sub3A_229 : vector<16xi32>
      %ge3A_231 = arith.constant 0 : i32
      %ge3A_232 = vector.broadcast %ge3A_231 : i32 to vector<16xi32>
      %ge3A_233 = arith.cmpi sge, %sub3A_230, %ge3A_232 : vector<16xi32>
      %lt3A_234 = arith.constant 5000 : i32
      %lt3A_235 = vector.broadcast %lt3A_234 : i32 to vector<16xi32>
      %lt3A_236 = arith.cmpi slt, %sub3A_230, %lt3A_235 : vector<16xi32>
      %and3A_237 = arith.andi %ge3A_233, %lt3A_236 : vector<16xi1>
      %swap3A_238 = arith.index_cast %add3A_222 : i32 to index
      %swap3A_239 = tpu.vector_load %arg14[%swap3A_238] masked %and3A_237 {strides = array<i32>} : memref<10752xi32, #tpu.memory_space<vmem>>, vector<16xi32>, vector<16xi1>
      tpu.vector_store %arg14[%swap3A_238], %get3A_228 masked %and3A_237 {strides = array<i32>} : memref<10752xi32, #tpu.memory_space<vmem>>, vector<16xi32>, vector<16xi1>
      %swap3A_240 = arith.index_cast %add3A_222 : i32 to index
      %swap3A_241 = tpu.vector_load %arg15[%swap3A_240] masked %and3A_237 {strides = array<i32>} : memref<10752xi32, #tpu.memory_space<vmem>>, vector<16xi32>, vector<16xi1>
      tpu.vector_store %arg15[%swap3A_240], %sub3A_230 masked %and3A_237 {strides = array<i32>} : memref<10752xi32, #tpu.memory_space<vmem>>, vector<16xi32>, vector<16xi1>
      %all_reduce_population_count3A_242 = tpu.all_reduce %and3A_237 {dim = 0 : i64, kind = #tpu.reduction_kind<sum>} : vector<16xi1> -> vector<16xi32>
      %slice3A_243 = vector.extract_strided_slice %all_reduce_population_count3A_242 {offsets = [0], sizes = [1], strides = [1]} : vector<16xi32> to vector<1xi32>
      %squeeze3A_244 = vector.extract %slice3A_243[0] : i32 from vector<1xi32>
      %add3A_245 = arith.addi %add3A_222, %squeeze3A_244 : i32
      scf.yield %add3A_245 : i32
    }
    %scan3A_44 = arith.constant 80 : i32
    %add3A_45 = vector.broadcast %scan3A_43 : i32 to vector<16xi32>
    %add3A_46 = arith.addi %broadcast_in_dim3A_27, %add3A_45 : vector<16xi32>
    %swap3A = arith.constant 0 : index
    %swap3A_47 = tpu.vector_load %arg16[%swap3A] {strides = array<i32>} : memref<16xi32, #tpu.memory_space<vmem>>, vector<16xi32>,
    tpu.vector_store %arg16[%swap3A], %add3A_46 {strides = array<i32>} : memref<16xi32, #tpu.memory_space<vmem>>, vector<16xi32>,
    %mul3A_48 = arith.constant 16 : i32
    %mul3A_49 = arith.muli %arg0, %mul3A_48 : i32
    %add3A_50 = arith.addi %mul3A_49, %arg1 : i32
    %run_scoped3A_51 = arith.constant 0 : i32
    "tpu.region"() ({
      %run_scoped3A_68 = tpu.sem_alloc : memref<!tpu.dma_semaphore, #tpu.memory_space<semaphore_mem>>
      %dma_start3A = arith.constant 0 : i32
      %dma_start3A_69 = tpu.memref_slice %arg5[%add3A_50, %run_scoped3A_51, %dma_start3A] : memref<32x1x10752xi32, #tpu.memory_space<hbm>> -> memref<1x1x10752xi32, #tpu.memory_space<hbm>>
      %dma_start3A_70 = tpu.memref_squeeze %dma_start3A_69 : memref<1x1x10752xi32, #tpu.memory_space<hbm>> -> memref<10752xi32, #tpu.memory_space<hbm>>
      %dma_start3A_71 = arith.constant 0 : i32
      %dma_start3A_72 = tpu.memref_slice %arg5[%add3A_50, %run_scoped3A_51, %dma_start3A_71] : memref<32x1x10752xi32, #tpu.memory_space<hbm>> -> memref<1x1x10752xi32, #tpu.memory_space<hbm>>
      %dma_start3A_73 = tpu.memref_squeeze %dma_start3A_72 : memref<1x1x10752xi32, #tpu.memory_space<hbm>> -> memref<10752xi32, #tpu.memory_space<hbm>>
      tpu.enqueue_dma source(%arg14 : memref<10752xi32, #tpu.memory_space<vmem>>) target(%dma_start3A_73 : memref<10752xi32, #tpu.memory_space<hbm>>) target_semaphore(%run_scoped3A_68 : memref<!tpu.dma_semaphore, #tpu.memory_space<semaphore_mem>>)
      %dma_wait3A = arith.constant 0 : i32
      %dma_wait3A_74 = tpu.memref_slice %arg5[%add3A_50, %run_scoped3A_51, %dma_wait3A] : memref<32x1x10752xi32, #tpu.memory_space<hbm>> -> memref<1x1x10752xi32, #tpu.memory_space<hbm>>
      %dma_wait3A_75 = tpu.memref_squeeze %dma_wait3A_74 : memref<1x1x10752xi32, #tpu.memory_space<hbm>> -> memref<10752xi32, #tpu.memory_space<hbm>>
      %dma_wait3A_76 = arith.constant 0 : i32
      %dma_wait3A_77 = tpu.memref_slice %arg5[%add3A_50, %run_scoped3A_51, %dma_wait3A_76] : memref<32x1x10752xi32, #tpu.memory_space<hbm>> -> memref<1x1x10752xi32, #tpu.memory_space<hbm>>
      %dma_wait3A_78 = tpu.memref_squeeze %dma_wait3A_77 : memref<1x1x10752xi32, #tpu.memory_space<hbm>> -> memref<10752xi32, #tpu.memory_space<hbm>>
      tpu.wait_dma2 semaphore(%run_scoped3A_68 : memref<!tpu.dma_semaphore, #tpu.memory_space<semaphore_mem>>) src(%arg14 : memref<10752xi32, #tpu.memory_space<vmem>>) dst(%dma_wait3A_78 : memref<10752xi32, #tpu.memory_space<hbm>>)
      tpu.yield
    }) : () -> ()
    %run_scoped3A_52 = arith.constant 0 : i32
    "tpu.region"() ({
      %run_scoped3A_68 = tpu.sem_alloc : memref<!tpu.dma_semaphore, #tpu.memory_space<semaphore_mem>>
      %dma_start3A = arith.constant 0 : i32
      %dma_start3A_69 = tpu.memref_slice %arg6[%add3A_50, %run_scoped3A_52, %dma_start3A] : memref<32x1x10752xi32, #tpu.memory_space<hbm>> -> memref<1x1x10752xi32, #tpu.memory_space<hbm>>
      %dma_start3A_70 = tpu.memref_squeeze %dma_start3A_69 : memref<1x1x10752xi32, #tpu.memory_space<hbm>> -> memref<10752xi32, #tpu.memory_space<hbm>>
      %dma_start3A_71 = arith.constant 0 : i32
      %dma_start3A_72 = tpu.memref_slice %arg6[%add3A_50, %run_scoped3A_52, %dma_start3A_71] : memref<32x1x10752xi32, #tpu.memory_space<hbm>> -> memref<1x1x10752xi32, #tpu.memory_space<hbm>>
      %dma_start3A_73 = tpu.memref_squeeze %dma_start3A_72 : memref<1x1x10752xi32, #tpu.memory_space<hbm>> -> memref<10752xi32, #tpu.memory_space<hbm>>
      tpu.enqueue_dma source(%arg15 : memref<10752xi32, #tpu.memory_space<vmem>>) target(%dma_start3A_73 : memref<10752xi32, #tpu.memory_space<hbm>>) target_semaphore(%run_scoped3A_68 : memref<!tpu.dma_semaphore, #tpu.memory_space<semaphore_mem>>)
      %dma_wait3A = arith.constant 0 : i32
      %dma_wait3A_74 = tpu.memref_slice %arg6[%add3A_50, %run_scoped3A_52, %dma_wait3A] : memref<32x1x10752xi32, #tpu.memory_space<hbm>> -> memref<1x1x10752xi32, #tpu.memory_space<hbm>>
      %dma_wait3A_75 = tpu.memref_squeeze %dma_wait3A_74 : memref<1x1x10752xi32, #tpu.memory_space<hbm>> -> memref<10752xi32, #tpu.memory_space<hbm>>
      %dma_wait3A_76 = arith.constant 0 : i32
      %dma_wait3A_77 = tpu.memref_slice %arg6[%add3A_50, %run_scoped3A_52, %dma_wait3A_76] : memref<32x1x10752xi32, #tpu.memory_space<hbm>> -> memref<1x1x10752xi32, #tpu.memory_space<hbm>>
      %dma_wait3A_78 = tpu.memref_squeeze %dma_wait3A_77 : memref<1x1x10752xi32, #tpu.memory_space<hbm>> -> memref<10752xi32, #tpu.memory_space<hbm>>
      tpu.wait_dma2 semaphore(%run_scoped3A_68 : memref<!tpu.dma_semaphore, #tpu.memory_space<semaphore_mem>>) src(%arg15 : memref<10752xi32, #tpu.memory_space<vmem>>) dst(%dma_wait3A_78 : memref<10752xi32, #tpu.memory_space<hbm>>)
      tpu.yield
    }) : () -> ()
    %run_scoped3A_53 = arith.constant 0 : i32
    "tpu.region"() ({
      %run_scoped3A_68 = tpu.sem_alloc : memref<!tpu.dma_semaphore, #tpu.memory_space<semaphore_mem>>
      %dma_start3A = arith.constant 0 : i32
      %dma_start3A_69 = tpu.memref_slice %arg7[%add3A_50, %run_scoped3A_53, %dma_start3A] : memref<32x1x16xi32, #tpu.memory_space<hbm>> -> memref<1x1x16xi32, #tpu.memory_space<hbm>>
      %dma_start3A_70 = tpu.memref_squeeze %dma_start3A_69 : memref<1x1x16xi32, #tpu.memory_space<hbm>> -> memref<16xi32, #tpu.memory_space<hbm>>
      %dma_start3A_71 = arith.constant 0 : i32
      %dma_start3A_72 = tpu.memref_slice %arg7[%add3A_50, %run_scoped3A_53, %dma_start3A_71] : memref<32x1x16xi32, #tpu.memory_space<hbm>> -> memref<1x1x16xi32, #tpu.memory_space<hbm>>
      %dma_start3A_73 = tpu.memref_squeeze %dma_start3A_72 : memref<1x1x16xi32, #tpu.memory_space<hbm>> -> memref<16xi32, #tpu.memory_space<hbm>>
      tpu.enqueue_dma source(%arg16 : memref<16xi32, #tpu.memory_space<vmem>>) target(%dma_start3A_73 : memref<16xi32, #tpu.memory_space<hbm>>) target_semaphore(%run_scoped3A_68 : memref<!tpu.dma_semaphore, #tpu.memory_space<semaphore_mem>>)
      %dma_wait3A = arith.constant 0 : i32
      %dma_wait3A_74 = tpu.memref_slice %arg7[%add3A_50, %run_scoped3A_53, %dma_wait3A] : memref<32x1x16xi32, #tpu.memory_space<hbm>> -> memref<1x1x16xi32, #tpu.memory_space<hbm>>
      %dma_wait3A_75 = tpu.memref_squeeze %dma_wait3A_74 : memref<1x1x16xi32, #tpu.memory_space<hbm>> -> memref<16xi32, #tpu.memory_space<hbm>>
      %dma_wait3A_76 = arith.constant 0 : i32
      %dma_wait3A_77 = tpu.memref_slice %arg7[%add3A_50, %run_scoped3A_53, %dma_wait3A_76] : memref<32x1x16xi32, #tpu.memory_space<hbm>> -> memref<1x1x16xi32, #tpu.memory_space<hbm>>
      %dma_wait3A_78 = tpu.memref_squeeze %dma_wait3A_77 : memref<1x1x16xi32, #tpu.memory_space<hbm>> -> memref<16xi32, #tpu.memory_space<hbm>>
      tpu.wait_dma2 semaphore(%run_scoped3A_68 : memref<!tpu.dma_semaphore, #tpu.memory_space<semaphore_mem>>) src(%arg16 : memref<16xi32, #tpu.memory_space<vmem>>) dst(%dma_wait3A_78 : memref<16xi32, #tpu.memory_space<hbm>>)
      tpu.yield
    }) : () -> ()
    %barrier3A = arith.constant 0 : index
    tpu.barrier barrier_id(%barrier3A)
    %mul3A_54 = arith.constant 16 : i32
    %mul3A_55 = arith.muli %arg0, %mul3A_54 : i32
    %mul3A_56 = arith.constant 640 : i32
    %mul3A_57 = arith.muli %arg1, %mul3A_56 : i32
    %run_scoped3A_58 = arith.constant 0 : i32
    "tpu.region"() ({
      %run_scoped3A_68 = tpu.sem_alloc : memref<!tpu.dma_semaphore, #tpu.memory_space<semaphore_mem>>
      %dma_start3A = tpu.memref_slice %arg4[%mul3A_55, %run_scoped3A_58, %mul3A_57] : memref<32x1x10240xf32, #tpu.memory_space<hbm>> -> memref<16x1x640xf32, #tpu.memory_space<hbm>>
      %dma_start3A_69 = tpu.memref_squeeze %dma_start3A : memref<16x1x640xf32, #tpu.memory_space<hbm>> -> memref<16x640xf32, #tpu.memory_space<hbm>>
      %dma_start3A_70 = tpu.memref_slice %arg4[%mul3A_55, %run_scoped3A_58, %mul3A_57] : memref<32x1x10240xf32, #tpu.memory_space<hbm>> -> memref<16x1x640xf32, #tpu.memory_space<hbm>>
      %dma_start3A_71 = tpu.memref_squeeze %dma_start3A_70 : memref<16x1x640xf32, #tpu.memory_space<hbm>> -> memref<16x640xf32, #tpu.memory_space<hbm>>
      tpu.enqueue_dma source(%dma_start3A_71 : memref<16x640xf32, #tpu.memory_space<hbm>>) target(%arg10 : memref<16x640xf32, #tpu.memory_space<vmem>>) target_semaphore(%run_scoped3A_68 : memref<!tpu.dma_semaphore, #tpu.memory_space<semaphore_mem>>)
      %dma_wait3A = tpu.memref_slice %arg4[%mul3A_55, %run_scoped3A_58, %mul3A_57] : memref<32x1x10240xf32, #tpu.memory_space<hbm>> -> memref<16x1x640xf32, #tpu.memory_space<hbm>>
      %dma_wait3A_72 = tpu.memref_squeeze %dma_wait3A : memref<16x1x640xf32, #tpu.memory_space<hbm>> -> memref<16x640xf32, #tpu.memory_space<hbm>>
      %dma_wait3A_73 = tpu.memref_slice %arg4[%mul3A_55, %run_scoped3A_58, %mul3A_57] : memref<32x1x10240xf32, #tpu.memory_space<hbm>> -> memref<16x1x640xf32, #tpu.memory_space<hbm>>
      %dma_wait3A_74 = tpu.memref_squeeze %dma_wait3A_73 : memref<16x1x640xf32, #tpu.memory_space<hbm>> -> memref<16x640xf32, #tpu.memory_space<hbm>>
      tpu.wait_dma2 semaphore(%run_scoped3A_68 : memref<!tpu.dma_semaphore, #tpu.memory_space<semaphore_mem>>) src(%dma_wait3A_74 : memref<16x640xf32, #tpu.memory_space<hbm>>) dst(%arg10 : memref<16x640xf32, #tpu.memory_space<vmem>>)
      tpu.yield
    }) : () -> ()
    %scan3A_59 = arith.constant 0 : i32
    %scan3A_60 = arith.constant 0 : i32
    %scan3A_61 = arith.constant 40 : i32
    %scan3A_62 = arith.addi %scan3A_60, %scan3A_61 : i32
    %scan3A_63 = arith.constant 1 : i32
    scf.for %scan3A_68 = %scan3A_60 to %scan3A_62 step %scan3A_63  : i32 {
      %mul3A_69 = arith.constant 16 : i32
      %mul3A_70 = arith.muli %scan3A_68, %mul3A_69 : i32
      %get3A = arith.constant 0 : i32
      %get3A_71 = arith.index_cast %get3A : i32 to index
      %get3A_72 = arith.index_cast %mul3A_70 : i32 to index
      %get3A_73 = tpu.vector_load %arg10[%get3A_71, %get3A_72] {strides = array<i32>} : memref<16x640xf32, #tpu.memory_space<vmem>>, vector<16xf32>,
      %add3A_74 = arith.addf %broadcast_in_dim3A_2, %get3A_73 : vector<16xf32>
      %mul3A_75 = arith.constant 16 : i32
      %mul3A_76 = arith.muli %scan3A_68, %mul3A_75 : i32
      %get3A_77 = arith.constant 1 : i32
      %get3A_78 = arith.index_cast %get3A_77 : i32 to index
      %get3A_79 = arith.index_cast %mul3A_76 : i32 to index
      %get3A_80 = tpu.vector_load %arg10[%get3A_78, %get3A_79] {strides = array<i32>} : memref<16x640xf32, #tpu.memory_space<vmem>>, vector<16xf32>,
      %add3A_81 = arith.addf %add3A_74, %get3A_80 : vector<16xf32>
      %mul3A_82 = arith.constant 16 : i32
      %mul3A_83 = arith.muli %scan3A_68, %mul3A_82 : i32
      %get3A_84 = arith.constant 2 : i32
      %get3A_85 = arith.index_cast %get3A_84 : i32 to index
      %get3A_86 = arith.index_cast %mul3A_83 : i32 to index
      %get3A_87 = tpu.vector_load %arg10[%get3A_85, %get3A_86] {strides = array<i32>} : memref<16x640xf32, #tpu.memory_space<vmem>>, vector<16xf32>,
      %add3A_88 = arith.addf %add3A_81, %get3A_87 : vector<16xf32>
      %mul3A_89 = arith.constant 16 : i32
      %mul3A_90 = arith.muli %scan3A_68, %mul3A_89 : i32
      %get3A_91 = arith.constant 3 : i32
      %get3A_92 = arith.index_cast %get3A_91 : i32 to index
      %get3A_93 = arith.index_cast %mul3A_90 : i32 to index
      %get3A_94 = tpu.vector_load %arg10[%get3A_92, %get3A_93] {strides = array<i32>} : memref<16x640xf32, #tpu.memory_space<vmem>>, vector<16xf32>,
      %add3A_95 = arith.addf %add3A_88, %get3A_94 : vector<16xf32>
      %mul3A_96 = arith.constant 16 : i32
      %mul3A_97 = arith.muli %scan3A_68, %mul3A_96 : i32
      %get3A_98 = arith.constant 4 : i32
      %get3A_99 = arith.index_cast %get3A_98 : i32 to index
      %get3A_100 = arith.index_cast %mul3A_97 : i32 to index
      %get3A_101 = tpu.vector_load %arg10[%get3A_99, %get3A_100] {strides = array<i32>} : memref<16x640xf32, #tpu.memory_space<vmem>>, vector<16xf32>,
      %add3A_102 = arith.addf %add3A_95, %get3A_101 : vector<16xf32>
      %mul3A_103 = arith.constant 16 : i32
      %mul3A_104 = arith.muli %scan3A_68, %mul3A_103 : i32
      %get3A_105 = arith.constant 5 : i32
      %get3A_106 = arith.index_cast %get3A_105 : i32 to index
      %get3A_107 = arith.index_cast %mul3A_104 : i32 to index
      %get3A_108 = tpu.vector_load %arg10[%get3A_106, %get3A_107] {strides = array<i32>} : memref<16x640xf32, #tpu.memory_space<vmem>>, vector<16xf32>,
      %add3A_109 = arith.addf %add3A_102, %get3A_108 : vector<16xf32>
      %mul3A_110 = arith.constant 16 : i32
      %mul3A_111 = arith.muli %scan3A_68, %mul3A_110 : i32
      %get3A_112 = arith.constant 6 : i32
      %get3A_113 = arith.index_cast %get3A_112 : i32 to index
      %get3A_114 = arith.index_cast %mul3A_111 : i32 to index
      %get3A_115 = tpu.vector_load %arg10[%get3A_113, %get3A_114] {strides = array<i32>} : memref<16x640xf32, #tpu.memory_space<vmem>>, vector<16xf32>,
      %add3A_116 = arith.addf %add3A_109, %get3A_115 : vector<16xf32>
      %mul3A_117 = arith.constant 16 : i32
      %mul3A_118 = arith.muli %scan3A_68, %mul3A_117 : i32
      %get3A_119 = arith.constant 7 : i32
      %get3A_120 = arith.index_cast %get3A_119 : i32 to index
      %get3A_121 = arith.index_cast %mul3A_118 : i32 to index
      %get3A_122 = tpu.vector_load %arg10[%get3A_120, %get3A_121] {strides = array<i32>} : memref<16x640xf32, #tpu.memory_space<vmem>>, vector<16xf32>,
      %add3A_123 = arith.addf %add3A_116, %get3A_122 : vector<16xf32>
      %mul3A_124 = arith.constant 16 : i32
      %mul3A_125 = arith.muli %scan3A_68, %mul3A_124 : i32
      %get3A_126 = arith.constant 8 : i32
      %get3A_127 = arith.index_cast %get3A_126 : i32 to index
      %get3A_128 = arith.index_cast %mul3A_125 : i32 to index
      %get3A_129 = tpu.vector_load %arg10[%get3A_127, %get3A_128] {strides = array<i32>} : memref<16x640xf32, #tpu.memory_space<vmem>>, vector<16xf32>,
      %add3A_130 = arith.addf %add3A_123, %get3A_129 : vector<16xf32>
      %mul3A_131 = arith.constant 16 : i32
      %mul3A_132 = arith.muli %scan3A_68, %mul3A_131 : i32
      %get3A_133 = arith.constant 9 : i32
      %get3A_134 = arith.index_cast %get3A_133 : i32 to index
      %get3A_135 = arith.index_cast %mul3A_132 : i32 to index
      %get3A_136 = tpu.vector_load %arg10[%get3A_134, %get3A_135] {strides = array<i32>} : memref<16x640xf32, #tpu.memory_space<vmem>>, vector<16xf32>,
      %add3A_137 = arith.addf %add3A_130, %get3A_136 : vector<16xf32>
      %mul3A_138 = arith.constant 16 : i32
      %mul3A_139 = arith.muli %scan3A_68, %mul3A_138 : i32
      %get3A_140 = arith.constant 10 : i32
      %get3A_141 = arith.index_cast %get3A_140 : i32 to index
      %get3A_142 = arith.index_cast %mul3A_139 : i32 to index
      %get3A_143 = tpu.vector_load %arg10[%get3A_141, %get3A_142] {strides = array<i32>} : memref<16x640xf32, #tpu.memory_space<vmem>>, vector<16xf32>,
      %add3A_144 = arith.addf %add3A_137, %get3A_143 : vector<16xf32>
      %mul3A_145 = arith.constant 16 : i32
      %mul3A_146 = arith.muli %scan3A_68, %mul3A_145 : i32
      %get3A_147 = arith.constant 11 : i32
      %get3A_148 = arith.index_cast %get3A_147 : i32 to index
      %get3A_149 = arith.index_cast %mul3A_146 : i32 to index
      %get3A_150 = tpu.vector_load %arg10[%get3A_148, %get3A_149] {strides = array<i32>} : memref<16x640xf32, #tpu.memory_space<vmem>>, vector<16xf32>,
      %add3A_151 = arith.addf %add3A_144, %get3A_150 : vector<16xf32>
      %mul3A_152 = arith.constant 16 : i32
      %mul3A_153 = arith.muli %scan3A_68, %mul3A_152 : i32
      %get3A_154 = arith.constant 12 : i32
      %get3A_155 = arith.index_cast %get3A_154 : i32 to index
      %get3A_156 = arith.index_cast %mul3A_153 : i32 to index
      %get3A_157 = tpu.vector_load %arg10[%get3A_155, %get3A_156] {strides = array<i32>} : memref<16x640xf32, #tpu.memory_space<vmem>>, vector<16xf32>,
      %add3A_158 = arith.addf %add3A_151, %get3A_157 : vector<16xf32>
      %mul3A_159 = arith.constant 16 : i32
      %mul3A_160 = arith.muli %scan3A_68, %mul3A_159 : i32
      %get3A_161 = arith.constant 13 : i32
      %get3A_162 = arith.index_cast %get3A_161 : i32 to index
      %get3A_163 = arith.index_cast %mul3A_160 : i32 to index
      %get3A_164 = tpu.vector_load %arg10[%get3A_162, %get3A_163] {strides = array<i32>} : memref<16x640xf32, #tpu.memory_space<vmem>>, vector<16xf32>,
      %add3A_165 = arith.addf %add3A_158, %get3A_164 : vector<16xf32>
      %mul3A_166 = arith.constant 16 : i32
      %mul3A_167 = arith.muli %scan3A_68, %mul3A_166 : i32
      %get3A_168 = arith.constant 14 : i32
      %get3A_169 = arith.index_cast %get3A_168 : i32 to index
      %get3A_170 = arith.index_cast %mul3A_167 : i32 to index
      %get3A_171 = tpu.vector_load %arg10[%get3A_169, %get3A_170] {strides = array<i32>} : memref<16x640xf32, #tpu.memory_space<vmem>>, vector<16xf32>,
      %add3A_172 = arith.addf %add3A_165, %get3A_171 : vector<16xf32>
      %mul3A_173 = arith.constant 16 : i32
      %mul3A_174 = arith.muli %scan3A_68, %mul3A_173 : i32
      %get3A_175 = arith.constant 15 : i32
      %get3A_176 = arith.index_cast %get3A_175 : i32 to index
      %get3A_177 = arith.index_cast %mul3A_174 : i32 to index
      %get3A_178 = tpu.vector_load %arg10[%get3A_176, %get3A_177] {strides = array<i32>} : memref<16x640xf32, #tpu.memory_space<vmem>>, vector<16xf32>,
      %add3A_179 = arith.addf %add3A_172, %get3A_178 : vector<16xf32>
      %mul3A_180 = arith.constant 16 : i32
      %mul3A_181 = arith.muli %scan3A_68, %mul3A_180 : i32
      %swap3A_182 = arith.index_cast %mul3A_181 : i32 to index
      %swap3A_183 = tpu.vector_load %arg11[%swap3A_182] {strides = array<i32>} : memref<640xf32, #tpu.memory_space<vmem>>, vector<16xf32>,
      tpu.vector_store %arg11[%swap3A_182], %add3A_179 {strides = array<i32>} : memref<640xf32, #tpu.memory_space<vmem>>, vector<16xf32>,
    }
    %scan3A_64 = arith.constant 40 : i32
    %mul3A_65 = arith.constant 640 : i32
    %mul3A_66 = arith.muli %arg1, %mul3A_65 : i32
    %run_scoped3A_67 = arith.constant 0 : i32
    "tpu.region"() ({
      %run_scoped3A_68 = tpu.sem_alloc : memref<!tpu.dma_semaphore, #tpu.memory_space<semaphore_mem>>
      %dma_start3A = tpu.memref_slice %arg3[%arg0, %run_scoped3A_67, %mul3A_66] : memref<2x1x10240xf32, #tpu.memory_space<hbm>> -> memref<1x1x640xf32, #tpu.memory_space<hbm>>
      %dma_start3A_69 = tpu.memref_squeeze %dma_start3A : memref<1x1x640xf32, #tpu.memory_space<hbm>> -> memref<640xf32, #tpu.memory_space<hbm>>
      %dma_start3A_70 = tpu.memref_slice %arg3[%arg0, %run_scoped3A_67, %mul3A_66] : memref<2x1x10240xf32, #tpu.memory_space<hbm>> -> memref<1x1x640xf32, #tpu.memory_space<hbm>>
      %dma_start3A_71 = tpu.memref_squeeze %dma_start3A_70 : memref<1x1x640xf32, #tpu.memory_space<hbm>> -> memref<640xf32, #tpu.memory_space<hbm>>
      tpu.enqueue_dma source(%arg11 : memref<640xf32, #tpu.memory_space<vmem>>) target(%dma_start3A_71 : memref<640xf32, #tpu.memory_space<hbm>>) target_semaphore(%run_scoped3A_68 : memref<!tpu.dma_semaphore, #tpu.memory_space<semaphore_mem>>)
      %dma_wait3A = tpu.memref_slice %arg3[%arg0, %run_scoped3A_67, %mul3A_66] : memref<2x1x10240xf32, #tpu.memory_space<hbm>> -> memref<1x1x640xf32, #tpu.memory_space<hbm>>
      %dma_wait3A_72 = tpu.memref_squeeze %dma_wait3A : memref<1x1x640xf32, #tpu.memory_space<hbm>> -> memref<640xf32, #tpu.memory_space<hbm>>
      %dma_wait3A_73 = tpu.memref_slice %arg3[%arg0, %run_scoped3A_67, %mul3A_66] : memref<2x1x10240xf32, #tpu.memory_space<hbm>> -> memref<1x1x640xf32, #tpu.memory_space<hbm>>
      %dma_wait3A_74 = tpu.memref_squeeze %dma_wait3A_73 : memref<1x1x640xf32, #tpu.memory_space<hbm>> -> memref<640xf32, #tpu.memory_space<hbm>>
      tpu.wait_dma2 semaphore(%run_scoped3A_68 : memref<!tpu.dma_semaphore, #tpu.memory_space<semaphore_mem>>) src(%arg11 : memref<640xf32, #tpu.memory_space<vmem>>) dst(%dma_wait3A_74 : memref<640xf32, #tpu.memory_space<hbm>>)
      tpu.yield
    }) : () -> ()
    return
  }
}

#map = affine_map<(d0, d1) -> (0, 0)>
#map1 = affine_map<(d0, d1) -> (0, 0, 0)>
module attributes {stable_mosaic.version = 14 : i64} {
  func.func @_seg_body(%arg0: i32, %arg1: i32, %arg2: memref<10000x128xf32, #tpu.memory_space<hbm>>, %arg3: memref<10000x128xf32, #tpu.memory_space<hbm>>, %arg4: memref<10000x128xf32, #tpu.memory_space<hbm>>, %arg5: memref<10000x128xf32, #tpu.memory_space<hbm>>, %arg6: memref<32x1x10752xi32, #tpu.memory_space<hbm>>, %arg7: memref<32x1x10752xi32, #tpu.memory_space<hbm>>, %arg8: memref<32x1x16xi32, #tpu.memory_space<hbm>>, %arg9: memref<312x128xf32, #tpu.memory_space<hbm>>, %arg10: memref<10000x128xf32, #tpu.memory_space<hbm>>, %arg11: memref<10000x128xf32, #tpu.memory_space<hbm>>, %arg12: memref<10000x128xf32, #tpu.memory_space<hbm>>, %arg13: memref<10000x128xf32, #tpu.memory_space<hbm>>, %arg14: memref<10752xi32, #tpu.memory_space<vmem>>, %arg15: memref<10752xi32, #tpu.memory_space<vmem>>, %arg16: memref<16xi32, #tpu.memory_space<vmem>>, %arg17: memref<128x128xf32, #tpu.memory_space<vmem>>, %arg18: memref<128x128xf32, #tpu.memory_space<vmem>>, %arg19: memref<128x128xf32, #tpu.memory_space<vmem>>, %arg20: memref<128x128xf32, #tpu.memory_space<vmem>>, %arg21: memref<5008x128xf32, #tpu.memory_space<vmem_shared>>, %arg22: memref<!tpu.dma_semaphore, #tpu.memory_space<semaphore_mem>>, %arg23: memref<!tpu.dma_semaphore, #tpu.memory_space<semaphore_mem>>) attributes {dimension_semantics = [#tpu.dimension_semantics<core_parallel>, #tpu.dimension_semantics<subcore_parallel>], iteration_bounds = array<i64: 2, 16>, scalar_prefetch = 0 : i64, scratch_operands = 10 : i64, tpu.core_type = #tpu.core_type<sc_vector_subcore>, window_params = [{transform_indices = #map}, {transform_indices = #map}, {transform_indices = #map}, {transform_indices = #map}, {transform_indices = #map1}, {transform_indices = #map1}, {transform_indices = #map1}, {transform_indices = #map}, {transform_indices = #map}, {transform_indices = #map}, {transform_indices = #map}, {transform_indices = #map}]} {
    %mul3A = arith.constant 5000 : i32
    %mul3A_0 = arith.muli %arg0, %mul3A : i32
    %mul3A_1 = arith.constant 16 : i32
    %mul3A_2 = arith.muli %arg0, %mul3A_1 : i32
    %add3A = arith.addi %mul3A_2, %arg1 : i32
    %run_scoped3A = arith.constant 0 : i32
    "tpu.region"() ({
      %run_scoped3A_326 = tpu.sem_alloc : memref<!tpu.dma_semaphore, #tpu.memory_space<semaphore_mem>>
      %dma_start3A = arith.constant 0 : i32
      %dma_start3A_327 = tpu.memref_slice %arg6[%add3A, %run_scoped3A, %dma_start3A] : memref<32x1x10752xi32, #tpu.memory_space<hbm>> -> memref<1x1x10752xi32, #tpu.memory_space<hbm>>
      %dma_start3A_328 = tpu.memref_squeeze %dma_start3A_327 : memref<1x1x10752xi32, #tpu.memory_space<hbm>> -> memref<10752xi32, #tpu.memory_space<hbm>>
      %dma_start3A_329 = arith.constant 0 : i32
      %dma_start3A_330 = tpu.memref_slice %arg6[%add3A, %run_scoped3A, %dma_start3A_329] : memref<32x1x10752xi32, #tpu.memory_space<hbm>> -> memref<1x1x10752xi32, #tpu.memory_space<hbm>>
      %dma_start3A_331 = tpu.memref_squeeze %dma_start3A_330 : memref<1x1x10752xi32, #tpu.memory_space<hbm>> -> memref<10752xi32, #tpu.memory_space<hbm>>
      tpu.enqueue_dma source(%dma_start3A_331 : memref<10752xi32, #tpu.memory_space<hbm>>) target(%arg14 : memref<10752xi32, #tpu.memory_space<vmem>>) target_semaphore(%run_scoped3A_326 : memref<!tpu.dma_semaphore, #tpu.memory_space<semaphore_mem>>)
      %dma_wait3A = arith.constant 0 : i32
      %dma_wait3A_332 = tpu.memref_slice %arg6[%add3A, %run_scoped3A, %dma_wait3A] : memref<32x1x10752xi32, #tpu.memory_space<hbm>> -> memref<1x1x10752xi32, #tpu.memory_space<hbm>>
      %dma_wait3A_333 = tpu.memref_squeeze %dma_wait3A_332 : memref<1x1x10752xi32, #tpu.memory_space<hbm>> -> memref<10752xi32, #tpu.memory_space<hbm>>
      %dma_wait3A_334 = arith.constant 0 : i32
      %dma_wait3A_335 = tpu.memref_slice %arg6[%add3A, %run_scoped3A, %dma_wait3A_334] : memref<32x1x10752xi32, #tpu.memory_space<hbm>> -> memref<1x1x10752xi32, #tpu.memory_space<hbm>>
      %dma_wait3A_336 = tpu.memref_squeeze %dma_wait3A_335 : memref<1x1x10752xi32, #tpu.memory_space<hbm>> -> memref<10752xi32, #tpu.memory_space<hbm>>
      tpu.wait_dma2 semaphore(%run_scoped3A_326 : memref<!tpu.dma_semaphore, #tpu.memory_space<semaphore_mem>>) src(%dma_wait3A_336 : memref<10752xi32, #tpu.memory_space<hbm>>) dst(%arg14 : memref<10752xi32, #tpu.memory_space<vmem>>)
      tpu.yield
    }) : () -> ()
    %run_scoped3A_3 = arith.constant 0 : i32
    "tpu.region"() ({
      %run_scoped3A_326 = tpu.sem_alloc : memref<!tpu.dma_semaphore, #tpu.memory_space<semaphore_mem>>
      %dma_start3A = arith.constant 0 : i32
      %dma_start3A_327 = tpu.memref_slice %arg7[%add3A, %run_scoped3A_3, %dma_start3A] : memref<32x1x10752xi32, #tpu.memory_space<hbm>> -> memref<1x1x10752xi32, #tpu.memory_space<hbm>>
      %dma_start3A_328 = tpu.memref_squeeze %dma_start3A_327 : memref<1x1x10752xi32, #tpu.memory_space<hbm>> -> memref<10752xi32, #tpu.memory_space<hbm>>
      %dma_start3A_329 = arith.constant 0 : i32
      %dma_start3A_330 = tpu.memref_slice %arg7[%add3A, %run_scoped3A_3, %dma_start3A_329] : memref<32x1x10752xi32, #tpu.memory_space<hbm>> -> memref<1x1x10752xi32, #tpu.memory_space<hbm>>
      %dma_start3A_331 = tpu.memref_squeeze %dma_start3A_330 : memref<1x1x10752xi32, #tpu.memory_space<hbm>> -> memref<10752xi32, #tpu.memory_space<hbm>>
      tpu.enqueue_dma source(%dma_start3A_331 : memref<10752xi32, #tpu.memory_space<hbm>>) target(%arg15 : memref<10752xi32, #tpu.memory_space<vmem>>) target_semaphore(%run_scoped3A_326 : memref<!tpu.dma_semaphore, #tpu.memory_space<semaphore_mem>>)
      %dma_wait3A = arith.constant 0 : i32
      %dma_wait3A_332 = tpu.memref_slice %arg7[%add3A, %run_scoped3A_3, %dma_wait3A] : memref<32x1x10752xi32, #tpu.memory_space<hbm>> -> memref<1x1x10752xi32, #tpu.memory_space<hbm>>
      %dma_wait3A_333 = tpu.memref_squeeze %dma_wait3A_332 : memref<1x1x10752xi32, #tpu.memory_space<hbm>> -> memref<10752xi32, #tpu.memory_space<hbm>>
      %dma_wait3A_334 = arith.constant 0 : i32
      %dma_wait3A_335 = tpu.memref_slice %arg7[%add3A, %run_scoped3A_3, %dma_wait3A_334] : memref<32x1x10752xi32, #tpu.memory_space<hbm>> -> memref<1x1x10752xi32, #tpu.memory_space<hbm>>
      %dma_wait3A_336 = tpu.memref_squeeze %dma_wait3A_335 : memref<1x1x10752xi32, #tpu.memory_space<hbm>> -> memref<10752xi32, #tpu.memory_space<hbm>>
      tpu.wait_dma2 semaphore(%run_scoped3A_326 : memref<!tpu.dma_semaphore, #tpu.memory_space<semaphore_mem>>) src(%dma_wait3A_336 : memref<10752xi32, #tpu.memory_space<hbm>>) dst(%arg15 : memref<10752xi32, #tpu.memory_space<vmem>>)
      tpu.yield
    }) : () -> ()
    %run_scoped3A_4 = arith.constant 0 : i32
    "tpu.region"() ({
      %run_scoped3A_326 = tpu.sem_alloc : memref<!tpu.dma_semaphore, #tpu.memory_space<semaphore_mem>>
      %dma_start3A = arith.constant 0 : i32
      %dma_start3A_327 = tpu.memref_slice %arg8[%add3A, %run_scoped3A_4, %dma_start3A] : memref<32x1x16xi32, #tpu.memory_space<hbm>> -> memref<1x1x16xi32, #tpu.memory_space<hbm>>
      %dma_start3A_328 = tpu.memref_squeeze %dma_start3A_327 : memref<1x1x16xi32, #tpu.memory_space<hbm>> -> memref<16xi32, #tpu.memory_space<hbm>>
      %dma_start3A_329 = arith.constant 0 : i32
      %dma_start3A_330 = tpu.memref_slice %arg8[%add3A, %run_scoped3A_4, %dma_start3A_329] : memref<32x1x16xi32, #tpu.memory_space<hbm>> -> memref<1x1x16xi32, #tpu.memory_space<hbm>>
      %dma_start3A_331 = tpu.memref_squeeze %dma_start3A_330 : memref<1x1x16xi32, #tpu.memory_space<hbm>> -> memref<16xi32, #tpu.memory_space<hbm>>
      tpu.enqueue_dma source(%dma_start3A_331 : memref<16xi32, #tpu.memory_space<hbm>>) target(%arg16 : memref<16xi32, #tpu.memory_space<vmem>>) target_semaphore(%run_scoped3A_326 : memref<!tpu.dma_semaphore, #tpu.memory_space<semaphore_mem>>)
      %dma_wait3A = arith.constant 0 : i32
      %dma_wait3A_332 = tpu.memref_slice %arg8[%add3A, %run_scoped3A_4, %dma_wait3A] : memref<32x1x16xi32, #tpu.memory_space<hbm>> -> memref<1x1x16xi32, #tpu.memory_space<hbm>>
      %dma_wait3A_333 = tpu.memref_squeeze %dma_wait3A_332 : memref<1x1x16xi32, #tpu.memory_space<hbm>> -> memref<16xi32, #tpu.memory_space<hbm>>
      %dma_wait3A_334 = arith.constant 0 : i32
      %dma_wait3A_335 = tpu.memref_slice %arg8[%add3A, %run_scoped3A_4, %dma_wait3A_334] : memref<32x1x16xi32, #tpu.memory_space<hbm>> -> memref<1x1x16xi32, #tpu.memory_space<hbm>>
      %dma_wait3A_336 = tpu.memref_squeeze %dma_wait3A_335 : memref<1x1x16xi32, #tpu.memory_space<hbm>> -> memref<16xi32, #tpu.memory_space<hbm>>
      tpu.wait_dma2 semaphore(%run_scoped3A_326 : memref<!tpu.dma_semaphore, #tpu.memory_space<semaphore_mem>>) src(%dma_wait3A_336 : memref<16xi32, #tpu.memory_space<hbm>>) dst(%arg16 : memref<16xi32, #tpu.memory_space<vmem>>)
      tpu.yield
    }) : () -> ()
    %get3A = arith.constant 0 : index
    %get3A_5 = tpu.vector_load %arg16[%get3A] {strides = array<i32>} : memref<16xi32, #tpu.memory_space<vmem>>, vector<16xi32>,
    %get3A_6 = vector.shape_cast %get3A_5 : vector<16xi32> to vector<16xi32>
    %slice3A = vector.extract_strided_slice %get3A_6 {offsets = [0], sizes = [1], strides = [1]} : vector<16xi32> to vector<1xi32>
    %squeeze3A = vector.extract %slice3A[0] : i32 from vector<1xi32>
    %add3A_7 = arith.constant 256 : i32
    %add3A_8 = arith.addi %squeeze3A, %add3A_7 : i32
    %sub3A = arith.constant 1 : i32
    %sub3A_9 = arith.subi %add3A_8, %sub3A : i32
    %jit3A = arith.constant 256 : i32
    %div3A = arith.divsi %sub3A_9, %jit3A : i32
    %sign3A = arith.constant 0 : i32
    %sign3A_10 = arith.cmpi sgt, %sub3A_9, %sign3A : i32
    %sign3A_11 = arith.extui %sign3A_10 : i1 to i32
    %sign3A_12 = arith.constant 0 : i32
    %sign3A_13 = arith.cmpi slt, %sub3A_9, %sign3A_12 : i32
    %sign3A_14 = arith.extui %sign3A_13 : i1 to i32
    %sign3A_15 = arith.subi %sign3A_11, %sign3A_14 : i32
    %sign3A_16 = arith.constant 0 : i32
    %sign3A_17 = arith.cmpi sgt, %jit3A, %sign3A_16 : i32
    %sign3A_18 = arith.extui %sign3A_17 : i1 to i32
    %sign3A_19 = arith.constant 0 : i32
    %sign3A_20 = arith.cmpi slt, %jit3A, %sign3A_19 : i32
    %sign3A_21 = arith.extui %sign3A_20 : i1 to i32
    %sign3A_22 = arith.subi %sign3A_18, %sign3A_21 : i32
    %ne3A = arith.cmpi ne, %sign3A_15, %sign3A_22 : i32
    %rem3A = arith.remsi %sub3A_9, %jit3A : i32
    %ne3A_23 = arith.constant 0 : i32
    %ne3A_24 = arith.cmpi ne, %rem3A, %ne3A_23 : i32
    %and3A = arith.andi %ne3A, %ne3A_24 : i1
    %sub3A_25 = arith.constant 1 : i32
    %sub3A_26 = arith.subi %div3A, %sub3A_25 : i32
    %select_n3A = arith.select %and3A, %sub3A_26, %div3A : i32
    %mul3A_27 = arith.constant 2 : i32
    %mul3A_28 = arith.muli %select_n3A, %mul3A_27 : i32
    %mul3A_29 = arith.constant 312 : i32
    %mul3A_30 = arith.muli %arg1, %mul3A_29 : i32
    "tpu.region"() ({
      %run_scoped3A_326 = tpu.sem_alloc : memref<!tpu.dma_semaphore, #tpu.memory_space<semaphore_mem>>
      %dma_start3A = arith.constant 0 : i32
      %dma_start3A_327 = tpu.memref_slice %arg21[%mul3A_30, %dma_start3A] : memref<5008x128xf32, #tpu.memory_space<vmem_shared>> -> memref<312x128xf32, #tpu.memory_space<vmem_shared>>
      %dma_start3A_328 = arith.constant 0 : i32
      %dma_start3A_329 = arith.constant 0 : i32
      %dma_start3A_330 = tpu.memref_slice %arg9[%dma_start3A_328, %dma_start3A_329] : memref<312x128xf32, #tpu.memory_space<hbm>> -> memref<312x128xf32, #tpu.memory_space<hbm>>
      tpu.enqueue_dma source(%dma_start3A_330 : memref<312x128xf32, #tpu.memory_space<hbm>>) target(%dma_start3A_327 : memref<312x128xf32, #tpu.memory_space<vmem_shared>>) target_semaphore(%run_scoped3A_326 : memref<!tpu.dma_semaphore, #tpu.memory_space<semaphore_mem>>)
      %dma_wait3A = arith.constant 0 : i32
      %dma_wait3A_331 = tpu.memref_slice %arg21[%mul3A_30, %dma_wait3A] : memref<5008x128xf32, #tpu.memory_space<vmem_shared>> -> memref<312x128xf32, #tpu.memory_space<vmem_shared>>
      %dma_wait3A_332 = arith.constant 0 : i32
      %dma_wait3A_333 = arith.constant 0 : i32
      %dma_wait3A_334 = tpu.memref_slice %arg9[%dma_wait3A_332, %dma_wait3A_333] : memref<312x128xf32, #tpu.memory_space<hbm>> -> memref<312x128xf32, #tpu.memory_space<hbm>>
      tpu.wait_dma2 semaphore(%run_scoped3A_326 : memref<!tpu.dma_semaphore, #tpu.memory_space<semaphore_mem>>) src(%dma_wait3A_334 : memref<312x128xf32, #tpu.memory_space<hbm>>) dst(%dma_wait3A_331 : memref<312x128xf32, #tpu.memory_space<vmem_shared>>)
      tpu.yield
    }) : () -> ()
    %eq3A = arith.constant 15 : i32
    %eq3A_31 = arith.cmpi eq, %arg1, %eq3A : i32
    %convert_element_type3A = arith.extui %eq3A_31 : i1 to i32
    %cond3A = arith.constant 0 : i32
    %cond3A_32 = arith.cmpi ne, %convert_element_type3A, %cond3A : i32
    scf.if %cond3A_32 {
      "tpu.region"() ({
        %run_scoped3A_326 = tpu.sem_alloc : memref<!tpu.dma_semaphore, #tpu.memory_space<semaphore_mem>>
        %dma_start3A = arith.constant 4992 : i32
        %dma_start3A_327 = arith.constant 0 : i32
        %dma_start3A_328 = tpu.memref_slice %arg21[%dma_start3A, %dma_start3A_327] : memref<5008x128xf32, #tpu.memory_space<vmem_shared>> -> memref<16x128xf32, #tpu.memory_space<vmem_shared>>
        %dma_start3A_329 = arith.constant 0 : i32
        %dma_start3A_330 = arith.constant 0 : i32
        %dma_start3A_331 = tpu.memref_slice %arg9[%dma_start3A_329, %dma_start3A_330] : memref<312x128xf32, #tpu.memory_space<hbm>> -> memref<16x128xf32, #tpu.memory_space<hbm>>
        tpu.enqueue_dma source(%dma_start3A_331 : memref<16x128xf32, #tpu.memory_space<hbm>>) target(%dma_start3A_328 : memref<16x128xf32, #tpu.memory_space<vmem_shared>>) target_semaphore(%run_scoped3A_326 : memref<!tpu.dma_semaphore, #tpu.memory_space<semaphore_mem>>)
        %dma_wait3A = arith.constant 4992 : i32
        %dma_wait3A_332 = arith.constant 0 : i32
        %dma_wait3A_333 = tpu.memref_slice %arg21[%dma_wait3A, %dma_wait3A_332] : memref<5008x128xf32, #tpu.memory_space<vmem_shared>> -> memref<16x128xf32, #tpu.memory_space<vmem_shared>>
        %dma_wait3A_334 = arith.constant 0 : i32
        %dma_wait3A_335 = arith.constant 0 : i32
        %dma_wait3A_336 = tpu.memref_slice %arg9[%dma_wait3A_334, %dma_wait3A_335] : memref<312x128xf32, #tpu.memory_space<hbm>> -> memref<16x128xf32, #tpu.memory_space<hbm>>
        tpu.wait_dma2 semaphore(%run_scoped3A_326 : memref<!tpu.dma_semaphore, #tpu.memory_space<semaphore_mem>>) src(%dma_wait3A_336 : memref<16x128xf32, #tpu.memory_space<hbm>>) dst(%dma_wait3A_333 : memref<16x128xf32, #tpu.memory_space<vmem_shared>>)
        tpu.yield
      }) : () -> ()
    } else {
    }
    %barrier3A = arith.constant 0 : index
    tpu.barrier barrier_id(%barrier3A)
    %gt3A = arith.constant 0 : i32
    %gt3A_33 = arith.cmpi sgt, %mul3A_28, %gt3A : i32
    %convert_element_type3A_34 = arith.extui %gt3A_33 : i1 to i32
    %cond3A_35 = arith.constant 0 : i32
    %cond3A_36 = arith.cmpi ne, %convert_element_type3A_34, %cond3A_35 : i32
    scf.if %cond3A_36 {
      %dma_start3A = arith.constant 0 : i32
      %dma_start3A_326 = tpu.memref_slice %arg14[%dma_start3A] : memref<10752xi32, #tpu.memory_space<vmem>> -> memref<128xi32, #tpu.memory_space<vmem>>
      %dma_start3A_327 = arith.constant 0 : i32
      %dma_start3A_328 = arith.constant 0 : i32
      %dma_start3A_329 = tpu.memref_slice %arg2[%dma_start3A_327, %dma_start3A_328] : memref<10000x128xf32, #tpu.memory_space<hbm>> -> memref<10000x128xf32, #tpu.memory_space<hbm>>
      tpu.enqueue_indirect_dma source(%dma_start3A_329 : memref<10000x128xf32, #tpu.memory_space<hbm>>) target(%arg17 : memref<128x128xf32, #tpu.memory_space<vmem>>) offsets(%dma_start3A_326 : memref<128xi32, #tpu.memory_space<vmem>>) semaphore(%arg22 : memref<!tpu.dma_semaphore, #tpu.memory_space<semaphore_mem>>)
    } else {
    }
    %gt3A_37 = arith.constant 1 : i32
    %gt3A_38 = arith.cmpi sgt, %mul3A_28, %gt3A_37 : i32
    %convert_element_type3A_39 = arith.extui %gt3A_38 : i1 to i32
    %cond3A_40 = arith.constant 0 : i32
    %cond3A_41 = arith.cmpi ne, %convert_element_type3A_39, %cond3A_40 : i32
    scf.if %cond3A_41 {
      %dma_start3A = arith.constant 128 : i32
      %dma_start3A_326 = tpu.memref_slice %arg14[%dma_start3A] : memref<10752xi32, #tpu.memory_space<vmem>> -> memref<128xi32, #tpu.memory_space<vmem>>
      %dma_start3A_327 = arith.constant 0 : i32
      %dma_start3A_328 = arith.constant 0 : i32
      %dma_start3A_329 = tpu.memref_slice %arg2[%dma_start3A_327, %dma_start3A_328] : memref<10000x128xf32, #tpu.memory_space<hbm>> -> memref<10000x128xf32, #tpu.memory_space<hbm>>
      tpu.enqueue_indirect_dma source(%dma_start3A_329 : memref<10000x128xf32, #tpu.memory_space<hbm>>) target(%arg18 : memref<128x128xf32, #tpu.memory_space<vmem>>) offsets(%dma_start3A_326 : memref<128xi32, #tpu.memory_space<vmem>>) semaphore(%arg23 : memref<!tpu.dma_semaphore, #tpu.memory_space<semaphore_mem>>)
    } else {
    }
    %gt3A_42 = arith.constant 2 : i32
    %gt3A_43 = arith.cmpi sgt, %mul3A_28, %gt3A_42 : i32
    %convert_element_type3A_44 = arith.extui %gt3A_43 : i1 to i32
    %cond3A_45 = arith.constant 0 : i32
    %cond3A_46 = arith.cmpi ne, %convert_element_type3A_44, %cond3A_45 : i32
    scf.if %cond3A_46 {
      %dma_start3A = arith.constant 256 : i32
      %dma_start3A_326 = tpu.memref_slice %arg14[%dma_start3A] : memref<10752xi32, #tpu.memory_space<vmem>> -> memref<128xi32, #tpu.memory_space<vmem>>
      %dma_start3A_327 = arith.constant 0 : i32
      %dma_start3A_328 = arith.constant 0 : i32
      %dma_start3A_329 = tpu.memref_slice %arg2[%dma_start3A_327, %dma_start3A_328] : memref<10000x128xf32, #tpu.memory_space<hbm>> -> memref<10000x128xf32, #tpu.memory_space<hbm>>
      tpu.enqueue_indirect_dma source(%dma_start3A_329 : memref<10000x128xf32, #tpu.memory_space<hbm>>) target(%arg19 : memref<128x128xf32, #tpu.memory_space<vmem>>) offsets(%dma_start3A_326 : memref<128xi32, #tpu.memory_space<vmem>>) semaphore(%arg22 : memref<!tpu.dma_semaphore, #tpu.memory_space<semaphore_mem>>)
    } else {
    }
    %gt3A_47 = arith.constant 3 : i32
    %gt3A_48 = arith.cmpi sgt, %mul3A_28, %gt3A_47 : i32
    %convert_element_type3A_49 = arith.extui %gt3A_48 : i1 to i32
    %cond3A_50 = arith.constant 0 : i32
    %cond3A_51 = arith.cmpi ne, %convert_element_type3A_49, %cond3A_50 : i32
    scf.if %cond3A_51 {
      %dma_start3A = arith.constant 384 : i32
      %dma_start3A_326 = tpu.memref_slice %arg14[%dma_start3A] : memref<10752xi32, #tpu.memory_space<vmem>> -> memref<128xi32, #tpu.memory_space<vmem>>
      %dma_start3A_327 = arith.constant 0 : i32
      %dma_start3A_328 = arith.constant 0 : i32
      %dma_start3A_329 = tpu.memref_slice %arg2[%dma_start3A_327, %dma_start3A_328] : memref<10000x128xf32, #tpu.memory_space<hbm>> -> memref<10000x128xf32, #tpu.memory_space<hbm>>
      tpu.enqueue_indirect_dma source(%dma_start3A_329 : memref<10000x128xf32, #tpu.memory_space<hbm>>) target(%arg20 : memref<128x128xf32, #tpu.memory_space<vmem>>) offsets(%dma_start3A_326 : memref<128xi32, #tpu.memory_space<vmem>>) semaphore(%arg23 : memref<!tpu.dma_semaphore, #tpu.memory_space<semaphore_mem>>)
    } else {
    }
    %add3A_52 = arith.constant 3 : i32
    %add3A_53 = arith.addi %mul3A_28, %add3A_52 : i32
    %jit3A_54 = arith.constant 4 : i32
    %div3A_55 = arith.divsi %add3A_53, %jit3A_54 : i32
    %sign3A_56 = arith.constant 0 : i32
    %sign3A_57 = arith.cmpi sgt, %add3A_53, %sign3A_56 : i32
    %sign3A_58 = arith.extui %sign3A_57 : i1 to i32
    %sign3A_59 = arith.constant 0 : i32
    %sign3A_60 = arith.cmpi slt, %add3A_53, %sign3A_59 : i32
    %sign3A_61 = arith.extui %sign3A_60 : i1 to i32
    %sign3A_62 = arith.subi %sign3A_58, %sign3A_61 : i32
    %sign3A_63 = arith.constant 0 : i32
    %sign3A_64 = arith.cmpi sgt, %jit3A_54, %sign3A_63 : i32
    %sign3A_65 = arith.extui %sign3A_64 : i1 to i32
    %sign3A_66 = arith.constant 0 : i32
    %sign3A_67 = arith.cmpi slt, %jit3A_54, %sign3A_66 : i32
    %sign3A_68 = arith.extui %sign3A_67 : i1 to i32
    %sign3A_69 = arith.subi %sign3A_65, %sign3A_68 : i32
    %ne3A_70 = arith.cmpi ne, %sign3A_62, %sign3A_69 : i32
    %rem3A_71 = arith.remsi %add3A_53, %jit3A_54 : i32
    %ne3A_72 = arith.constant 0 : i32
    %ne3A_73 = arith.cmpi ne, %rem3A_71, %ne3A_72 : i32
    %and3A_74 = arith.andi %ne3A_70, %ne3A_73 : i1
    %sub3A_75 = arith.constant 1 : i32
    %sub3A_76 = arith.subi %div3A_55, %sub3A_75 : i32
    %select_n3A_77 = arith.select %and3A_74, %sub3A_76, %div3A_55 : i32
    %while3A = arith.constant 0 : i32
    %while3A_78 = arith.constant 0 : i32
    %while3A_79 = arith.subi %select_n3A_77, %while3A_78 : i32
    %while3A_80 = arith.addi %while3A_78, %while3A_79 : i32
    %while3A_81 = arith.constant 1 : i32
    %while3A_82 = arith.divsi %while3A_79, %while3A_81 : i32
    %while3A_83 = arith.muli %while3A_82, %while3A_81 : i32
    %while3A_84 = arith.addi %while3A_78, %while3A_83 : i32
    %while3A_85 = arith.constant 1 : i32
    scf.for %while3A_326 = %while3A_78 to %while3A_84 step %while3A_85  : i32 {
      %mul3A_327 = arith.constant 4 : i32
      %mul3A_328 = arith.muli %mul3A_327, %while3A_326 : i32
      %add3A_329 = arith.constant 0 : i32
      %add3A_330 = arith.addi %mul3A_328, %add3A_329 : i32
      %lt3A = arith.cmpi slt, %add3A_330, %mul3A_28 : i32
      %convert_element_type3A_331 = arith.extui %lt3A : i1 to i32
      %cond3A_332 = arith.constant 0 : i32
      %cond3A_333 = arith.cmpi ne, %convert_element_type3A_331, %cond3A_332 : i32
      scf.if %cond3A_333 {
        %dma_wait3A = arith.constant 0 : i32
        %dma_wait3A_352 = arith.constant 0 : i32
        %dma_wait3A_353 = tpu.memref_slice %arg2[%dma_wait3A, %dma_wait3A_352] : memref<10000x128xf32, #tpu.memory_space<hbm>> -> memref<128x128xf32, #tpu.memory_space<hbm>>
        %dma_wait3A_354 = arith.constant 0 : i32
        %dma_wait3A_355 = arith.constant 0 : i32
        %dma_wait3A_356 = tpu.memref_slice %arg2[%dma_wait3A_354, %dma_wait3A_355] : memref<10000x128xf32, #tpu.memory_space<hbm>> -> memref<128x128xf32, #tpu.memory_space<hbm>>
        tpu.wait_dma2 semaphore(%arg22 : memref<!tpu.dma_semaphore, #tpu.memory_space<semaphore_mem>>) src(%dma_wait3A_356 : memref<128x128xf32, #tpu.memory_space<hbm>>) dst(%arg17 : memref<128x128xf32, #tpu.memory_space<vmem>>)
        %mul3A_357 = arith.constant 128 : i32
        %mul3A_358 = arith.muli %add3A_330, %mul3A_357 : i32
        "tpu.region"() ({
          %run_scoped3A_365 = tpu.sem_alloc : memref<!tpu.dma_semaphore, #tpu.memory_space<semaphore_mem>>
          %dma_start3A = tpu.memref_slice %arg15[%mul3A_358] : memref<10752xi32, #tpu.memory_space<vmem>> -> memref<128xi32, #tpu.memory_space<vmem>>
          %dma_start3A_366 = arith.constant 0 : i32
          %dma_start3A_367 = arith.constant 0 : i32
          %dma_start3A_368 = tpu.memref_slice %arg21[%dma_start3A_366, %dma_start3A_367] : memref<5008x128xf32, #tpu.memory_space<vmem_shared>> -> memref<5008x128xf32, #tpu.memory_space<vmem_shared>>
          tpu.enqueue_indirect_dma source(%arg17 : memref<128x128xf32, #tpu.memory_space<vmem>>) target(%dma_start3A_368 : memref<5008x128xf32, #tpu.memory_space<vmem_shared>>) offsets(%dma_start3A : memref<128xi32, #tpu.memory_space<vmem>>) semaphore(%run_scoped3A_365 : memref<!tpu.dma_semaphore, #tpu.memory_space<semaphore_mem>>) {add = true}
          %dma_wait3A_369 = tpu.memref_slice %arg15[%mul3A_358] : memref<10752xi32, #tpu.memory_space<vmem>> -> memref<128xi32, #tpu.memory_space<vmem>>
          %dma_wait3A_370 = arith.constant 0 : i32
          %dma_wait3A_371 = arith.constant 0 : i32
          %dma_wait3A_372 = tpu.memref_slice %arg21[%dma_wait3A_370, %dma_wait3A_371] : memref<5008x128xf32, #tpu.memory_space<vmem_shared>> -> memref<5008x128xf32, #tpu.memory_space<vmem_shared>>
          tpu.wait_indirect_dma semaphore(%run_scoped3A_365 : memref<!tpu.dma_semaphore, #tpu.memory_space<semaphore_mem>>) src(%arg17 : memref<128x128xf32, #tpu.memory_space<vmem>>) dst(%dma_wait3A_372 : memref<5008x128xf32, #tpu.memory_space<vmem_shared>>)
          tpu.yield
        }) : () -> ()
        %add3A_359 = arith.constant 4 : i32
        %add3A_360 = arith.addi %add3A_330, %add3A_359 : i32
        %lt3A_361 = arith.cmpi slt, %add3A_360, %mul3A_28 : i32
        %convert_element_type3A_362 = arith.extui %lt3A_361 : i1 to i32
        %cond3A_363 = arith.constant 0 : i32
        %cond3A_364 = arith.cmpi ne, %convert_element_type3A_362, %cond3A_363 : i32
        scf.if %cond3A_364 {
          %add3A_365 = arith.constant 4 : i32
          %add3A_366 = arith.addi %add3A_330, %add3A_365 : i32
          %mul3A_367 = arith.constant 128 : i32
          %mul3A_368 = arith.muli %add3A_366, %mul3A_367 : i32
          %dma_start3A = tpu.memref_slice %arg14[%mul3A_368] : memref<10752xi32, #tpu.memory_space<vmem>> -> memref<128xi32, #tpu.memory_space<vmem>>
          %dma_start3A_369 = arith.constant 0 : i32
          %dma_start3A_370 = arith.constant 0 : i32
          %dma_start3A_371 = tpu.memref_slice %arg2[%dma_start3A_369, %dma_start3A_370] : memref<10000x128xf32, #tpu.memory_space<hbm>> -> memref<10000x128xf32, #tpu.memory_space<hbm>>
          tpu.enqueue_indirect_dma source(%dma_start3A_371 : memref<10000x128xf32, #tpu.memory_space<hbm>>) target(%arg17 : memref<128x128xf32, #tpu.memory_space<vmem>>) offsets(%dma_start3A : memref<128xi32, #tpu.memory_space<vmem>>) semaphore(%arg22 : memref<!tpu.dma_semaphore, #tpu.memory_space<semaphore_mem>>)
        } else {
        }
      } else {
      }
      %add3A_334 = arith.constant 1 : i32
      %add3A_335 = arith.addi %mul3A_328, %add3A_334 : i32
      %lt3A_336 = arith.cmpi slt, %add3A_335, %mul3A_28 : i32
      %convert_element_type3A_337 = arith.extui %lt3A_336 : i1 to i32
      %cond3A_338 = arith.constant 0 : i32
      %cond3A_339 = arith.cmpi ne, %convert_element_type3A_337, %cond3A_338 : i32
      scf.if %cond3A_339 {
        %dma_wait3A = arith.constant 0 : i32
        %dma_wait3A_352 = arith.constant 0 : i32
        %dma_wait3A_353 = tpu.memref_slice %arg2[%dma_wait3A, %dma_wait3A_352] : memref<10000x128xf32, #tpu.memory_space<hbm>> -> memref<128x128xf32, #tpu.memory_space<hbm>>
        %dma_wait3A_354 = arith.constant 0 : i32
        %dma_wait3A_355 = arith.constant 0 : i32
        %dma_wait3A_356 = tpu.memref_slice %arg2[%dma_wait3A_354, %dma_wait3A_355] : memref<10000x128xf32, #tpu.memory_space<hbm>> -> memref<128x128xf32, #tpu.memory_space<hbm>>
        tpu.wait_dma2 semaphore(%arg23 : memref<!tpu.dma_semaphore, #tpu.memory_space<semaphore_mem>>) src(%dma_wait3A_356 : memref<128x128xf32, #tpu.memory_space<hbm>>) dst(%arg18 : memref<128x128xf32, #tpu.memory_space<vmem>>)
        %mul3A_357 = arith.constant 128 : i32
        %mul3A_358 = arith.muli %add3A_335, %mul3A_357 : i32
        "tpu.region"() ({
          %run_scoped3A_365 = tpu.sem_alloc : memref<!tpu.dma_semaphore, #tpu.memory_space<semaphore_mem>>
          %dma_start3A = tpu.memref_slice %arg15[%mul3A_358] : memref<10752xi32, #tpu.memory_space<vmem>> -> memref<128xi32, #tpu.memory_space<vmem>>
          %dma_start3A_366 = arith.constant 0 : i32
          %dma_start3A_367 = arith.constant 0 : i32
          %dma_start3A_368 = tpu.memref_slice %arg21[%dma_start3A_366, %dma_start3A_367] : memref<5008x128xf32, #tpu.memory_space<vmem_shared>> -> memref<5008x128xf32, #tpu.memory_space<vmem_shared>>
          tpu.enqueue_indirect_dma source(%arg18 : memref<128x128xf32, #tpu.memory_space<vmem>>) target(%dma_start3A_368 : memref<5008x128xf32, #tpu.memory_space<vmem_shared>>) offsets(%dma_start3A : memref<128xi32, #tpu.memory_space<vmem>>) semaphore(%run_scoped3A_365 : memref<!tpu.dma_semaphore, #tpu.memory_space<semaphore_mem>>) {add = true}
          %dma_wait3A_369 = tpu.memref_slice %arg15[%mul3A_358] : memref<10752xi32, #tpu.memory_space<vmem>> -> memref<128xi32, #tpu.memory_space<vmem>>
          %dma_wait3A_370 = arith.constant 0 : i32
          %dma_wait3A_371 = arith.constant 0 : i32
          %dma_wait3A_372 = tpu.memref_slice %arg21[%dma_wait3A_370, %dma_wait3A_371] : memref<5008x128xf32, #tpu.memory_space<vmem_shared>> -> memref<5008x128xf32, #tpu.memory_space<vmem_shared>>
          tpu.wait_indirect_dma semaphore(%run_scoped3A_365 : memref<!tpu.dma_semaphore, #tpu.memory_space<semaphore_mem>>) src(%arg18 : memref<128x128xf32, #tpu.memory_space<vmem>>) dst(%dma_wait3A_372 : memref<5008x128xf32, #tpu.memory_space<vmem_shared>>)
          tpu.yield
        }) : () -> ()
        %add3A_359 = arith.constant 4 : i32
        %add3A_360 = arith.addi %add3A_335, %add3A_359 : i32
        %lt3A_361 = arith.cmpi slt, %add3A_360, %mul3A_28 : i32
        %convert_element_type3A_362 = arith.extui %lt3A_361 : i1 to i32
        %cond3A_363 = arith.constant 0 : i32
        %cond3A_364 = arith.cmpi ne, %convert_element_type3A_362, %cond3A_363 : i32
        scf.if %cond3A_364 {
          %add3A_365 = arith.constant 4 : i32
          %add3A_366 = arith.addi %add3A_335, %add3A_365 : i32
          %mul3A_367 = arith.constant 128 : i32
          %mul3A_368 = arith.muli %add3A_366, %mul3A_367 : i32
          %dma_start3A = tpu.memref_slice %arg14[%mul3A_368] : memref<10752xi32, #tpu.memory_space<vmem>> -> memref<128xi32, #tpu.memory_space<vmem>>
          %dma_start3A_369 = arith.constant 0 : i32
          %dma_start3A_370 = arith.constant 0 : i32
          %dma_start3A_371 = tpu.memref_slice %arg2[%dma_start3A_369, %dma_start3A_370] : memref<10000x128xf32, #tpu.memory_space<hbm>> -> memref<10000x128xf32, #tpu.memory_space<hbm>>
          tpu.enqueue_indirect_dma source(%dma_start3A_371 : memref<10000x128xf32, #tpu.memory_space<hbm>>) target(%arg18 : memref<128x128xf32, #tpu.memory_space<vmem>>) offsets(%dma_start3A : memref<128xi32, #tpu.memory_space<vmem>>) semaphore(%arg23 : memref<!tpu.dma_semaphore, #tpu.memory_space<semaphore_mem>>)
        } else {
        }
      } else {
      }
      %add3A_340 = arith.constant 2 : i32
      %add3A_341 = arith.addi %mul3A_328, %add3A_340 : i32
      %lt3A_342 = arith.cmpi slt, %add3A_341, %mul3A_28 : i32
      %convert_element_type3A_343 = arith.extui %lt3A_342 : i1 to i32
      %cond3A_344 = arith.constant 0 : i32
      %cond3A_345 = arith.cmpi ne, %convert_element_type3A_343, %cond3A_344 : i32
      scf.if %cond3A_345 {
        %dma_wait3A = arith.constant 0 : i32
        %dma_wait3A_352 = arith.constant 0 : i32
        %dma_wait3A_353 = tpu.memref_slice %arg2[%dma_wait3A, %dma_wait3A_352] : memref<10000x128xf32, #tpu.memory_space<hbm>> -> memref<128x128xf32, #tpu.memory_space<hbm>>
        %dma_wait3A_354 = arith.constant 0 : i32
        %dma_wait3A_355 = arith.constant 0 : i32
        %dma_wait3A_356 = tpu.memref_slice %arg2[%dma_wait3A_354, %dma_wait3A_355] : memref<10000x128xf32, #tpu.memory_space<hbm>> -> memref<128x128xf32, #tpu.memory_space<hbm>>
        tpu.wait_dma2 semaphore(%arg22 : memref<!tpu.dma_semaphore, #tpu.memory_space<semaphore_mem>>) src(%dma_wait3A_356 : memref<128x128xf32, #tpu.memory_space<hbm>>) dst(%arg19 : memref<128x128xf32, #tpu.memory_space<vmem>>)
        %mul3A_357 = arith.constant 128 : i32
        %mul3A_358 = arith.muli %add3A_341, %mul3A_357 : i32
        "tpu.region"() ({
          %run_scoped3A_365 = tpu.sem_alloc : memref<!tpu.dma_semaphore, #tpu.memory_space<semaphore_mem>>
          %dma_start3A = tpu.memref_slice %arg15[%mul3A_358] : memref<10752xi32, #tpu.memory_space<vmem>> -> memref<128xi32, #tpu.memory_space<vmem>>
          %dma_start3A_366 = arith.constant 0 : i32
          %dma_start3A_367 = arith.constant 0 : i32
          %dma_start3A_368 = tpu.memref_slice %arg21[%dma_start3A_366, %dma_start3A_367] : memref<5008x128xf32, #tpu.memory_space<vmem_shared>> -> memref<5008x128xf32, #tpu.memory_space<vmem_shared>>
          tpu.enqueue_indirect_dma source(%arg19 : memref<128x128xf32, #tpu.memory_space<vmem>>) target(%dma_start3A_368 : memref<5008x128xf32, #tpu.memory_space<vmem_shared>>) offsets(%dma_start3A : memref<128xi32, #tpu.memory_space<vmem>>) semaphore(%run_scoped3A_365 : memref<!tpu.dma_semaphore, #tpu.memory_space<semaphore_mem>>) {add = true}
          %dma_wait3A_369 = tpu.memref_slice %arg15[%mul3A_358] : memref<10752xi32, #tpu.memory_space<vmem>> -> memref<128xi32, #tpu.memory_space<vmem>>
          %dma_wait3A_370 = arith.constant 0 : i32
          %dma_wait3A_371 = arith.constant 0 : i32
          %dma_wait3A_372 = tpu.memref_slice %arg21[%dma_wait3A_370, %dma_wait3A_371] : memref<5008x128xf32, #tpu.memory_space<vmem_shared>> -> memref<5008x128xf32, #tpu.memory_space<vmem_shared>>
          tpu.wait_indirect_dma semaphore(%run_scoped3A_365 : memref<!tpu.dma_semaphore, #tpu.memory_space<semaphore_mem>>) src(%arg19 : memref<128x128xf32, #tpu.memory_space<vmem>>) dst(%dma_wait3A_372 : memref<5008x128xf32, #tpu.memory_space<vmem_shared>>)
          tpu.yield
        }) : () -> ()
        %add3A_359 = arith.constant 4 : i32
        %add3A_360 = arith.addi %add3A_341, %add3A_359 : i32
        %lt3A_361 = arith.cmpi slt, %add3A_360, %mul3A_28 : i32
        %convert_element_type3A_362 = arith.extui %lt3A_361 : i1 to i32
        %cond3A_363 = arith.constant 0 : i32
        %cond3A_364 = arith.cmpi ne, %convert_element_type3A_362, %cond3A_363 : i32
        scf.if %cond3A_364 {
          %add3A_365 = arith.constant 4 : i32
          %add3A_366 = arith.addi %add3A_341, %add3A_365 : i32
          %mul3A_367 = arith.constant 128 : i32
          %mul3A_368 = arith.muli %add3A_366, %mul3A_367 : i32
          %dma_start3A = tpu.memref_slice %arg14[%mul3A_368] : memref<10752xi32, #tpu.memory_space<vmem>> -> memref<128xi32, #tpu.memory_space<vmem>>
          %dma_start3A_369 = arith.constant 0 : i32
          %dma_start3A_370 = arith.constant 0 : i32
          %dma_start3A_371 = tpu.memref_slice %arg2[%dma_start3A_369, %dma_start3A_370] : memref<10000x128xf32, #tpu.memory_space<hbm>> -> memref<10000x128xf32, #tpu.memory_space<hbm>>
          tpu.enqueue_indirect_dma source(%dma_start3A_371 : memref<10000x128xf32, #tpu.memory_space<hbm>>) target(%arg19 : memref<128x128xf32, #tpu.memory_space<vmem>>) offsets(%dma_start3A : memref<128xi32, #tpu.memory_space<vmem>>) semaphore(%arg22 : memref<!tpu.dma_semaphore, #tpu.memory_space<semaphore_mem>>)
        } else {
        }
      } else {
      }
      %add3A_346 = arith.constant 3 : i32
      %add3A_347 = arith.addi %mul3A_328, %add3A_346 : i32
      %lt3A_348 = arith.cmpi slt, %add3A_347, %mul3A_28 : i32
      %convert_element_type3A_349 = arith.extui %lt3A_348 : i1 to i32
      %cond3A_350 = arith.constant 0 : i32
      %cond3A_351 = arith.cmpi ne, %convert_element_type3A_349, %cond3A_350 : i32
      scf.if %cond3A_351 {
        %dma_wait3A = arith.constant 0 : i32
        %dma_wait3A_352 = arith.constant 0 : i32
        %dma_wait3A_353 = tpu.memref_slice %arg2[%dma_wait3A, %dma_wait3A_352] : memref<10000x128xf32, #tpu.memory_space<hbm>> -> memref<128x128xf32, #tpu.memory_space<hbm>>
        %dma_wait3A_354 = arith.constant 0 : i32
        %dma_wait3A_355 = arith.constant 0 : i32
        %dma_wait3A_356 = tpu.memref_slice %arg2[%dma_wait3A_354, %dma_wait3A_355] : memref<10000x128xf32, #tpu.memory_space<hbm>> -> memref<128x128xf32, #tpu.memory_space<hbm>>
        tpu.wait_dma2 semaphore(%arg23 : memref<!tpu.dma_semaphore, #tpu.memory_space<semaphore_mem>>) src(%dma_wait3A_356 : memref<128x128xf32, #tpu.memory_space<hbm>>) dst(%arg20 : memref<128x128xf32, #tpu.memory_space<vmem>>)
        %mul3A_357 = arith.constant 128 : i32
        %mul3A_358 = arith.muli %add3A_347, %mul3A_357 : i32
        "tpu.region"() ({
          %run_scoped3A_365 = tpu.sem_alloc : memref<!tpu.dma_semaphore, #tpu.memory_space<semaphore_mem>>
          %dma_start3A = tpu.memref_slice %arg15[%mul3A_358] : memref<10752xi32, #tpu.memory_space<vmem>> -> memref<128xi32, #tpu.memory_space<vmem>>
          %dma_start3A_366 = arith.constant 0 : i32
          %dma_start3A_367 = arith.constant 0 : i32
          %dma_start3A_368 = tpu.memref_slice %arg21[%dma_start3A_366, %dma_start3A_367] : memref<5008x128xf32, #tpu.memory_space<vmem_shared>> -> memref<5008x128xf32, #tpu.memory_space<vmem_shared>>
          tpu.enqueue_indirect_dma source(%arg20 : memref<128x128xf32, #tpu.memory_space<vmem>>) target(%dma_start3A_368 : memref<5008x128xf32, #tpu.memory_space<vmem_shared>>) offsets(%dma_start3A : memref<128xi32, #tpu.memory_space<vmem>>) semaphore(%run_scoped3A_365 : memref<!tpu.dma_semaphore, #tpu.memory_space<semaphore_mem>>) {add = true}
          %dma_wait3A_369 = tpu.memref_slice %arg15[%mul3A_358] : memref<10752xi32, #tpu.memory_space<vmem>> -> memref<128xi32, #tpu.memory_space<vmem>>
          %dma_wait3A_370 = arith.constant 0 : i32
          %dma_wait3A_371 = arith.constant 0 : i32
          %dma_wait3A_372 = tpu.memref_slice %arg21[%dma_wait3A_370, %dma_wait3A_371] : memref<5008x128xf32, #tpu.memory_space<vmem_shared>> -> memref<5008x128xf32, #tpu.memory_space<vmem_shared>>
          tpu.wait_indirect_dma semaphore(%run_scoped3A_365 : memref<!tpu.dma_semaphore, #tpu.memory_space<semaphore_mem>>) src(%arg20 : memref<128x128xf32, #tpu.memory_space<vmem>>) dst(%dma_wait3A_372 : memref<5008x128xf32, #tpu.memory_space<vmem_shared>>)
          tpu.yield
        }) : () -> ()
        %add3A_359 = arith.constant 4 : i32
        %add3A_360 = arith.addi %add3A_347, %add3A_359 : i32
        %lt3A_361 = arith.cmpi slt, %add3A_360, %mul3A_28 : i32
        %convert_element_type3A_362 = arith.extui %lt3A_361 : i1 to i32
        %cond3A_363 = arith.constant 0 : i32
        %cond3A_364 = arith.cmpi ne, %convert_element_type3A_362, %cond3A_363 : i32
        scf.if %cond3A_364 {
          %add3A_365 = arith.constant 4 : i32
          %add3A_366 = arith.addi %add3A_347, %add3A_365 : i32
          %mul3A_367 = arith.constant 128 : i32
          %mul3A_368 = arith.muli %add3A_366, %mul3A_367 : i32
          %dma_start3A = tpu.memref_slice %arg14[%mul3A_368] : memref<10752xi32, #tpu.memory_space<vmem>> -> memref<128xi32, #tpu.memory_space<vmem>>
          %dma_start3A_369 = arith.constant 0 : i32
          %dma_start3A_370 = arith.constant 0 : i32
          %dma_start3A_371 = tpu.memref_slice %arg2[%dma_start3A_369, %dma_start3A_370] : memref<10000x128xf32, #tpu.memory_space<hbm>> -> memref<10000x128xf32, #tpu.memory_space<hbm>>
          tpu.enqueue_indirect_dma source(%dma_start3A_371 : memref<10000x128xf32, #tpu.memory_space<hbm>>) target(%arg20 : memref<128x128xf32, #tpu.memory_space<vmem>>) offsets(%dma_start3A : memref<128xi32, #tpu.memory_space<vmem>>) semaphore(%arg23 : memref<!tpu.dma_semaphore, #tpu.memory_space<semaphore_mem>>)
        } else {
        }
      } else {
      }
    }
    %while3A_86 = arith.constant 1 : i32
    scf.for %while3A_326 = %while3A_84 to %while3A_80 step %while3A_86  : i32 {
      %mul3A_327 = arith.constant 4 : i32
      %mul3A_328 = arith.muli %mul3A_327, %while3A_326 : i32
      %add3A_329 = arith.constant 0 : i32
      %add3A_330 = arith.addi %mul3A_328, %add3A_329 : i32
      %lt3A = arith.cmpi slt, %add3A_330, %mul3A_28 : i32
      %convert_element_type3A_331 = arith.extui %lt3A : i1 to i32
      %cond3A_332 = arith.constant 0 : i32
      %cond3A_333 = arith.cmpi ne, %convert_element_type3A_331, %cond3A_332 : i32
      scf.if %cond3A_333 {
        %dma_wait3A = arith.constant 0 : i32
        %dma_wait3A_352 = arith.constant 0 : i32
        %dma_wait3A_353 = tpu.memref_slice %arg2[%dma_wait3A, %dma_wait3A_352] : memref<10000x128xf32, #tpu.memory_space<hbm>> -> memref<128x128xf32, #tpu.memory_space<hbm>>
        %dma_wait3A_354 = arith.constant 0 : i32
        %dma_wait3A_355 = arith.constant 0 : i32
        %dma_wait3A_356 = tpu.memref_slice %arg2[%dma_wait3A_354, %dma_wait3A_355] : memref<10000x128xf32, #tpu.memory_space<hbm>> -> memref<128x128xf32, #tpu.memory_space<hbm>>
        tpu.wait_dma2 semaphore(%arg22 : memref<!tpu.dma_semaphore, #tpu.memory_space<semaphore_mem>>) src(%dma_wait3A_356 : memref<128x128xf32, #tpu.memory_space<hbm>>) dst(%arg17 : memref<128x128xf32, #tpu.memory_space<vmem>>)
        %mul3A_357 = arith.constant 128 : i32
        %mul3A_358 = arith.muli %add3A_330, %mul3A_357 : i32
        "tpu.region"() ({
          %run_scoped3A_365 = tpu.sem_alloc : memref<!tpu.dma_semaphore, #tpu.memory_space<semaphore_mem>>
          %dma_start3A = tpu.memref_slice %arg15[%mul3A_358] : memref<10752xi32, #tpu.memory_space<vmem>> -> memref<128xi32, #tpu.memory_space<vmem>>
          %dma_start3A_366 = arith.constant 0 : i32
          %dma_start3A_367 = arith.constant 0 : i32
          %dma_start3A_368 = tpu.memref_slice %arg21[%dma_start3A_366, %dma_start3A_367] : memref<5008x128xf32, #tpu.memory_space<vmem_shared>> -> memref<5008x128xf32, #tpu.memory_space<vmem_shared>>
          tpu.enqueue_indirect_dma source(%arg17 : memref<128x128xf32, #tpu.memory_space<vmem>>) target(%dma_start3A_368 : memref<5008x128xf32, #tpu.memory_space<vmem_shared>>) offsets(%dma_start3A : memref<128xi32, #tpu.memory_space<vmem>>) semaphore(%run_scoped3A_365 : memref<!tpu.dma_semaphore, #tpu.memory_space<semaphore_mem>>) {add = true}
          %dma_wait3A_369 = tpu.memref_slice %arg15[%mul3A_358] : memref<10752xi32, #tpu.memory_space<vmem>> -> memref<128xi32, #tpu.memory_space<vmem>>
          %dma_wait3A_370 = arith.constant 0 : i32
          %dma_wait3A_371 = arith.constant 0 : i32
          %dma_wait3A_372 = tpu.memref_slice %arg21[%dma_wait3A_370, %dma_wait3A_371] : memref<5008x128xf32, #tpu.memory_space<vmem_shared>> -> memref<5008x128xf32, #tpu.memory_space<vmem_shared>>
          tpu.wait_indirect_dma semaphore(%run_scoped3A_365 : memref<!tpu.dma_semaphore, #tpu.memory_space<semaphore_mem>>) src(%arg17 : memref<128x128xf32, #tpu.memory_space<vmem>>) dst(%dma_wait3A_372 : memref<5008x128xf32, #tpu.memory_space<vmem_shared>>)
          tpu.yield
        }) : () -> ()
        %add3A_359 = arith.constant 4 : i32
        %add3A_360 = arith.addi %add3A_330, %add3A_359 : i32
        %lt3A_361 = arith.cmpi slt, %add3A_360, %mul3A_28 : i32
        %convert_element_type3A_362 = arith.extui %lt3A_361 : i1 to i32
        %cond3A_363 = arith.constant 0 : i32
        %cond3A_364 = arith.cmpi ne, %convert_element_type3A_362, %cond3A_363 : i32
        scf.if %cond3A_364 {
          %add3A_365 = arith.constant 4 : i32
          %add3A_366 = arith.addi %add3A_330, %add3A_365 : i32
          %mul3A_367 = arith.constant 128 : i32
          %mul3A_368 = arith.muli %add3A_366, %mul3A_367 : i32
          %dma_start3A = tpu.memref_slice %arg14[%mul3A_368] : memref<10752xi32, #tpu.memory_space<vmem>> -> memref<128xi32, #tpu.memory_space<vmem>>
          %dma_start3A_369 = arith.constant 0 : i32
          %dma_start3A_370 = arith.constant 0 : i32
          %dma_start3A_371 = tpu.memref_slice %arg2[%dma_start3A_369, %dma_start3A_370] : memref<10000x128xf32, #tpu.memory_space<hbm>> -> memref<10000x128xf32, #tpu.memory_space<hbm>>
          tpu.enqueue_indirect_dma source(%dma_start3A_371 : memref<10000x128xf32, #tpu.memory_space<hbm>>) target(%arg17 : memref<128x128xf32, #tpu.memory_space<vmem>>) offsets(%dma_start3A : memref<128xi32, #tpu.memory_space<vmem>>) semaphore(%arg22 : memref<!tpu.dma_semaphore, #tpu.memory_space<semaphore_mem>>)
        } else {
        }
      } else {
      }
      %add3A_334 = arith.constant 1 : i32
      %add3A_335 = arith.addi %mul3A_328, %add3A_334 : i32
      %lt3A_336 = arith.cmpi slt, %add3A_335, %mul3A_28 : i32
      %convert_element_type3A_337 = arith.extui %lt3A_336 : i1 to i32
      %cond3A_338 = arith.constant 0 : i32
      %cond3A_339 = arith.cmpi ne, %convert_element_type3A_337, %cond3A_338 : i32
      scf.if %cond3A_339 {
        %dma_wait3A = arith.constant 0 : i32
        %dma_wait3A_352 = arith.constant 0 : i32
        %dma_wait3A_353 = tpu.memref_slice %arg2[%dma_wait3A, %dma_wait3A_352] : memref<10000x128xf32, #tpu.memory_space<hbm>> -> memref<128x128xf32, #tpu.memory_space<hbm>>
        %dma_wait3A_354 = arith.constant 0 : i32
        %dma_wait3A_355 = arith.constant 0 : i32
        %dma_wait3A_356 = tpu.memref_slice %arg2[%dma_wait3A_354, %dma_wait3A_355] : memref<10000x128xf32, #tpu.memory_space<hbm>> -> memref<128x128xf32, #tpu.memory_space<hbm>>
        tpu.wait_dma2 semaphore(%arg23 : memref<!tpu.dma_semaphore, #tpu.memory_space<semaphore_mem>>) src(%dma_wait3A_356 : memref<128x128xf32, #tpu.memory_space<hbm>>) dst(%arg18 : memref<128x128xf32, #tpu.memory_space<vmem>>)
        %mul3A_357 = arith.constant 128 : i32
        %mul3A_358 = arith.muli %add3A_335, %mul3A_357 : i32
        "tpu.region"() ({
          %run_scoped3A_365 = tpu.sem_alloc : memref<!tpu.dma_semaphore, #tpu.memory_space<semaphore_mem>>
          %dma_start3A = tpu.memref_slice %arg15[%mul3A_358] : memref<10752xi32, #tpu.memory_space<vmem>> -> memref<128xi32, #tpu.memory_space<vmem>>
          %dma_start3A_366 = arith.constant 0 : i32
          %dma_start3A_367 = arith.constant 0 : i32
          %dma_start3A_368 = tpu.memref_slice %arg21[%dma_start3A_366, %dma_start3A_367] : memref<5008x128xf32, #tpu.memory_space<vmem_shared>> -> memref<5008x128xf32, #tpu.memory_space<vmem_shared>>
          tpu.enqueue_indirect_dma source(%arg18 : memref<128x128xf32, #tpu.memory_space<vmem>>) target(%dma_start3A_368 : memref<5008x128xf32, #tpu.memory_space<vmem_shared>>) offsets(%dma_start3A : memref<128xi32, #tpu.memory_space<vmem>>) semaphore(%run_scoped3A_365 : memref<!tpu.dma_semaphore, #tpu.memory_space<semaphore_mem>>) {add = true}
          %dma_wait3A_369 = tpu.memref_slice %arg15[%mul3A_358] : memref<10752xi32, #tpu.memory_space<vmem>> -> memref<128xi32, #tpu.memory_space<vmem>>
          %dma_wait3A_370 = arith.constant 0 : i32
          %dma_wait3A_371 = arith.constant 0 : i32
          %dma_wait3A_372 = tpu.memref_slice %arg21[%dma_wait3A_370, %dma_wait3A_371] : memref<5008x128xf32, #tpu.memory_space<vmem_shared>> -> memref<5008x128xf32, #tpu.memory_space<vmem_shared>>
          tpu.wait_indirect_dma semaphore(%run_scoped3A_365 : memref<!tpu.dma_semaphore, #tpu.memory_space<semaphore_mem>>) src(%arg18 : memref<128x128xf32, #tpu.memory_space<vmem>>) dst(%dma_wait3A_372 : memref<5008x128xf32, #tpu.memory_space<vmem_shared>>)
          tpu.yield
        }) : () -> ()
        %add3A_359 = arith.constant 4 : i32
        %add3A_360 = arith.addi %add3A_335, %add3A_359 : i32
        %lt3A_361 = arith.cmpi slt, %add3A_360, %mul3A_28 : i32
        %convert_element_type3A_362 = arith.extui %lt3A_361 : i1 to i32
        %cond3A_363 = arith.constant 0 : i32
        %cond3A_364 = arith.cmpi ne, %convert_element_type3A_362, %cond3A_363 : i32
        scf.if %cond3A_364 {
          %add3A_365 = arith.constant 4 : i32
          %add3A_366 = arith.addi %add3A_335, %add3A_365 : i32
          %mul3A_367 = arith.constant 128 : i32
          %mul3A_368 = arith.muli %add3A_366, %mul3A_367 : i32
          %dma_start3A = tpu.memref_slice %arg14[%mul3A_368] : memref<10752xi32, #tpu.memory_space<vmem>> -> memref<128xi32, #tpu.memory_space<vmem>>
          %dma_start3A_369 = arith.constant 0 : i32
          %dma_start3A_370 = arith.constant 0 : i32
          %dma_start3A_371 = tpu.memref_slice %arg2[%dma_start3A_369, %dma_start3A_370] : memref<10000x128xf32, #tpu.memory_space<hbm>> -> memref<10000x128xf32, #tpu.memory_space<hbm>>
          tpu.enqueue_indirect_dma source(%dma_start3A_371 : memref<10000x128xf32, #tpu.memory_space<hbm>>) target(%arg18 : memref<128x128xf32, #tpu.memory_space<vmem>>) offsets(%dma_start3A : memref<128xi32, #tpu.memory_space<vmem>>) semaphore(%arg23 : memref<!tpu.dma_semaphore, #tpu.memory_space<semaphore_mem>>)
        } else {
        }
      } else {
      }
      %add3A_340 = arith.constant 2 : i32
      %add3A_341 = arith.addi %mul3A_328, %add3A_340 : i32
      %lt3A_342 = arith.cmpi slt, %add3A_341, %mul3A_28 : i32
      %convert_element_type3A_343 = arith.extui %lt3A_342 : i1 to i32
      %cond3A_344 = arith.constant 0 : i32
      %cond3A_345 = arith.cmpi ne, %convert_element_type3A_343, %cond3A_344 : i32
      scf.if %cond3A_345 {
        %dma_wait3A = arith.constant 0 : i32
        %dma_wait3A_352 = arith.constant 0 : i32
        %dma_wait3A_353 = tpu.memref_slice %arg2[%dma_wait3A, %dma_wait3A_352] : memref<10000x128xf32, #tpu.memory_space<hbm>> -> memref<128x128xf32, #tpu.memory_space<hbm>>
        %dma_wait3A_354 = arith.constant 0 : i32
        %dma_wait3A_355 = arith.constant 0 : i32
        %dma_wait3A_356 = tpu.memref_slice %arg2[%dma_wait3A_354, %dma_wait3A_355] : memref<10000x128xf32, #tpu.memory_space<hbm>> -> memref<128x128xf32, #tpu.memory_space<hbm>>
        tpu.wait_dma2 semaphore(%arg22 : memref<!tpu.dma_semaphore, #tpu.memory_space<semaphore_mem>>) src(%dma_wait3A_356 : memref<128x128xf32, #tpu.memory_space<hbm>>) dst(%arg19 : memref<128x128xf32, #tpu.memory_space<vmem>>)
        %mul3A_357 = arith.constant 128 : i32
        %mul3A_358 = arith.muli %add3A_341, %mul3A_357 : i32
        "tpu.region"() ({
          %run_scoped3A_365 = tpu.sem_alloc : memref<!tpu.dma_semaphore, #tpu.memory_space<semaphore_mem>>
          %dma_start3A = tpu.memref_slice %arg15[%mul3A_358] : memref<10752xi32, #tpu.memory_space<vmem>> -> memref<128xi32, #tpu.memory_space<vmem>>
          %dma_start3A_366 = arith.constant 0 : i32
          %dma_start3A_367 = arith.constant 0 : i32
          %dma_start3A_368 = tpu.memref_slice %arg21[%dma_start3A_366, %dma_start3A_367] : memref<5008x128xf32, #tpu.memory_space<vmem_shared>> -> memref<5008x128xf32, #tpu.memory_space<vmem_shared>>
          tpu.enqueue_indirect_dma source(%arg19 : memref<128x128xf32, #tpu.memory_space<vmem>>) target(%dma_start3A_368 : memref<5008x128xf32, #tpu.memory_space<vmem_shared>>) offsets(%dma_start3A : memref<128xi32, #tpu.memory_space<vmem>>) semaphore(%run_scoped3A_365 : memref<!tpu.dma_semaphore, #tpu.memory_space<semaphore_mem>>) {add = true}
          %dma_wait3A_369 = tpu.memref_slice %arg15[%mul3A_358] : memref<10752xi32, #tpu.memory_space<vmem>> -> memref<128xi32, #tpu.memory_space<vmem>>
          %dma_wait3A_370 = arith.constant 0 : i32
          %dma_wait3A_371 = arith.constant 0 : i32
          %dma_wait3A_372 = tpu.memref_slice %arg21[%dma_wait3A_370, %dma_wait3A_371] : memref<5008x128xf32, #tpu.memory_space<vmem_shared>> -> memref<5008x128xf32, #tpu.memory_space<vmem_shared>>
          tpu.wait_indirect_dma semaphore(%run_scoped3A_365 : memref<!tpu.dma_semaphore, #tpu.memory_space<semaphore_mem>>) src(%arg19 : memref<128x128xf32, #tpu.memory_space<vmem>>) dst(%dma_wait3A_372 : memref<5008x128xf32, #tpu.memory_space<vmem_shared>>)
          tpu.yield
        }) : () -> ()
        %add3A_359 = arith.constant 4 : i32
        %add3A_360 = arith.addi %add3A_341, %add3A_359 : i32
        %lt3A_361 = arith.cmpi slt, %add3A_360, %mul3A_28 : i32
        %convert_element_type3A_362 = arith.extui %lt3A_361 : i1 to i32
        %cond3A_363 = arith.constant 0 : i32
        %cond3A_364 = arith.cmpi ne, %convert_element_type3A_362, %cond3A_363 : i32
        scf.if %cond3A_364 {
          %add3A_365 = arith.constant 4 : i32
          %add3A_366 = arith.addi %add3A_341, %add3A_365 : i32
          %mul3A_367 = arith.constant 128 : i32
          %mul3A_368 = arith.muli %add3A_366, %mul3A_367 : i32
          %dma_start3A = tpu.memref_slice %arg14[%mul3A_368] : memref<10752xi32, #tpu.memory_space<vmem>> -> memref<128xi32, #tpu.memory_space<vmem>>
          %dma_start3A_369 = arith.constant 0 : i32
          %dma_start3A_370 = arith.constant 0 : i32
          %dma_start3A_371 = tpu.memref_slice %arg2[%dma_start3A_369, %dma_start3A_370] : memref<10000x128xf32, #tpu.memory_space<hbm>> -> memref<10000x128xf32, #tpu.memory_space<hbm>>
          tpu.enqueue_indirect_dma source(%dma_start3A_371 : memref<10000x128xf32, #tpu.memory_space<hbm>>) target(%arg19 : memref<128x128xf32, #tpu.memory_space<vmem>>) offsets(%dma_start3A : memref<128xi32, #tpu.memory_space<vmem>>) semaphore(%arg22 : memref<!tpu.dma_semaphore, #tpu.memory_space<semaphore_mem>>)
        } else {
        }
      } else {
      }
      %add3A_346 = arith.constant 3 : i32
      %add3A_347 = arith.addi %mul3A_328, %add3A_346 : i32
      %lt3A_348 = arith.cmpi slt, %add3A_347, %mul3A_28 : i32
      %convert_element_type3A_349 = arith.extui %lt3A_348 : i1 to i32
      %cond3A_350 = arith.constant 0 : i32
      %cond3A_351 = arith.cmpi ne, %convert_element_type3A_349, %cond3A_350 : i32
      scf.if %cond3A_351 {
        %dma_wait3A = arith.constant 0 : i32
        %dma_wait3A_352 = arith.constant 0 : i32
        %dma_wait3A_353 = tpu.memref_slice %arg2[%dma_wait3A, %dma_wait3A_352] : memref<10000x128xf32, #tpu.memory_space<hbm>> -> memref<128x128xf32, #tpu.memory_space<hbm>>
        %dma_wait3A_354 = arith.constant 0 : i32
        %dma_wait3A_355 = arith.constant 0 : i32
        %dma_wait3A_356 = tpu.memref_slice %arg2[%dma_wait3A_354, %dma_wait3A_355] : memref<10000x128xf32, #tpu.memory_space<hbm>> -> memref<128x128xf32, #tpu.memory_space<hbm>>
        tpu.wait_dma2 semaphore(%arg23 : memref<!tpu.dma_semaphore, #tpu.memory_space<semaphore_mem>>) src(%dma_wait3A_356 : memref<128x128xf32, #tpu.memory_space<hbm>>) dst(%arg20 : memref<128x128xf32, #tpu.memory_space<vmem>>)
        %mul3A_357 = arith.constant 128 : i32
        %mul3A_358 = arith.muli %add3A_347, %mul3A_357 : i32
        "tpu.region"() ({
          %run_scoped3A_365 = tpu.sem_alloc : memref<!tpu.dma_semaphore, #tpu.memory_space<semaphore_mem>>
          %dma_start3A = tpu.memref_slice %arg15[%mul3A_358] : memref<10752xi32, #tpu.memory_space<vmem>> -> memref<128xi32, #tpu.memory_space<vmem>>
          %dma_start3A_366 = arith.constant 0 : i32
          %dma_start3A_367 = arith.constant 0 : i32
          %dma_start3A_368 = tpu.memref_slice %arg21[%dma_start3A_366, %dma_start3A_367] : memref<5008x128xf32, #tpu.memory_space<vmem_shared>> -> memref<5008x128xf32, #tpu.memory_space<vmem_shared>>
          tpu.enqueue_indirect_dma source(%arg20 : memref<128x128xf32, #tpu.memory_space<vmem>>) target(%dma_start3A_368 : memref<5008x128xf32, #tpu.memory_space<vmem_shared>>) offsets(%dma_start3A : memref<128xi32, #tpu.memory_space<vmem>>) semaphore(%run_scoped3A_365 : memref<!tpu.dma_semaphore, #tpu.memory_space<semaphore_mem>>) {add = true}
          %dma_wait3A_369 = tpu.memref_slice %arg15[%mul3A_358] : memref<10752xi32, #tpu.memory_space<vmem>> -> memref<128xi32, #tpu.memory_space<vmem>>
          %dma_wait3A_370 = arith.constant 0 : i32
          %dma_wait3A_371 = arith.constant 0 : i32
          %dma_wait3A_372 = tpu.memref_slice %arg21[%dma_wait3A_370, %dma_wait3A_371] : memref<5008x128xf32, #tpu.memory_space<vmem_shared>> -> memref<5008x128xf32, #tpu.memory_space<vmem_shared>>
          tpu.wait_indirect_dma semaphore(%run_scoped3A_365 : memref<!tpu.dma_semaphore, #tpu.memory_space<semaphore_mem>>) src(%arg20 : memref<128x128xf32, #tpu.memory_space<vmem>>) dst(%dma_wait3A_372 : memref<5008x128xf32, #tpu.memory_space<vmem_shared>>)
          tpu.yield
        }) : () -> ()
        %add3A_359 = arith.constant 4 : i32
        %add3A_360 = arith.addi %add3A_347, %add3A_359 : i32
        %lt3A_361 = arith.cmpi slt, %add3A_360, %mul3A_28 : i32
        %convert_element_type3A_362 = arith.extui %lt3A_361 : i1 to i32
        %cond3A_363 = arith.constant 0 : i32
        %cond3A_364 = arith.cmpi ne, %convert_element_type3A_362, %cond3A_363 : i32
        scf.if %cond3A_364 {
          %add3A_365 = arith.constant 4 : i32
          %add3A_366 = arith.addi %add3A_347, %add3A_365 : i32
          %mul3A_367 = arith.constant 128 : i32
          %mul3A_368 = arith.muli %add3A_366, %mul3A_367 : i32
          %dma_start3A = tpu.memref_slice %arg14[%mul3A_368] : memref<10752xi32, #tpu.memory_space<vmem>> -> memref<128xi32, #tpu.memory_space<vmem>>
          %dma_start3A_369 = arith.constant 0 : i32
          %dma_start3A_370 = arith.constant 0 : i32
          %dma_start3A_371 = tpu.memref_slice %arg2[%dma_start3A_369, %dma_start3A_370] : memref<10000x128xf32, #tpu.memory_space<hbm>> -> memref<10000x128xf32, #tpu.memory_space<hbm>>
          tpu.enqueue_indirect_dma source(%dma_start3A_371 : memref<10000x128xf32, #tpu.memory_space<hbm>>) target(%arg20 : memref<128x128xf32, #tpu.memory_space<vmem>>) offsets(%dma_start3A : memref<128xi32, #tpu.memory_space<vmem>>) semaphore(%arg23 : memref<!tpu.dma_semaphore, #tpu.memory_space<semaphore_mem>>)
        } else {
        }
      } else {
      }
    }
    %barrier3A_87 = arith.constant 0 : index
    tpu.barrier barrier_id(%barrier3A_87)
    %mul3A_88 = arith.constant 312 : i32
    %mul3A_89 = arith.muli %arg1, %mul3A_88 : i32
    %mul3A_90 = arith.constant 312 : i32
    %mul3A_91 = arith.muli %arg1, %mul3A_90 : i32
    %add3A_92 = arith.addi %mul3A_0, %mul3A_91 : i32
    "tpu.region"() ({
      %run_scoped3A_326 = tpu.sem_alloc : memref<!tpu.dma_semaphore, #tpu.memory_space<semaphore_mem>>
      %dma_start3A = arith.constant 0 : i32
      %dma_start3A_327 = tpu.memref_slice %arg10[%add3A_92, %dma_start3A] : memref<10000x128xf32, #tpu.memory_space<hbm>> -> memref<312x128xf32, #tpu.memory_space<hbm>>
      %dma_start3A_328 = arith.constant 0 : i32
      %dma_start3A_329 = tpu.memref_slice %arg21[%mul3A_89, %dma_start3A_328] : memref<5008x128xf32, #tpu.memory_space<vmem_shared>> -> memref<312x128xf32, #tpu.memory_space<vmem_shared>>
      tpu.enqueue_dma source(%dma_start3A_329 : memref<312x128xf32, #tpu.memory_space<vmem_shared>>) target(%dma_start3A_327 : memref<312x128xf32, #tpu.memory_space<hbm>>) target_semaphore(%run_scoped3A_326 : memref<!tpu.dma_semaphore, #tpu.memory_space<semaphore_mem>>)
      %dma_wait3A = arith.constant 0 : i32
      %dma_wait3A_330 = tpu.memref_slice %arg10[%add3A_92, %dma_wait3A] : memref<10000x128xf32, #tpu.memory_space<hbm>> -> memref<312x128xf32, #tpu.memory_space<hbm>>
      %dma_wait3A_331 = arith.constant 0 : i32
      %dma_wait3A_332 = tpu.memref_slice %arg21[%mul3A_89, %dma_wait3A_331] : memref<5008x128xf32, #tpu.memory_space<vmem_shared>> -> memref<312x128xf32, #tpu.memory_space<vmem_shared>>
      tpu.wait_dma2 semaphore(%run_scoped3A_326 : memref<!tpu.dma_semaphore, #tpu.memory_space<semaphore_mem>>) src(%dma_wait3A_332 : memref<312x128xf32, #tpu.memory_space<vmem_shared>>) dst(%dma_wait3A_330 : memref<312x128xf32, #tpu.memory_space<hbm>>)
      tpu.yield
    }) : () -> ()
    %eq3A_93 = arith.constant 15 : i32
    %eq3A_94 = arith.cmpi eq, %arg1, %eq3A_93 : i32
    %convert_element_type3A_95 = arith.extui %eq3A_94 : i1 to i32
    %cond3A_96 = arith.constant 0 : i32
    %cond3A_97 = arith.cmpi ne, %convert_element_type3A_95, %cond3A_96 : i32
    scf.if %cond3A_97 {
      %add3A_326 = arith.constant 4992 : i32
      %add3A_327 = arith.addi %mul3A_0, %add3A_326 : i32
      "tpu.region"() ({
        %run_scoped3A_328 = tpu.sem_alloc : memref<!tpu.dma_semaphore, #tpu.memory_space<semaphore_mem>>
        %dma_start3A = arith.constant 0 : i32
        %dma_start3A_329 = tpu.memref_slice %arg10[%add3A_327, %dma_start3A] : memref<10000x128xf32, #tpu.memory_space<hbm>> -> memref<8x128xf32, #tpu.memory_space<hbm>>
        %dma_start3A_330 = arith.constant 4992 : i32
        %dma_start3A_331 = arith.constant 0 : i32
        %dma_start3A_332 = tpu.memref_slice %arg21[%dma_start3A_330, %dma_start3A_331] : memref<5008x128xf32, #tpu.memory_space<vmem_shared>> -> memref<8x128xf32, #tpu.memory_space<vmem_shared>>
        tpu.enqueue_dma source(%dma_start3A_332 : memref<8x128xf32, #tpu.memory_space<vmem_shared>>) target(%dma_start3A_329 : memref<8x128xf32, #tpu.memory_space<hbm>>) target_semaphore(%run_scoped3A_328 : memref<!tpu.dma_semaphore, #tpu.memory_space<semaphore_mem>>)
        %dma_wait3A = arith.constant 0 : i32
        %dma_wait3A_333 = tpu.memref_slice %arg10[%add3A_327, %dma_wait3A] : memref<10000x128xf32, #tpu.memory_space<hbm>> -> memref<8x128xf32, #tpu.memory_space<hbm>>
        %dma_wait3A_334 = arith.constant 4992 : i32
        %dma_wait3A_335 = arith.constant 0 : i32
        %dma_wait3A_336 = tpu.memref_slice %arg21[%dma_wait3A_334, %dma_wait3A_335] : memref<5008x128xf32, #tpu.memory_space<vmem_shared>> -> memref<8x128xf32, #tpu.memory_space<vmem_shared>>
        tpu.wait_dma2 semaphore(%run_scoped3A_328 : memref<!tpu.dma_semaphore, #tpu.memory_space<semaphore_mem>>) src(%dma_wait3A_336 : memref<8x128xf32, #tpu.memory_space<vmem_shared>>) dst(%dma_wait3A_333 : memref<8x128xf32, #tpu.memory_space<hbm>>)
        tpu.yield
      }) : () -> ()
    } else {
    }
    %barrier3A_98 = arith.constant 0 : index
    tpu.barrier barrier_id(%barrier3A_98)
    %mul3A_99 = arith.constant 312 : i32
    %mul3A_100 = arith.muli %arg1, %mul3A_99 : i32
    "tpu.region"() ({
      %run_scoped3A_326 = tpu.sem_alloc : memref<!tpu.dma_semaphore, #tpu.memory_space<semaphore_mem>>
      %dma_start3A = arith.constant 0 : i32
      %dma_start3A_327 = tpu.memref_slice %arg21[%mul3A_100, %dma_start3A] : memref<5008x128xf32, #tpu.memory_space<vmem_shared>> -> memref<312x128xf32, #tpu.memory_space<vmem_shared>>
      %dma_start3A_328 = arith.constant 0 : i32
      %dma_start3A_329 = arith.constant 0 : i32
      %dma_start3A_330 = tpu.memref_slice %arg9[%dma_start3A_328, %dma_start3A_329] : memref<312x128xf32, #tpu.memory_space<hbm>> -> memref<312x128xf32, #tpu.memory_space<hbm>>
      tpu.enqueue_dma source(%dma_start3A_330 : memref<312x128xf32, #tpu.memory_space<hbm>>) target(%dma_start3A_327 : memref<312x128xf32, #tpu.memory_space<vmem_shared>>) target_semaphore(%run_scoped3A_326 : memref<!tpu.dma_semaphore, #tpu.memory_space<semaphore_mem>>)
      %dma_wait3A = arith.constant 0 : i32
      %dma_wait3A_331 = tpu.memref_slice %arg21[%mul3A_100, %dma_wait3A] : memref<5008x128xf32, #tpu.memory_space<vmem_shared>> -> memref<312x128xf32, #tpu.memory_space<vmem_shared>>
      %dma_wait3A_332 = arith.constant 0 : i32
      %dma_wait3A_333 = arith.constant 0 : i32
      %dma_wait3A_334 = tpu.memref_slice %arg9[%dma_wait3A_332, %dma_wait3A_333] : memref<312x128xf32, #tpu.memory_space<hbm>> -> memref<312x128xf32, #tpu.memory_space<hbm>>
      tpu.wait_dma2 semaphore(%run_scoped3A_326 : memref<!tpu.dma_semaphore, #tpu.memory_space<semaphore_mem>>) src(%dma_wait3A_334 : memref<312x128xf32, #tpu.memory_space<hbm>>) dst(%dma_wait3A_331 : memref<312x128xf32, #tpu.memory_space<vmem_shared>>)
      tpu.yield
    }) : () -> ()
    %eq3A_101 = arith.constant 15 : i32
    %eq3A_102 = arith.cmpi eq, %arg1, %eq3A_101 : i32
    %convert_element_type3A_103 = arith.extui %eq3A_102 : i1 to i32
    %cond3A_104 = arith.constant 0 : i32
    %cond3A_105 = arith.cmpi ne, %convert_element_type3A_103, %cond3A_104 : i32
    scf.if %cond3A_105 {
      "tpu.region"() ({
        %run_scoped3A_326 = tpu.sem_alloc : memref<!tpu.dma_semaphore, #tpu.memory_space<semaphore_mem>>
        %dma_start3A = arith.constant 4992 : i32
        %dma_start3A_327 = arith.constant 0 : i32
        %dma_start3A_328 = tpu.memref_slice %arg21[%dma_start3A, %dma_start3A_327] : memref<5008x128xf32, #tpu.memory_space<vmem_shared>> -> memref<16x128xf32, #tpu.memory_space<vmem_shared>>
        %dma_start3A_329 = arith.constant 0 : i32
        %dma_start3A_330 = arith.constant 0 : i32
        %dma_start3A_331 = tpu.memref_slice %arg9[%dma_start3A_329, %dma_start3A_330] : memref<312x128xf32, #tpu.memory_space<hbm>> -> memref<16x128xf32, #tpu.memory_space<hbm>>
        tpu.enqueue_dma source(%dma_start3A_331 : memref<16x128xf32, #tpu.memory_space<hbm>>) target(%dma_start3A_328 : memref<16x128xf32, #tpu.memory_space<vmem_shared>>) target_semaphore(%run_scoped3A_326 : memref<!tpu.dma_semaphore, #tpu.memory_space<semaphore_mem>>)
        %dma_wait3A = arith.constant 4992 : i32
        %dma_wait3A_332 = arith.constant 0 : i32
        %dma_wait3A_333 = tpu.memref_slice %arg21[%dma_wait3A, %dma_wait3A_332] : memref<5008x128xf32, #tpu.memory_space<vmem_shared>> -> memref<16x128xf32, #tpu.memory_space<vmem_shared>>
        %dma_wait3A_334 = arith.constant 0 : i32
        %dma_wait3A_335 = arith.constant 0 : i32
        %dma_wait3A_336 = tpu.memref_slice %arg9[%dma_wait3A_334, %dma_wait3A_335] : memref<312x128xf32, #tpu.memory_space<hbm>> -> memref<16x128xf32, #tpu.memory_space<hbm>>
        tpu.wait_dma2 semaphore(%run_scoped3A_326 : memref<!tpu.dma_semaphore, #tpu.memory_space<semaphore_mem>>) src(%dma_wait3A_336 : memref<16x128xf32, #tpu.memory_space<hbm>>) dst(%dma_wait3A_333 : memref<16x128xf32, #tpu.memory_space<vmem_shared>>)
        tpu.yield
      }) : () -> ()
    } else {
    }
    %barrier3A_106 = arith.constant 0 : index
    tpu.barrier barrier_id(%barrier3A_106)
    %gt3A_107 = arith.constant 0 : i32
    %gt3A_108 = arith.cmpi sgt, %mul3A_28, %gt3A_107 : i32
    %convert_element_type3A_109 = arith.extui %gt3A_108 : i1 to i32
    %cond3A_110 = arith.constant 0 : i32
    %cond3A_111 = arith.cmpi ne, %convert_element_type3A_109, %cond3A_110 : i32
    scf.if %cond3A_111 {
      %dma_start3A = arith.constant 0 : i32
      %dma_start3A_326 = tpu.memref_slice %arg14[%dma_start3A] : memref<10752xi32, #tpu.memory_space<vmem>> -> memref<128xi32, #tpu.memory_space<vmem>>
      %dma_start3A_327 = arith.constant 0 : i32
      %dma_start3A_328 = arith.constant 0 : i32
      %dma_start3A_329 = tpu.memref_slice %arg3[%dma_start3A_327, %dma_start3A_328] : memref<10000x128xf32, #tpu.memory_space<hbm>> -> memref<10000x128xf32, #tpu.memory_space<hbm>>
      tpu.enqueue_indirect_dma source(%dma_start3A_329 : memref<10000x128xf32, #tpu.memory_space<hbm>>) target(%arg17 : memref<128x128xf32, #tpu.memory_space<vmem>>) offsets(%dma_start3A_326 : memref<128xi32, #tpu.memory_space<vmem>>) semaphore(%arg22 : memref<!tpu.dma_semaphore, #tpu.memory_space<semaphore_mem>>)
    } else {
    }
    %gt3A_112 = arith.constant 1 : i32
    %gt3A_113 = arith.cmpi sgt, %mul3A_28, %gt3A_112 : i32
    %convert_element_type3A_114 = arith.extui %gt3A_113 : i1 to i32
    %cond3A_115 = arith.constant 0 : i32
    %cond3A_116 = arith.cmpi ne, %convert_element_type3A_114, %cond3A_115 : i32
    scf.if %cond3A_116 {
      %dma_start3A = arith.constant 128 : i32
      %dma_start3A_326 = tpu.memref_slice %arg14[%dma_start3A] : memref<10752xi32, #tpu.memory_space<vmem>> -> memref<128xi32, #tpu.memory_space<vmem>>
      %dma_start3A_327 = arith.constant 0 : i32
      %dma_start3A_328 = arith.constant 0 : i32
      %dma_start3A_329 = tpu.memref_slice %arg3[%dma_start3A_327, %dma_start3A_328] : memref<10000x128xf32, #tpu.memory_space<hbm>> -> memref<10000x128xf32, #tpu.memory_space<hbm>>
      tpu.enqueue_indirect_dma source(%dma_start3A_329 : memref<10000x128xf32, #tpu.memory_space<hbm>>) target(%arg18 : memref<128x128xf32, #tpu.memory_space<vmem>>) offsets(%dma_start3A_326 : memref<128xi32, #tpu.memory_space<vmem>>) semaphore(%arg23 : memref<!tpu.dma_semaphore, #tpu.memory_space<semaphore_mem>>)
    } else {
    }
    %gt3A_117 = arith.constant 2 : i32
    %gt3A_118 = arith.cmpi sgt, %mul3A_28, %gt3A_117 : i32
    %convert_element_type3A_119 = arith.extui %gt3A_118 : i1 to i32
    %cond3A_120 = arith.constant 0 : i32
    %cond3A_121 = arith.cmpi ne, %convert_element_type3A_119, %cond3A_120 : i32
    scf.if %cond3A_121 {
      %dma_start3A = arith.constant 256 : i32
      %dma_start3A_326 = tpu.memref_slice %arg14[%dma_start3A] : memref<10752xi32, #tpu.memory_space<vmem>> -> memref<128xi32, #tpu.memory_space<vmem>>
      %dma_start3A_327 = arith.constant 0 : i32
      %dma_start3A_328 = arith.constant 0 : i32
      %dma_start3A_329 = tpu.memref_slice %arg3[%dma_start3A_327, %dma_start3A_328] : memref<10000x128xf32, #tpu.memory_space<hbm>> -> memref<10000x128xf32, #tpu.memory_space<hbm>>
      tpu.enqueue_indirect_dma source(%dma_start3A_329 : memref<10000x128xf32, #tpu.memory_space<hbm>>) target(%arg19 : memref<128x128xf32, #tpu.memory_space<vmem>>) offsets(%dma_start3A_326 : memref<128xi32, #tpu.memory_space<vmem>>) semaphore(%arg22 : memref<!tpu.dma_semaphore, #tpu.memory_space<semaphore_mem>>)
    } else {
    }
    %gt3A_122 = arith.constant 3 : i32
    %gt3A_123 = arith.cmpi sgt, %mul3A_28, %gt3A_122 : i32
    %convert_element_type3A_124 = arith.extui %gt3A_123 : i1 to i32
    %cond3A_125 = arith.constant 0 : i32
    %cond3A_126 = arith.cmpi ne, %convert_element_type3A_124, %cond3A_125 : i32
    scf.if %cond3A_126 {
      %dma_start3A = arith.constant 384 : i32
      %dma_start3A_326 = tpu.memref_slice %arg14[%dma_start3A] : memref<10752xi32, #tpu.memory_space<vmem>> -> memref<128xi32, #tpu.memory_space<vmem>>
      %dma_start3A_327 = arith.constant 0 : i32
      %dma_start3A_328 = arith.constant 0 : i32
      %dma_start3A_329 = tpu.memref_slice %arg3[%dma_start3A_327, %dma_start3A_328] : memref<10000x128xf32, #tpu.memory_space<hbm>> -> memref<10000x128xf32, #tpu.memory_space<hbm>>
      tpu.enqueue_indirect_dma source(%dma_start3A_329 : memref<10000x128xf32, #tpu.memory_space<hbm>>) target(%arg20 : memref<128x128xf32, #tpu.memory_space<vmem>>) offsets(%dma_start3A_326 : memref<128xi32, #tpu.memory_space<vmem>>) semaphore(%arg23 : memref<!tpu.dma_semaphore, #tpu.memory_space<semaphore_mem>>)
    } else {
    }
    %add3A_127 = arith.constant 3 : i32
    %add3A_128 = arith.addi %mul3A_28, %add3A_127 : i32
    %jit3A_129 = arith.constant 4 : i32
    %div3A_130 = arith.divsi %add3A_128, %jit3A_129 : i32
    %sign3A_131 = arith.constant 0 : i32
    %sign3A_132 = arith.cmpi sgt, %add3A_128, %sign3A_131 : i32
    %sign3A_133 = arith.extui %sign3A_132 : i1 to i32
    %sign3A_134 = arith.constant 0 : i32
    %sign3A_135 = arith.cmpi slt, %add3A_128, %sign3A_134 : i32
    %sign3A_136 = arith.extui %sign3A_135 : i1 to i32
    %sign3A_137 = arith.subi %sign3A_133, %sign3A_136 : i32
    %sign3A_138 = arith.constant 0 : i32
    %sign3A_139 = arith.cmpi sgt, %jit3A_129, %sign3A_138 : i32
    %sign3A_140 = arith.extui %sign3A_139 : i1 to i32
    %sign3A_141 = arith.constant 0 : i32
    %sign3A_142 = arith.cmpi slt, %jit3A_129, %sign3A_141 : i32
    %sign3A_143 = arith.extui %sign3A_142 : i1 to i32
    %sign3A_144 = arith.subi %sign3A_140, %sign3A_143 : i32
    %ne3A_145 = arith.cmpi ne, %sign3A_137, %sign3A_144 : i32
    %rem3A_146 = arith.remsi %add3A_128, %jit3A_129 : i32
    %ne3A_147 = arith.constant 0 : i32
    %ne3A_148 = arith.cmpi ne, %rem3A_146, %ne3A_147 : i32
    %and3A_149 = arith.andi %ne3A_145, %ne3A_148 : i1
    %sub3A_150 = arith.constant 1 : i32
    %sub3A_151 = arith.subi %div3A_130, %sub3A_150 : i32
    %select_n3A_152 = arith.select %and3A_149, %sub3A_151, %div3A_130 : i32
    %while3A_153 = arith.constant 0 : i32
    %while3A_154 = arith.constant 0 : i32
    %while3A_155 = arith.subi %select_n3A_152, %while3A_154 : i32
    %while3A_156 = arith.addi %while3A_154, %while3A_155 : i32
    %while3A_157 = arith.constant 1 : i32
    %while3A_158 = arith.divsi %while3A_155, %while3A_157 : i32
    %while3A_159 = arith.muli %while3A_158, %while3A_157 : i32
    %while3A_160 = arith.addi %while3A_154, %while3A_159 : i32
    %while3A_161 = arith.constant 1 : i32
    scf.for %while3A_326 = %while3A_154 to %while3A_160 step %while3A_161  : i32 {
      %mul3A_327 = arith.constant 4 : i32
      %mul3A_328 = arith.muli %mul3A_327, %while3A_326 : i32
      %add3A_329 = arith.constant 0 : i32
      %add3A_330 = arith.addi %mul3A_328, %add3A_329 : i32
      %lt3A = arith.cmpi slt, %add3A_330, %mul3A_28 : i32
      %convert_element_type3A_331 = arith.extui %lt3A : i1 to i32
      %cond3A_332 = arith.constant 0 : i32
      %cond3A_333 = arith.cmpi ne, %convert_element_type3A_331, %cond3A_332 : i32
      scf.if %cond3A_333 {
        %dma_wait3A = arith.constant 0 : i32
        %dma_wait3A_352 = arith.constant 0 : i32
        %dma_wait3A_353 = tpu.memref_slice %arg3[%dma_wait3A, %dma_wait3A_352] : memref<10000x128xf32, #tpu.memory_space<hbm>> -> memref<128x128xf32, #tpu.memory_space<hbm>>
        %dma_wait3A_354 = arith.constant 0 : i32
        %dma_wait3A_355 = arith.constant 0 : i32
        %dma_wait3A_356 = tpu.memref_slice %arg3[%dma_wait3A_354, %dma_wait3A_355] : memref<10000x128xf32, #tpu.memory_space<hbm>> -> memref<128x128xf32, #tpu.memory_space<hbm>>
        tpu.wait_dma2 semaphore(%arg22 : memref<!tpu.dma_semaphore, #tpu.memory_space<semaphore_mem>>) src(%dma_wait3A_356 : memref<128x128xf32, #tpu.memory_space<hbm>>) dst(%arg17 : memref<128x128xf32, #tpu.memory_space<vmem>>)
        %mul3A_357 = arith.constant 128 : i32
        %mul3A_358 = arith.muli %add3A_330, %mul3A_357 : i32
        "tpu.region"() ({
          %run_scoped3A_365 = tpu.sem_alloc : memref<!tpu.dma_semaphore, #tpu.memory_space<semaphore_mem>>
          %dma_start3A = tpu.memref_slice %arg15[%mul3A_358] : memref<10752xi32, #tpu.memory_space<vmem>> -> memref<128xi32, #tpu.memory_space<vmem>>
          %dma_start3A_366 = arith.constant 0 : i32
          %dma_start3A_367 = arith.constant 0 : i32
          %dma_start3A_368 = tpu.memref_slice %arg21[%dma_start3A_366, %dma_start3A_367] : memref<5008x128xf32, #tpu.memory_space<vmem_shared>> -> memref<5008x128xf32, #tpu.memory_space<vmem_shared>>
          tpu.enqueue_indirect_dma source(%arg17 : memref<128x128xf32, #tpu.memory_space<vmem>>) target(%dma_start3A_368 : memref<5008x128xf32, #tpu.memory_space<vmem_shared>>) offsets(%dma_start3A : memref<128xi32, #tpu.memory_space<vmem>>) semaphore(%run_scoped3A_365 : memref<!tpu.dma_semaphore, #tpu.memory_space<semaphore_mem>>) {add = true}
          %dma_wait3A_369 = tpu.memref_slice %arg15[%mul3A_358] : memref<10752xi32, #tpu.memory_space<vmem>> -> memref<128xi32, #tpu.memory_space<vmem>>
          %dma_wait3A_370 = arith.constant 0 : i32
          %dma_wait3A_371 = arith.constant 0 : i32
          %dma_wait3A_372 = tpu.memref_slice %arg21[%dma_wait3A_370, %dma_wait3A_371] : memref<5008x128xf32, #tpu.memory_space<vmem_shared>> -> memref<5008x128xf32, #tpu.memory_space<vmem_shared>>
          tpu.wait_indirect_dma semaphore(%run_scoped3A_365 : memref<!tpu.dma_semaphore, #tpu.memory_space<semaphore_mem>>) src(%arg17 : memref<128x128xf32, #tpu.memory_space<vmem>>) dst(%dma_wait3A_372 : memref<5008x128xf32, #tpu.memory_space<vmem_shared>>)
          tpu.yield
        }) : () -> ()
        %add3A_359 = arith.constant 4 : i32
        %add3A_360 = arith.addi %add3A_330, %add3A_359 : i32
        %lt3A_361 = arith.cmpi slt, %add3A_360, %mul3A_28 : i32
        %convert_element_type3A_362 = arith.extui %lt3A_361 : i1 to i32
        %cond3A_363 = arith.constant 0 : i32
        %cond3A_364 = arith.cmpi ne, %convert_element_type3A_362, %cond3A_363 : i32
        scf.if %cond3A_364 {
          %add3A_365 = arith.constant 4 : i32
          %add3A_366 = arith.addi %add3A_330, %add3A_365 : i32
          %mul3A_367 = arith.constant 128 : i32
          %mul3A_368 = arith.muli %add3A_366, %mul3A_367 : i32
          %dma_start3A = tpu.memref_slice %arg14[%mul3A_368] : memref<10752xi32, #tpu.memory_space<vmem>> -> memref<128xi32, #tpu.memory_space<vmem>>
          %dma_start3A_369 = arith.constant 0 : i32
          %dma_start3A_370 = arith.constant 0 : i32
          %dma_start3A_371 = tpu.memref_slice %arg3[%dma_start3A_369, %dma_start3A_370] : memref<10000x128xf32, #tpu.memory_space<hbm>> -> memref<10000x128xf32, #tpu.memory_space<hbm>>
          tpu.enqueue_indirect_dma source(%dma_start3A_371 : memref<10000x128xf32, #tpu.memory_space<hbm>>) target(%arg17 : memref<128x128xf32, #tpu.memory_space<vmem>>) offsets(%dma_start3A : memref<128xi32, #tpu.memory_space<vmem>>) semaphore(%arg22 : memref<!tpu.dma_semaphore, #tpu.memory_space<semaphore_mem>>)
        } else {
        }
      } else {
      }
      %add3A_334 = arith.constant 1 : i32
      %add3A_335 = arith.addi %mul3A_328, %add3A_334 : i32
      %lt3A_336 = arith.cmpi slt, %add3A_335, %mul3A_28 : i32
      %convert_element_type3A_337 = arith.extui %lt3A_336 : i1 to i32
      %cond3A_338 = arith.constant 0 : i32
      %cond3A_339 = arith.cmpi ne, %convert_element_type3A_337, %cond3A_338 : i32
      scf.if %cond3A_339 {
        %dma_wait3A = arith.constant 0 : i32
        %dma_wait3A_352 = arith.constant 0 : i32
        %dma_wait3A_353 = tpu.memref_slice %arg3[%dma_wait3A, %dma_wait3A_352] : memref<10000x128xf32, #tpu.memory_space<hbm>> -> memref<128x128xf32, #tpu.memory_space<hbm>>
        %dma_wait3A_354 = arith.constant 0 : i32
        %dma_wait3A_355 = arith.constant 0 : i32
        %dma_wait3A_356 = tpu.memref_slice %arg3[%dma_wait3A_354, %dma_wait3A_355] : memref<10000x128xf32, #tpu.memory_space<hbm>> -> memref<128x128xf32, #tpu.memory_space<hbm>>
        tpu.wait_dma2 semaphore(%arg23 : memref<!tpu.dma_semaphore, #tpu.memory_space<semaphore_mem>>) src(%dma_wait3A_356 : memref<128x128xf32, #tpu.memory_space<hbm>>) dst(%arg18 : memref<128x128xf32, #tpu.memory_space<vmem>>)
        %mul3A_357 = arith.constant 128 : i32
        %mul3A_358 = arith.muli %add3A_335, %mul3A_357 : i32
        "tpu.region"() ({
          %run_scoped3A_365 = tpu.sem_alloc : memref<!tpu.dma_semaphore, #tpu.memory_space<semaphore_mem>>
          %dma_start3A = tpu.memref_slice %arg15[%mul3A_358] : memref<10752xi32, #tpu.memory_space<vmem>> -> memref<128xi32, #tpu.memory_space<vmem>>
          %dma_start3A_366 = arith.constant 0 : i32
          %dma_start3A_367 = arith.constant 0 : i32
          %dma_start3A_368 = tpu.memref_slice %arg21[%dma_start3A_366, %dma_start3A_367] : memref<5008x128xf32, #tpu.memory_space<vmem_shared>> -> memref<5008x128xf32, #tpu.memory_space<vmem_shared>>
          tpu.enqueue_indirect_dma source(%arg18 : memref<128x128xf32, #tpu.memory_space<vmem>>) target(%dma_start3A_368 : memref<5008x128xf32, #tpu.memory_space<vmem_shared>>) offsets(%dma_start3A : memref<128xi32, #tpu.memory_space<vmem>>) semaphore(%run_scoped3A_365 : memref<!tpu.dma_semaphore, #tpu.memory_space<semaphore_mem>>) {add = true}
          %dma_wait3A_369 = tpu.memref_slice %arg15[%mul3A_358] : memref<10752xi32, #tpu.memory_space<vmem>> -> memref<128xi32, #tpu.memory_space<vmem>>
          %dma_wait3A_370 = arith.constant 0 : i32
          %dma_wait3A_371 = arith.constant 0 : i32
          %dma_wait3A_372 = tpu.memref_slice %arg21[%dma_wait3A_370, %dma_wait3A_371] : memref<5008x128xf32, #tpu.memory_space<vmem_shared>> -> memref<5008x128xf32, #tpu.memory_space<vmem_shared>>
          tpu.wait_indirect_dma semaphore(%run_scoped3A_365 : memref<!tpu.dma_semaphore, #tpu.memory_space<semaphore_mem>>) src(%arg18 : memref<128x128xf32, #tpu.memory_space<vmem>>) dst(%dma_wait3A_372 : memref<5008x128xf32, #tpu.memory_space<vmem_shared>>)
          tpu.yield
        }) : () -> ()
        %add3A_359 = arith.constant 4 : i32
        %add3A_360 = arith.addi %add3A_335, %add3A_359 : i32
        %lt3A_361 = arith.cmpi slt, %add3A_360, %mul3A_28 : i32
        %convert_element_type3A_362 = arith.extui %lt3A_361 : i1 to i32
        %cond3A_363 = arith.constant 0 : i32
        %cond3A_364 = arith.cmpi ne, %convert_element_type3A_362, %cond3A_363 : i32
        scf.if %cond3A_364 {
          %add3A_365 = arith.constant 4 : i32
          %add3A_366 = arith.addi %add3A_335, %add3A_365 : i32
          %mul3A_367 = arith.constant 128 : i32
          %mul3A_368 = arith.muli %add3A_366, %mul3A_367 : i32
          %dma_start3A = tpu.memref_slice %arg14[%mul3A_368] : memref<10752xi32, #tpu.memory_space<vmem>> -> memref<128xi32, #tpu.memory_space<vmem>>
          %dma_start3A_369 = arith.constant 0 : i32
          %dma_start3A_370 = arith.constant 0 : i32
          %dma_start3A_371 = tpu.memref_slice %arg3[%dma_start3A_369, %dma_start3A_370] : memref<10000x128xf32, #tpu.memory_space<hbm>> -> memref<10000x128xf32, #tpu.memory_space<hbm>>
          tpu.enqueue_indirect_dma source(%dma_start3A_371 : memref<10000x128xf32, #tpu.memory_space<hbm>>) target(%arg18 : memref<128x128xf32, #tpu.memory_space<vmem>>) offsets(%dma_start3A : memref<128xi32, #tpu.memory_space<vmem>>) semaphore(%arg23 : memref<!tpu.dma_semaphore, #tpu.memory_space<semaphore_mem>>)
        } else {
        }
      } else {
      }
      %add3A_340 = arith.constant 2 : i32
      %add3A_341 = arith.addi %mul3A_328, %add3A_340 : i32
      %lt3A_342 = arith.cmpi slt, %add3A_341, %mul3A_28 : i32
      %convert_element_type3A_343 = arith.extui %lt3A_342 : i1 to i32
      %cond3A_344 = arith.constant 0 : i32
      %cond3A_345 = arith.cmpi ne, %convert_element_type3A_343, %cond3A_344 : i32
      scf.if %cond3A_345 {
        %dma_wait3A = arith.constant 0 : i32
        %dma_wait3A_352 = arith.constant 0 : i32
        %dma_wait3A_353 = tpu.memref_slice %arg3[%dma_wait3A, %dma_wait3A_352] : memref<10000x128xf32, #tpu.memory_space<hbm>> -> memref<128x128xf32, #tpu.memory_space<hbm>>
        %dma_wait3A_354 = arith.constant 0 : i32
        %dma_wait3A_355 = arith.constant 0 : i32
        %dma_wait3A_356 = tpu.memref_slice %arg3[%dma_wait3A_354, %dma_wait3A_355] : memref<10000x128xf32, #tpu.memory_space<hbm>> -> memref<128x128xf32, #tpu.memory_space<hbm>>
        tpu.wait_dma2 semaphore(%arg22 : memref<!tpu.dma_semaphore, #tpu.memory_space<semaphore_mem>>) src(%dma_wait3A_356 : memref<128x128xf32, #tpu.memory_space<hbm>>) dst(%arg19 : memref<128x128xf32, #tpu.memory_space<vmem>>)
        %mul3A_357 = arith.constant 128 : i32
        %mul3A_358 = arith.muli %add3A_341, %mul3A_357 : i32
        "tpu.region"() ({
          %run_scoped3A_365 = tpu.sem_alloc : memref<!tpu.dma_semaphore, #tpu.memory_space<semaphore_mem>>
          %dma_start3A = tpu.memref_slice %arg15[%mul3A_358] : memref<10752xi32, #tpu.memory_space<vmem>> -> memref<128xi32, #tpu.memory_space<vmem>>
          %dma_start3A_366 = arith.constant 0 : i32
          %dma_start3A_367 = arith.constant 0 : i32
          %dma_start3A_368 = tpu.memref_slice %arg21[%dma_start3A_366, %dma_start3A_367] : memref<5008x128xf32, #tpu.memory_space<vmem_shared>> -> memref<5008x128xf32, #tpu.memory_space<vmem_shared>>
          tpu.enqueue_indirect_dma source(%arg19 : memref<128x128xf32, #tpu.memory_space<vmem>>) target(%dma_start3A_368 : memref<5008x128xf32, #tpu.memory_space<vmem_shared>>) offsets(%dma_start3A : memref<128xi32, #tpu.memory_space<vmem>>) semaphore(%run_scoped3A_365 : memref<!tpu.dma_semaphore, #tpu.memory_space<semaphore_mem>>) {add = true}
          %dma_wait3A_369 = tpu.memref_slice %arg15[%mul3A_358] : memref<10752xi32, #tpu.memory_space<vmem>> -> memref<128xi32, #tpu.memory_space<vmem>>
          %dma_wait3A_370 = arith.constant 0 : i32
          %dma_wait3A_371 = arith.constant 0 : i32
          %dma_wait3A_372 = tpu.memref_slice %arg21[%dma_wait3A_370, %dma_wait3A_371] : memref<5008x128xf32, #tpu.memory_space<vmem_shared>> -> memref<5008x128xf32, #tpu.memory_space<vmem_shared>>
          tpu.wait_indirect_dma semaphore(%run_scoped3A_365 : memref<!tpu.dma_semaphore, #tpu.memory_space<semaphore_mem>>) src(%arg19 : memref<128x128xf32, #tpu.memory_space<vmem>>) dst(%dma_wait3A_372 : memref<5008x128xf32, #tpu.memory_space<vmem_shared>>)
          tpu.yield
        }) : () -> ()
        %add3A_359 = arith.constant 4 : i32
        %add3A_360 = arith.addi %add3A_341, %add3A_359 : i32
        %lt3A_361 = arith.cmpi slt, %add3A_360, %mul3A_28 : i32
        %convert_element_type3A_362 = arith.extui %lt3A_361 : i1 to i32
        %cond3A_363 = arith.constant 0 : i32
        %cond3A_364 = arith.cmpi ne, %convert_element_type3A_362, %cond3A_363 : i32
        scf.if %cond3A_364 {
          %add3A_365 = arith.constant 4 : i32
          %add3A_366 = arith.addi %add3A_341, %add3A_365 : i32
          %mul3A_367 = arith.constant 128 : i32
          %mul3A_368 = arith.muli %add3A_366, %mul3A_367 : i32
          %dma_start3A = tpu.memref_slice %arg14[%mul3A_368] : memref<10752xi32, #tpu.memory_space<vmem>> -> memref<128xi32, #tpu.memory_space<vmem>>
          %dma_start3A_369 = arith.constant 0 : i32
          %dma_start3A_370 = arith.constant 0 : i32
          %dma_start3A_371 = tpu.memref_slice %arg3[%dma_start3A_369, %dma_start3A_370] : memref<10000x128xf32, #tpu.memory_space<hbm>> -> memref<10000x128xf32, #tpu.memory_space<hbm>>
          tpu.enqueue_indirect_dma source(%dma_start3A_371 : memref<10000x128xf32, #tpu.memory_space<hbm>>) target(%arg19 : memref<128x128xf32, #tpu.memory_space<vmem>>) offsets(%dma_start3A : memref<128xi32, #tpu.memory_space<vmem>>) semaphore(%arg22 : memref<!tpu.dma_semaphore, #tpu.memory_space<semaphore_mem>>)
        } else {
        }
      } else {
      }
      %add3A_346 = arith.constant 3 : i32
      %add3A_347 = arith.addi %mul3A_328, %add3A_346 : i32
      %lt3A_348 = arith.cmpi slt, %add3A_347, %mul3A_28 : i32
      %convert_element_type3A_349 = arith.extui %lt3A_348 : i1 to i32
      %cond3A_350 = arith.constant 0 : i32
      %cond3A_351 = arith.cmpi ne, %convert_element_type3A_349, %cond3A_350 : i32
      scf.if %cond3A_351 {
        %dma_wait3A = arith.constant 0 : i32
        %dma_wait3A_352 = arith.constant 0 : i32
        %dma_wait3A_353 = tpu.memref_slice %arg3[%dma_wait3A, %dma_wait3A_352] : memref<10000x128xf32, #tpu.memory_space<hbm>> -> memref<128x128xf32, #tpu.memory_space<hbm>>
        %dma_wait3A_354 = arith.constant 0 : i32
        %dma_wait3A_355 = arith.constant 0 : i32
        %dma_wait3A_356 = tpu.memref_slice %arg3[%dma_wait3A_354, %dma_wait3A_355] : memref<10000x128xf32, #tpu.memory_space<hbm>> -> memref<128x128xf32, #tpu.memory_space<hbm>>
        tpu.wait_dma2 semaphore(%arg23 : memref<!tpu.dma_semaphore, #tpu.memory_space<semaphore_mem>>) src(%dma_wait3A_356 : memref<128x128xf32, #tpu.memory_space<hbm>>) dst(%arg20 : memref<128x128xf32, #tpu.memory_space<vmem>>)
        %mul3A_357 = arith.constant 128 : i32
        %mul3A_358 = arith.muli %add3A_347, %mul3A_357 : i32
        "tpu.region"() ({
          %run_scoped3A_365 = tpu.sem_alloc : memref<!tpu.dma_semaphore, #tpu.memory_space<semaphore_mem>>
          %dma_start3A = tpu.memref_slice %arg15[%mul3A_358] : memref<10752xi32, #tpu.memory_space<vmem>> -> memref<128xi32, #tpu.memory_space<vmem>>
          %dma_start3A_366 = arith.constant 0 : i32
          %dma_start3A_367 = arith.constant 0 : i32
          %dma_start3A_368 = tpu.memref_slice %arg21[%dma_start3A_366, %dma_start3A_367] : memref<5008x128xf32, #tpu.memory_space<vmem_shared>> -> memref<5008x128xf32, #tpu.memory_space<vmem_shared>>
          tpu.enqueue_indirect_dma source(%arg20 : memref<128x128xf32, #tpu.memory_space<vmem>>) target(%dma_start3A_368 : memref<5008x128xf32, #tpu.memory_space<vmem_shared>>) offsets(%dma_start3A : memref<128xi32, #tpu.memory_space<vmem>>) semaphore(%run_scoped3A_365 : memref<!tpu.dma_semaphore, #tpu.memory_space<semaphore_mem>>) {add = true}
          %dma_wait3A_369 = tpu.memref_slice %arg15[%mul3A_358] : memref<10752xi32, #tpu.memory_space<vmem>> -> memref<128xi32, #tpu.memory_space<vmem>>
          %dma_wait3A_370 = arith.constant 0 : i32
          %dma_wait3A_371 = arith.constant 0 : i32
          %dma_wait3A_372 = tpu.memref_slice %arg21[%dma_wait3A_370, %dma_wait3A_371] : memref<5008x128xf32, #tpu.memory_space<vmem_shared>> -> memref<5008x128xf32, #tpu.memory_space<vmem_shared>>
          tpu.wait_indirect_dma semaphore(%run_scoped3A_365 : memref<!tpu.dma_semaphore, #tpu.memory_space<semaphore_mem>>) src(%arg20 : memref<128x128xf32, #tpu.memory_space<vmem>>) dst(%dma_wait3A_372 : memref<5008x128xf32, #tpu.memory_space<vmem_shared>>)
          tpu.yield
        }) : () -> ()
        %add3A_359 = arith.constant 4 : i32
        %add3A_360 = arith.addi %add3A_347, %add3A_359 : i32
        %lt3A_361 = arith.cmpi slt, %add3A_360, %mul3A_28 : i32
        %convert_element_type3A_362 = arith.extui %lt3A_361 : i1 to i32
        %cond3A_363 = arith.constant 0 : i32
        %cond3A_364 = arith.cmpi ne, %convert_element_type3A_362, %cond3A_363 : i32
        scf.if %cond3A_364 {
          %add3A_365 = arith.constant 4 : i32
          %add3A_366 = arith.addi %add3A_347, %add3A_365 : i32
          %mul3A_367 = arith.constant 128 : i32
          %mul3A_368 = arith.muli %add3A_366, %mul3A_367 : i32
          %dma_start3A = tpu.memref_slice %arg14[%mul3A_368] : memref<10752xi32, #tpu.memory_space<vmem>> -> memref<128xi32, #tpu.memory_space<vmem>>
          %dma_start3A_369 = arith.constant 0 : i32
          %dma_start3A_370 = arith.constant 0 : i32
          %dma_start3A_371 = tpu.memref_slice %arg3[%dma_start3A_369, %dma_start3A_370] : memref<10000x128xf32, #tpu.memory_space<hbm>> -> memref<10000x128xf32, #tpu.memory_space<hbm>>
          tpu.enqueue_indirect_dma source(%dma_start3A_371 : memref<10000x128xf32, #tpu.memory_space<hbm>>) target(%arg20 : memref<128x128xf32, #tpu.memory_space<vmem>>) offsets(%dma_start3A : memref<128xi32, #tpu.memory_space<vmem>>) semaphore(%arg23 : memref<!tpu.dma_semaphore, #tpu.memory_space<semaphore_mem>>)
        } else {
        }
      } else {
      }
    }
    %while3A_162 = arith.constant 1 : i32
    scf.for %while3A_326 = %while3A_160 to %while3A_156 step %while3A_162  : i32 {
      %mul3A_327 = arith.constant 4 : i32
      %mul3A_328 = arith.muli %mul3A_327, %while3A_326 : i32
      %add3A_329 = arith.constant 0 : i32
      %add3A_330 = arith.addi %mul3A_328, %add3A_329 : i32
      %lt3A = arith.cmpi slt, %add3A_330, %mul3A_28 : i32
      %convert_element_type3A_331 = arith.extui %lt3A : i1 to i32
      %cond3A_332 = arith.constant 0 : i32
      %cond3A_333 = arith.cmpi ne, %convert_element_type3A_331, %cond3A_332 : i32
      scf.if %cond3A_333 {
        %dma_wait3A = arith.constant 0 : i32
        %dma_wait3A_352 = arith.constant 0 : i32
        %dma_wait3A_353 = tpu.memref_slice %arg3[%dma_wait3A, %dma_wait3A_352] : memref<10000x128xf32, #tpu.memory_space<hbm>> -> memref<128x128xf32, #tpu.memory_space<hbm>>
        %dma_wait3A_354 = arith.constant 0 : i32
        %dma_wait3A_355 = arith.constant 0 : i32
        %dma_wait3A_356 = tpu.memref_slice %arg3[%dma_wait3A_354, %dma_wait3A_355] : memref<10000x128xf32, #tpu.memory_space<hbm>> -> memref<128x128xf32, #tpu.memory_space<hbm>>
        tpu.wait_dma2 semaphore(%arg22 : memref<!tpu.dma_semaphore, #tpu.memory_space<semaphore_mem>>) src(%dma_wait3A_356 : memref<128x128xf32, #tpu.memory_space<hbm>>) dst(%arg17 : memref<128x128xf32, #tpu.memory_space<vmem>>)
        %mul3A_357 = arith.constant 128 : i32
        %mul3A_358 = arith.muli %add3A_330, %mul3A_357 : i32
        "tpu.region"() ({
          %run_scoped3A_365 = tpu.sem_alloc : memref<!tpu.dma_semaphore, #tpu.memory_space<semaphore_mem>>
          %dma_start3A = tpu.memref_slice %arg15[%mul3A_358] : memref<10752xi32, #tpu.memory_space<vmem>> -> memref<128xi32, #tpu.memory_space<vmem>>
          %dma_start3A_366 = arith.constant 0 : i32
          %dma_start3A_367 = arith.constant 0 : i32
          %dma_start3A_368 = tpu.memref_slice %arg21[%dma_start3A_366, %dma_start3A_367] : memref<5008x128xf32, #tpu.memory_space<vmem_shared>> -> memref<5008x128xf32, #tpu.memory_space<vmem_shared>>
          tpu.enqueue_indirect_dma source(%arg17 : memref<128x128xf32, #tpu.memory_space<vmem>>) target(%dma_start3A_368 : memref<5008x128xf32, #tpu.memory_space<vmem_shared>>) offsets(%dma_start3A : memref<128xi32, #tpu.memory_space<vmem>>) semaphore(%run_scoped3A_365 : memref<!tpu.dma_semaphore, #tpu.memory_space<semaphore_mem>>) {add = true}
          %dma_wait3A_369 = tpu.memref_slice %arg15[%mul3A_358] : memref<10752xi32, #tpu.memory_space<vmem>> -> memref<128xi32, #tpu.memory_space<vmem>>
          %dma_wait3A_370 = arith.constant 0 : i32
          %dma_wait3A_371 = arith.constant 0 : i32
          %dma_wait3A_372 = tpu.memref_slice %arg21[%dma_wait3A_370, %dma_wait3A_371] : memref<5008x128xf32, #tpu.memory_space<vmem_shared>> -> memref<5008x128xf32, #tpu.memory_space<vmem_shared>>
          tpu.wait_indirect_dma semaphore(%run_scoped3A_365 : memref<!tpu.dma_semaphore, #tpu.memory_space<semaphore_mem>>) src(%arg17 : memref<128x128xf32, #tpu.memory_space<vmem>>) dst(%dma_wait3A_372 : memref<5008x128xf32, #tpu.memory_space<vmem_shared>>)
          tpu.yield
        }) : () -> ()
        %add3A_359 = arith.constant 4 : i32
        %add3A_360 = arith.addi %add3A_330, %add3A_359 : i32
        %lt3A_361 = arith.cmpi slt, %add3A_360, %mul3A_28 : i32
        %convert_element_type3A_362 = arith.extui %lt3A_361 : i1 to i32
        %cond3A_363 = arith.constant 0 : i32
        %cond3A_364 = arith.cmpi ne, %convert_element_type3A_362, %cond3A_363 : i32
        scf.if %cond3A_364 {
          %add3A_365 = arith.constant 4 : i32
          %add3A_366 = arith.addi %add3A_330, %add3A_365 : i32
          %mul3A_367 = arith.constant 128 : i32
          %mul3A_368 = arith.muli %add3A_366, %mul3A_367 : i32
          %dma_start3A = tpu.memref_slice %arg14[%mul3A_368] : memref<10752xi32, #tpu.memory_space<vmem>> -> memref<128xi32, #tpu.memory_space<vmem>>
          %dma_start3A_369 = arith.constant 0 : i32
          %dma_start3A_370 = arith.constant 0 : i32
          %dma_start3A_371 = tpu.memref_slice %arg3[%dma_start3A_369, %dma_start3A_370] : memref<10000x128xf32, #tpu.memory_space<hbm>> -> memref<10000x128xf32, #tpu.memory_space<hbm>>
          tpu.enqueue_indirect_dma source(%dma_start3A_371 : memref<10000x128xf32, #tpu.memory_space<hbm>>) target(%arg17 : memref<128x128xf32, #tpu.memory_space<vmem>>) offsets(%dma_start3A : memref<128xi32, #tpu.memory_space<vmem>>) semaphore(%arg22 : memref<!tpu.dma_semaphore, #tpu.memory_space<semaphore_mem>>)
        } else {
        }
      } else {
      }
      %add3A_334 = arith.constant 1 : i32
      %add3A_335 = arith.addi %mul3A_328, %add3A_334 : i32
      %lt3A_336 = arith.cmpi slt, %add3A_335, %mul3A_28 : i32
      %convert_element_type3A_337 = arith.extui %lt3A_336 : i1 to i32
      %cond3A_338 = arith.constant 0 : i32
      %cond3A_339 = arith.cmpi ne, %convert_element_type3A_337, %cond3A_338 : i32
      scf.if %cond3A_339 {
        %dma_wait3A = arith.constant 0 : i32
        %dma_wait3A_352 = arith.constant 0 : i32
        %dma_wait3A_353 = tpu.memref_slice %arg3[%dma_wait3A, %dma_wait3A_352] : memref<10000x128xf32, #tpu.memory_space<hbm>> -> memref<128x128xf32, #tpu.memory_space<hbm>>
        %dma_wait3A_354 = arith.constant 0 : i32
        %dma_wait3A_355 = arith.constant 0 : i32
        %dma_wait3A_356 = tpu.memref_slice %arg3[%dma_wait3A_354, %dma_wait3A_355] : memref<10000x128xf32, #tpu.memory_space<hbm>> -> memref<128x128xf32, #tpu.memory_space<hbm>>
        tpu.wait_dma2 semaphore(%arg23 : memref<!tpu.dma_semaphore, #tpu.memory_space<semaphore_mem>>) src(%dma_wait3A_356 : memref<128x128xf32, #tpu.memory_space<hbm>>) dst(%arg18 : memref<128x128xf32, #tpu.memory_space<vmem>>)
        %mul3A_357 = arith.constant 128 : i32
        %mul3A_358 = arith.muli %add3A_335, %mul3A_357 : i32
        "tpu.region"() ({
          %run_scoped3A_365 = tpu.sem_alloc : memref<!tpu.dma_semaphore, #tpu.memory_space<semaphore_mem>>
          %dma_start3A = tpu.memref_slice %arg15[%mul3A_358] : memref<10752xi32, #tpu.memory_space<vmem>> -> memref<128xi32, #tpu.memory_space<vmem>>
          %dma_start3A_366 = arith.constant 0 : i32
          %dma_start3A_367 = arith.constant 0 : i32
          %dma_start3A_368 = tpu.memref_slice %arg21[%dma_start3A_366, %dma_start3A_367] : memref<5008x128xf32, #tpu.memory_space<vmem_shared>> -> memref<5008x128xf32, #tpu.memory_space<vmem_shared>>
          tpu.enqueue_indirect_dma source(%arg18 : memref<128x128xf32, #tpu.memory_space<vmem>>) target(%dma_start3A_368 : memref<5008x128xf32, #tpu.memory_space<vmem_shared>>) offsets(%dma_start3A : memref<128xi32, #tpu.memory_space<vmem>>) semaphore(%run_scoped3A_365 : memref<!tpu.dma_semaphore, #tpu.memory_space<semaphore_mem>>) {add = true}
          %dma_wait3A_369 = tpu.memref_slice %arg15[%mul3A_358] : memref<10752xi32, #tpu.memory_space<vmem>> -> memref<128xi32, #tpu.memory_space<vmem>>
          %dma_wait3A_370 = arith.constant 0 : i32
          %dma_wait3A_371 = arith.constant 0 : i32
          %dma_wait3A_372 = tpu.memref_slice %arg21[%dma_wait3A_370, %dma_wait3A_371] : memref<5008x128xf32, #tpu.memory_space<vmem_shared>> -> memref<5008x128xf32, #tpu.memory_space<vmem_shared>>
          tpu.wait_indirect_dma semaphore(%run_scoped3A_365 : memref<!tpu.dma_semaphore, #tpu.memory_space<semaphore_mem>>) src(%arg18 : memref<128x128xf32, #tpu.memory_space<vmem>>) dst(%dma_wait3A_372 : memref<5008x128xf32, #tpu.memory_space<vmem_shared>>)
          tpu.yield
        }) : () -> ()
        %add3A_359 = arith.constant 4 : i32
        %add3A_360 = arith.addi %add3A_335, %add3A_359 : i32
        %lt3A_361 = arith.cmpi slt, %add3A_360, %mul3A_28 : i32
        %convert_element_type3A_362 = arith.extui %lt3A_361 : i1 to i32
        %cond3A_363 = arith.constant 0 : i32
        %cond3A_364 = arith.cmpi ne, %convert_element_type3A_362, %cond3A_363 : i32
        scf.if %cond3A_364 {
          %add3A_365 = arith.constant 4 : i32
          %add3A_366 = arith.addi %add3A_335, %add3A_365 : i32
          %mul3A_367 = arith.constant 128 : i32
          %mul3A_368 = arith.muli %add3A_366, %mul3A_367 : i32
          %dma_start3A = tpu.memref_slice %arg14[%mul3A_368] : memref<10752xi32, #tpu.memory_space<vmem>> -> memref<128xi32, #tpu.memory_space<vmem>>
          %dma_start3A_369 = arith.constant 0 : i32
          %dma_start3A_370 = arith.constant 0 : i32
          %dma_start3A_371 = tpu.memref_slice %arg3[%dma_start3A_369, %dma_start3A_370] : memref<10000x128xf32, #tpu.memory_space<hbm>> -> memref<10000x128xf32, #tpu.memory_space<hbm>>
          tpu.enqueue_indirect_dma source(%dma_start3A_371 : memref<10000x128xf32, #tpu.memory_space<hbm>>) target(%arg18 : memref<128x128xf32, #tpu.memory_space<vmem>>) offsets(%dma_start3A : memref<128xi32, #tpu.memory_space<vmem>>) semaphore(%arg23 : memref<!tpu.dma_semaphore, #tpu.memory_space<semaphore_mem>>)
        } else {
        }
      } else {
      }
      %add3A_340 = arith.constant 2 : i32
      %add3A_341 = arith.addi %mul3A_328, %add3A_340 : i32
      %lt3A_342 = arith.cmpi slt, %add3A_341, %mul3A_28 : i32
      %convert_element_type3A_343 = arith.extui %lt3A_342 : i1 to i32
      %cond3A_344 = arith.constant 0 : i32
      %cond3A_345 = arith.cmpi ne, %convert_element_type3A_343, %cond3A_344 : i32
      scf.if %cond3A_345 {
        %dma_wait3A = arith.constant 0 : i32
        %dma_wait3A_352 = arith.constant 0 : i32
        %dma_wait3A_353 = tpu.memref_slice %arg3[%dma_wait3A, %dma_wait3A_352] : memref<10000x128xf32, #tpu.memory_space<hbm>> -> memref<128x128xf32, #tpu.memory_space<hbm>>
        %dma_wait3A_354 = arith.constant 0 : i32
        %dma_wait3A_355 = arith.constant 0 : i32
        %dma_wait3A_356 = tpu.memref_slice %arg3[%dma_wait3A_354, %dma_wait3A_355] : memref<10000x128xf32, #tpu.memory_space<hbm>> -> memref<128x128xf32, #tpu.memory_space<hbm>>
        tpu.wait_dma2 semaphore(%arg22 : memref<!tpu.dma_semaphore, #tpu.memory_space<semaphore_mem>>) src(%dma_wait3A_356 : memref<128x128xf32, #tpu.memory_space<hbm>>) dst(%arg19 : memref<128x128xf32, #tpu.memory_space<vmem>>)
        %mul3A_357 = arith.constant 128 : i32
        %mul3A_358 = arith.muli %add3A_341, %mul3A_357 : i32
        "tpu.region"() ({
          %run_scoped3A_365 = tpu.sem_alloc : memref<!tpu.dma_semaphore, #tpu.memory_space<semaphore_mem>>
          %dma_start3A = tpu.memref_slice %arg15[%mul3A_358] : memref<10752xi32, #tpu.memory_space<vmem>> -> memref<128xi32, #tpu.memory_space<vmem>>
          %dma_start3A_366 = arith.constant 0 : i32
          %dma_start3A_367 = arith.constant 0 : i32
          %dma_start3A_368 = tpu.memref_slice %arg21[%dma_start3A_366, %dma_start3A_367] : memref<5008x128xf32, #tpu.memory_space<vmem_shared>> -> memref<5008x128xf32, #tpu.memory_space<vmem_shared>>
          tpu.enqueue_indirect_dma source(%arg19 : memref<128x128xf32, #tpu.memory_space<vmem>>) target(%dma_start3A_368 : memref<5008x128xf32, #tpu.memory_space<vmem_shared>>) offsets(%dma_start3A : memref<128xi32, #tpu.memory_space<vmem>>) semaphore(%run_scoped3A_365 : memref<!tpu.dma_semaphore, #tpu.memory_space<semaphore_mem>>) {add = true}
          %dma_wait3A_369 = tpu.memref_slice %arg15[%mul3A_358] : memref<10752xi32, #tpu.memory_space<vmem>> -> memref<128xi32, #tpu.memory_space<vmem>>
          %dma_wait3A_370 = arith.constant 0 : i32
          %dma_wait3A_371 = arith.constant 0 : i32
          %dma_wait3A_372 = tpu.memref_slice %arg21[%dma_wait3A_370, %dma_wait3A_371] : memref<5008x128xf32, #tpu.memory_space<vmem_shared>> -> memref<5008x128xf32, #tpu.memory_space<vmem_shared>>
          tpu.wait_indirect_dma semaphore(%run_scoped3A_365 : memref<!tpu.dma_semaphore, #tpu.memory_space<semaphore_mem>>) src(%arg19 : memref<128x128xf32, #tpu.memory_space<vmem>>) dst(%dma_wait3A_372 : memref<5008x128xf32, #tpu.memory_space<vmem_shared>>)
          tpu.yield
        }) : () -> ()
        %add3A_359 = arith.constant 4 : i32
        %add3A_360 = arith.addi %add3A_341, %add3A_359 : i32
        %lt3A_361 = arith.cmpi slt, %add3A_360, %mul3A_28 : i32
        %convert_element_type3A_362 = arith.extui %lt3A_361 : i1 to i32
        %cond3A_363 = arith.constant 0 : i32
        %cond3A_364 = arith.cmpi ne, %convert_element_type3A_362, %cond3A_363 : i32
        scf.if %cond3A_364 {
          %add3A_365 = arith.constant 4 : i32
          %add3A_366 = arith.addi %add3A_341, %add3A_365 : i32
          %mul3A_367 = arith.constant 128 : i32
          %mul3A_368 = arith.muli %add3A_366, %mul3A_367 : i32
          %dma_start3A = tpu.memref_slice %arg14[%mul3A_368] : memref<10752xi32, #tpu.memory_space<vmem>> -> memref<128xi32, #tpu.memory_space<vmem>>
          %dma_start3A_369 = arith.constant 0 : i32
          %dma_start3A_370 = arith.constant 0 : i32
          %dma_start3A_371 = tpu.memref_slice %arg3[%dma_start3A_369, %dma_start3A_370] : memref<10000x128xf32, #tpu.memory_space<hbm>> -> memref<10000x128xf32, #tpu.memory_space<hbm>>
          tpu.enqueue_indirect_dma source(%dma_start3A_371 : memref<10000x128xf32, #tpu.memory_space<hbm>>) target(%arg19 : memref<128x128xf32, #tpu.memory_space<vmem>>) offsets(%dma_start3A : memref<128xi32, #tpu.memory_space<vmem>>) semaphore(%arg22 : memref<!tpu.dma_semaphore, #tpu.memory_space<semaphore_mem>>)
        } else {
        }
      } else {
      }
      %add3A_346 = arith.constant 3 : i32
      %add3A_347 = arith.addi %mul3A_328, %add3A_346 : i32
      %lt3A_348 = arith.cmpi slt, %add3A_347, %mul3A_28 : i32
      %convert_element_type3A_349 = arith.extui %lt3A_348 : i1 to i32
      %cond3A_350 = arith.constant 0 : i32
      %cond3A_351 = arith.cmpi ne, %convert_element_type3A_349, %cond3A_350 : i32
      scf.if %cond3A_351 {
        %dma_wait3A = arith.constant 0 : i32
        %dma_wait3A_352 = arith.constant 0 : i32
        %dma_wait3A_353 = tpu.memref_slice %arg3[%dma_wait3A, %dma_wait3A_352] : memref<10000x128xf32, #tpu.memory_space<hbm>> -> memref<128x128xf32, #tpu.memory_space<hbm>>
        %dma_wait3A_354 = arith.constant 0 : i32
        %dma_wait3A_355 = arith.constant 0 : i32
        %dma_wait3A_356 = tpu.memref_slice %arg3[%dma_wait3A_354, %dma_wait3A_355] : memref<10000x128xf32, #tpu.memory_space<hbm>> -> memref<128x128xf32, #tpu.memory_space<hbm>>
        tpu.wait_dma2 semaphore(%arg23 : memref<!tpu.dma_semaphore, #tpu.memory_space<semaphore_mem>>) src(%dma_wait3A_356 : memref<128x128xf32, #tpu.memory_space<hbm>>) dst(%arg20 : memref<128x128xf32, #tpu.memory_space<vmem>>)
        %mul3A_357 = arith.constant 128 : i32
        %mul3A_358 = arith.muli %add3A_347, %mul3A_357 : i32
        "tpu.region"() ({
          %run_scoped3A_365 = tpu.sem_alloc : memref<!tpu.dma_semaphore, #tpu.memory_space<semaphore_mem>>
          %dma_start3A = tpu.memref_slice %arg15[%mul3A_358] : memref<10752xi32, #tpu.memory_space<vmem>> -> memref<128xi32, #tpu.memory_space<vmem>>
          %dma_start3A_366 = arith.constant 0 : i32
          %dma_start3A_367 = arith.constant 0 : i32
          %dma_start3A_368 = tpu.memref_slice %arg21[%dma_start3A_366, %dma_start3A_367] : memref<5008x128xf32, #tpu.memory_space<vmem_shared>> -> memref<5008x128xf32, #tpu.memory_space<vmem_shared>>
          tpu.enqueue_indirect_dma source(%arg20 : memref<128x128xf32, #tpu.memory_space<vmem>>) target(%dma_start3A_368 : memref<5008x128xf32, #tpu.memory_space<vmem_shared>>) offsets(%dma_start3A : memref<128xi32, #tpu.memory_space<vmem>>) semaphore(%run_scoped3A_365 : memref<!tpu.dma_semaphore, #tpu.memory_space<semaphore_mem>>) {add = true}
          %dma_wait3A_369 = tpu.memref_slice %arg15[%mul3A_358] : memref<10752xi32, #tpu.memory_space<vmem>> -> memref<128xi32, #tpu.memory_space<vmem>>
          %dma_wait3A_370 = arith.constant 0 : i32
          %dma_wait3A_371 = arith.constant 0 : i32
          %dma_wait3A_372 = tpu.memref_slice %arg21[%dma_wait3A_370, %dma_wait3A_371] : memref<5008x128xf32, #tpu.memory_space<vmem_shared>> -> memref<5008x128xf32, #tpu.memory_space<vmem_shared>>
          tpu.wait_indirect_dma semaphore(%run_scoped3A_365 : memref<!tpu.dma_semaphore, #tpu.memory_space<semaphore_mem>>) src(%arg20 : memref<128x128xf32, #tpu.memory_space<vmem>>) dst(%dma_wait3A_372 : memref<5008x128xf32, #tpu.memory_space<vmem_shared>>)
          tpu.yield
        }) : () -> ()
        %add3A_359 = arith.constant 4 : i32
        %add3A_360 = arith.addi %add3A_347, %add3A_359 : i32
        %lt3A_361 = arith.cmpi slt, %add3A_360, %mul3A_28 : i32
        %convert_element_type3A_362 = arith.extui %lt3A_361 : i1 to i32
        %cond3A_363 = arith.constant 0 : i32
        %cond3A_364 = arith.cmpi ne, %convert_element_type3A_362, %cond3A_363 : i32
        scf.if %cond3A_364 {
          %add3A_365 = arith.constant 4 : i32
          %add3A_366 = arith.addi %add3A_347, %add3A_365 : i32
          %mul3A_367 = arith.constant 128 : i32
          %mul3A_368 = arith.muli %add3A_366, %mul3A_367 : i32
          %dma_start3A = tpu.memref_slice %arg14[%mul3A_368] : memref<10752xi32, #tpu.memory_space<vmem>> -> memref<128xi32, #tpu.memory_space<vmem>>
          %dma_start3A_369 = arith.constant 0 : i32
          %dma_start3A_370 = arith.constant 0 : i32
          %dma_start3A_371 = tpu.memref_slice %arg3[%dma_start3A_369, %dma_start3A_370] : memref<10000x128xf32, #tpu.memory_space<hbm>> -> memref<10000x128xf32, #tpu.memory_space<hbm>>
          tpu.enqueue_indirect_dma source(%dma_start3A_371 : memref<10000x128xf32, #tpu.memory_space<hbm>>) target(%arg20 : memref<128x128xf32, #tpu.memory_space<vmem>>) offsets(%dma_start3A : memref<128xi32, #tpu.memory_space<vmem>>) semaphore(%arg23 : memref<!tpu.dma_semaphore, #tpu.memory_space<semaphore_mem>>)
        } else {
        }
      } else {
      }
    }
    %barrier3A_163 = arith.constant 0 : index
    tpu.barrier barrier_id(%barrier3A_163)
    %mul3A_164 = arith.constant 312 : i32
    %mul3A_165 = arith.muli %arg1, %mul3A_164 : i32
    %mul3A_166 = arith.constant 312 : i32
    %mul3A_167 = arith.muli %arg1, %mul3A_166 : i32
    %add3A_168 = arith.addi %mul3A_0, %mul3A_167 : i32
    "tpu.region"() ({
      %run_scoped3A_326 = tpu.sem_alloc : memref<!tpu.dma_semaphore, #tpu.memory_space<semaphore_mem>>
      %dma_start3A = arith.constant 0 : i32
      %dma_start3A_327 = tpu.memref_slice %arg11[%add3A_168, %dma_start3A] : memref<10000x128xf32, #tpu.memory_space<hbm>> -> memref<312x128xf32, #tpu.memory_space<hbm>>
      %dma_start3A_328 = arith.constant 0 : i32
      %dma_start3A_329 = tpu.memref_slice %arg21[%mul3A_165, %dma_start3A_328] : memref<5008x128xf32, #tpu.memory_space<vmem_shared>> -> memref<312x128xf32, #tpu.memory_space<vmem_shared>>
      tpu.enqueue_dma source(%dma_start3A_329 : memref<312x128xf32, #tpu.memory_space<vmem_shared>>) target(%dma_start3A_327 : memref<312x128xf32, #tpu.memory_space<hbm>>) target_semaphore(%run_scoped3A_326 : memref<!tpu.dma_semaphore, #tpu.memory_space<semaphore_mem>>)
      %dma_wait3A = arith.constant 0 : i32
      %dma_wait3A_330 = tpu.memref_slice %arg11[%add3A_168, %dma_wait3A] : memref<10000x128xf32, #tpu.memory_space<hbm>> -> memref<312x128xf32, #tpu.memory_space<hbm>>
      %dma_wait3A_331 = arith.constant 0 : i32
      %dma_wait3A_332 = tpu.memref_slice %arg21[%mul3A_165, %dma_wait3A_331] : memref<5008x128xf32, #tpu.memory_space<vmem_shared>> -> memref<312x128xf32, #tpu.memory_space<vmem_shared>>
      tpu.wait_dma2 semaphore(%run_scoped3A_326 : memref<!tpu.dma_semaphore, #tpu.memory_space<semaphore_mem>>) src(%dma_wait3A_332 : memref<312x128xf32, #tpu.memory_space<vmem_shared>>) dst(%dma_wait3A_330 : memref<312x128xf32, #tpu.memory_space<hbm>>)
      tpu.yield
    }) : () -> ()
    %eq3A_169 = arith.constant 15 : i32
    %eq3A_170 = arith.cmpi eq, %arg1, %eq3A_169 : i32
    %convert_element_type3A_171 = arith.extui %eq3A_170 : i1 to i32
    %cond3A_172 = arith.constant 0 : i32
    %cond3A_173 = arith.cmpi ne, %convert_element_type3A_171, %cond3A_172 : i32
    scf.if %cond3A_173 {
      %add3A_326 = arith.constant 4992 : i32
      %add3A_327 = arith.addi %mul3A_0, %add3A_326 : i32
      "tpu.region"() ({
        %run_scoped3A_328 = tpu.sem_alloc : memref<!tpu.dma_semaphore, #tpu.memory_space<semaphore_mem>>
        %dma_start3A = arith.constant 0 : i32
        %dma_start3A_329 = tpu.memref_slice %arg11[%add3A_327, %dma_start3A] : memref<10000x128xf32, #tpu.memory_space<hbm>> -> memref<8x128xf32, #tpu.memory_space<hbm>>
        %dma_start3A_330 = arith.constant 4992 : i32
        %dma_start3A_331 = arith.constant 0 : i32
        %dma_start3A_332 = tpu.memref_slice %arg21[%dma_start3A_330, %dma_start3A_331] : memref<5008x128xf32, #tpu.memory_space<vmem_shared>> -> memref<8x128xf32, #tpu.memory_space<vmem_shared>>
        tpu.enqueue_dma source(%dma_start3A_332 : memref<8x128xf32, #tpu.memory_space<vmem_shared>>) target(%dma_start3A_329 : memref<8x128xf32, #tpu.memory_space<hbm>>) target_semaphore(%run_scoped3A_328 : memref<!tpu.dma_semaphore, #tpu.memory_space<semaphore_mem>>)
        %dma_wait3A = arith.constant 0 : i32
        %dma_wait3A_333 = tpu.memref_slice %arg11[%add3A_327, %dma_wait3A] : memref<10000x128xf32, #tpu.memory_space<hbm>> -> memref<8x128xf32, #tpu.memory_space<hbm>>
        %dma_wait3A_334 = arith.constant 4992 : i32
        %dma_wait3A_335 = arith.constant 0 : i32
        %dma_wait3A_336 = tpu.memref_slice %arg21[%dma_wait3A_334, %dma_wait3A_335] : memref<5008x128xf32, #tpu.memory_space<vmem_shared>> -> memref<8x128xf32, #tpu.memory_space<vmem_shared>>
        tpu.wait_dma2 semaphore(%run_scoped3A_328 : memref<!tpu.dma_semaphore, #tpu.memory_space<semaphore_mem>>) src(%dma_wait3A_336 : memref<8x128xf32, #tpu.memory_space<vmem_shared>>) dst(%dma_wait3A_333 : memref<8x128xf32, #tpu.memory_space<hbm>>)
        tpu.yield
      }) : () -> ()
    } else {
    }
    %barrier3A_174 = arith.constant 0 : index
    tpu.barrier barrier_id(%barrier3A_174)
    %mul3A_175 = arith.constant 312 : i32
    %mul3A_176 = arith.muli %arg1, %mul3A_175 : i32
    "tpu.region"() ({
      %run_scoped3A_326 = tpu.sem_alloc : memref<!tpu.dma_semaphore, #tpu.memory_space<semaphore_mem>>
      %dma_start3A = arith.constant 0 : i32
      %dma_start3A_327 = tpu.memref_slice %arg21[%mul3A_176, %dma_start3A] : memref<5008x128xf32, #tpu.memory_space<vmem_shared>> -> memref<312x128xf32, #tpu.memory_space<vmem_shared>>
      %dma_start3A_328 = arith.constant 0 : i32
      %dma_start3A_329 = arith.constant 0 : i32
      %dma_start3A_330 = tpu.memref_slice %arg9[%dma_start3A_328, %dma_start3A_329] : memref<312x128xf32, #tpu.memory_space<hbm>> -> memref<312x128xf32, #tpu.memory_space<hbm>>
      tpu.enqueue_dma source(%dma_start3A_330 : memref<312x128xf32, #tpu.memory_space<hbm>>) target(%dma_start3A_327 : memref<312x128xf32, #tpu.memory_space<vmem_shared>>) target_semaphore(%run_scoped3A_326 : memref<!tpu.dma_semaphore, #tpu.memory_space<semaphore_mem>>)
      %dma_wait3A = arith.constant 0 : i32
      %dma_wait3A_331 = tpu.memref_slice %arg21[%mul3A_176, %dma_wait3A] : memref<5008x128xf32, #tpu.memory_space<vmem_shared>> -> memref<312x128xf32, #tpu.memory_space<vmem_shared>>
      %dma_wait3A_332 = arith.constant 0 : i32
      %dma_wait3A_333 = arith.constant 0 : i32
      %dma_wait3A_334 = tpu.memref_slice %arg9[%dma_wait3A_332, %dma_wait3A_333] : memref<312x128xf32, #tpu.memory_space<hbm>> -> memref<312x128xf32, #tpu.memory_space<hbm>>
      tpu.wait_dma2 semaphore(%run_scoped3A_326 : memref<!tpu.dma_semaphore, #tpu.memory_space<semaphore_mem>>) src(%dma_wait3A_334 : memref<312x128xf32, #tpu.memory_space<hbm>>) dst(%dma_wait3A_331 : memref<312x128xf32, #tpu.memory_space<vmem_shared>>)
      tpu.yield
    }) : () -> ()
    %eq3A_177 = arith.constant 15 : i32
    %eq3A_178 = arith.cmpi eq, %arg1, %eq3A_177 : i32
    %convert_element_type3A_179 = arith.extui %eq3A_178 : i1 to i32
    %cond3A_180 = arith.constant 0 : i32
    %cond3A_181 = arith.cmpi ne, %convert_element_type3A_179, %cond3A_180 : i32
    scf.if %cond3A_181 {
      "tpu.region"() ({
        %run_scoped3A_326 = tpu.sem_alloc : memref<!tpu.dma_semaphore, #tpu.memory_space<semaphore_mem>>
        %dma_start3A = arith.constant 4992 : i32
        %dma_start3A_327 = arith.constant 0 : i32
        %dma_start3A_328 = tpu.memref_slice %arg21[%dma_start3A, %dma_start3A_327] : memref<5008x128xf32, #tpu.memory_space<vmem_shared>> -> memref<16x128xf32, #tpu.memory_space<vmem_shared>>
        %dma_start3A_329 = arith.constant 0 : i32
        %dma_start3A_330 = arith.constant 0 : i32
        %dma_start3A_331 = tpu.memref_slice %arg9[%dma_start3A_329, %dma_start3A_330] : memref<312x128xf32, #tpu.memory_space<hbm>> -> memref<16x128xf32, #tpu.memory_space<hbm>>
        tpu.enqueue_dma source(%dma_start3A_331 : memref<16x128xf32, #tpu.memory_space<hbm>>) target(%dma_start3A_328 : memref<16x128xf32, #tpu.memory_space<vmem_shared>>) target_semaphore(%run_scoped3A_326 : memref<!tpu.dma_semaphore, #tpu.memory_space<semaphore_mem>>)
        %dma_wait3A = arith.constant 4992 : i32
        %dma_wait3A_332 = arith.constant 0 : i32
        %dma_wait3A_333 = tpu.memref_slice %arg21[%dma_wait3A, %dma_wait3A_332] : memref<5008x128xf32, #tpu.memory_space<vmem_shared>> -> memref<16x128xf32, #tpu.memory_space<vmem_shared>>
        %dma_wait3A_334 = arith.constant 0 : i32
        %dma_wait3A_335 = arith.constant 0 : i32
        %dma_wait3A_336 = tpu.memref_slice %arg9[%dma_wait3A_334, %dma_wait3A_335] : memref<312x128xf32, #tpu.memory_space<hbm>> -> memref<16x128xf32, #tpu.memory_space<hbm>>
        tpu.wait_dma2 semaphore(%run_scoped3A_326 : memref<!tpu.dma_semaphore, #tpu.memory_space<semaphore_mem>>) src(%dma_wait3A_336 : memref<16x128xf32, #tpu.memory_space<hbm>>) dst(%dma_wait3A_333 : memref<16x128xf32, #tpu.memory_space<vmem_shared>>)
        tpu.yield
      }) : () -> ()
    } else {
    }
    %barrier3A_182 = arith.constant 0 : index
    tpu.barrier barrier_id(%barrier3A_182)
    %gt3A_183 = arith.constant 0 : i32
    %gt3A_184 = arith.cmpi sgt, %mul3A_28, %gt3A_183 : i32
    %convert_element_type3A_185 = arith.extui %gt3A_184 : i1 to i32
    %cond3A_186 = arith.constant 0 : i32
    %cond3A_187 = arith.cmpi ne, %convert_element_type3A_185, %cond3A_186 : i32
    scf.if %cond3A_187 {
      %dma_start3A = arith.constant 0 : i32
      %dma_start3A_326 = tpu.memref_slice %arg14[%dma_start3A] : memref<10752xi32, #tpu.memory_space<vmem>> -> memref<128xi32, #tpu.memory_space<vmem>>
      %dma_start3A_327 = arith.constant 0 : i32
      %dma_start3A_328 = arith.constant 0 : i32
      %dma_start3A_329 = tpu.memref_slice %arg4[%dma_start3A_327, %dma_start3A_328] : memref<10000x128xf32, #tpu.memory_space<hbm>> -> memref<10000x128xf32, #tpu.memory_space<hbm>>
      tpu.enqueue_indirect_dma source(%dma_start3A_329 : memref<10000x128xf32, #tpu.memory_space<hbm>>) target(%arg17 : memref<128x128xf32, #tpu.memory_space<vmem>>) offsets(%dma_start3A_326 : memref<128xi32, #tpu.memory_space<vmem>>) semaphore(%arg22 : memref<!tpu.dma_semaphore, #tpu.memory_space<semaphore_mem>>)
    } else {
    }
    %gt3A_188 = arith.constant 1 : i32
    %gt3A_189 = arith.cmpi sgt, %mul3A_28, %gt3A_188 : i32
    %convert_element_type3A_190 = arith.extui %gt3A_189 : i1 to i32
    %cond3A_191 = arith.constant 0 : i32
    %cond3A_192 = arith.cmpi ne, %convert_element_type3A_190, %cond3A_191 : i32
    scf.if %cond3A_192 {
      %dma_start3A = arith.constant 128 : i32
      %dma_start3A_326 = tpu.memref_slice %arg14[%dma_start3A] : memref<10752xi32, #tpu.memory_space<vmem>> -> memref<128xi32, #tpu.memory_space<vmem>>
      %dma_start3A_327 = arith.constant 0 : i32
      %dma_start3A_328 = arith.constant 0 : i32
      %dma_start3A_329 = tpu.memref_slice %arg4[%dma_start3A_327, %dma_start3A_328] : memref<10000x128xf32, #tpu.memory_space<hbm>> -> memref<10000x128xf32, #tpu.memory_space<hbm>>
      tpu.enqueue_indirect_dma source(%dma_start3A_329 : memref<10000x128xf32, #tpu.memory_space<hbm>>) target(%arg18 : memref<128x128xf32, #tpu.memory_space<vmem>>) offsets(%dma_start3A_326 : memref<128xi32, #tpu.memory_space<vmem>>) semaphore(%arg23 : memref<!tpu.dma_semaphore, #tpu.memory_space<semaphore_mem>>)
    } else {
    }
    %gt3A_193 = arith.constant 2 : i32
    %gt3A_194 = arith.cmpi sgt, %mul3A_28, %gt3A_193 : i32
    %convert_element_type3A_195 = arith.extui %gt3A_194 : i1 to i32
    %cond3A_196 = arith.constant 0 : i32
    %cond3A_197 = arith.cmpi ne, %convert_element_type3A_195, %cond3A_196 : i32
    scf.if %cond3A_197 {
      %dma_start3A = arith.constant 256 : i32
      %dma_start3A_326 = tpu.memref_slice %arg14[%dma_start3A] : memref<10752xi32, #tpu.memory_space<vmem>> -> memref<128xi32, #tpu.memory_space<vmem>>
      %dma_start3A_327 = arith.constant 0 : i32
      %dma_start3A_328 = arith.constant 0 : i32
      %dma_start3A_329 = tpu.memref_slice %arg4[%dma_start3A_327, %dma_start3A_328] : memref<10000x128xf32, #tpu.memory_space<hbm>> -> memref<10000x128xf32, #tpu.memory_space<hbm>>
      tpu.enqueue_indirect_dma source(%dma_start3A_329 : memref<10000x128xf32, #tpu.memory_space<hbm>>) target(%arg19 : memref<128x128xf32, #tpu.memory_space<vmem>>) offsets(%dma_start3A_326 : memref<128xi32, #tpu.memory_space<vmem>>) semaphore(%arg22 : memref<!tpu.dma_semaphore, #tpu.memory_space<semaphore_mem>>)
    } else {
    }
    %gt3A_198 = arith.constant 3 : i32
    %gt3A_199 = arith.cmpi sgt, %mul3A_28, %gt3A_198 : i32
    %convert_element_type3A_200 = arith.extui %gt3A_199 : i1 to i32
    %cond3A_201 = arith.constant 0 : i32
    %cond3A_202 = arith.cmpi ne, %convert_element_type3A_200, %cond3A_201 : i32
    scf.if %cond3A_202 {
      %dma_start3A = arith.constant 384 : i32
      %dma_start3A_326 = tpu.memref_slice %arg14[%dma_start3A] : memref<10752xi32, #tpu.memory_space<vmem>> -> memref<128xi32, #tpu.memory_space<vmem>>
      %dma_start3A_327 = arith.constant 0 : i32
      %dma_start3A_328 = arith.constant 0 : i32
      %dma_start3A_329 = tpu.memref_slice %arg4[%dma_start3A_327, %dma_start3A_328] : memref<10000x128xf32, #tpu.memory_space<hbm>> -> memref<10000x128xf32, #tpu.memory_space<hbm>>
      tpu.enqueue_indirect_dma source(%dma_start3A_329 : memref<10000x128xf32, #tpu.memory_space<hbm>>) target(%arg20 : memref<128x128xf32, #tpu.memory_space<vmem>>) offsets(%dma_start3A_326 : memref<128xi32, #tpu.memory_space<vmem>>) semaphore(%arg23 : memref<!tpu.dma_semaphore, #tpu.memory_space<semaphore_mem>>)
    } else {
    }
    %add3A_203 = arith.constant 3 : i32
    %add3A_204 = arith.addi %mul3A_28, %add3A_203 : i32
    %jit3A_205 = arith.constant 4 : i32
    %div3A_206 = arith.divsi %add3A_204, %jit3A_205 : i32
    %sign3A_207 = arith.constant 0 : i32
    %sign3A_208 = arith.cmpi sgt, %add3A_204, %sign3A_207 : i32
    %sign3A_209 = arith.extui %sign3A_208 : i1 to i32
    %sign3A_210 = arith.constant 0 : i32
    %sign3A_211 = arith.cmpi slt, %add3A_204, %sign3A_210 : i32
    %sign3A_212 = arith.extui %sign3A_211 : i1 to i32
    %sign3A_213 = arith.subi %sign3A_209, %sign3A_212 : i32
    %sign3A_214 = arith.constant 0 : i32
    %sign3A_215 = arith.cmpi sgt, %jit3A_205, %sign3A_214 : i32
    %sign3A_216 = arith.extui %sign3A_215 : i1 to i32
    %sign3A_217 = arith.constant 0 : i32
    %sign3A_218 = arith.cmpi slt, %jit3A_205, %sign3A_217 : i32
    %sign3A_219 = arith.extui %sign3A_218 : i1 to i32
    %sign3A_220 = arith.subi %sign3A_216, %sign3A_219 : i32
    %ne3A_221 = arith.cmpi ne, %sign3A_213, %sign3A_220 : i32
    %rem3A_222 = arith.remsi %add3A_204, %jit3A_205 : i32
    %ne3A_223 = arith.constant 0 : i32
    %ne3A_224 = arith.cmpi ne, %rem3A_222, %ne3A_223 : i32
    %and3A_225 = arith.andi %ne3A_221, %ne3A_224 : i1
    %sub3A_226 = arith.constant 1 : i32
    %sub3A_227 = arith.subi %div3A_206, %sub3A_226 : i32
    %select_n3A_228 = arith.select %and3A_225, %sub3A_227, %div3A_206 : i32
    %while3A_229 = arith.constant 0 : i32
    %while3A_230 = arith.constant 0 : i32
    %while3A_231 = arith.subi %select_n3A_228, %while3A_230 : i32
    %while3A_232 = arith.addi %while3A_230, %while3A_231 : i32
    %while3A_233 = arith.constant 1 : i32
    %while3A_234 = arith.divsi %while3A_231, %while3A_233 : i32
    %while3A_235 = arith.muli %while3A_234, %while3A_233 : i32
    %while3A_236 = arith.addi %while3A_230, %while3A_235 : i32
    %while3A_237 = arith.constant 1 : i32
    scf.for %while3A_326 = %while3A_230 to %while3A_236 step %while3A_237  : i32 {
      %mul3A_327 = arith.constant 4 : i32
      %mul3A_328 = arith.muli %mul3A_327, %while3A_326 : i32
      %add3A_329 = arith.constant 0 : i32
      %add3A_330 = arith.addi %mul3A_328, %add3A_329 : i32
      %lt3A = arith.cmpi slt, %add3A_330, %mul3A_28 : i32
      %convert_element_type3A_331 = arith.extui %lt3A : i1 to i32
      %cond3A_332 = arith.constant 0 : i32
      %cond3A_333 = arith.cmpi ne, %convert_element_type3A_331, %cond3A_332 : i32
      scf.if %cond3A_333 {
        %dma_wait3A = arith.constant 0 : i32
        %dma_wait3A_352 = arith.constant 0 : i32
        %dma_wait3A_353 = tpu.memref_slice %arg4[%dma_wait3A, %dma_wait3A_352] : memref<10000x128xf32, #tpu.memory_space<hbm>> -> memref<128x128xf32, #tpu.memory_space<hbm>>
        %dma_wait3A_354 = arith.constant 0 : i32
        %dma_wait3A_355 = arith.constant 0 : i32
        %dma_wait3A_356 = tpu.memref_slice %arg4[%dma_wait3A_354, %dma_wait3A_355] : memref<10000x128xf32, #tpu.memory_space<hbm>> -> memref<128x128xf32, #tpu.memory_space<hbm>>
        tpu.wait_dma2 semaphore(%arg22 : memref<!tpu.dma_semaphore, #tpu.memory_space<semaphore_mem>>) src(%dma_wait3A_356 : memref<128x128xf32, #tpu.memory_space<hbm>>) dst(%arg17 : memref<128x128xf32, #tpu.memory_space<vmem>>)
        %mul3A_357 = arith.constant 128 : i32
        %mul3A_358 = arith.muli %add3A_330, %mul3A_357 : i32
        "tpu.region"() ({
          %run_scoped3A_365 = tpu.sem_alloc : memref<!tpu.dma_semaphore, #tpu.memory_space<semaphore_mem>>
          %dma_start3A = tpu.memref_slice %arg15[%mul3A_358] : memref<10752xi32, #tpu.memory_space<vmem>> -> memref<128xi32, #tpu.memory_space<vmem>>
          %dma_start3A_366 = arith.constant 0 : i32
          %dma_start3A_367 = arith.constant 0 : i32
          %dma_start3A_368 = tpu.memref_slice %arg21[%dma_start3A_366, %dma_start3A_367] : memref<5008x128xf32, #tpu.memory_space<vmem_shared>> -> memref<5008x128xf32, #tpu.memory_space<vmem_shared>>
          tpu.enqueue_indirect_dma source(%arg17 : memref<128x128xf32, #tpu.memory_space<vmem>>) target(%dma_start3A_368 : memref<5008x128xf32, #tpu.memory_space<vmem_shared>>) offsets(%dma_start3A : memref<128xi32, #tpu.memory_space<vmem>>) semaphore(%run_scoped3A_365 : memref<!tpu.dma_semaphore, #tpu.memory_space<semaphore_mem>>) {add = true}
          %dma_wait3A_369 = tpu.memref_slice %arg15[%mul3A_358] : memref<10752xi32, #tpu.memory_space<vmem>> -> memref<128xi32, #tpu.memory_space<vmem>>
          %dma_wait3A_370 = arith.constant 0 : i32
          %dma_wait3A_371 = arith.constant 0 : i32
          %dma_wait3A_372 = tpu.memref_slice %arg21[%dma_wait3A_370, %dma_wait3A_371] : memref<5008x128xf32, #tpu.memory_space<vmem_shared>> -> memref<5008x128xf32, #tpu.memory_space<vmem_shared>>
          tpu.wait_indirect_dma semaphore(%run_scoped3A_365 : memref<!tpu.dma_semaphore, #tpu.memory_space<semaphore_mem>>) src(%arg17 : memref<128x128xf32, #tpu.memory_space<vmem>>) dst(%dma_wait3A_372 : memref<5008x128xf32, #tpu.memory_space<vmem_shared>>)
          tpu.yield
        }) : () -> ()
        %add3A_359 = arith.constant 4 : i32
        %add3A_360 = arith.addi %add3A_330, %add3A_359 : i32
        %lt3A_361 = arith.cmpi slt, %add3A_360, %mul3A_28 : i32
        %convert_element_type3A_362 = arith.extui %lt3A_361 : i1 to i32
        %cond3A_363 = arith.constant 0 : i32
        %cond3A_364 = arith.cmpi ne, %convert_element_type3A_362, %cond3A_363 : i32
        scf.if %cond3A_364 {
          %add3A_365 = arith.constant 4 : i32
          %add3A_366 = arith.addi %add3A_330, %add3A_365 : i32
          %mul3A_367 = arith.constant 128 : i32
          %mul3A_368 = arith.muli %add3A_366, %mul3A_367 : i32
          %dma_start3A = tpu.memref_slice %arg14[%mul3A_368] : memref<10752xi32, #tpu.memory_space<vmem>> -> memref<128xi32, #tpu.memory_space<vmem>>
          %dma_start3A_369 = arith.constant 0 : i32
          %dma_start3A_370 = arith.constant 0 : i32
          %dma_start3A_371 = tpu.memref_slice %arg4[%dma_start3A_369, %dma_start3A_370] : memref<10000x128xf32, #tpu.memory_space<hbm>> -> memref<10000x128xf32, #tpu.memory_space<hbm>>
          tpu.enqueue_indirect_dma source(%dma_start3A_371 : memref<10000x128xf32, #tpu.memory_space<hbm>>) target(%arg17 : memref<128x128xf32, #tpu.memory_space<vmem>>) offsets(%dma_start3A : memref<128xi32, #tpu.memory_space<vmem>>) semaphore(%arg22 : memref<!tpu.dma_semaphore, #tpu.memory_space<semaphore_mem>>)
        } else {
        }
      } else {
      }
      %add3A_334 = arith.constant 1 : i32
      %add3A_335 = arith.addi %mul3A_328, %add3A_334 : i32
      %lt3A_336 = arith.cmpi slt, %add3A_335, %mul3A_28 : i32
      %convert_element_type3A_337 = arith.extui %lt3A_336 : i1 to i32
      %cond3A_338 = arith.constant 0 : i32
      %cond3A_339 = arith.cmpi ne, %convert_element_type3A_337, %cond3A_338 : i32
      scf.if %cond3A_339 {
        %dma_wait3A = arith.constant 0 : i32
        %dma_wait3A_352 = arith.constant 0 : i32
        %dma_wait3A_353 = tpu.memref_slice %arg4[%dma_wait3A, %dma_wait3A_352] : memref<10000x128xf32, #tpu.memory_space<hbm>> -> memref<128x128xf32, #tpu.memory_space<hbm>>
        %dma_wait3A_354 = arith.constant 0 : i32
        %dma_wait3A_355 = arith.constant 0 : i32
        %dma_wait3A_356 = tpu.memref_slice %arg4[%dma_wait3A_354, %dma_wait3A_355] : memref<10000x128xf32, #tpu.memory_space<hbm>> -> memref<128x128xf32, #tpu.memory_space<hbm>>
        tpu.wait_dma2 semaphore(%arg23 : memref<!tpu.dma_semaphore, #tpu.memory_space<semaphore_mem>>) src(%dma_wait3A_356 : memref<128x128xf32, #tpu.memory_space<hbm>>) dst(%arg18 : memref<128x128xf32, #tpu.memory_space<vmem>>)
        %mul3A_357 = arith.constant 128 : i32
        %mul3A_358 = arith.muli %add3A_335, %mul3A_357 : i32
        "tpu.region"() ({
          %run_scoped3A_365 = tpu.sem_alloc : memref<!tpu.dma_semaphore, #tpu.memory_space<semaphore_mem>>
          %dma_start3A = tpu.memref_slice %arg15[%mul3A_358] : memref<10752xi32, #tpu.memory_space<vmem>> -> memref<128xi32, #tpu.memory_space<vmem>>
          %dma_start3A_366 = arith.constant 0 : i32
          %dma_start3A_367 = arith.constant 0 : i32
          %dma_start3A_368 = tpu.memref_slice %arg21[%dma_start3A_366, %dma_start3A_367] : memref<5008x128xf32, #tpu.memory_space<vmem_shared>> -> memref<5008x128xf32, #tpu.memory_space<vmem_shared>>
          tpu.enqueue_indirect_dma source(%arg18 : memref<128x128xf32, #tpu.memory_space<vmem>>) target(%dma_start3A_368 : memref<5008x128xf32, #tpu.memory_space<vmem_shared>>) offsets(%dma_start3A : memref<128xi32, #tpu.memory_space<vmem>>) semaphore(%run_scoped3A_365 : memref<!tpu.dma_semaphore, #tpu.memory_space<semaphore_mem>>) {add = true}
          %dma_wait3A_369 = tpu.memref_slice %arg15[%mul3A_358] : memref<10752xi32, #tpu.memory_space<vmem>> -> memref<128xi32, #tpu.memory_space<vmem>>
          %dma_wait3A_370 = arith.constant 0 : i32
          %dma_wait3A_371 = arith.constant 0 : i32
          %dma_wait3A_372 = tpu.memref_slice %arg21[%dma_wait3A_370, %dma_wait3A_371] : memref<5008x128xf32, #tpu.memory_space<vmem_shared>> -> memref<5008x128xf32, #tpu.memory_space<vmem_shared>>
          tpu.wait_indirect_dma semaphore(%run_scoped3A_365 : memref<!tpu.dma_semaphore, #tpu.memory_space<semaphore_mem>>) src(%arg18 : memref<128x128xf32, #tpu.memory_space<vmem>>) dst(%dma_wait3A_372 : memref<5008x128xf32, #tpu.memory_space<vmem_shared>>)
          tpu.yield
        }) : () -> ()
        %add3A_359 = arith.constant 4 : i32
        %add3A_360 = arith.addi %add3A_335, %add3A_359 : i32
        %lt3A_361 = arith.cmpi slt, %add3A_360, %mul3A_28 : i32
        %convert_element_type3A_362 = arith.extui %lt3A_361 : i1 to i32
        %cond3A_363 = arith.constant 0 : i32
        %cond3A_364 = arith.cmpi ne, %convert_element_type3A_362, %cond3A_363 : i32
        scf.if %cond3A_364 {
          %add3A_365 = arith.constant 4 : i32
          %add3A_366 = arith.addi %add3A_335, %add3A_365 : i32
          %mul3A_367 = arith.constant 128 : i32
          %mul3A_368 = arith.muli %add3A_366, %mul3A_367 : i32
          %dma_start3A = tpu.memref_slice %arg14[%mul3A_368] : memref<10752xi32, #tpu.memory_space<vmem>> -> memref<128xi32, #tpu.memory_space<vmem>>
          %dma_start3A_369 = arith.constant 0 : i32
          %dma_start3A_370 = arith.constant 0 : i32
          %dma_start3A_371 = tpu.memref_slice %arg4[%dma_start3A_369, %dma_start3A_370] : memref<10000x128xf32, #tpu.memory_space<hbm>> -> memref<10000x128xf32, #tpu.memory_space<hbm>>
          tpu.enqueue_indirect_dma source(%dma_start3A_371 : memref<10000x128xf32, #tpu.memory_space<hbm>>) target(%arg18 : memref<128x128xf32, #tpu.memory_space<vmem>>) offsets(%dma_start3A : memref<128xi32, #tpu.memory_space<vmem>>) semaphore(%arg23 : memref<!tpu.dma_semaphore, #tpu.memory_space<semaphore_mem>>)
        } else {
        }
      } else {
      }
      %add3A_340 = arith.constant 2 : i32
      %add3A_341 = arith.addi %mul3A_328, %add3A_340 : i32
      %lt3A_342 = arith.cmpi slt, %add3A_341, %mul3A_28 : i32
      %convert_element_type3A_343 = arith.extui %lt3A_342 : i1 to i32
      %cond3A_344 = arith.constant 0 : i32
      %cond3A_345 = arith.cmpi ne, %convert_element_type3A_343, %cond3A_344 : i32
      scf.if %cond3A_345 {
        %dma_wait3A = arith.constant 0 : i32
        %dma_wait3A_352 = arith.constant 0 : i32
        %dma_wait3A_353 = tpu.memref_slice %arg4[%dma_wait3A, %dma_wait3A_352] : memref<10000x128xf32, #tpu.memory_space<hbm>> -> memref<128x128xf32, #tpu.memory_space<hbm>>
        %dma_wait3A_354 = arith.constant 0 : i32
        %dma_wait3A_355 = arith.constant 0 : i32
        %dma_wait3A_356 = tpu.memref_slice %arg4[%dma_wait3A_354, %dma_wait3A_355] : memref<10000x128xf32, #tpu.memory_space<hbm>> -> memref<128x128xf32, #tpu.memory_space<hbm>>
        tpu.wait_dma2 semaphore(%arg22 : memref<!tpu.dma_semaphore, #tpu.memory_space<semaphore_mem>>) src(%dma_wait3A_356 : memref<128x128xf32, #tpu.memory_space<hbm>>) dst(%arg19 : memref<128x128xf32, #tpu.memory_space<vmem>>)
        %mul3A_357 = arith.constant 128 : i32
        %mul3A_358 = arith.muli %add3A_341, %mul3A_357 : i32
        "tpu.region"() ({
          %run_scoped3A_365 = tpu.sem_alloc : memref<!tpu.dma_semaphore, #tpu.memory_space<semaphore_mem>>
          %dma_start3A = tpu.memref_slice %arg15[%mul3A_358] : memref<10752xi32, #tpu.memory_space<vmem>> -> memref<128xi32, #tpu.memory_space<vmem>>
          %dma_start3A_366 = arith.constant 0 : i32
          %dma_start3A_367 = arith.constant 0 : i32
          %dma_start3A_368 = tpu.memref_slice %arg21[%dma_start3A_366, %dma_start3A_367] : memref<5008x128xf32, #tpu.memory_space<vmem_shared>> -> memref<5008x128xf32, #tpu.memory_space<vmem_shared>>
          tpu.enqueue_indirect_dma source(%arg19 : memref<128x128xf32, #tpu.memory_space<vmem>>) target(%dma_start3A_368 : memref<5008x128xf32, #tpu.memory_space<vmem_shared>>) offsets(%dma_start3A : memref<128xi32, #tpu.memory_space<vmem>>) semaphore(%run_scoped3A_365 : memref<!tpu.dma_semaphore, #tpu.memory_space<semaphore_mem>>) {add = true}
          %dma_wait3A_369 = tpu.memref_slice %arg15[%mul3A_358] : memref<10752xi32, #tpu.memory_space<vmem>> -> memref<128xi32, #tpu.memory_space<vmem>>
          %dma_wait3A_370 = arith.constant 0 : i32
          %dma_wait3A_371 = arith.constant 0 : i32
          %dma_wait3A_372 = tpu.memref_slice %arg21[%dma_wait3A_370, %dma_wait3A_371] : memref<5008x128xf32, #tpu.memory_space<vmem_shared>> -> memref<5008x128xf32, #tpu.memory_space<vmem_shared>>
          tpu.wait_indirect_dma semaphore(%run_scoped3A_365 : memref<!tpu.dma_semaphore, #tpu.memory_space<semaphore_mem>>) src(%arg19 : memref<128x128xf32, #tpu.memory_space<vmem>>) dst(%dma_wait3A_372 : memref<5008x128xf32, #tpu.memory_space<vmem_shared>>)
          tpu.yield
        }) : () -> ()
        %add3A_359 = arith.constant 4 : i32
        %add3A_360 = arith.addi %add3A_341, %add3A_359 : i32
        %lt3A_361 = arith.cmpi slt, %add3A_360, %mul3A_28 : i32
        %convert_element_type3A_362 = arith.extui %lt3A_361 : i1 to i32
        %cond3A_363 = arith.constant 0 : i32
        %cond3A_364 = arith.cmpi ne, %convert_element_type3A_362, %cond3A_363 : i32
        scf.if %cond3A_364 {
          %add3A_365 = arith.constant 4 : i32
          %add3A_366 = arith.addi %add3A_341, %add3A_365 : i32
          %mul3A_367 = arith.constant 128 : i32
          %mul3A_368 = arith.muli %add3A_366, %mul3A_367 : i32
          %dma_start3A = tpu.memref_slice %arg14[%mul3A_368] : memref<10752xi32, #tpu.memory_space<vmem>> -> memref<128xi32, #tpu.memory_space<vmem>>
          %dma_start3A_369 = arith.constant 0 : i32
          %dma_start3A_370 = arith.constant 0 : i32
          %dma_start3A_371 = tpu.memref_slice %arg4[%dma_start3A_369, %dma_start3A_370] : memref<10000x128xf32, #tpu.memory_space<hbm>> -> memref<10000x128xf32, #tpu.memory_space<hbm>>
          tpu.enqueue_indirect_dma source(%dma_start3A_371 : memref<10000x128xf32, #tpu.memory_space<hbm>>) target(%arg19 : memref<128x128xf32, #tpu.memory_space<vmem>>) offsets(%dma_start3A : memref<128xi32, #tpu.memory_space<vmem>>) semaphore(%arg22 : memref<!tpu.dma_semaphore, #tpu.memory_space<semaphore_mem>>)
        } else {
        }
      } else {
      }
      %add3A_346 = arith.constant 3 : i32
      %add3A_347 = arith.addi %mul3A_328, %add3A_346 : i32
      %lt3A_348 = arith.cmpi slt, %add3A_347, %mul3A_28 : i32
      %convert_element_type3A_349 = arith.extui %lt3A_348 : i1 to i32
      %cond3A_350 = arith.constant 0 : i32
      %cond3A_351 = arith.cmpi ne, %convert_element_type3A_349, %cond3A_350 : i32
      scf.if %cond3A_351 {
        %dma_wait3A = arith.constant 0 : i32
        %dma_wait3A_352 = arith.constant 0 : i32
        %dma_wait3A_353 = tpu.memref_slice %arg4[%dma_wait3A, %dma_wait3A_352] : memref<10000x128xf32, #tpu.memory_space<hbm>> -> memref<128x128xf32, #tpu.memory_space<hbm>>
        %dma_wait3A_354 = arith.constant 0 : i32
        %dma_wait3A_355 = arith.constant 0 : i32
        %dma_wait3A_356 = tpu.memref_slice %arg4[%dma_wait3A_354, %dma_wait3A_355] : memref<10000x128xf32, #tpu.memory_space<hbm>> -> memref<128x128xf32, #tpu.memory_space<hbm>>
        tpu.wait_dma2 semaphore(%arg23 : memref<!tpu.dma_semaphore, #tpu.memory_space<semaphore_mem>>) src(%dma_wait3A_356 : memref<128x128xf32, #tpu.memory_space<hbm>>) dst(%arg20 : memref<128x128xf32, #tpu.memory_space<vmem>>)
        %mul3A_357 = arith.constant 128 : i32
        %mul3A_358 = arith.muli %add3A_347, %mul3A_357 : i32
        "tpu.region"() ({
          %run_scoped3A_365 = tpu.sem_alloc : memref<!tpu.dma_semaphore, #tpu.memory_space<semaphore_mem>>
          %dma_start3A = tpu.memref_slice %arg15[%mul3A_358] : memref<10752xi32, #tpu.memory_space<vmem>> -> memref<128xi32, #tpu.memory_space<vmem>>
          %dma_start3A_366 = arith.constant 0 : i32
          %dma_start3A_367 = arith.constant 0 : i32
          %dma_start3A_368 = tpu.memref_slice %arg21[%dma_start3A_366, %dma_start3A_367] : memref<5008x128xf32, #tpu.memory_space<vmem_shared>> -> memref<5008x128xf32, #tpu.memory_space<vmem_shared>>
          tpu.enqueue_indirect_dma source(%arg20 : memref<128x128xf32, #tpu.memory_space<vmem>>) target(%dma_start3A_368 : memref<5008x128xf32, #tpu.memory_space<vmem_shared>>) offsets(%dma_start3A : memref<128xi32, #tpu.memory_space<vmem>>) semaphore(%run_scoped3A_365 : memref<!tpu.dma_semaphore, #tpu.memory_space<semaphore_mem>>) {add = true}
          %dma_wait3A_369 = tpu.memref_slice %arg15[%mul3A_358] : memref<10752xi32, #tpu.memory_space<vmem>> -> memref<128xi32, #tpu.memory_space<vmem>>
          %dma_wait3A_370 = arith.constant 0 : i32
          %dma_wait3A_371 = arith.constant 0 : i32
          %dma_wait3A_372 = tpu.memref_slice %arg21[%dma_wait3A_370, %dma_wait3A_371] : memref<5008x128xf32, #tpu.memory_space<vmem_shared>> -> memref<5008x128xf32, #tpu.memory_space<vmem_shared>>
          tpu.wait_indirect_dma semaphore(%run_scoped3A_365 : memref<!tpu.dma_semaphore, #tpu.memory_space<semaphore_mem>>) src(%arg20 : memref<128x128xf32, #tpu.memory_space<vmem>>) dst(%dma_wait3A_372 : memref<5008x128xf32, #tpu.memory_space<vmem_shared>>)
          tpu.yield
        }) : () -> ()
        %add3A_359 = arith.constant 4 : i32
        %add3A_360 = arith.addi %add3A_347, %add3A_359 : i32
        %lt3A_361 = arith.cmpi slt, %add3A_360, %mul3A_28 : i32
        %convert_element_type3A_362 = arith.extui %lt3A_361 : i1 to i32
        %cond3A_363 = arith.constant 0 : i32
        %cond3A_364 = arith.cmpi ne, %convert_element_type3A_362, %cond3A_363 : i32
        scf.if %cond3A_364 {
          %add3A_365 = arith.constant 4 : i32
          %add3A_366 = arith.addi %add3A_347, %add3A_365 : i32
          %mul3A_367 = arith.constant 128 : i32
          %mul3A_368 = arith.muli %add3A_366, %mul3A_367 : i32
          %dma_start3A = tpu.memref_slice %arg14[%mul3A_368] : memref<10752xi32, #tpu.memory_space<vmem>> -> memref<128xi32, #tpu.memory_space<vmem>>
          %dma_start3A_369 = arith.constant 0 : i32
          %dma_start3A_370 = arith.constant 0 : i32
          %dma_start3A_371 = tpu.memref_slice %arg4[%dma_start3A_369, %dma_start3A_370] : memref<10000x128xf32, #tpu.memory_space<hbm>> -> memref<10000x128xf32, #tpu.memory_space<hbm>>
          tpu.enqueue_indirect_dma source(%dma_start3A_371 : memref<10000x128xf32, #tpu.memory_space<hbm>>) target(%arg20 : memref<128x128xf32, #tpu.memory_space<vmem>>) offsets(%dma_start3A : memref<128xi32, #tpu.memory_space<vmem>>) semaphore(%arg23 : memref<!tpu.dma_semaphore, #tpu.memory_space<semaphore_mem>>)
        } else {
        }
      } else {
      }
    }
    %while3A_238 = arith.constant 1 : i32
    scf.for %while3A_326 = %while3A_236 to %while3A_232 step %while3A_238  : i32 {
      %mul3A_327 = arith.constant 4 : i32
      %mul3A_328 = arith.muli %mul3A_327, %while3A_326 : i32
      %add3A_329 = arith.constant 0 : i32
      %add3A_330 = arith.addi %mul3A_328, %add3A_329 : i32
      %lt3A = arith.cmpi slt, %add3A_330, %mul3A_28 : i32
      %convert_element_type3A_331 = arith.extui %lt3A : i1 to i32
      %cond3A_332 = arith.constant 0 : i32
      %cond3A_333 = arith.cmpi ne, %convert_element_type3A_331, %cond3A_332 : i32
      scf.if %cond3A_333 {
        %dma_wait3A = arith.constant 0 : i32
        %dma_wait3A_352 = arith.constant 0 : i32
        %dma_wait3A_353 = tpu.memref_slice %arg4[%dma_wait3A, %dma_wait3A_352] : memref<10000x128xf32, #tpu.memory_space<hbm>> -> memref<128x128xf32, #tpu.memory_space<hbm>>
        %dma_wait3A_354 = arith.constant 0 : i32
        %dma_wait3A_355 = arith.constant 0 : i32
        %dma_wait3A_356 = tpu.memref_slice %arg4[%dma_wait3A_354, %dma_wait3A_355] : memref<10000x128xf32, #tpu.memory_space<hbm>> -> memref<128x128xf32, #tpu.memory_space<hbm>>
        tpu.wait_dma2 semaphore(%arg22 : memref<!tpu.dma_semaphore, #tpu.memory_space<semaphore_mem>>) src(%dma_wait3A_356 : memref<128x128xf32, #tpu.memory_space<hbm>>) dst(%arg17 : memref<128x128xf32, #tpu.memory_space<vmem>>)
        %mul3A_357 = arith.constant 128 : i32
        %mul3A_358 = arith.muli %add3A_330, %mul3A_357 : i32
        "tpu.region"() ({
          %run_scoped3A_365 = tpu.sem_alloc : memref<!tpu.dma_semaphore, #tpu.memory_space<semaphore_mem>>
          %dma_start3A = tpu.memref_slice %arg15[%mul3A_358] : memref<10752xi32, #tpu.memory_space<vmem>> -> memref<128xi32, #tpu.memory_space<vmem>>
          %dma_start3A_366 = arith.constant 0 : i32
          %dma_start3A_367 = arith.constant 0 : i32
          %dma_start3A_368 = tpu.memref_slice %arg21[%dma_start3A_366, %dma_start3A_367] : memref<5008x128xf32, #tpu.memory_space<vmem_shared>> -> memref<5008x128xf32, #tpu.memory_space<vmem_shared>>
          tpu.enqueue_indirect_dma source(%arg17 : memref<128x128xf32, #tpu.memory_space<vmem>>) target(%dma_start3A_368 : memref<5008x128xf32, #tpu.memory_space<vmem_shared>>) offsets(%dma_start3A : memref<128xi32, #tpu.memory_space<vmem>>) semaphore(%run_scoped3A_365 : memref<!tpu.dma_semaphore, #tpu.memory_space<semaphore_mem>>) {add = true}
          %dma_wait3A_369 = tpu.memref_slice %arg15[%mul3A_358] : memref<10752xi32, #tpu.memory_space<vmem>> -> memref<128xi32, #tpu.memory_space<vmem>>
          %dma_wait3A_370 = arith.constant 0 : i32
          %dma_wait3A_371 = arith.constant 0 : i32
          %dma_wait3A_372 = tpu.memref_slice %arg21[%dma_wait3A_370, %dma_wait3A_371] : memref<5008x128xf32, #tpu.memory_space<vmem_shared>> -> memref<5008x128xf32, #tpu.memory_space<vmem_shared>>
          tpu.wait_indirect_dma semaphore(%run_scoped3A_365 : memref<!tpu.dma_semaphore, #tpu.memory_space<semaphore_mem>>) src(%arg17 : memref<128x128xf32, #tpu.memory_space<vmem>>) dst(%dma_wait3A_372 : memref<5008x128xf32, #tpu.memory_space<vmem_shared>>)
          tpu.yield
        }) : () -> ()
        %add3A_359 = arith.constant 4 : i32
        %add3A_360 = arith.addi %add3A_330, %add3A_359 : i32
        %lt3A_361 = arith.cmpi slt, %add3A_360, %mul3A_28 : i32
        %convert_element_type3A_362 = arith.extui %lt3A_361 : i1 to i32
        %cond3A_363 = arith.constant 0 : i32
        %cond3A_364 = arith.cmpi ne, %convert_element_type3A_362, %cond3A_363 : i32
        scf.if %cond3A_364 {
          %add3A_365 = arith.constant 4 : i32
          %add3A_366 = arith.addi %add3A_330, %add3A_365 : i32
          %mul3A_367 = arith.constant 128 : i32
          %mul3A_368 = arith.muli %add3A_366, %mul3A_367 : i32
          %dma_start3A = tpu.memref_slice %arg14[%mul3A_368] : memref<10752xi32, #tpu.memory_space<vmem>> -> memref<128xi32, #tpu.memory_space<vmem>>
          %dma_start3A_369 = arith.constant 0 : i32
          %dma_start3A_370 = arith.constant 0 : i32
          %dma_start3A_371 = tpu.memref_slice %arg4[%dma_start3A_369, %dma_start3A_370] : memref<10000x128xf32, #tpu.memory_space<hbm>> -> memref<10000x128xf32, #tpu.memory_space<hbm>>
          tpu.enqueue_indirect_dma source(%dma_start3A_371 : memref<10000x128xf32, #tpu.memory_space<hbm>>) target(%arg17 : memref<128x128xf32, #tpu.memory_space<vmem>>) offsets(%dma_start3A : memref<128xi32, #tpu.memory_space<vmem>>) semaphore(%arg22 : memref<!tpu.dma_semaphore, #tpu.memory_space<semaphore_mem>>)
        } else {
        }
      } else {
      }
      %add3A_334 = arith.constant 1 : i32
      %add3A_335 = arith.addi %mul3A_328, %add3A_334 : i32
      %lt3A_336 = arith.cmpi slt, %add3A_335, %mul3A_28 : i32
      %convert_element_type3A_337 = arith.extui %lt3A_336 : i1 to i32
      %cond3A_338 = arith.constant 0 : i32
      %cond3A_339 = arith.cmpi ne, %convert_element_type3A_337, %cond3A_338 : i32
      scf.if %cond3A_339 {
        %dma_wait3A = arith.constant 0 : i32
        %dma_wait3A_352 = arith.constant 0 : i32
        %dma_wait3A_353 = tpu.memref_slice %arg4[%dma_wait3A, %dma_wait3A_352] : memref<10000x128xf32, #tpu.memory_space<hbm>> -> memref<128x128xf32, #tpu.memory_space<hbm>>
        %dma_wait3A_354 = arith.constant 0 : i32
        %dma_wait3A_355 = arith.constant 0 : i32
        %dma_wait3A_356 = tpu.memref_slice %arg4[%dma_wait3A_354, %dma_wait3A_355] : memref<10000x128xf32, #tpu.memory_space<hbm>> -> memref<128x128xf32, #tpu.memory_space<hbm>>
        tpu.wait_dma2 semaphore(%arg23 : memref<!tpu.dma_semaphore, #tpu.memory_space<semaphore_mem>>) src(%dma_wait3A_356 : memref<128x128xf32, #tpu.memory_space<hbm>>) dst(%arg18 : memref<128x128xf32, #tpu.memory_space<vmem>>)
        %mul3A_357 = arith.constant 128 : i32
        %mul3A_358 = arith.muli %add3A_335, %mul3A_357 : i32
        "tpu.region"() ({
          %run_scoped3A_365 = tpu.sem_alloc : memref<!tpu.dma_semaphore, #tpu.memory_space<semaphore_mem>>
          %dma_start3A = tpu.memref_slice %arg15[%mul3A_358] : memref<10752xi32, #tpu.memory_space<vmem>> -> memref<128xi32, #tpu.memory_space<vmem>>
          %dma_start3A_366 = arith.constant 0 : i32
          %dma_start3A_367 = arith.constant 0 : i32
          %dma_start3A_368 = tpu.memref_slice %arg21[%dma_start3A_366, %dma_start3A_367] : memref<5008x128xf32, #tpu.memory_space<vmem_shared>> -> memref<5008x128xf32, #tpu.memory_space<vmem_shared>>
          tpu.enqueue_indirect_dma source(%arg18 : memref<128x128xf32, #tpu.memory_space<vmem>>) target(%dma_start3A_368 : memref<5008x128xf32, #tpu.memory_space<vmem_shared>>) offsets(%dma_start3A : memref<128xi32, #tpu.memory_space<vmem>>) semaphore(%run_scoped3A_365 : memref<!tpu.dma_semaphore, #tpu.memory_space<semaphore_mem>>) {add = true}
          %dma_wait3A_369 = tpu.memref_slice %arg15[%mul3A_358] : memref<10752xi32, #tpu.memory_space<vmem>> -> memref<128xi32, #tpu.memory_space<vmem>>
          %dma_wait3A_370 = arith.constant 0 : i32
          %dma_wait3A_371 = arith.constant 0 : i32
          %dma_wait3A_372 = tpu.memref_slice %arg21[%dma_wait3A_370, %dma_wait3A_371] : memref<5008x128xf32, #tpu.memory_space<vmem_shared>> -> memref<5008x128xf32, #tpu.memory_space<vmem_shared>>
          tpu.wait_indirect_dma semaphore(%run_scoped3A_365 : memref<!tpu.dma_semaphore, #tpu.memory_space<semaphore_mem>>) src(%arg18 : memref<128x128xf32, #tpu.memory_space<vmem>>) dst(%dma_wait3A_372 : memref<5008x128xf32, #tpu.memory_space<vmem_shared>>)
          tpu.yield
        }) : () -> ()
        %add3A_359 = arith.constant 4 : i32
        %add3A_360 = arith.addi %add3A_335, %add3A_359 : i32
        %lt3A_361 = arith.cmpi slt, %add3A_360, %mul3A_28 : i32
        %convert_element_type3A_362 = arith.extui %lt3A_361 : i1 to i32
        %cond3A_363 = arith.constant 0 : i32
        %cond3A_364 = arith.cmpi ne, %convert_element_type3A_362, %cond3A_363 : i32
        scf.if %cond3A_364 {
          %add3A_365 = arith.constant 4 : i32
          %add3A_366 = arith.addi %add3A_335, %add3A_365 : i32
          %mul3A_367 = arith.constant 128 : i32
          %mul3A_368 = arith.muli %add3A_366, %mul3A_367 : i32
          %dma_start3A = tpu.memref_slice %arg14[%mul3A_368] : memref<10752xi32, #tpu.memory_space<vmem>> -> memref<128xi32, #tpu.memory_space<vmem>>
          %dma_start3A_369 = arith.constant 0 : i32
          %dma_start3A_370 = arith.constant 0 : i32
          %dma_start3A_371 = tpu.memref_slice %arg4[%dma_start3A_369, %dma_start3A_370] : memref<10000x128xf32, #tpu.memory_space<hbm>> -> memref<10000x128xf32, #tpu.memory_space<hbm>>
          tpu.enqueue_indirect_dma source(%dma_start3A_371 : memref<10000x128xf32, #tpu.memory_space<hbm>>) target(%arg18 : memref<128x128xf32, #tpu.memory_space<vmem>>) offsets(%dma_start3A : memref<128xi32, #tpu.memory_space<vmem>>) semaphore(%arg23 : memref<!tpu.dma_semaphore, #tpu.memory_space<semaphore_mem>>)
        } else {
        }
      } else {
      }
      %add3A_340 = arith.constant 2 : i32
      %add3A_341 = arith.addi %mul3A_328, %add3A_340 : i32
      %lt3A_342 = arith.cmpi slt, %add3A_341, %mul3A_28 : i32
      %convert_element_type3A_343 = arith.extui %lt3A_342 : i1 to i32
      %cond3A_344 = arith.constant 0 : i32
      %cond3A_345 = arith.cmpi ne, %convert_element_type3A_343, %cond3A_344 : i32
      scf.if %cond3A_345 {
        %dma_wait3A = arith.constant 0 : i32
        %dma_wait3A_352 = arith.constant 0 : i32
        %dma_wait3A_353 = tpu.memref_slice %arg4[%dma_wait3A, %dma_wait3A_352] : memref<10000x128xf32, #tpu.memory_space<hbm>> -> memref<128x128xf32, #tpu.memory_space<hbm>>
        %dma_wait3A_354 = arith.constant 0 : i32
        %dma_wait3A_355 = arith.constant 0 : i32
        %dma_wait3A_356 = tpu.memref_slice %arg4[%dma_wait3A_354, %dma_wait3A_355] : memref<10000x128xf32, #tpu.memory_space<hbm>> -> memref<128x128xf32, #tpu.memory_space<hbm>>
        tpu.wait_dma2 semaphore(%arg22 : memref<!tpu.dma_semaphore, #tpu.memory_space<semaphore_mem>>) src(%dma_wait3A_356 : memref<128x128xf32, #tpu.memory_space<hbm>>) dst(%arg19 : memref<128x128xf32, #tpu.memory_space<vmem>>)
        %mul3A_357 = arith.constant 128 : i32
        %mul3A_358 = arith.muli %add3A_341, %mul3A_357 : i32
        "tpu.region"() ({
          %run_scoped3A_365 = tpu.sem_alloc : memref<!tpu.dma_semaphore, #tpu.memory_space<semaphore_mem>>
          %dma_start3A = tpu.memref_slice %arg15[%mul3A_358] : memref<10752xi32, #tpu.memory_space<vmem>> -> memref<128xi32, #tpu.memory_space<vmem>>
          %dma_start3A_366 = arith.constant 0 : i32
          %dma_start3A_367 = arith.constant 0 : i32
          %dma_start3A_368 = tpu.memref_slice %arg21[%dma_start3A_366, %dma_start3A_367] : memref<5008x128xf32, #tpu.memory_space<vmem_shared>> -> memref<5008x128xf32, #tpu.memory_space<vmem_shared>>
          tpu.enqueue_indirect_dma source(%arg19 : memref<128x128xf32, #tpu.memory_space<vmem>>) target(%dma_start3A_368 : memref<5008x128xf32, #tpu.memory_space<vmem_shared>>) offsets(%dma_start3A : memref<128xi32, #tpu.memory_space<vmem>>) semaphore(%run_scoped3A_365 : memref<!tpu.dma_semaphore, #tpu.memory_space<semaphore_mem>>) {add = true}
          %dma_wait3A_369 = tpu.memref_slice %arg15[%mul3A_358] : memref<10752xi32, #tpu.memory_space<vmem>> -> memref<128xi32, #tpu.memory_space<vmem>>
          %dma_wait3A_370 = arith.constant 0 : i32
          %dma_wait3A_371 = arith.constant 0 : i32
          %dma_wait3A_372 = tpu.memref_slice %arg21[%dma_wait3A_370, %dma_wait3A_371] : memref<5008x128xf32, #tpu.memory_space<vmem_shared>> -> memref<5008x128xf32, #tpu.memory_space<vmem_shared>>
          tpu.wait_indirect_dma semaphore(%run_scoped3A_365 : memref<!tpu.dma_semaphore, #tpu.memory_space<semaphore_mem>>) src(%arg19 : memref<128x128xf32, #tpu.memory_space<vmem>>) dst(%dma_wait3A_372 : memref<5008x128xf32, #tpu.memory_space<vmem_shared>>)
          tpu.yield
        }) : () -> ()
        %add3A_359 = arith.constant 4 : i32
        %add3A_360 = arith.addi %add3A_341, %add3A_359 : i32
        %lt3A_361 = arith.cmpi slt, %add3A_360, %mul3A_28 : i32
        %convert_element_type3A_362 = arith.extui %lt3A_361 : i1 to i32
        %cond3A_363 = arith.constant 0 : i32
        %cond3A_364 = arith.cmpi ne, %convert_element_type3A_362, %cond3A_363 : i32
        scf.if %cond3A_364 {
          %add3A_365 = arith.constant 4 : i32
          %add3A_366 = arith.addi %add3A_341, %add3A_365 : i32
          %mul3A_367 = arith.constant 128 : i32
          %mul3A_368 = arith.muli %add3A_366, %mul3A_367 : i32
          %dma_start3A = tpu.memref_slice %arg14[%mul3A_368] : memref<10752xi32, #tpu.memory_space<vmem>> -> memref<128xi32, #tpu.memory_space<vmem>>
          %dma_start3A_369 = arith.constant 0 : i32
          %dma_start3A_370 = arith.constant 0 : i32
          %dma_start3A_371 = tpu.memref_slice %arg4[%dma_start3A_369, %dma_start3A_370] : memref<10000x128xf32, #tpu.memory_space<hbm>> -> memref<10000x128xf32, #tpu.memory_space<hbm>>
          tpu.enqueue_indirect_dma source(%dma_start3A_371 : memref<10000x128xf32, #tpu.memory_space<hbm>>) target(%arg19 : memref<128x128xf32, #tpu.memory_space<vmem>>) offsets(%dma_start3A : memref<128xi32, #tpu.memory_space<vmem>>) semaphore(%arg22 : memref<!tpu.dma_semaphore, #tpu.memory_space<semaphore_mem>>)
        } else {
        }
      } else {
      }
      %add3A_346 = arith.constant 3 : i32
      %add3A_347 = arith.addi %mul3A_328, %add3A_346 : i32
      %lt3A_348 = arith.cmpi slt, %add3A_347, %mul3A_28 : i32
      %convert_element_type3A_349 = arith.extui %lt3A_348 : i1 to i32
      %cond3A_350 = arith.constant 0 : i32
      %cond3A_351 = arith.cmpi ne, %convert_element_type3A_349, %cond3A_350 : i32
      scf.if %cond3A_351 {
        %dma_wait3A = arith.constant 0 : i32
        %dma_wait3A_352 = arith.constant 0 : i32
        %dma_wait3A_353 = tpu.memref_slice %arg4[%dma_wait3A, %dma_wait3A_352] : memref<10000x128xf32, #tpu.memory_space<hbm>> -> memref<128x128xf32, #tpu.memory_space<hbm>>
        %dma_wait3A_354 = arith.constant 0 : i32
        %dma_wait3A_355 = arith.constant 0 : i32
        %dma_wait3A_356 = tpu.memref_slice %arg4[%dma_wait3A_354, %dma_wait3A_355] : memref<10000x128xf32, #tpu.memory_space<hbm>> -> memref<128x128xf32, #tpu.memory_space<hbm>>
        tpu.wait_dma2 semaphore(%arg23 : memref<!tpu.dma_semaphore, #tpu.memory_space<semaphore_mem>>) src(%dma_wait3A_356 : memref<128x128xf32, #tpu.memory_space<hbm>>) dst(%arg20 : memref<128x128xf32, #tpu.memory_space<vmem>>)
        %mul3A_357 = arith.constant 128 : i32
        %mul3A_358 = arith.muli %add3A_347, %mul3A_357 : i32
        "tpu.region"() ({
          %run_scoped3A_365 = tpu.sem_alloc : memref<!tpu.dma_semaphore, #tpu.memory_space<semaphore_mem>>
          %dma_start3A = tpu.memref_slice %arg15[%mul3A_358] : memref<10752xi32, #tpu.memory_space<vmem>> -> memref<128xi32, #tpu.memory_space<vmem>>
          %dma_start3A_366 = arith.constant 0 : i32
          %dma_start3A_367 = arith.constant 0 : i32
          %dma_start3A_368 = tpu.memref_slice %arg21[%dma_start3A_366, %dma_start3A_367] : memref<5008x128xf32, #tpu.memory_space<vmem_shared>> -> memref<5008x128xf32, #tpu.memory_space<vmem_shared>>
          tpu.enqueue_indirect_dma source(%arg20 : memref<128x128xf32, #tpu.memory_space<vmem>>) target(%dma_start3A_368 : memref<5008x128xf32, #tpu.memory_space<vmem_shared>>) offsets(%dma_start3A : memref<128xi32, #tpu.memory_space<vmem>>) semaphore(%run_scoped3A_365 : memref<!tpu.dma_semaphore, #tpu.memory_space<semaphore_mem>>) {add = true}
          %dma_wait3A_369 = tpu.memref_slice %arg15[%mul3A_358] : memref<10752xi32, #tpu.memory_space<vmem>> -> memref<128xi32, #tpu.memory_space<vmem>>
          %dma_wait3A_370 = arith.constant 0 : i32
          %dma_wait3A_371 = arith.constant 0 : i32
          %dma_wait3A_372 = tpu.memref_slice %arg21[%dma_wait3A_370, %dma_wait3A_371] : memref<5008x128xf32, #tpu.memory_space<vmem_shared>> -> memref<5008x128xf32, #tpu.memory_space<vmem_shared>>
          tpu.wait_indirect_dma semaphore(%run_scoped3A_365 : memref<!tpu.dma_semaphore, #tpu.memory_space<semaphore_mem>>) src(%arg20 : memref<128x128xf32, #tpu.memory_space<vmem>>) dst(%dma_wait3A_372 : memref<5008x128xf32, #tpu.memory_space<vmem_shared>>)
          tpu.yield
        }) : () -> ()
        %add3A_359 = arith.constant 4 : i32
        %add3A_360 = arith.addi %add3A_347, %add3A_359 : i32
        %lt3A_361 = arith.cmpi slt, %add3A_360, %mul3A_28 : i32
        %convert_element_type3A_362 = arith.extui %lt3A_361 : i1 to i32
        %cond3A_363 = arith.constant 0 : i32
        %cond3A_364 = arith.cmpi ne, %convert_element_type3A_362, %cond3A_363 : i32
        scf.if %cond3A_364 {
          %add3A_365 = arith.constant 4 : i32
          %add3A_366 = arith.addi %add3A_347, %add3A_365 : i32
          %mul3A_367 = arith.constant 128 : i32
          %mul3A_368 = arith.muli %add3A_366, %mul3A_367 : i32
          %dma_start3A = tpu.memref_slice %arg14[%mul3A_368] : memref<10752xi32, #tpu.memory_space<vmem>> -> memref<128xi32, #tpu.memory_space<vmem>>
          %dma_start3A_369 = arith.constant 0 : i32
          %dma_start3A_370 = arith.constant 0 : i32
          %dma_start3A_371 = tpu.memref_slice %arg4[%dma_start3A_369, %dma_start3A_370] : memref<10000x128xf32, #tpu.memory_space<hbm>> -> memref<10000x128xf32, #tpu.memory_space<hbm>>
          tpu.enqueue_indirect_dma source(%dma_start3A_371 : memref<10000x128xf32, #tpu.memory_space<hbm>>) target(%arg20 : memref<128x128xf32, #tpu.memory_space<vmem>>) offsets(%dma_start3A : memref<128xi32, #tpu.memory_space<vmem>>) semaphore(%arg23 : memref<!tpu.dma_semaphore, #tpu.memory_space<semaphore_mem>>)
        } else {
        }
      } else {
      }
    }
    %barrier3A_239 = arith.constant 0 : index
    tpu.barrier barrier_id(%barrier3A_239)
    %mul3A_240 = arith.constant 312 : i32
    %mul3A_241 = arith.muli %arg1, %mul3A_240 : i32
    %mul3A_242 = arith.constant 312 : i32
    %mul3A_243 = arith.muli %arg1, %mul3A_242 : i32
    %add3A_244 = arith.addi %mul3A_0, %mul3A_243 : i32
    "tpu.region"() ({
      %run_scoped3A_326 = tpu.sem_alloc : memref<!tpu.dma_semaphore, #tpu.memory_space<semaphore_mem>>
      %dma_start3A = arith.constant 0 : i32
      %dma_start3A_327 = tpu.memref_slice %arg12[%add3A_244, %dma_start3A] : memref<10000x128xf32, #tpu.memory_space<hbm>> -> memref<312x128xf32, #tpu.memory_space<hbm>>
      %dma_start3A_328 = arith.constant 0 : i32
      %dma_start3A_329 = tpu.memref_slice %arg21[%mul3A_241, %dma_start3A_328] : memref<5008x128xf32, #tpu.memory_space<vmem_shared>> -> memref<312x128xf32, #tpu.memory_space<vmem_shared>>
      tpu.enqueue_dma source(%dma_start3A_329 : memref<312x128xf32, #tpu.memory_space<vmem_shared>>) target(%dma_start3A_327 : memref<312x128xf32, #tpu.memory_space<hbm>>) target_semaphore(%run_scoped3A_326 : memref<!tpu.dma_semaphore, #tpu.memory_space<semaphore_mem>>)
      %dma_wait3A = arith.constant 0 : i32
      %dma_wait3A_330 = tpu.memref_slice %arg12[%add3A_244, %dma_wait3A] : memref<10000x128xf32, #tpu.memory_space<hbm>> -> memref<312x128xf32, #tpu.memory_space<hbm>>
      %dma_wait3A_331 = arith.constant 0 : i32
      %dma_wait3A_332 = tpu.memref_slice %arg21[%mul3A_241, %dma_wait3A_331] : memref<5008x128xf32, #tpu.memory_space<vmem_shared>> -> memref<312x128xf32, #tpu.memory_space<vmem_shared>>
      tpu.wait_dma2 semaphore(%run_scoped3A_326 : memref<!tpu.dma_semaphore, #tpu.memory_space<semaphore_mem>>) src(%dma_wait3A_332 : memref<312x128xf32, #tpu.memory_space<vmem_shared>>) dst(%dma_wait3A_330 : memref<312x128xf32, #tpu.memory_space<hbm>>)
      tpu.yield
    }) : () -> ()
    %eq3A_245 = arith.constant 15 : i32
    %eq3A_246 = arith.cmpi eq, %arg1, %eq3A_245 : i32
    %convert_element_type3A_247 = arith.extui %eq3A_246 : i1 to i32
    %cond3A_248 = arith.constant 0 : i32
    %cond3A_249 = arith.cmpi ne, %convert_element_type3A_247, %cond3A_248 : i32
    scf.if %cond3A_249 {
      %add3A_326 = arith.constant 4992 : i32
      %add3A_327 = arith.addi %mul3A_0, %add3A_326 : i32
      "tpu.region"() ({
        %run_scoped3A_328 = tpu.sem_alloc : memref<!tpu.dma_semaphore, #tpu.memory_space<semaphore_mem>>
        %dma_start3A = arith.constant 0 : i32
        %dma_start3A_329 = tpu.memref_slice %arg12[%add3A_327, %dma_start3A] : memref<10000x128xf32, #tpu.memory_space<hbm>> -> memref<8x128xf32, #tpu.memory_space<hbm>>
        %dma_start3A_330 = arith.constant 4992 : i32
        %dma_start3A_331 = arith.constant 0 : i32
        %dma_start3A_332 = tpu.memref_slice %arg21[%dma_start3A_330, %dma_start3A_331] : memref<5008x128xf32, #tpu.memory_space<vmem_shared>> -> memref<8x128xf32, #tpu.memory_space<vmem_shared>>
        tpu.enqueue_dma source(%dma_start3A_332 : memref<8x128xf32, #tpu.memory_space<vmem_shared>>) target(%dma_start3A_329 : memref<8x128xf32, #tpu.memory_space<hbm>>) target_semaphore(%run_scoped3A_328 : memref<!tpu.dma_semaphore, #tpu.memory_space<semaphore_mem>>)
        %dma_wait3A = arith.constant 0 : i32
        %dma_wait3A_333 = tpu.memref_slice %arg12[%add3A_327, %dma_wait3A] : memref<10000x128xf32, #tpu.memory_space<hbm>> -> memref<8x128xf32, #tpu.memory_space<hbm>>
        %dma_wait3A_334 = arith.constant 4992 : i32
        %dma_wait3A_335 = arith.constant 0 : i32
        %dma_wait3A_336 = tpu.memref_slice %arg21[%dma_wait3A_334, %dma_wait3A_335] : memref<5008x128xf32, #tpu.memory_space<vmem_shared>> -> memref<8x128xf32, #tpu.memory_space<vmem_shared>>
        tpu.wait_dma2 semaphore(%run_scoped3A_328 : memref<!tpu.dma_semaphore, #tpu.memory_space<semaphore_mem>>) src(%dma_wait3A_336 : memref<8x128xf32, #tpu.memory_space<vmem_shared>>) dst(%dma_wait3A_333 : memref<8x128xf32, #tpu.memory_space<hbm>>)
        tpu.yield
      }) : () -> ()
    } else {
    }
    %barrier3A_250 = arith.constant 0 : index
    tpu.barrier barrier_id(%barrier3A_250)
    %mul3A_251 = arith.constant 312 : i32
    %mul3A_252 = arith.muli %arg1, %mul3A_251 : i32
    "tpu.region"() ({
      %run_scoped3A_326 = tpu.sem_alloc : memref<!tpu.dma_semaphore, #tpu.memory_space<semaphore_mem>>
      %dma_start3A = arith.constant 0 : i32
      %dma_start3A_327 = tpu.memref_slice %arg21[%mul3A_252, %dma_start3A] : memref<5008x128xf32, #tpu.memory_space<vmem_shared>> -> memref<312x128xf32, #tpu.memory_space<vmem_shared>>
      %dma_start3A_328 = arith.constant 0 : i32
      %dma_start3A_329 = arith.constant 0 : i32
      %dma_start3A_330 = tpu.memref_slice %arg9[%dma_start3A_328, %dma_start3A_329] : memref<312x128xf32, #tpu.memory_space<hbm>> -> memref<312x128xf32, #tpu.memory_space<hbm>>
      tpu.enqueue_dma source(%dma_start3A_330 : memref<312x128xf32, #tpu.memory_space<hbm>>) target(%dma_start3A_327 : memref<312x128xf32, #tpu.memory_space<vmem_shared>>) target_semaphore(%run_scoped3A_326 : memref<!tpu.dma_semaphore, #tpu.memory_space<semaphore_mem>>)
      %dma_wait3A = arith.constant 0 : i32
      %dma_wait3A_331 = tpu.memref_slice %arg21[%mul3A_252, %dma_wait3A] : memref<5008x128xf32, #tpu.memory_space<vmem_shared>> -> memref<312x128xf32, #tpu.memory_space<vmem_shared>>
      %dma_wait3A_332 = arith.constant 0 : i32
      %dma_wait3A_333 = arith.constant 0 : i32
      %dma_wait3A_334 = tpu.memref_slice %arg9[%dma_wait3A_332, %dma_wait3A_333] : memref<312x128xf32, #tpu.memory_space<hbm>> -> memref<312x128xf32, #tpu.memory_space<hbm>>
      tpu.wait_dma2 semaphore(%run_scoped3A_326 : memref<!tpu.dma_semaphore, #tpu.memory_space<semaphore_mem>>) src(%dma_wait3A_334 : memref<312x128xf32, #tpu.memory_space<hbm>>) dst(%dma_wait3A_331 : memref<312x128xf32, #tpu.memory_space<vmem_shared>>)
      tpu.yield
    }) : () -> ()
    %eq3A_253 = arith.constant 15 : i32
    %eq3A_254 = arith.cmpi eq, %arg1, %eq3A_253 : i32
    %convert_element_type3A_255 = arith.extui %eq3A_254 : i1 to i32
    %cond3A_256 = arith.constant 0 : i32
    %cond3A_257 = arith.cmpi ne, %convert_element_type3A_255, %cond3A_256 : i32
    scf.if %cond3A_257 {
      "tpu.region"() ({
        %run_scoped3A_326 = tpu.sem_alloc : memref<!tpu.dma_semaphore, #tpu.memory_space<semaphore_mem>>
        %dma_start3A = arith.constant 4992 : i32
        %dma_start3A_327 = arith.constant 0 : i32
        %dma_start3A_328 = tpu.memref_slice %arg21[%dma_start3A, %dma_start3A_327] : memref<5008x128xf32, #tpu.memory_space<vmem_shared>> -> memref<16x128xf32, #tpu.memory_space<vmem_shared>>
        %dma_start3A_329 = arith.constant 0 : i32
        %dma_start3A_330 = arith.constant 0 : i32
        %dma_start3A_331 = tpu.memref_slice %arg9[%dma_start3A_329, %dma_start3A_330] : memref<312x128xf32, #tpu.memory_space<hbm>> -> memref<16x128xf32, #tpu.memory_space<hbm>>
        tpu.enqueue_dma source(%dma_start3A_331 : memref<16x128xf32, #tpu.memory_space<hbm>>) target(%dma_start3A_328 : memref<16x128xf32, #tpu.memory_space<vmem_shared>>) target_semaphore(%run_scoped3A_326 : memref<!tpu.dma_semaphore, #tpu.memory_space<semaphore_mem>>)
        %dma_wait3A = arith.constant 4992 : i32
        %dma_wait3A_332 = arith.constant 0 : i32
        %dma_wait3A_333 = tpu.memref_slice %arg21[%dma_wait3A, %dma_wait3A_332] : memref<5008x128xf32, #tpu.memory_space<vmem_shared>> -> memref<16x128xf32, #tpu.memory_space<vmem_shared>>
        %dma_wait3A_334 = arith.constant 0 : i32
        %dma_wait3A_335 = arith.constant 0 : i32
        %dma_wait3A_336 = tpu.memref_slice %arg9[%dma_wait3A_334, %dma_wait3A_335] : memref<312x128xf32, #tpu.memory_space<hbm>> -> memref<16x128xf32, #tpu.memory_space<hbm>>
        tpu.wait_dma2 semaphore(%run_scoped3A_326 : memref<!tpu.dma_semaphore, #tpu.memory_space<semaphore_mem>>) src(%dma_wait3A_336 : memref<16x128xf32, #tpu.memory_space<hbm>>) dst(%dma_wait3A_333 : memref<16x128xf32, #tpu.memory_space<vmem_shared>>)
        tpu.yield
      }) : () -> ()
    } else {
    }
    %barrier3A_258 = arith.constant 0 : index
    tpu.barrier barrier_id(%barrier3A_258)
    %gt3A_259 = arith.constant 0 : i32
    %gt3A_260 = arith.cmpi sgt, %mul3A_28, %gt3A_259 : i32
    %convert_element_type3A_261 = arith.extui %gt3A_260 : i1 to i32
    %cond3A_262 = arith.constant 0 : i32
    %cond3A_263 = arith.cmpi ne, %convert_element_type3A_261, %cond3A_262 : i32
    scf.if %cond3A_263 {
      %dma_start3A = arith.constant 0 : i32
      %dma_start3A_326 = tpu.memref_slice %arg14[%dma_start3A] : memref<10752xi32, #tpu.memory_space<vmem>> -> memref<128xi32, #tpu.memory_space<vmem>>
      %dma_start3A_327 = arith.constant 0 : i32
      %dma_start3A_328 = arith.constant 0 : i32
      %dma_start3A_329 = tpu.memref_slice %arg5[%dma_start3A_327, %dma_start3A_328] : memref<10000x128xf32, #tpu.memory_space<hbm>> -> memref<10000x128xf32, #tpu.memory_space<hbm>>
      tpu.enqueue_indirect_dma source(%dma_start3A_329 : memref<10000x128xf32, #tpu.memory_space<hbm>>) target(%arg17 : memref<128x128xf32, #tpu.memory_space<vmem>>) offsets(%dma_start3A_326 : memref<128xi32, #tpu.memory_space<vmem>>) semaphore(%arg22 : memref<!tpu.dma_semaphore, #tpu.memory_space<semaphore_mem>>)
    } else {
    }
    %gt3A_264 = arith.constant 1 : i32
    %gt3A_265 = arith.cmpi sgt, %mul3A_28, %gt3A_264 : i32
    %convert_element_type3A_266 = arith.extui %gt3A_265 : i1 to i32
    %cond3A_267 = arith.constant 0 : i32
    %cond3A_268 = arith.cmpi ne, %convert_element_type3A_266, %cond3A_267 : i32
    scf.if %cond3A_268 {
      %dma_start3A = arith.constant 128 : i32
      %dma_start3A_326 = tpu.memref_slice %arg14[%dma_start3A] : memref<10752xi32, #tpu.memory_space<vmem>> -> memref<128xi32, #tpu.memory_space<vmem>>
      %dma_start3A_327 = arith.constant 0 : i32
      %dma_start3A_328 = arith.constant 0 : i32
      %dma_start3A_329 = tpu.memref_slice %arg5[%dma_start3A_327, %dma_start3A_328] : memref<10000x128xf32, #tpu.memory_space<hbm>> -> memref<10000x128xf32, #tpu.memory_space<hbm>>
      tpu.enqueue_indirect_dma source(%dma_start3A_329 : memref<10000x128xf32, #tpu.memory_space<hbm>>) target(%arg18 : memref<128x128xf32, #tpu.memory_space<vmem>>) offsets(%dma_start3A_326 : memref<128xi32, #tpu.memory_space<vmem>>) semaphore(%arg23 : memref<!tpu.dma_semaphore, #tpu.memory_space<semaphore_mem>>)
    } else {
    }
    %gt3A_269 = arith.constant 2 : i32
    %gt3A_270 = arith.cmpi sgt, %mul3A_28, %gt3A_269 : i32
    %convert_element_type3A_271 = arith.extui %gt3A_270 : i1 to i32
    %cond3A_272 = arith.constant 0 : i32
    %cond3A_273 = arith.cmpi ne, %convert_element_type3A_271, %cond3A_272 : i32
    scf.if %cond3A_273 {
      %dma_start3A = arith.constant 256 : i32
      %dma_start3A_326 = tpu.memref_slice %arg14[%dma_start3A] : memref<10752xi32, #tpu.memory_space<vmem>> -> memref<128xi32, #tpu.memory_space<vmem>>
      %dma_start3A_327 = arith.constant 0 : i32
      %dma_start3A_328 = arith.constant 0 : i32
      %dma_start3A_329 = tpu.memref_slice %arg5[%dma_start3A_327, %dma_start3A_328] : memref<10000x128xf32, #tpu.memory_space<hbm>> -> memref<10000x128xf32, #tpu.memory_space<hbm>>
      tpu.enqueue_indirect_dma source(%dma_start3A_329 : memref<10000x128xf32, #tpu.memory_space<hbm>>) target(%arg19 : memref<128x128xf32, #tpu.memory_space<vmem>>) offsets(%dma_start3A_326 : memref<128xi32, #tpu.memory_space<vmem>>) semaphore(%arg22 : memref<!tpu.dma_semaphore, #tpu.memory_space<semaphore_mem>>)
    } else {
    }
    %gt3A_274 = arith.constant 3 : i32
    %gt3A_275 = arith.cmpi sgt, %mul3A_28, %gt3A_274 : i32
    %convert_element_type3A_276 = arith.extui %gt3A_275 : i1 to i32
    %cond3A_277 = arith.constant 0 : i32
    %cond3A_278 = arith.cmpi ne, %convert_element_type3A_276, %cond3A_277 : i32
    scf.if %cond3A_278 {
      %dma_start3A = arith.constant 384 : i32
      %dma_start3A_326 = tpu.memref_slice %arg14[%dma_start3A] : memref<10752xi32, #tpu.memory_space<vmem>> -> memref<128xi32, #tpu.memory_space<vmem>>
      %dma_start3A_327 = arith.constant 0 : i32
      %dma_start3A_328 = arith.constant 0 : i32
      %dma_start3A_329 = tpu.memref_slice %arg5[%dma_start3A_327, %dma_start3A_328] : memref<10000x128xf32, #tpu.memory_space<hbm>> -> memref<10000x128xf32, #tpu.memory_space<hbm>>
      tpu.enqueue_indirect_dma source(%dma_start3A_329 : memref<10000x128xf32, #tpu.memory_space<hbm>>) target(%arg20 : memref<128x128xf32, #tpu.memory_space<vmem>>) offsets(%dma_start3A_326 : memref<128xi32, #tpu.memory_space<vmem>>) semaphore(%arg23 : memref<!tpu.dma_semaphore, #tpu.memory_space<semaphore_mem>>)
    } else {
    }
    %add3A_279 = arith.constant 3 : i32
    %add3A_280 = arith.addi %mul3A_28, %add3A_279 : i32
    %jit3A_281 = arith.constant 4 : i32
    %div3A_282 = arith.divsi %add3A_280, %jit3A_281 : i32
    %sign3A_283 = arith.constant 0 : i32
    %sign3A_284 = arith.cmpi sgt, %add3A_280, %sign3A_283 : i32
    %sign3A_285 = arith.extui %sign3A_284 : i1 to i32
    %sign3A_286 = arith.constant 0 : i32
    %sign3A_287 = arith.cmpi slt, %add3A_280, %sign3A_286 : i32
    %sign3A_288 = arith.extui %sign3A_287 : i1 to i32
    %sign3A_289 = arith.subi %sign3A_285, %sign3A_288 : i32
    %sign3A_290 = arith.constant 0 : i32
    %sign3A_291 = arith.cmpi sgt, %jit3A_281, %sign3A_290 : i32
    %sign3A_292 = arith.extui %sign3A_291 : i1 to i32
    %sign3A_293 = arith.constant 0 : i32
    %sign3A_294 = arith.cmpi slt, %jit3A_281, %sign3A_293 : i32
    %sign3A_295 = arith.extui %sign3A_294 : i1 to i32
    %sign3A_296 = arith.subi %sign3A_292, %sign3A_295 : i32
    %ne3A_297 = arith.cmpi ne, %sign3A_289, %sign3A_296 : i32
    %rem3A_298 = arith.remsi %add3A_280, %jit3A_281 : i32
    %ne3A_299 = arith.constant 0 : i32
    %ne3A_300 = arith.cmpi ne, %rem3A_298, %ne3A_299 : i32
    %and3A_301 = arith.andi %ne3A_297, %ne3A_300 : i1
    %sub3A_302 = arith.constant 1 : i32
    %sub3A_303 = arith.subi %div3A_282, %sub3A_302 : i32
    %select_n3A_304 = arith.select %and3A_301, %sub3A_303, %div3A_282 : i32
    %while3A_305 = arith.constant 0 : i32
    %while3A_306 = arith.constant 0 : i32
    %while3A_307 = arith.subi %select_n3A_304, %while3A_306 : i32
    %while3A_308 = arith.addi %while3A_306, %while3A_307 : i32
    %while3A_309 = arith.constant 1 : i32
    %while3A_310 = arith.divsi %while3A_307, %while3A_309 : i32
    %while3A_311 = arith.muli %while3A_310, %while3A_309 : i32
    %while3A_312 = arith.addi %while3A_306, %while3A_311 : i32
    %while3A_313 = arith.constant 1 : i32
    scf.for %while3A_326 = %while3A_306 to %while3A_312 step %while3A_313  : i32 {
      %mul3A_327 = arith.constant 4 : i32
      %mul3A_328 = arith.muli %mul3A_327, %while3A_326 : i32
      %add3A_329 = arith.constant 0 : i32
      %add3A_330 = arith.addi %mul3A_328, %add3A_329 : i32
      %lt3A = arith.cmpi slt, %add3A_330, %mul3A_28 : i32
      %convert_element_type3A_331 = arith.extui %lt3A : i1 to i32
      %cond3A_332 = arith.constant 0 : i32
      %cond3A_333 = arith.cmpi ne, %convert_element_type3A_331, %cond3A_332 : i32
      scf.if %cond3A_333 {
        %dma_wait3A = arith.constant 0 : i32
        %dma_wait3A_352 = arith.constant 0 : i32
        %dma_wait3A_353 = tpu.memref_slice %arg5[%dma_wait3A, %dma_wait3A_352] : memref<10000x128xf32, #tpu.memory_space<hbm>> -> memref<128x128xf32, #tpu.memory_space<hbm>>
        %dma_wait3A_354 = arith.constant 0 : i32
        %dma_wait3A_355 = arith.constant 0 : i32
        %dma_wait3A_356 = tpu.memref_slice %arg5[%dma_wait3A_354, %dma_wait3A_355] : memref<10000x128xf32, #tpu.memory_space<hbm>> -> memref<128x128xf32, #tpu.memory_space<hbm>>
        tpu.wait_dma2 semaphore(%arg22 : memref<!tpu.dma_semaphore, #tpu.memory_space<semaphore_mem>>) src(%dma_wait3A_356 : memref<128x128xf32, #tpu.memory_space<hbm>>) dst(%arg17 : memref<128x128xf32, #tpu.memory_space<vmem>>)
        %mul3A_357 = arith.constant 128 : i32
        %mul3A_358 = arith.muli %add3A_330, %mul3A_357 : i32
        "tpu.region"() ({
          %run_scoped3A_365 = tpu.sem_alloc : memref<!tpu.dma_semaphore, #tpu.memory_space<semaphore_mem>>
          %dma_start3A = tpu.memref_slice %arg15[%mul3A_358] : memref<10752xi32, #tpu.memory_space<vmem>> -> memref<128xi32, #tpu.memory_space<vmem>>
          %dma_start3A_366 = arith.constant 0 : i32
          %dma_start3A_367 = arith.constant 0 : i32
          %dma_start3A_368 = tpu.memref_slice %arg21[%dma_start3A_366, %dma_start3A_367] : memref<5008x128xf32, #tpu.memory_space<vmem_shared>> -> memref<5008x128xf32, #tpu.memory_space<vmem_shared>>
          tpu.enqueue_indirect_dma source(%arg17 : memref<128x128xf32, #tpu.memory_space<vmem>>) target(%dma_start3A_368 : memref<5008x128xf32, #tpu.memory_space<vmem_shared>>) offsets(%dma_start3A : memref<128xi32, #tpu.memory_space<vmem>>) semaphore(%run_scoped3A_365 : memref<!tpu.dma_semaphore, #tpu.memory_space<semaphore_mem>>) {add = true}
          %dma_wait3A_369 = tpu.memref_slice %arg15[%mul3A_358] : memref<10752xi32, #tpu.memory_space<vmem>> -> memref<128xi32, #tpu.memory_space<vmem>>
          %dma_wait3A_370 = arith.constant 0 : i32
          %dma_wait3A_371 = arith.constant 0 : i32
          %dma_wait3A_372 = tpu.memref_slice %arg21[%dma_wait3A_370, %dma_wait3A_371] : memref<5008x128xf32, #tpu.memory_space<vmem_shared>> -> memref<5008x128xf32, #tpu.memory_space<vmem_shared>>
          tpu.wait_indirect_dma semaphore(%run_scoped3A_365 : memref<!tpu.dma_semaphore, #tpu.memory_space<semaphore_mem>>) src(%arg17 : memref<128x128xf32, #tpu.memory_space<vmem>>) dst(%dma_wait3A_372 : memref<5008x128xf32, #tpu.memory_space<vmem_shared>>)
          tpu.yield
        }) : () -> ()
        %add3A_359 = arith.constant 4 : i32
        %add3A_360 = arith.addi %add3A_330, %add3A_359 : i32
        %lt3A_361 = arith.cmpi slt, %add3A_360, %mul3A_28 : i32
        %convert_element_type3A_362 = arith.extui %lt3A_361 : i1 to i32
        %cond3A_363 = arith.constant 0 : i32
        %cond3A_364 = arith.cmpi ne, %convert_element_type3A_362, %cond3A_363 : i32
        scf.if %cond3A_364 {
          %add3A_365 = arith.constant 4 : i32
          %add3A_366 = arith.addi %add3A_330, %add3A_365 : i32
          %mul3A_367 = arith.constant 128 : i32
          %mul3A_368 = arith.muli %add3A_366, %mul3A_367 : i32
          %dma_start3A = tpu.memref_slice %arg14[%mul3A_368] : memref<10752xi32, #tpu.memory_space<vmem>> -> memref<128xi32, #tpu.memory_space<vmem>>
          %dma_start3A_369 = arith.constant 0 : i32
          %dma_start3A_370 = arith.constant 0 : i32
          %dma_start3A_371 = tpu.memref_slice %arg5[%dma_start3A_369, %dma_start3A_370] : memref<10000x128xf32, #tpu.memory_space<hbm>> -> memref<10000x128xf32, #tpu.memory_space<hbm>>
          tpu.enqueue_indirect_dma source(%dma_start3A_371 : memref<10000x128xf32, #tpu.memory_space<hbm>>) target(%arg17 : memref<128x128xf32, #tpu.memory_space<vmem>>) offsets(%dma_start3A : memref<128xi32, #tpu.memory_space<vmem>>) semaphore(%arg22 : memref<!tpu.dma_semaphore, #tpu.memory_space<semaphore_mem>>)
        } else {
        }
      } else {
      }
      %add3A_334 = arith.constant 1 : i32
      %add3A_335 = arith.addi %mul3A_328, %add3A_334 : i32
      %lt3A_336 = arith.cmpi slt, %add3A_335, %mul3A_28 : i32
      %convert_element_type3A_337 = arith.extui %lt3A_336 : i1 to i32
      %cond3A_338 = arith.constant 0 : i32
      %cond3A_339 = arith.cmpi ne, %convert_element_type3A_337, %cond3A_338 : i32
      scf.if %cond3A_339 {
        %dma_wait3A = arith.constant 0 : i32
        %dma_wait3A_352 = arith.constant 0 : i32
        %dma_wait3A_353 = tpu.memref_slice %arg5[%dma_wait3A, %dma_wait3A_352] : memref<10000x128xf32, #tpu.memory_space<hbm>> -> memref<128x128xf32, #tpu.memory_space<hbm>>
        %dma_wait3A_354 = arith.constant 0 : i32
        %dma_wait3A_355 = arith.constant 0 : i32
        %dma_wait3A_356 = tpu.memref_slice %arg5[%dma_wait3A_354, %dma_wait3A_355] : memref<10000x128xf32, #tpu.memory_space<hbm>> -> memref<128x128xf32, #tpu.memory_space<hbm>>
        tpu.wait_dma2 semaphore(%arg23 : memref<!tpu.dma_semaphore, #tpu.memory_space<semaphore_mem>>) src(%dma_wait3A_356 : memref<128x128xf32, #tpu.memory_space<hbm>>) dst(%arg18 : memref<128x128xf32, #tpu.memory_space<vmem>>)
        %mul3A_357 = arith.constant 128 : i32
        %mul3A_358 = arith.muli %add3A_335, %mul3A_357 : i32
        "tpu.region"() ({
          %run_scoped3A_365 = tpu.sem_alloc : memref<!tpu.dma_semaphore, #tpu.memory_space<semaphore_mem>>
          %dma_start3A = tpu.memref_slice %arg15[%mul3A_358] : memref<10752xi32, #tpu.memory_space<vmem>> -> memref<128xi32, #tpu.memory_space<vmem>>
          %dma_start3A_366 = arith.constant 0 : i32
          %dma_start3A_367 = arith.constant 0 : i32
          %dma_start3A_368 = tpu.memref_slice %arg21[%dma_start3A_366, %dma_start3A_367] : memref<5008x128xf32, #tpu.memory_space<vmem_shared>> -> memref<5008x128xf32, #tpu.memory_space<vmem_shared>>
          tpu.enqueue_indirect_dma source(%arg18 : memref<128x128xf32, #tpu.memory_space<vmem>>) target(%dma_start3A_368 : memref<5008x128xf32, #tpu.memory_space<vmem_shared>>) offsets(%dma_start3A : memref<128xi32, #tpu.memory_space<vmem>>) semaphore(%run_scoped3A_365 : memref<!tpu.dma_semaphore, #tpu.memory_space<semaphore_mem>>) {add = true}
          %dma_wait3A_369 = tpu.memref_slice %arg15[%mul3A_358] : memref<10752xi32, #tpu.memory_space<vmem>> -> memref<128xi32, #tpu.memory_space<vmem>>
          %dma_wait3A_370 = arith.constant 0 : i32
          %dma_wait3A_371 = arith.constant 0 : i32
          %dma_wait3A_372 = tpu.memref_slice %arg21[%dma_wait3A_370, %dma_wait3A_371] : memref<5008x128xf32, #tpu.memory_space<vmem_shared>> -> memref<5008x128xf32, #tpu.memory_space<vmem_shared>>
          tpu.wait_indirect_dma semaphore(%run_scoped3A_365 : memref<!tpu.dma_semaphore, #tpu.memory_space<semaphore_mem>>) src(%arg18 : memref<128x128xf32, #tpu.memory_space<vmem>>) dst(%dma_wait3A_372 : memref<5008x128xf32, #tpu.memory_space<vmem_shared>>)
          tpu.yield
        }) : () -> ()
        %add3A_359 = arith.constant 4 : i32
        %add3A_360 = arith.addi %add3A_335, %add3A_359 : i32
        %lt3A_361 = arith.cmpi slt, %add3A_360, %mul3A_28 : i32
        %convert_element_type3A_362 = arith.extui %lt3A_361 : i1 to i32
        %cond3A_363 = arith.constant 0 : i32
        %cond3A_364 = arith.cmpi ne, %convert_element_type3A_362, %cond3A_363 : i32
        scf.if %cond3A_364 {
          %add3A_365 = arith.constant 4 : i32
          %add3A_366 = arith.addi %add3A_335, %add3A_365 : i32
          %mul3A_367 = arith.constant 128 : i32
          %mul3A_368 = arith.muli %add3A_366, %mul3A_367 : i32
          %dma_start3A = tpu.memref_slice %arg14[%mul3A_368] : memref<10752xi32, #tpu.memory_space<vmem>> -> memref<128xi32, #tpu.memory_space<vmem>>
          %dma_start3A_369 = arith.constant 0 : i32
          %dma_start3A_370 = arith.constant 0 : i32
          %dma_start3A_371 = tpu.memref_slice %arg5[%dma_start3A_369, %dma_start3A_370] : memref<10000x128xf32, #tpu.memory_space<hbm>> -> memref<10000x128xf32, #tpu.memory_space<hbm>>
          tpu.enqueue_indirect_dma source(%dma_start3A_371 : memref<10000x128xf32, #tpu.memory_space<hbm>>) target(%arg18 : memref<128x128xf32, #tpu.memory_space<vmem>>) offsets(%dma_start3A : memref<128xi32, #tpu.memory_space<vmem>>) semaphore(%arg23 : memref<!tpu.dma_semaphore, #tpu.memory_space<semaphore_mem>>)
        } else {
        }
      } else {
      }
      %add3A_340 = arith.constant 2 : i32
      %add3A_341 = arith.addi %mul3A_328, %add3A_340 : i32
      %lt3A_342 = arith.cmpi slt, %add3A_341, %mul3A_28 : i32
      %convert_element_type3A_343 = arith.extui %lt3A_342 : i1 to i32
      %cond3A_344 = arith.constant 0 : i32
      %cond3A_345 = arith.cmpi ne, %convert_element_type3A_343, %cond3A_344 : i32
      scf.if %cond3A_345 {
        %dma_wait3A = arith.constant 0 : i32
        %dma_wait3A_352 = arith.constant 0 : i32
        %dma_wait3A_353 = tpu.memref_slice %arg5[%dma_wait3A, %dma_wait3A_352] : memref<10000x128xf32, #tpu.memory_space<hbm>> -> memref<128x128xf32, #tpu.memory_space<hbm>>
        %dma_wait3A_354 = arith.constant 0 : i32
        %dma_wait3A_355 = arith.constant 0 : i32
        %dma_wait3A_356 = tpu.memref_slice %arg5[%dma_wait3A_354, %dma_wait3A_355] : memref<10000x128xf32, #tpu.memory_space<hbm>> -> memref<128x128xf32, #tpu.memory_space<hbm>>
        tpu.wait_dma2 semaphore(%arg22 : memref<!tpu.dma_semaphore, #tpu.memory_space<semaphore_mem>>) src(%dma_wait3A_356 : memref<128x128xf32, #tpu.memory_space<hbm>>) dst(%arg19 : memref<128x128xf32, #tpu.memory_space<vmem>>)
        %mul3A_357 = arith.constant 128 : i32
        %mul3A_358 = arith.muli %add3A_341, %mul3A_357 : i32
        "tpu.region"() ({
          %run_scoped3A_365 = tpu.sem_alloc : memref<!tpu.dma_semaphore, #tpu.memory_space<semaphore_mem>>
          %dma_start3A = tpu.memref_slice %arg15[%mul3A_358] : memref<10752xi32, #tpu.memory_space<vmem>> -> memref<128xi32, #tpu.memory_space<vmem>>
          %dma_start3A_366 = arith.constant 0 : i32
          %dma_start3A_367 = arith.constant 0 : i32
          %dma_start3A_368 = tpu.memref_slice %arg21[%dma_start3A_366, %dma_start3A_367] : memref<5008x128xf32, #tpu.memory_space<vmem_shared>> -> memref<5008x128xf32, #tpu.memory_space<vmem_shared>>
          tpu.enqueue_indirect_dma source(%arg19 : memref<128x128xf32, #tpu.memory_space<vmem>>) target(%dma_start3A_368 : memref<5008x128xf32, #tpu.memory_space<vmem_shared>>) offsets(%dma_start3A : memref<128xi32, #tpu.memory_space<vmem>>) semaphore(%run_scoped3A_365 : memref<!tpu.dma_semaphore, #tpu.memory_space<semaphore_mem>>) {add = true}
          %dma_wait3A_369 = tpu.memref_slice %arg15[%mul3A_358] : memref<10752xi32, #tpu.memory_space<vmem>> -> memref<128xi32, #tpu.memory_space<vmem>>
          %dma_wait3A_370 = arith.constant 0 : i32
          %dma_wait3A_371 = arith.constant 0 : i32
          %dma_wait3A_372 = tpu.memref_slice %arg21[%dma_wait3A_370, %dma_wait3A_371] : memref<5008x128xf32, #tpu.memory_space<vmem_shared>> -> memref<5008x128xf32, #tpu.memory_space<vmem_shared>>
          tpu.wait_indirect_dma semaphore(%run_scoped3A_365 : memref<!tpu.dma_semaphore, #tpu.memory_space<semaphore_mem>>) src(%arg19 : memref<128x128xf32, #tpu.memory_space<vmem>>) dst(%dma_wait3A_372 : memref<5008x128xf32, #tpu.memory_space<vmem_shared>>)
          tpu.yield
        }) : () -> ()
        %add3A_359 = arith.constant 4 : i32
        %add3A_360 = arith.addi %add3A_341, %add3A_359 : i32
        %lt3A_361 = arith.cmpi slt, %add3A_360, %mul3A_28 : i32
        %convert_element_type3A_362 = arith.extui %lt3A_361 : i1 to i32
        %cond3A_363 = arith.constant 0 : i32
        %cond3A_364 = arith.cmpi ne, %convert_element_type3A_362, %cond3A_363 : i32
        scf.if %cond3A_364 {
          %add3A_365 = arith.constant 4 : i32
          %add3A_366 = arith.addi %add3A_341, %add3A_365 : i32
          %mul3A_367 = arith.constant 128 : i32
          %mul3A_368 = arith.muli %add3A_366, %mul3A_367 : i32
          %dma_start3A = tpu.memref_slice %arg14[%mul3A_368] : memref<10752xi32, #tpu.memory_space<vmem>> -> memref<128xi32, #tpu.memory_space<vmem>>
          %dma_start3A_369 = arith.constant 0 : i32
          %dma_start3A_370 = arith.constant 0 : i32
          %dma_start3A_371 = tpu.memref_slice %arg5[%dma_start3A_369, %dma_start3A_370] : memref<10000x128xf32, #tpu.memory_space<hbm>> -> memref<10000x128xf32, #tpu.memory_space<hbm>>
          tpu.enqueue_indirect_dma source(%dma_start3A_371 : memref<10000x128xf32, #tpu.memory_space<hbm>>) target(%arg19 : memref<128x128xf32, #tpu.memory_space<vmem>>) offsets(%dma_start3A : memref<128xi32, #tpu.memory_space<vmem>>) semaphore(%arg22 : memref<!tpu.dma_semaphore, #tpu.memory_space<semaphore_mem>>)
        } else {
        }
      } else {
      }
      %add3A_346 = arith.constant 3 : i32
      %add3A_347 = arith.addi %mul3A_328, %add3A_346 : i32
      %lt3A_348 = arith.cmpi slt, %add3A_347, %mul3A_28 : i32
      %convert_element_type3A_349 = arith.extui %lt3A_348 : i1 to i32
      %cond3A_350 = arith.constant 0 : i32
      %cond3A_351 = arith.cmpi ne, %convert_element_type3A_349, %cond3A_350 : i32
      scf.if %cond3A_351 {
        %dma_wait3A = arith.constant 0 : i32
        %dma_wait3A_352 = arith.constant 0 : i32
        %dma_wait3A_353 = tpu.memref_slice %arg5[%dma_wait3A, %dma_wait3A_352] : memref<10000x128xf32, #tpu.memory_space<hbm>> -> memref<128x128xf32, #tpu.memory_space<hbm>>
        %dma_wait3A_354 = arith.constant 0 : i32
        %dma_wait3A_355 = arith.constant 0 : i32
        %dma_wait3A_356 = tpu.memref_slice %arg5[%dma_wait3A_354, %dma_wait3A_355] : memref<10000x128xf32, #tpu.memory_space<hbm>> -> memref<128x128xf32, #tpu.memory_space<hbm>>
        tpu.wait_dma2 semaphore(%arg23 : memref<!tpu.dma_semaphore, #tpu.memory_space<semaphore_mem>>) src(%dma_wait3A_356 : memref<128x128xf32, #tpu.memory_space<hbm>>) dst(%arg20 : memref<128x128xf32, #tpu.memory_space<vmem>>)
        %mul3A_357 = arith.constant 128 : i32
        %mul3A_358 = arith.muli %add3A_347, %mul3A_357 : i32
        "tpu.region"() ({
          %run_scoped3A_365 = tpu.sem_alloc : memref<!tpu.dma_semaphore, #tpu.memory_space<semaphore_mem>>
          %dma_start3A = tpu.memref_slice %arg15[%mul3A_358] : memref<10752xi32, #tpu.memory_space<vmem>> -> memref<128xi32, #tpu.memory_space<vmem>>
          %dma_start3A_366 = arith.constant 0 : i32
          %dma_start3A_367 = arith.constant 0 : i32
          %dma_start3A_368 = tpu.memref_slice %arg21[%dma_start3A_366, %dma_start3A_367] : memref<5008x128xf32, #tpu.memory_space<vmem_shared>> -> memref<5008x128xf32, #tpu.memory_space<vmem_shared>>
          tpu.enqueue_indirect_dma source(%arg20 : memref<128x128xf32, #tpu.memory_space<vmem>>) target(%dma_start3A_368 : memref<5008x128xf32, #tpu.memory_space<vmem_shared>>) offsets(%dma_start3A : memref<128xi32, #tpu.memory_space<vmem>>) semaphore(%run_scoped3A_365 : memref<!tpu.dma_semaphore, #tpu.memory_space<semaphore_mem>>) {add = true}
          %dma_wait3A_369 = tpu.memref_slice %arg15[%mul3A_358] : memref<10752xi32, #tpu.memory_space<vmem>> -> memref<128xi32, #tpu.memory_space<vmem>>
          %dma_wait3A_370 = arith.constant 0 : i32
          %dma_wait3A_371 = arith.constant 0 : i32
          %dma_wait3A_372 = tpu.memref_slice %arg21[%dma_wait3A_370, %dma_wait3A_371] : memref<5008x128xf32, #tpu.memory_space<vmem_shared>> -> memref<5008x128xf32, #tpu.memory_space<vmem_shared>>
          tpu.wait_indirect_dma semaphore(%run_scoped3A_365 : memref<!tpu.dma_semaphore, #tpu.memory_space<semaphore_mem>>) src(%arg20 : memref<128x128xf32, #tpu.memory_space<vmem>>) dst(%dma_wait3A_372 : memref<5008x128xf32, #tpu.memory_space<vmem_shared>>)
          tpu.yield
        }) : () -> ()
        %add3A_359 = arith.constant 4 : i32
        %add3A_360 = arith.addi %add3A_347, %add3A_359 : i32
        %lt3A_361 = arith.cmpi slt, %add3A_360, %mul3A_28 : i32
        %convert_element_type3A_362 = arith.extui %lt3A_361 : i1 to i32
        %cond3A_363 = arith.constant 0 : i32
        %cond3A_364 = arith.cmpi ne, %convert_element_type3A_362, %cond3A_363 : i32
        scf.if %cond3A_364 {
          %add3A_365 = arith.constant 4 : i32
          %add3A_366 = arith.addi %add3A_347, %add3A_365 : i32
          %mul3A_367 = arith.constant 128 : i32
          %mul3A_368 = arith.muli %add3A_366, %mul3A_367 : i32
          %dma_start3A = tpu.memref_slice %arg14[%mul3A_368] : memref<10752xi32, #tpu.memory_space<vmem>> -> memref<128xi32, #tpu.memory_space<vmem>>
          %dma_start3A_369 = arith.constant 0 : i32
          %dma_start3A_370 = arith.constant 0 : i32
          %dma_start3A_371 = tpu.memref_slice %arg5[%dma_start3A_369, %dma_start3A_370] : memref<10000x128xf32, #tpu.memory_space<hbm>> -> memref<10000x128xf32, #tpu.memory_space<hbm>>
          tpu.enqueue_indirect_dma source(%dma_start3A_371 : memref<10000x128xf32, #tpu.memory_space<hbm>>) target(%arg20 : memref<128x128xf32, #tpu.memory_space<vmem>>) offsets(%dma_start3A : memref<128xi32, #tpu.memory_space<vmem>>) semaphore(%arg23 : memref<!tpu.dma_semaphore, #tpu.memory_space<semaphore_mem>>)
        } else {
        }
      } else {
      }
    }
    %while3A_314 = arith.constant 1 : i32
    scf.for %while3A_326 = %while3A_312 to %while3A_308 step %while3A_314  : i32 {
      %mul3A_327 = arith.constant 4 : i32
      %mul3A_328 = arith.muli %mul3A_327, %while3A_326 : i32
      %add3A_329 = arith.constant 0 : i32
      %add3A_330 = arith.addi %mul3A_328, %add3A_329 : i32
      %lt3A = arith.cmpi slt, %add3A_330, %mul3A_28 : i32
      %convert_element_type3A_331 = arith.extui %lt3A : i1 to i32
      %cond3A_332 = arith.constant 0 : i32
      %cond3A_333 = arith.cmpi ne, %convert_element_type3A_331, %cond3A_332 : i32
      scf.if %cond3A_333 {
        %dma_wait3A = arith.constant 0 : i32
        %dma_wait3A_352 = arith.constant 0 : i32
        %dma_wait3A_353 = tpu.memref_slice %arg5[%dma_wait3A, %dma_wait3A_352] : memref<10000x128xf32, #tpu.memory_space<hbm>> -> memref<128x128xf32, #tpu.memory_space<hbm>>
        %dma_wait3A_354 = arith.constant 0 : i32
        %dma_wait3A_355 = arith.constant 0 : i32
        %dma_wait3A_356 = tpu.memref_slice %arg5[%dma_wait3A_354, %dma_wait3A_355] : memref<10000x128xf32, #tpu.memory_space<hbm>> -> memref<128x128xf32, #tpu.memory_space<hbm>>
        tpu.wait_dma2 semaphore(%arg22 : memref<!tpu.dma_semaphore, #tpu.memory_space<semaphore_mem>>) src(%dma_wait3A_356 : memref<128x128xf32, #tpu.memory_space<hbm>>) dst(%arg17 : memref<128x128xf32, #tpu.memory_space<vmem>>)
        %mul3A_357 = arith.constant 128 : i32
        %mul3A_358 = arith.muli %add3A_330, %mul3A_357 : i32
        "tpu.region"() ({
          %run_scoped3A_365 = tpu.sem_alloc : memref<!tpu.dma_semaphore, #tpu.memory_space<semaphore_mem>>
          %dma_start3A = tpu.memref_slice %arg15[%mul3A_358] : memref<10752xi32, #tpu.memory_space<vmem>> -> memref<128xi32, #tpu.memory_space<vmem>>
          %dma_start3A_366 = arith.constant 0 : i32
          %dma_start3A_367 = arith.constant 0 : i32
          %dma_start3A_368 = tpu.memref_slice %arg21[%dma_start3A_366, %dma_start3A_367] : memref<5008x128xf32, #tpu.memory_space<vmem_shared>> -> memref<5008x128xf32, #tpu.memory_space<vmem_shared>>
          tpu.enqueue_indirect_dma source(%arg17 : memref<128x128xf32, #tpu.memory_space<vmem>>) target(%dma_start3A_368 : memref<5008x128xf32, #tpu.memory_space<vmem_shared>>) offsets(%dma_start3A : memref<128xi32, #tpu.memory_space<vmem>>) semaphore(%run_scoped3A_365 : memref<!tpu.dma_semaphore, #tpu.memory_space<semaphore_mem>>) {add = true}
          %dma_wait3A_369 = tpu.memref_slice %arg15[%mul3A_358] : memref<10752xi32, #tpu.memory_space<vmem>> -> memref<128xi32, #tpu.memory_space<vmem>>
          %dma_wait3A_370 = arith.constant 0 : i32
          %dma_wait3A_371 = arith.constant 0 : i32
          %dma_wait3A_372 = tpu.memref_slice %arg21[%dma_wait3A_370, %dma_wait3A_371] : memref<5008x128xf32, #tpu.memory_space<vmem_shared>> -> memref<5008x128xf32, #tpu.memory_space<vmem_shared>>
          tpu.wait_indirect_dma semaphore(%run_scoped3A_365 : memref<!tpu.dma_semaphore, #tpu.memory_space<semaphore_mem>>) src(%arg17 : memref<128x128xf32, #tpu.memory_space<vmem>>) dst(%dma_wait3A_372 : memref<5008x128xf32, #tpu.memory_space<vmem_shared>>)
          tpu.yield
        }) : () -> ()
        %add3A_359 = arith.constant 4 : i32
        %add3A_360 = arith.addi %add3A_330, %add3A_359 : i32
        %lt3A_361 = arith.cmpi slt, %add3A_360, %mul3A_28 : i32
        %convert_element_type3A_362 = arith.extui %lt3A_361 : i1 to i32
        %cond3A_363 = arith.constant 0 : i32
        %cond3A_364 = arith.cmpi ne, %convert_element_type3A_362, %cond3A_363 : i32
        scf.if %cond3A_364 {
          %add3A_365 = arith.constant 4 : i32
          %add3A_366 = arith.addi %add3A_330, %add3A_365 : i32
          %mul3A_367 = arith.constant 128 : i32
          %mul3A_368 = arith.muli %add3A_366, %mul3A_367 : i32
          %dma_start3A = tpu.memref_slice %arg14[%mul3A_368] : memref<10752xi32, #tpu.memory_space<vmem>> -> memref<128xi32, #tpu.memory_space<vmem>>
          %dma_start3A_369 = arith.constant 0 : i32
          %dma_start3A_370 = arith.constant 0 : i32
          %dma_start3A_371 = tpu.memref_slice %arg5[%dma_start3A_369, %dma_start3A_370] : memref<10000x128xf32, #tpu.memory_space<hbm>> -> memref<10000x128xf32, #tpu.memory_space<hbm>>
          tpu.enqueue_indirect_dma source(%dma_start3A_371 : memref<10000x128xf32, #tpu.memory_space<hbm>>) target(%arg17 : memref<128x128xf32, #tpu.memory_space<vmem>>) offsets(%dma_start3A : memref<128xi32, #tpu.memory_space<vmem>>) semaphore(%arg22 : memref<!tpu.dma_semaphore, #tpu.memory_space<semaphore_mem>>)
        } else {
        }
      } else {
      }
      %add3A_334 = arith.constant 1 : i32
      %add3A_335 = arith.addi %mul3A_328, %add3A_334 : i32
      %lt3A_336 = arith.cmpi slt, %add3A_335, %mul3A_28 : i32
      %convert_element_type3A_337 = arith.extui %lt3A_336 : i1 to i32
      %cond3A_338 = arith.constant 0 : i32
      %cond3A_339 = arith.cmpi ne, %convert_element_type3A_337, %cond3A_338 : i32
      scf.if %cond3A_339 {
        %dma_wait3A = arith.constant 0 : i32
        %dma_wait3A_352 = arith.constant 0 : i32
        %dma_wait3A_353 = tpu.memref_slice %arg5[%dma_wait3A, %dma_wait3A_352] : memref<10000x128xf32, #tpu.memory_space<hbm>> -> memref<128x128xf32, #tpu.memory_space<hbm>>
        %dma_wait3A_354 = arith.constant 0 : i32
        %dma_wait3A_355 = arith.constant 0 : i32
        %dma_wait3A_356 = tpu.memref_slice %arg5[%dma_wait3A_354, %dma_wait3A_355] : memref<10000x128xf32, #tpu.memory_space<hbm>> -> memref<128x128xf32, #tpu.memory_space<hbm>>
        tpu.wait_dma2 semaphore(%arg23 : memref<!tpu.dma_semaphore, #tpu.memory_space<semaphore_mem>>) src(%dma_wait3A_356 : memref<128x128xf32, #tpu.memory_space<hbm>>) dst(%arg18 : memref<128x128xf32, #tpu.memory_space<vmem>>)
        %mul3A_357 = arith.constant 128 : i32
        %mul3A_358 = arith.muli %add3A_335, %mul3A_357 : i32
        "tpu.region"() ({
          %run_scoped3A_365 = tpu.sem_alloc : memref<!tpu.dma_semaphore, #tpu.memory_space<semaphore_mem>>
          %dma_start3A = tpu.memref_slice %arg15[%mul3A_358] : memref<10752xi32, #tpu.memory_space<vmem>> -> memref<128xi32, #tpu.memory_space<vmem>>
          %dma_start3A_366 = arith.constant 0 : i32
          %dma_start3A_367 = arith.constant 0 : i32
          %dma_start3A_368 = tpu.memref_slice %arg21[%dma_start3A_366, %dma_start3A_367] : memref<5008x128xf32, #tpu.memory_space<vmem_shared>> -> memref<5008x128xf32, #tpu.memory_space<vmem_shared>>
          tpu.enqueue_indirect_dma source(%arg18 : memref<128x128xf32, #tpu.memory_space<vmem>>) target(%dma_start3A_368 : memref<5008x128xf32, #tpu.memory_space<vmem_shared>>) offsets(%dma_start3A : memref<128xi32, #tpu.memory_space<vmem>>) semaphore(%run_scoped3A_365 : memref<!tpu.dma_semaphore, #tpu.memory_space<semaphore_mem>>) {add = true}
          %dma_wait3A_369 = tpu.memref_slice %arg15[%mul3A_358] : memref<10752xi32, #tpu.memory_space<vmem>> -> memref<128xi32, #tpu.memory_space<vmem>>
          %dma_wait3A_370 = arith.constant 0 : i32
          %dma_wait3A_371 = arith.constant 0 : i32
          %dma_wait3A_372 = tpu.memref_slice %arg21[%dma_wait3A_370, %dma_wait3A_371] : memref<5008x128xf32, #tpu.memory_space<vmem_shared>> -> memref<5008x128xf32, #tpu.memory_space<vmem_shared>>
          tpu.wait_indirect_dma semaphore(%run_scoped3A_365 : memref<!tpu.dma_semaphore, #tpu.memory_space<semaphore_mem>>) src(%arg18 : memref<128x128xf32, #tpu.memory_space<vmem>>) dst(%dma_wait3A_372 : memref<5008x128xf32, #tpu.memory_space<vmem_shared>>)
          tpu.yield
        }) : () -> ()
        %add3A_359 = arith.constant 4 : i32
        %add3A_360 = arith.addi %add3A_335, %add3A_359 : i32
        %lt3A_361 = arith.cmpi slt, %add3A_360, %mul3A_28 : i32
        %convert_element_type3A_362 = arith.extui %lt3A_361 : i1 to i32
        %cond3A_363 = arith.constant 0 : i32
        %cond3A_364 = arith.cmpi ne, %convert_element_type3A_362, %cond3A_363 : i32
        scf.if %cond3A_364 {
          %add3A_365 = arith.constant 4 : i32
          %add3A_366 = arith.addi %add3A_335, %add3A_365 : i32
          %mul3A_367 = arith.constant 128 : i32
          %mul3A_368 = arith.muli %add3A_366, %mul3A_367 : i32
          %dma_start3A = tpu.memref_slice %arg14[%mul3A_368] : memref<10752xi32, #tpu.memory_space<vmem>> -> memref<128xi32, #tpu.memory_space<vmem>>
          %dma_start3A_369 = arith.constant 0 : i32
          %dma_start3A_370 = arith.constant 0 : i32
          %dma_start3A_371 = tpu.memref_slice %arg5[%dma_start3A_369, %dma_start3A_370] : memref<10000x128xf32, #tpu.memory_space<hbm>> -> memref<10000x128xf32, #tpu.memory_space<hbm>>
          tpu.enqueue_indirect_dma source(%dma_start3A_371 : memref<10000x128xf32, #tpu.memory_space<hbm>>) target(%arg18 : memref<128x128xf32, #tpu.memory_space<vmem>>) offsets(%dma_start3A : memref<128xi32, #tpu.memory_space<vmem>>) semaphore(%arg23 : memref<!tpu.dma_semaphore, #tpu.memory_space<semaphore_mem>>)
        } else {
        }
      } else {
      }
      %add3A_340 = arith.constant 2 : i32
      %add3A_341 = arith.addi %mul3A_328, %add3A_340 : i32
      %lt3A_342 = arith.cmpi slt, %add3A_341, %mul3A_28 : i32
      %convert_element_type3A_343 = arith.extui %lt3A_342 : i1 to i32
      %cond3A_344 = arith.constant 0 : i32
      %cond3A_345 = arith.cmpi ne, %convert_element_type3A_343, %cond3A_344 : i32
      scf.if %cond3A_345 {
        %dma_wait3A = arith.constant 0 : i32
        %dma_wait3A_352 = arith.constant 0 : i32
        %dma_wait3A_353 = tpu.memref_slice %arg5[%dma_wait3A, %dma_wait3A_352] : memref<10000x128xf32, #tpu.memory_space<hbm>> -> memref<128x128xf32, #tpu.memory_space<hbm>>
        %dma_wait3A_354 = arith.constant 0 : i32
        %dma_wait3A_355 = arith.constant 0 : i32
        %dma_wait3A_356 = tpu.memref_slice %arg5[%dma_wait3A_354, %dma_wait3A_355] : memref<10000x128xf32, #tpu.memory_space<hbm>> -> memref<128x128xf32, #tpu.memory_space<hbm>>
        tpu.wait_dma2 semaphore(%arg22 : memref<!tpu.dma_semaphore, #tpu.memory_space<semaphore_mem>>) src(%dma_wait3A_356 : memref<128x128xf32, #tpu.memory_space<hbm>>) dst(%arg19 : memref<128x128xf32, #tpu.memory_space<vmem>>)
        %mul3A_357 = arith.constant 128 : i32
        %mul3A_358 = arith.muli %add3A_341, %mul3A_357 : i32
        "tpu.region"() ({
          %run_scoped3A_365 = tpu.sem_alloc : memref<!tpu.dma_semaphore, #tpu.memory_space<semaphore_mem>>
          %dma_start3A = tpu.memref_slice %arg15[%mul3A_358] : memref<10752xi32, #tpu.memory_space<vmem>> -> memref<128xi32, #tpu.memory_space<vmem>>
          %dma_start3A_366 = arith.constant 0 : i32
          %dma_start3A_367 = arith.constant 0 : i32
          %dma_start3A_368 = tpu.memref_slice %arg21[%dma_start3A_366, %dma_start3A_367] : memref<5008x128xf32, #tpu.memory_space<vmem_shared>> -> memref<5008x128xf32, #tpu.memory_space<vmem_shared>>
          tpu.enqueue_indirect_dma source(%arg19 : memref<128x128xf32, #tpu.memory_space<vmem>>) target(%dma_start3A_368 : memref<5008x128xf32, #tpu.memory_space<vmem_shared>>) offsets(%dma_start3A : memref<128xi32, #tpu.memory_space<vmem>>) semaphore(%run_scoped3A_365 : memref<!tpu.dma_semaphore, #tpu.memory_space<semaphore_mem>>) {add = true}
          %dma_wait3A_369 = tpu.memref_slice %arg15[%mul3A_358] : memref<10752xi32, #tpu.memory_space<vmem>> -> memref<128xi32, #tpu.memory_space<vmem>>
          %dma_wait3A_370 = arith.constant 0 : i32
          %dma_wait3A_371 = arith.constant 0 : i32
          %dma_wait3A_372 = tpu.memref_slice %arg21[%dma_wait3A_370, %dma_wait3A_371] : memref<5008x128xf32, #tpu.memory_space<vmem_shared>> -> memref<5008x128xf32, #tpu.memory_space<vmem_shared>>
          tpu.wait_indirect_dma semaphore(%run_scoped3A_365 : memref<!tpu.dma_semaphore, #tpu.memory_space<semaphore_mem>>) src(%arg19 : memref<128x128xf32, #tpu.memory_space<vmem>>) dst(%dma_wait3A_372 : memref<5008x128xf32, #tpu.memory_space<vmem_shared>>)
          tpu.yield
        }) : () -> ()
        %add3A_359 = arith.constant 4 : i32
        %add3A_360 = arith.addi %add3A_341, %add3A_359 : i32
        %lt3A_361 = arith.cmpi slt, %add3A_360, %mul3A_28 : i32
        %convert_element_type3A_362 = arith.extui %lt3A_361 : i1 to i32
        %cond3A_363 = arith.constant 0 : i32
        %cond3A_364 = arith.cmpi ne, %convert_element_type3A_362, %cond3A_363 : i32
        scf.if %cond3A_364 {
          %add3A_365 = arith.constant 4 : i32
          %add3A_366 = arith.addi %add3A_341, %add3A_365 : i32
          %mul3A_367 = arith.constant 128 : i32
          %mul3A_368 = arith.muli %add3A_366, %mul3A_367 : i32
          %dma_start3A = tpu.memref_slice %arg14[%mul3A_368] : memref<10752xi32, #tpu.memory_space<vmem>> -> memref<128xi32, #tpu.memory_space<vmem>>
          %dma_start3A_369 = arith.constant 0 : i32
          %dma_start3A_370 = arith.constant 0 : i32
          %dma_start3A_371 = tpu.memref_slice %arg5[%dma_start3A_369, %dma_start3A_370] : memref<10000x128xf32, #tpu.memory_space<hbm>> -> memref<10000x128xf32, #tpu.memory_space<hbm>>
          tpu.enqueue_indirect_dma source(%dma_start3A_371 : memref<10000x128xf32, #tpu.memory_space<hbm>>) target(%arg19 : memref<128x128xf32, #tpu.memory_space<vmem>>) offsets(%dma_start3A : memref<128xi32, #tpu.memory_space<vmem>>) semaphore(%arg22 : memref<!tpu.dma_semaphore, #tpu.memory_space<semaphore_mem>>)
        } else {
        }
      } else {
      }
      %add3A_346 = arith.constant 3 : i32
      %add3A_347 = arith.addi %mul3A_328, %add3A_346 : i32
      %lt3A_348 = arith.cmpi slt, %add3A_347, %mul3A_28 : i32
      %convert_element_type3A_349 = arith.extui %lt3A_348 : i1 to i32
      %cond3A_350 = arith.constant 0 : i32
      %cond3A_351 = arith.cmpi ne, %convert_element_type3A_349, %cond3A_350 : i32
      scf.if %cond3A_351 {
        %dma_wait3A = arith.constant 0 : i32
        %dma_wait3A_352 = arith.constant 0 : i32
        %dma_wait3A_353 = tpu.memref_slice %arg5[%dma_wait3A, %dma_wait3A_352] : memref<10000x128xf32, #tpu.memory_space<hbm>> -> memref<128x128xf32, #tpu.memory_space<hbm>>
        %dma_wait3A_354 = arith.constant 0 : i32
        %dma_wait3A_355 = arith.constant 0 : i32
        %dma_wait3A_356 = tpu.memref_slice %arg5[%dma_wait3A_354, %dma_wait3A_355] : memref<10000x128xf32, #tpu.memory_space<hbm>> -> memref<128x128xf32, #tpu.memory_space<hbm>>
        tpu.wait_dma2 semaphore(%arg23 : memref<!tpu.dma_semaphore, #tpu.memory_space<semaphore_mem>>) src(%dma_wait3A_356 : memref<128x128xf32, #tpu.memory_space<hbm>>) dst(%arg20 : memref<128x128xf32, #tpu.memory_space<vmem>>)
        %mul3A_357 = arith.constant 128 : i32
        %mul3A_358 = arith.muli %add3A_347, %mul3A_357 : i32
        "tpu.region"() ({
          %run_scoped3A_365 = tpu.sem_alloc : memref<!tpu.dma_semaphore, #tpu.memory_space<semaphore_mem>>
          %dma_start3A = tpu.memref_slice %arg15[%mul3A_358] : memref<10752xi32, #tpu.memory_space<vmem>> -> memref<128xi32, #tpu.memory_space<vmem>>
          %dma_start3A_366 = arith.constant 0 : i32
          %dma_start3A_367 = arith.constant 0 : i32
          %dma_start3A_368 = tpu.memref_slice %arg21[%dma_start3A_366, %dma_start3A_367] : memref<5008x128xf32, #tpu.memory_space<vmem_shared>> -> memref<5008x128xf32, #tpu.memory_space<vmem_shared>>
          tpu.enqueue_indirect_dma source(%arg20 : memref<128x128xf32, #tpu.memory_space<vmem>>) target(%dma_start3A_368 : memref<5008x128xf32, #tpu.memory_space<vmem_shared>>) offsets(%dma_start3A : memref<128xi32, #tpu.memory_space<vmem>>) semaphore(%run_scoped3A_365 : memref<!tpu.dma_semaphore, #tpu.memory_space<semaphore_mem>>) {add = true}
          %dma_wait3A_369 = tpu.memref_slice %arg15[%mul3A_358] : memref<10752xi32, #tpu.memory_space<vmem>> -> memref<128xi32, #tpu.memory_space<vmem>>
          %dma_wait3A_370 = arith.constant 0 : i32
          %dma_wait3A_371 = arith.constant 0 : i32
          %dma_wait3A_372 = tpu.memref_slice %arg21[%dma_wait3A_370, %dma_wait3A_371] : memref<5008x128xf32, #tpu.memory_space<vmem_shared>> -> memref<5008x128xf32, #tpu.memory_space<vmem_shared>>
          tpu.wait_indirect_dma semaphore(%run_scoped3A_365 : memref<!tpu.dma_semaphore, #tpu.memory_space<semaphore_mem>>) src(%arg20 : memref<128x128xf32, #tpu.memory_space<vmem>>) dst(%dma_wait3A_372 : memref<5008x128xf32, #tpu.memory_space<vmem_shared>>)
          tpu.yield
        }) : () -> ()
        %add3A_359 = arith.constant 4 : i32
        %add3A_360 = arith.addi %add3A_347, %add3A_359 : i32
        %lt3A_361 = arith.cmpi slt, %add3A_360, %mul3A_28 : i32
        %convert_element_type3A_362 = arith.extui %lt3A_361 : i1 to i32
        %cond3A_363 = arith.constant 0 : i32
        %cond3A_364 = arith.cmpi ne, %convert_element_type3A_362, %cond3A_363 : i32
        scf.if %cond3A_364 {
          %add3A_365 = arith.constant 4 : i32
          %add3A_366 = arith.addi %add3A_347, %add3A_365 : i32
          %mul3A_367 = arith.constant 128 : i32
          %mul3A_368 = arith.muli %add3A_366, %mul3A_367 : i32
          %dma_start3A = tpu.memref_slice %arg14[%mul3A_368] : memref<10752xi32, #tpu.memory_space<vmem>> -> memref<128xi32, #tpu.memory_space<vmem>>
          %dma_start3A_369 = arith.constant 0 : i32
          %dma_start3A_370 = arith.constant 0 : i32
          %dma_start3A_371 = tpu.memref_slice %arg5[%dma_start3A_369, %dma_start3A_370] : memref<10000x128xf32, #tpu.memory_space<hbm>> -> memref<10000x128xf32, #tpu.memory_space<hbm>>
          tpu.enqueue_indirect_dma source(%dma_start3A_371 : memref<10000x128xf32, #tpu.memory_space<hbm>>) target(%arg20 : memref<128x128xf32, #tpu.memory_space<vmem>>) offsets(%dma_start3A : memref<128xi32, #tpu.memory_space<vmem>>) semaphore(%arg23 : memref<!tpu.dma_semaphore, #tpu.memory_space<semaphore_mem>>)
        } else {
        }
      } else {
      }
    }
    %barrier3A_315 = arith.constant 0 : index
    tpu.barrier barrier_id(%barrier3A_315)
    %mul3A_316 = arith.constant 312 : i32
    %mul3A_317 = arith.muli %arg1, %mul3A_316 : i32
    %mul3A_318 = arith.constant 312 : i32
    %mul3A_319 = arith.muli %arg1, %mul3A_318 : i32
    %add3A_320 = arith.addi %mul3A_0, %mul3A_319 : i32
    "tpu.region"() ({
      %run_scoped3A_326 = tpu.sem_alloc : memref<!tpu.dma_semaphore, #tpu.memory_space<semaphore_mem>>
      %dma_start3A = arith.constant 0 : i32
      %dma_start3A_327 = tpu.memref_slice %arg13[%add3A_320, %dma_start3A] : memref<10000x128xf32, #tpu.memory_space<hbm>> -> memref<312x128xf32, #tpu.memory_space<hbm>>
      %dma_start3A_328 = arith.constant 0 : i32
      %dma_start3A_329 = tpu.memref_slice %arg21[%mul3A_317, %dma_start3A_328] : memref<5008x128xf32, #tpu.memory_space<vmem_shared>> -> memref<312x128xf32, #tpu.memory_space<vmem_shared>>
      tpu.enqueue_dma source(%dma_start3A_329 : memref<312x128xf32, #tpu.memory_space<vmem_shared>>) target(%dma_start3A_327 : memref<312x128xf32, #tpu.memory_space<hbm>>) target_semaphore(%run_scoped3A_326 : memref<!tpu.dma_semaphore, #tpu.memory_space<semaphore_mem>>)
      %dma_wait3A = arith.constant 0 : i32
      %dma_wait3A_330 = tpu.memref_slice %arg13[%add3A_320, %dma_wait3A] : memref<10000x128xf32, #tpu.memory_space<hbm>> -> memref<312x128xf32, #tpu.memory_space<hbm>>
      %dma_wait3A_331 = arith.constant 0 : i32
      %dma_wait3A_332 = tpu.memref_slice %arg21[%mul3A_317, %dma_wait3A_331] : memref<5008x128xf32, #tpu.memory_space<vmem_shared>> -> memref<312x128xf32, #tpu.memory_space<vmem_shared>>
      tpu.wait_dma2 semaphore(%run_scoped3A_326 : memref<!tpu.dma_semaphore, #tpu.memory_space<semaphore_mem>>) src(%dma_wait3A_332 : memref<312x128xf32, #tpu.memory_space<vmem_shared>>) dst(%dma_wait3A_330 : memref<312x128xf32, #tpu.memory_space<hbm>>)
      tpu.yield
    }) : () -> ()
    %eq3A_321 = arith.constant 15 : i32
    %eq3A_322 = arith.cmpi eq, %arg1, %eq3A_321 : i32
    %convert_element_type3A_323 = arith.extui %eq3A_322 : i1 to i32
    %cond3A_324 = arith.constant 0 : i32
    %cond3A_325 = arith.cmpi ne, %convert_element_type3A_323, %cond3A_324 : i32
    scf.if %cond3A_325 {
      %add3A_326 = arith.constant 4992 : i32
      %add3A_327 = arith.addi %mul3A_0, %add3A_326 : i32
      "tpu.region"() ({
        %run_scoped3A_328 = tpu.sem_alloc : memref<!tpu.dma_semaphore, #tpu.memory_space<semaphore_mem>>
        %dma_start3A = arith.constant 0 : i32
        %dma_start3A_329 = tpu.memref_slice %arg13[%add3A_327, %dma_start3A] : memref<10000x128xf32, #tpu.memory_space<hbm>> -> memref<8x128xf32, #tpu.memory_space<hbm>>
        %dma_start3A_330 = arith.constant 4992 : i32
        %dma_start3A_331 = arith.constant 0 : i32
        %dma_start3A_332 = tpu.memref_slice %arg21[%dma_start3A_330, %dma_start3A_331] : memref<5008x128xf32, #tpu.memory_space<vmem_shared>> -> memref<8x128xf32, #tpu.memory_space<vmem_shared>>
        tpu.enqueue_dma source(%dma_start3A_332 : memref<8x128xf32, #tpu.memory_space<vmem_shared>>) target(%dma_start3A_329 : memref<8x128xf32, #tpu.memory_space<hbm>>) target_semaphore(%run_scoped3A_328 : memref<!tpu.dma_semaphore, #tpu.memory_space<semaphore_mem>>)
        %dma_wait3A = arith.constant 0 : i32
        %dma_wait3A_333 = tpu.memref_slice %arg13[%add3A_327, %dma_wait3A] : memref<10000x128xf32, #tpu.memory_space<hbm>> -> memref<8x128xf32, #tpu.memory_space<hbm>>
        %dma_wait3A_334 = arith.constant 4992 : i32
        %dma_wait3A_335 = arith.constant 0 : i32
        %dma_wait3A_336 = tpu.memref_slice %arg21[%dma_wait3A_334, %dma_wait3A_335] : memref<5008x128xf32, #tpu.memory_space<vmem_shared>> -> memref<8x128xf32, #tpu.memory_space<vmem_shared>>
        tpu.wait_dma2 semaphore(%run_scoped3A_328 : memref<!tpu.dma_semaphore, #tpu.memory_space<semaphore_mem>>) src(%dma_wait3A_336 : memref<8x128xf32, #tpu.memory_space<vmem_shared>>) dst(%dma_wait3A_333 : memref<8x128xf32, #tpu.memory_space<hbm>>)
        tpu.yield
      }) : () -> ()
    } else {
    }
    return
  }
}

module attributes {stable_mosaic.version = 14 : i64} {
  func.func @_m1_body(%arg0: i32, %arg1: memref<400x2xf32, #tpu.memory_space<vmem>>, %arg2: memref<400x256xf32, #tpu.memory_space<vmem>>, %arg3: memref<256x512xf32, #tpu.memory_space<vmem>>, %arg4: memref<400x128xf32, #tpu.memory_space<vmem>>, %arg5: memref<400x128xf32, #tpu.memory_space<vmem>>, %arg6: memref<400x128xf32, #tpu.memory_space<vmem>>, %arg7: memref<400x128xf32, #tpu.memory_space<vmem>>) attributes {dimension_semantics = [#tpu.dimension_semantics<parallel>], iteration_bounds = array<i64: 25>, scalar_prefetch = 0 : i64, scratch_operands = 0 : i64, tpu.core_type = #tpu.core_type<tc>, window_params = [{transform_indices = @transform_0, window_bounds = array<i64: 400, 2>}, {transform_indices = @transform_1, window_bounds = array<i64: 400, 256>}, {pipeline_mode = #tpu.pipeline_mode<synchronous>, transform_indices = @transform_2, window_bounds = array<i64: 256, 512>}, {transform_indices = @transform_3, window_bounds = array<i64: 400, 128>}, {transform_indices = @transform_4, window_bounds = array<i64: 400, 128>}, {transform_indices = @transform_5, window_bounds = array<i64: 400, 128>}, {transform_indices = @transform_6, window_bounds = array<i64: 400, 128>}]} {
    %get3A = arith.constant 0 : index
    %get3A_0 = arith.constant 0 : index
    %get3A_1 = vector.load %arg1[%get3A, %get3A_0] : memref<400x2xf32, #tpu.memory_space<vmem>>, vector<400x1xf32>
    %max3A = arith.constant 1.000000e+00 : f32
    %max3A_2 = vector.broadcast %max3A : f32 to vector<400x1xf32>
    %max3A_3 = arith.maximumf %get3A_1, %max3A_2 : vector<400x1xf32>
    %rsqrt3A = math.rsqrt %max3A_3 : vector<400x1xf32>
    %get3A_4 = arith.constant 0 : index
    %get3A_5 = arith.constant 0 : index
    %get3A_6 = vector.load %arg2[%get3A_4, %get3A_5] : memref<400x256xf32, #tpu.memory_space<vmem>>, vector<400x256xf32>
    %mul3A = vector.broadcast %rsqrt3A : vector<400x1xf32> to vector<400x256xf32>
    %mul3A_7 = arith.mulf %get3A_6, %mul3A : vector<400x256xf32>
    %get3A_8 = arith.constant 0 : index
    %get3A_9 = arith.constant 0 : index
    %get3A_10 = vector.load %arg3[%get3A_8, %get3A_9] : memref<256x512xf32, #tpu.memory_space<vmem>>, vector<256x512xf32>
    %dot_general3A = arith.constant dense<0.000000e+00> : vector<400x512xf32>
    %dot_general3A_11 = tpu.matmul %mul3A_7, %get3A_10, %dot_general3A {dimension_numbers = #tpu.dot_dimension_numbers<[1], [0], [0], [1], [0, 0, 1, 1], [], []>, transpose_lhs_hint = false} : vector<400x256xf32>, vector<256x512xf32>, vector<400x512xf32> -> vector<400x512xf32>
    %slice3A = vector.extract_strided_slice %dot_general3A_11 {offsets = [0, 0], sizes = [400, 128], strides = [1, 1]} : vector<400x512xf32> to vector<400x128xf32>
    %swap3A = arith.constant 0 : index
    %swap3A_12 = arith.constant 0 : index
    %swap3A_13 = vector.load %arg4[%swap3A, %swap3A_12] : memref<400x128xf32, #tpu.memory_space<vmem>>, vector<400x128xf32>
    tpu.vector_store %arg4[%swap3A, %swap3A_12], %slice3A {strides = array<i32>} : memref<400x128xf32, #tpu.memory_space<vmem>>, vector<400x128xf32>,
    %slice3A_14 = vector.extract_strided_slice %dot_general3A_11 {offsets = [0, 128], sizes = [400, 128], strides = [1, 1]} : vector<400x512xf32> to vector<400x128xf32>
    %swap3A_15 = arith.constant 0 : index
    %swap3A_16 = arith.constant 0 : index
    %swap3A_17 = vector.load %arg5[%swap3A_15, %swap3A_16] : memref<400x128xf32, #tpu.memory_space<vmem>>, vector<400x128xf32>
    tpu.vector_store %arg5[%swap3A_15, %swap3A_16], %slice3A_14 {strides = array<i32>} : memref<400x128xf32, #tpu.memory_space<vmem>>, vector<400x128xf32>,
    %slice3A_18 = vector.extract_strided_slice %dot_general3A_11 {offsets = [0, 256], sizes = [400, 128], strides = [1, 1]} : vector<400x512xf32> to vector<400x128xf32>
    %swap3A_19 = arith.constant 0 : index
    %swap3A_20 = arith.constant 0 : index
    %swap3A_21 = vector.load %arg6[%swap3A_19, %swap3A_20] : memref<400x128xf32, #tpu.memory_space<vmem>>, vector<400x128xf32>
    tpu.vector_store %arg6[%swap3A_19, %swap3A_20], %slice3A_18 {strides = array<i32>} : memref<400x128xf32, #tpu.memory_space<vmem>>, vector<400x128xf32>,
    %slice3A_22 = vector.extract_strided_slice %dot_general3A_11 {offsets = [0, 384], sizes = [400, 128], strides = [1, 1]} : vector<400x512xf32> to vector<400x128xf32>
    %swap3A_23 = arith.constant 0 : index
    %swap3A_24 = arith.constant 0 : index
    %swap3A_25 = vector.load %arg7[%swap3A_23, %swap3A_24] : memref<400x128xf32, #tpu.memory_space<vmem>>, vector<400x128xf32>
    tpu.vector_store %arg7[%swap3A_23, %swap3A_24], %slice3A_22 {strides = array<i32>} : memref<400x128xf32, #tpu.memory_space<vmem>>, vector<400x128xf32>,
    return
  }
  func.func @transform_0(%arg0: i32) -> (i32, i32) {
    %c0_i32 = arith.constant 0 : i32
    %c0_i32_0 = arith.constant 0 : i32
    return %arg0, %c0_i32 : i32, i32
  }
  func.func @transform_1(%arg0: i32) -> (i32, i32) {
    %c0_i32 = arith.constant 0 : i32
    %c0_i32_0 = arith.constant 0 : i32
    return %arg0, %c0_i32 : i32, i32
  }
  func.func @transform_2(%arg0: i32) -> (i32, i32) {
    %c0_i32 = arith.constant 0 : i32
    %c0_i32_0 = arith.constant 0 : i32
    %c0_i32_1 = arith.constant 0 : i32
    return %c0_i32, %c0_i32_0 : i32, i32
  }
  func.func @transform_3(%arg0: i32) -> (i32, i32) {
    %c0_i32 = arith.constant 0 : i32
    %c0_i32_0 = arith.constant 0 : i32
    return %arg0, %c0_i32 : i32, i32
  }
  func.func @transform_4(%arg0: i32) -> (i32, i32) {
    %c0_i32 = arith.constant 0 : i32
    %c0_i32_0 = arith.constant 0 : i32
    return %arg0, %c0_i32 : i32, i32
  }
  func.func @transform_5(%arg0: i32) -> (i32, i32) {
    %c0_i32 = arith.constant 0 : i32
    %c0_i32_0 = arith.constant 0 : i32
    return %arg0, %c0_i32 : i32, i32
  }
  func.func @transform_6(%arg0: i32) -> (i32, i32) {
    %c0_i32 = arith.constant 0 : i32
    %c0_i32_0 = arith.constant 0 : i32
    return %arg0, %c0_i32 : i32, i32
  }
}

module attributes {stable_mosaic.version = 14 : i64} {
  func.func @_pool_body(%arg0: i32, %arg1: memref<400x128xf32, #tpu.memory_space<vmem>>, %arg2: memref<400x128xf32, #tpu.memory_space<vmem>>, %arg3: memref<400x128xf32, #tpu.memory_space<vmem>>, %arg4: memref<400x128xf32, #tpu.memory_space<vmem>>, %arg5: memref<1x512xf32, #tpu.memory_space<vmem>>, %arg6: memref<1x1xf32, #tpu.memory_space<vmem>>, %arg7: memref<1x1xf32, #tpu.memory_space<vmem>>, %arg8: memref<1x512xf32, #tpu.memory_space<vmem>>) attributes {dimension_semantics = [#tpu.dimension_semantics<arbitrary>], iteration_bounds = array<i64: 25>, scalar_prefetch = 0 : i64, scratch_operands = 1 : i64, tpu.core_type = #tpu.core_type<tc>, window_params = [{transform_indices = @transform_0, window_bounds = array<i64: 400, 128>}, {transform_indices = @transform_1, window_bounds = array<i64: 400, 128>}, {transform_indices = @transform_2, window_bounds = array<i64: 400, 128>}, {transform_indices = @transform_3, window_bounds = array<i64: 400, 128>}, {pipeline_mode = #tpu.pipeline_mode<synchronous>, transform_indices = @transform_4, window_bounds = array<i64: 1, 512>}, {pipeline_mode = #tpu.pipeline_mode<synchronous>, transform_indices = @transform_5, window_bounds = array<i64: 1, 1>}, {pipeline_mode = #tpu.pipeline_mode<synchronous>, transform_indices = @transform_6, window_bounds = array<i64: 1, 1>}]} {
    %eq3A = arith.constant 0 : i32
    %eq3A_0 = arith.cmpi eq, %arg0, %eq3A : i32
    %convert_element_type3A = arith.extui %eq3A_0 : i1 to i32
    %cond3A = arith.constant 0 : i32
    %cond3A_1 = arith.cmpi ne, %convert_element_type3A, %cond3A : i32
    scf.if %cond3A_1 {
      %broadcast_in_dim3A_24 = arith.constant 0.000000e+00 : f32
      %broadcast_in_dim3A_25 = vector.broadcast %broadcast_in_dim3A_24 : f32 to vector<1x512xf32>
      %swap3A_26 = arith.constant 0 : index
      %swap3A_27 = arith.constant 0 : index
      %swap3A_28 = vector.load %arg8[%swap3A_26, %swap3A_27] : memref<1x512xf32, #tpu.memory_space<vmem>>, vector<1x512xf32>
      tpu.vector_store %arg8[%swap3A_26, %swap3A_27], %broadcast_in_dim3A_25 {strides = array<i32>} : memref<1x512xf32, #tpu.memory_space<vmem>>, vector<1x512xf32>,
    } else {
    }
    %get3A = arith.constant 0 : index
    %get3A_2 = arith.constant 0 : index
    %get3A_3 = vector.load %arg1[%get3A, %get3A_2] : memref<400x128xf32, #tpu.memory_space<vmem>>, vector<400x128xf32>
    %get3A_4 = arith.constant 0 : index
    %get3A_5 = arith.constant 0 : index
    %get3A_6 = vector.load %arg2[%get3A_4, %get3A_5] : memref<400x128xf32, #tpu.memory_space<vmem>>, vector<400x128xf32>
    %get3A_7 = arith.constant 0 : index
    %get3A_8 = arith.constant 0 : index
    %get3A_9 = vector.load %arg3[%get3A_7, %get3A_8] : memref<400x128xf32, #tpu.memory_space<vmem>>, vector<400x128xf32>
    %get3A_10 = arith.constant 0 : index
    %get3A_11 = arith.constant 0 : index
    %get3A_12 = vector.load %arg4[%get3A_10, %get3A_11] : memref<400x128xf32, #tpu.memory_space<vmem>>, vector<400x128xf32>
    %concatenate3A = tpu.concatenate %get3A_3, %get3A_6, %get3A_9, %get3A_12 in 1 : vector<400x128xf32>, vector<400x128xf32>, vector<400x128xf32>, vector<400x128xf32> -> vector<400x512xf32>
    %get3A_13 = arith.constant 0 : index
    %get3A_14 = arith.constant 0 : index
    %get3A_15 = vector.load %arg8[%get3A_13, %get3A_14] : memref<1x512xf32, #tpu.memory_space<vmem>>, vector<1x512xf32>
    %reduce_sum3A = arith.constant dense<0.000000e+00> : vector<512xf32>
    %reduce_sum3A_16 = vector.multi_reduction <add>, %concatenate3A, %reduce_sum3A [0] : vector<400x512xf32> to vector<512xf32>
    %broadcast_in_dim3A = vector.shape_cast %reduce_sum3A_16 : vector<512xf32> to vector<1x512xf32>
    %add3A = arith.addf %get3A_15, %broadcast_in_dim3A : vector<1x512xf32>
    %swap3A = arith.constant 0 : index
    %swap3A_17 = arith.constant 0 : index
    %swap3A_18 = vector.load %arg8[%swap3A, %swap3A_17] : memref<1x512xf32, #tpu.memory_space<vmem>>, vector<1x512xf32>
    tpu.vector_store %arg8[%swap3A, %swap3A_17], %add3A {strides = array<i32>} : memref<1x512xf32, #tpu.memory_space<vmem>>, vector<1x512xf32>,
    %eq3A_19 = arith.constant 24 : i32
    %eq3A_20 = arith.cmpi eq, %arg0, %eq3A_19 : i32
    %convert_element_type3A_21 = arith.extui %eq3A_20 : i1 to i32
    %cond3A_22 = arith.constant 0 : i32
    %cond3A_23 = arith.cmpi ne, %convert_element_type3A_21, %cond3A_22 : i32
    scf.if %cond3A_23 {
      %get3A_24 = arith.constant 0 : index
      %get3A_25 = arith.constant 0 : index
      %get3A_26 = vector.load %arg8[%get3A_24, %get3A_25] : memref<1x512xf32, #tpu.memory_space<vmem>>, vector<1x512xf32>
      %get3A_27 = arith.constant 0 : index
      %get3A_28 = arith.constant 0 : index
      %get3A_29 = vector.load %arg5[%get3A_27, %get3A_28] : memref<1x512xf32, #tpu.memory_space<vmem>>, vector<1x512xf32>
      %mul3A = arith.mulf %get3A_26, %get3A_29 : vector<1x512xf32>
      %reduce_sum3A_30 = vector.shape_cast %mul3A : vector<1x512xf32> to vector<1x1x512xf32>
      %reduce_sum3A_31 = arith.constant dense<0.000000e+00> : vector<1xf32>
      %reduce_sum3A_32 = vector.multi_reduction <add>, %reduce_sum3A_30, %reduce_sum3A_31 [1, 2] : vector<1x1x512xf32> to vector<1xf32>
      %reduce_sum3A_33 = vector.shape_cast %reduce_sum3A_32 : vector<1xf32> to vector<1x1x1xf32>
      %reduce_sum3A_34 = vector.extract %reduce_sum3A_33[0, 0, 0] : f32 from vector<1x1x1xf32>
      %div3A = arith.constant 1.000000e+04 : f32
      %div3A_35 = arith.divf %reduce_sum3A_34, %div3A : f32
      %get3A_36 = arith.constant 0 : index
      %get3A_37 = arith.constant 0 : index
      %get3A_38 = vector.load %arg6[%get3A_36, %get3A_37] : memref<1x1xf32, #tpu.memory_space<vmem>>, vector<1x1xf32>
      %get3A_39 = vector.extract %get3A_38[0, 0] : f32 from vector<1x1xf32>
      %add3A_40 = arith.addf %div3A_35, %get3A_39 : f32
      %reshape3A = vector.broadcast %add3A_40 : f32 to vector<1x1xf32>
      %swap3A_41 = arith.constant 0 : index
      %swap3A_42 = arith.constant 0 : index
      %swap3A_43 = vector.load %arg7[%swap3A_41, %swap3A_42] : memref<1x1xf32, #tpu.memory_space<vmem>>, vector<1x1xf32>
      tpu.vector_store %arg7[%swap3A_41, %swap3A_42], %reshape3A {strides = array<i32>} : memref<1x1xf32, #tpu.memory_space<vmem>>, vector<1x1xf32>,
    } else {
    }
    return
  }
  func.func @transform_0(%arg0: i32) -> (i32, i32) {
    %c0_i32 = arith.constant 0 : i32
    %c0_i32_0 = arith.constant 0 : i32
    return %arg0, %c0_i32 : i32, i32
  }
  func.func @transform_1(%arg0: i32) -> (i32, i32) {
    %c0_i32 = arith.constant 0 : i32
    %c0_i32_0 = arith.constant 0 : i32
    return %arg0, %c0_i32 : i32, i32
  }
  func.func @transform_2(%arg0: i32) -> (i32, i32) {
    %c0_i32 = arith.constant 0 : i32
    %c0_i32_0 = arith.constant 0 : i32
    return %arg0, %c0_i32 : i32, i32
  }
  func.func @transform_3(%arg0: i32) -> (i32, i32) {
    %c0_i32 = arith.constant 0 : i32
    %c0_i32_0 = arith.constant 0 : i32
    return %arg0, %c0_i32 : i32, i32
  }
  func.func @transform_4(%arg0: i32) -> (i32, i32) {
    %c0_i32 = arith.constant 0 : i32
    %c0_i32_0 = arith.constant 0 : i32
    %c0_i32_1 = arith.constant 0 : i32
    return %c0_i32, %c0_i32_0 : i32, i32
  }
  func.func @transform_5(%arg0: i32) -> (i32, i32) {
    %c0_i32 = arith.constant 0 : i32
    %c0_i32_0 = arith.constant 0 : i32
    %c0_i32_1 = arith.constant 0 : i32
    return %c0_i32, %c0_i32_0 : i32, i32
  }
  func.func @transform_6(%arg0: i32) -> (i32, i32) {
    %c0_i32 = arith.constant 0 : i32
    %c0_i32_0 = arith.constant 0 : i32
    %c0_i32_1 = arith.constant 0 : i32
    return %c0_i32, %c0_i32_0 : i32, i32
  }
}

module attributes {stable_mosaic.version = 14 : i64} {
  func.func @_layer_body(%arg0: i32, %arg1: memref<400x2xf32, #tpu.memory_space<vmem>>, %arg2: memref<400x128xf32, #tpu.memory_space<vmem>>, %arg3: memref<400x128xf32, #tpu.memory_space<vmem>>, %arg4: memref<400x128xf32, #tpu.memory_space<vmem>>, %arg5: memref<400x128xf32, #tpu.memory_space<vmem>>, %arg6: memref<512x512xf32, #tpu.memory_space<vmem>>, %arg7: memref<1x512xf32, #tpu.memory_space<vmem>>, %arg8: memref<1x1xf32, #tpu.memory_space<vmem>>, %arg9: memref<400x128xf32, #tpu.memory_space<vmem>>, %arg10: memref<400x128xf32, #tpu.memory_space<vmem>>, %arg11: memref<400x128xf32, #tpu.memory_space<vmem>>, %arg12: memref<400x128xf32, #tpu.memory_space<vmem>>) attributes {dimension_semantics = [#tpu.dimension_semantics<parallel>], iteration_bounds = array<i64: 25>, scalar_prefetch = 0 : i64, scratch_operands = 0 : i64, tpu.core_type = #tpu.core_type<tc>, window_params = [{transform_indices = @transform_0, window_bounds = array<i64: 400, 2>}, {transform_indices = @transform_1, window_bounds = array<i64: 400, 128>}, {transform_indices = @transform_2, window_bounds = array<i64: 400, 128>}, {transform_indices = @transform_3, window_bounds = array<i64: 400, 128>}, {transform_indices = @transform_4, window_bounds = array<i64: 400, 128>}, {pipeline_mode = #tpu.pipeline_mode<synchronous>, transform_indices = @transform_5, window_bounds = array<i64: 512, 512>}, {pipeline_mode = #tpu.pipeline_mode<synchronous>, transform_indices = @transform_6, window_bounds = array<i64: 1, 512>}, {pipeline_mode = #tpu.pipeline_mode<synchronous>, transform_indices = @transform_7, window_bounds = array<i64: 1, 1>}, {transform_indices = @transform_8, window_bounds = array<i64: 400, 128>}, {transform_indices = @transform_9, window_bounds = array<i64: 400, 128>}, {transform_indices = @transform_10, window_bounds = array<i64: 400, 128>}, {transform_indices = @transform_11, window_bounds = array<i64: 400, 128>}]} {
    %get3A = arith.constant 0 : index
    %get3A_0 = arith.constant 1 : index
    %get3A_1 = vector.load %arg1[%get3A, %get3A_0] : memref<400x2xf32, #tpu.memory_space<vmem>>, vector<400x1xf32>
    %max3A = arith.constant 1.000000e+00 : f32
    %max3A_2 = vector.broadcast %max3A : f32 to vector<400x1xf32>
    %max3A_3 = arith.maximumf %get3A_1, %max3A_2 : vector<400x1xf32>
    %rsqrt3A = math.rsqrt %max3A_3 : vector<400x1xf32>
    %get3A_4 = arith.constant 0 : index
    %get3A_5 = arith.constant 0 : index
    %get3A_6 = vector.load %arg2[%get3A_4, %get3A_5] : memref<400x128xf32, #tpu.memory_space<vmem>>, vector<400x128xf32>
    %get3A_7 = arith.constant 0 : index
    %get3A_8 = arith.constant 0 : index
    %get3A_9 = vector.load %arg3[%get3A_7, %get3A_8] : memref<400x128xf32, #tpu.memory_space<vmem>>, vector<400x128xf32>
    %get3A_10 = arith.constant 0 : index
    %get3A_11 = arith.constant 0 : index
    %get3A_12 = vector.load %arg4[%get3A_10, %get3A_11] : memref<400x128xf32, #tpu.memory_space<vmem>>, vector<400x128xf32>
    %get3A_13 = arith.constant 0 : index
    %get3A_14 = arith.constant 0 : index
    %get3A_15 = vector.load %arg5[%get3A_13, %get3A_14] : memref<400x128xf32, #tpu.memory_space<vmem>>, vector<400x128xf32>
    %concatenate3A = tpu.concatenate %get3A_6, %get3A_9, %get3A_12, %get3A_15 in 1 : vector<400x128xf32>, vector<400x128xf32>, vector<400x128xf32>, vector<400x128xf32> -> vector<400x512xf32>
    %mul3A = vector.broadcast %rsqrt3A : vector<400x1xf32> to vector<400x512xf32>
    %mul3A_16 = arith.mulf %concatenate3A, %mul3A : vector<400x512xf32>
    %get3A_17 = arith.constant 0 : index
    %get3A_18 = arith.constant 0 : index
    %get3A_19 = vector.load %arg6[%get3A_17, %get3A_18] : memref<512x512xf32, #tpu.memory_space<vmem>>, vector<512x512xf32>
    %dot_general3A = arith.constant dense<0.000000e+00> : vector<400x512xf32>
    %dot_general3A_20 = tpu.matmul %mul3A_16, %get3A_19, %dot_general3A {dimension_numbers = #tpu.dot_dimension_numbers<[1], [0], [0], [1], [0, 0, 1, 1], [], []>, transpose_lhs_hint = false} : vector<400x512xf32>, vector<512x512xf32>, vector<400x512xf32> -> vector<400x512xf32>
    %get3A_21 = arith.constant 0 : index
    %get3A_22 = arith.constant 0 : index
    %get3A_23 = vector.load %arg7[%get3A_21, %get3A_22] : memref<1x512xf32, #tpu.memory_space<vmem>>, vector<1x512xf32>
    %add3A = vector.broadcast %get3A_23 : vector<1x512xf32> to vector<400x512xf32>
    %add3A_24 = arith.addf %dot_general3A_20, %add3A : vector<400x512xf32>
    %max3A_25 = arith.constant 0.000000e+00 : f32
    %max3A_26 = vector.broadcast %max3A_25 : f32 to vector<400x512xf32>
    %max3A_27 = arith.maximumf %add3A_24, %max3A_26 : vector<400x512xf32>
    %get3A_28 = arith.constant 0 : index
    %get3A_29 = arith.constant 0 : index
    %get3A_30 = vector.load %arg1[%get3A_28, %get3A_29] : memref<400x2xf32, #tpu.memory_space<vmem>>, vector<400x1xf32>
    %max3A_31 = arith.constant 1.000000e+00 : f32
    %max3A_32 = vector.broadcast %max3A_31 : f32 to vector<400x1xf32>
    %max3A_33 = arith.maximumf %get3A_30, %max3A_32 : vector<400x1xf32>
    %rsqrt3A_34 = math.rsqrt %max3A_33 : vector<400x1xf32>
    %get3A_35 = arith.constant 0 : index
    %get3A_36 = arith.constant 0 : index
    %get3A_37 = vector.load %arg8[%get3A_35, %get3A_36] : memref<1x1xf32, #tpu.memory_space<vmem>>, vector<1x1xf32>
    %get3A_38 = vector.extract %get3A_37[0, 0] : f32 from vector<1x1xf32>
    %mul3A_39 = vector.broadcast %get3A_38 : f32 to vector<400x1xf32>
    %mul3A_40 = arith.mulf %rsqrt3A_34, %mul3A_39 : vector<400x1xf32>
    %sub3A = arith.constant 1.000000e+00 : f32
    %sub3A_41 = arith.subf %sub3A, %get3A_38 : f32
    %add3A_42 = vector.broadcast %sub3A_41 : f32 to vector<400x1xf32>
    %add3A_43 = arith.addf %mul3A_40, %add3A_42 : vector<400x1xf32>
    %mul3A_44 = vector.broadcast %add3A_43 : vector<400x1xf32> to vector<400x512xf32>
    %mul3A_45 = arith.mulf %max3A_27, %mul3A_44 : vector<400x512xf32>
    %slice3A = vector.extract_strided_slice %mul3A_45 {offsets = [0, 0], sizes = [400, 128], strides = [1, 1]} : vector<400x512xf32> to vector<400x128xf32>
    %swap3A = arith.constant 0 : index
    %swap3A_46 = arith.constant 0 : index
    %swap3A_47 = vector.load %arg9[%swap3A, %swap3A_46] : memref<400x128xf32, #tpu.memory_space<vmem>>, vector<400x128xf32>
    tpu.vector_store %arg9[%swap3A, %swap3A_46], %slice3A {strides = array<i32>} : memref<400x128xf32, #tpu.memory_space<vmem>>, vector<400x128xf32>,
    %slice3A_48 = vector.extract_strided_slice %mul3A_45 {offsets = [0, 128], sizes = [400, 128], strides = [1, 1]} : vector<400x512xf32> to vector<400x128xf32>
    %swap3A_49 = arith.constant 0 : index
    %swap3A_50 = arith.constant 0 : index
    %swap3A_51 = vector.load %arg10[%swap3A_49, %swap3A_50] : memref<400x128xf32, #tpu.memory_space<vmem>>, vector<400x128xf32>
    tpu.vector_store %arg10[%swap3A_49, %swap3A_50], %slice3A_48 {strides = array<i32>} : memref<400x128xf32, #tpu.memory_space<vmem>>, vector<400x128xf32>,
    %slice3A_52 = vector.extract_strided_slice %mul3A_45 {offsets = [0, 256], sizes = [400, 128], strides = [1, 1]} : vector<400x512xf32> to vector<400x128xf32>
    %swap3A_53 = arith.constant 0 : index
    %swap3A_54 = arith.constant 0 : index
    %swap3A_55 = vector.load %arg11[%swap3A_53, %swap3A_54] : memref<400x128xf32, #tpu.memory_space<vmem>>, vector<400x128xf32>
    tpu.vector_store %arg11[%swap3A_53, %swap3A_54], %slice3A_52 {strides = array<i32>} : memref<400x128xf32, #tpu.memory_space<vmem>>, vector<400x128xf32>,
    %slice3A_56 = vector.extract_strided_slice %mul3A_45 {offsets = [0, 384], sizes = [400, 128], strides = [1, 1]} : vector<400x512xf32> to vector<400x128xf32>
    %swap3A_57 = arith.constant 0 : index
    %swap3A_58 = arith.constant 0 : index
    %swap3A_59 = vector.load %arg12[%swap3A_57, %swap3A_58] : memref<400x128xf32, #tpu.memory_space<vmem>>, vector<400x128xf32>
    tpu.vector_store %arg12[%swap3A_57, %swap3A_58], %slice3A_56 {strides = array<i32>} : memref<400x128xf32, #tpu.memory_space<vmem>>, vector<400x128xf32>,
    return
  }
  func.func @transform_0(%arg0: i32) -> (i32, i32) {
    %c0_i32 = arith.constant 0 : i32
    %c0_i32_0 = arith.constant 0 : i32
    return %arg0, %c0_i32 : i32, i32
  }
  func.func @transform_1(%arg0: i32) -> (i32, i32) {
    %c0_i32 = arith.constant 0 : i32
    %c0_i32_0 = arith.constant 0 : i32
    return %arg0, %c0_i32 : i32, i32
  }
  func.func @transform_2(%arg0: i32) -> (i32, i32) {
    %c0_i32 = arith.constant 0 : i32
    %c0_i32_0 = arith.constant 0 : i32
    return %arg0, %c0_i32 : i32, i32
  }
  func.func @transform_3(%arg0: i32) -> (i32, i32) {
    %c0_i32 = arith.constant 0 : i32
    %c0_i32_0 = arith.constant 0 : i32
    return %arg0, %c0_i32 : i32, i32
  }
  func.func @transform_4(%arg0: i32) -> (i32, i32) {
    %c0_i32 = arith.constant 0 : i32
    %c0_i32_0 = arith.constant 0 : i32
    return %arg0, %c0_i32 : i32, i32
  }
  func.func @transform_5(%arg0: i32) -> (i32, i32) {
    %c0_i32 = arith.constant 0 : i32
    %c0_i32_0 = arith.constant 0 : i32
    %c0_i32_1 = arith.constant 0 : i32
    return %c0_i32, %c0_i32_0 : i32, i32
  }
  func.func @transform_6(%arg0: i32) -> (i32, i32) {
    %c0_i32 = arith.constant 0 : i32
    %c0_i32_0 = arith.constant 0 : i32
    %c0_i32_1 = arith.constant 0 : i32
    return %c0_i32, %c0_i32_0 : i32, i32
  }
  func.func @transform_7(%arg0: i32) -> (i32, i32) {
    %c0_i32 = arith.constant 0 : i32
    %c0_i32_0 = arith.constant 0 : i32
    %c0_i32_1 = arith.constant 0 : i32
    return %c0_i32, %c0_i32_0 : i32, i32
  }
  func.func @transform_8(%arg0: i32) -> (i32, i32) {
    %c0_i32 = arith.constant 0 : i32
    %c0_i32_0 = arith.constant 0 : i32
    return %arg0, %c0_i32 : i32, i32
  }
  func.func @transform_9(%arg0: i32) -> (i32, i32) {
    %c0_i32 = arith.constant 0 : i32
    %c0_i32_0 = arith.constant 0 : i32
    return %arg0, %c0_i32 : i32, i32
  }
  func.func @transform_10(%arg0: i32) -> (i32, i32) {
    %c0_i32 = arith.constant 0 : i32
    %c0_i32_0 = arith.constant 0 : i32
    return %arg0, %c0_i32 : i32, i32
  }
  func.func @transform_11(%arg0: i32) -> (i32, i32) {
    %c0_i32 = arith.constant 0 : i32
    %c0_i32_0 = arith.constant 0 : i32
    return %arg0, %c0_i32 : i32, i32
  }
}

</mosaic_0001>

<sc_bundles>
// kernel: closed_call.30.cloned.1.call-start
scs
__scs_entry_jumppad:
0x0: {  	(pc) =	sbr.rel $0x88, $3  }
0x1: {  	(tag) =	ssettag $0x0;
	lr =	simm.s32 $0x1  }
0x2: {  	[smem:$0x3F97] =	sst lr;
	_ =	strace $0xD0000000  }
0x3: {  	_ = 	snop  }
0x4: {  	_ = 	snop  }
0x5: {  	_ = 	snop  }
0x6: {  	_ = 	snop  }
0x7: {  	_ = 	snop  }
__scs_overlays_trampoline_lowered:
0x8: {  	[smem:$0x3FA6] =	sst s0  }
0x9: {  	[smem:$0x3FA7] =	sst s1  }
0xa: {  	[smem:$0x3FA8] =	sst s2  }
0xb: {  	[smem:$0x3FA9] =	sst s3  }
0xc: {  	[smem:$0x3FAA] =	sst s4  }
0xd: {  	[smem:$0x3FAB] =	sst s5  }
0xe: {  	[smem:$0x3FAC] =	sst s6  }
0xf: {  	[smem:$0x3FAD] =	sst s7  }
0x10: {  	[smem:$0x3FAE] =	sst s8  }
0x11: {  	[smem:$0x3FAF] =	sst s9;
	s0 =	simm.s32 @!p0 $0x0  }
0x12: {  	s1 =	sld [smem:$0x3F95];
	s0 =	simm.s32 @p0 $0x1  }
0x13: {  	[smem:$0x3FB0] =	sst s0;
	s0 =	simm.s32 @!p1 $0x0  }
0x14: {  	s2 =	sld [smem:$0x3F94];
	s0 =	simm.s32 @p1 $0x1  }
0x15: {  	[smem:$0x3FB1] =	sst s0;
	s0 =	simm.s32 @!p2 $0x0  }
0x16: {  	s3 =	sld [smem:$0x3FDB];
	s0 =	simm.s32 @p2 $0x1  }
0x17: {  	s4 =	simm.s32 $0x1BF5;
	[smem:$0x3FB3] =	sst s0  }
0x18: {  	s0 =	sld [smem:$0x3F96];
	_ =	swait.ge [sflag:s4], $0x0  }
0x19: {  	s7 =	sld [smem:$0x3F97]  }
0x1a: {  	s8 =	sadd.s32 $0xFFFFE003, lr  }
0x1b: {  	s9 =	sadd.s32 $0xFFFFFEF7, lr;
	s5 =	simm.s32 $0xFFFFFFFF;
	p2 =	slt.u32 s8, $0xFFFFF086  }
0x1c: {  	p1 =	slt.u32 s9, $0xF7A;
	s5 =	simm.s32 @!p2 $0x0  }
0x1d: {  	s5 =	simm.s32 @p1 $0x1;
	p0 =	seq.s32 s7, s2  }
0x1e: {  	s7 =	smul.u32 @!p0 $0xF7A, s2;
	p2 =	seq.s32 @!p0 s5, $0x0  }
0x1f: {  	s9 =	smul.u32 $0xF7A, s1;
	s8 =	simm.s32 @!p0 $0x1BF5;
	p2 =	por !p2, p0  }
0x20: {  	[sflag:s8] =	ssyncset.s32 @!p0 $0xFFFFF086;
	s6 =	sadd.s32 @!p0 s3, s7;
	s7 =	simm.s32 @!p0 $0x108  }
0x21: {  	s3 =	sadd.s32 s3, s9;
	s6 =	sadd.s32 @!p0 $0x88, s6;
	s7 =	simm.s32 @p2 $0x1082  }
0x22: {  	[simem:s7], [sflag:s8] =	dma.local @!p0 [hbm:s6], $0xF7A  }
0x23: {  	s9 =	sor.u32 $0xD0000000, s2;
	s6 =	simm.s32 $0x108;
	_ =	swait.ge @!p0 [sflag:s8], $0x0  }
0x24: {  	s3 =	sadd.s32 $0x88, s3;
	s6 =	simm.s32 @!p1 $0x1082;
	[sflag:s4] =	ssyncset.s32 $0xFFFFF086  }
0x25: {  	[simem:s6], [sflag:s4] =	dma.local [hbm:s3], $0xF7A  }
0x26: {  	[smem:$0x3F97] =	sst s1;
	(tag) =	ssettag s2;
	_ =	strace s9  }
0x27: {  	s1 =	sld [smem:$0x3FA7]  }
0x28: {  	s2 =	sld [smem:$0x3FA8]  }
0x29: {  	s4 =	sld [smem:$0x3FAA]  }
0x2a: {  	p0 =	seq.s32 s5, $0x0;
	s5 =	sld [smem:$0x3FAB]  }
0x2b: {  	s6 =	sld [smem:$0x3FAC]  }
0x2c: {  	s7 =	sld [smem:$0x3FAD]  }
0x2d: {  	s3 =	simm.s32 $0x108;
	s8 =	sld [smem:$0x3FAE]  }
0x2e: {  	s3 =	simm.s32 @!p0 $0x1082;
	s9 =	sld [smem:$0x3FAF]  }
0x2f: {  	lr =	sadd.s32 s0, s3;
	s0 =	sld [smem:$0x3FA6]  }
0x30: {  	s3 =	sld [smem:$0x3FA9]  }
0x31: {  	[smem:$0x3FB2] =	sst s10  }
0x32: {  	s10 =	sld [smem:$0x3FB0];
	_ =	sdelay $0x3  }
0x33: {  	p0 =	seq.s32 s10, $0x1;
	s10 =	sld [smem:$0x3FB2];
	_ =	sdelay $0x3  }
0x34: {  	[smem:$0x3FB2] =	sst s10  }
0x35: {  	s10 =	sld [smem:$0x3FB1];
	_ =	sdelay $0x3  }
0x36: {  	p1 =	seq.s32 s10, $0x1;
	s10 =	sld [smem:$0x3FB2];
	_ =	sdelay $0x3  }
0x37: {  	[smem:$0x3FB2] =	sst s10  }
0x38: {  	s10 =	sld [smem:$0x3FB3]  }
0x39: {  	_ = 	snop;
	(pc) =	sbr.ind lr, $3  }
0x3a: {  	_ = 	snop  }
0x3b: {  	_ = 	snop  }
0x3c: {  	p2 =	seq.s32 s10, $0x1;
	s10 =	sld [smem:$0x3FB2]  }
0x3d: {  	_ =	shalt  }
0x3e: {  	_ =	shalt  }
0x3f: {  	_ =	shalt  }
0x40: {  	_ =	shalt  }
0x41: {  	_ =	shalt  }
0x42: {  	_ =	shalt  }
0x43: {  	_ =	shalt  }
0x44: {  	_ =	shalt  }
0x45: {  	_ =	shalt  }
0x46: {  	_ =	shalt  }
0x47: {  	_ =	shalt  }
0x48: {  	_ =	shalt  }
0x49: {  	_ =	shalt  }
0x4a: {  	_ =	shalt  }
0x4b: {  	_ =	shalt  }
0x4c: {  	_ =	shalt  }
0x4d: {  	_ =	shalt  }
0x4e: {  	_ =	shalt  }
0x4f: {  	_ =	shalt  }
0x50: {  	_ =	shalt  }
0x51: {  	_ =	shalt  }
0x52: {  	_ =	shalt  }
0x53: {  	_ =	shalt  }
0x54: {  	_ =	shalt  }
0x55: {  	_ =	shalt  }
0x56: {  	_ =	shalt  }
0x57: {  	_ =	shalt  }
0x58: {  	_ =	shalt  }
0x59: {  	_ =	shalt  }
0x5a: {  	_ =	shalt  }
0x5b: {  	_ =	shalt  }
0x5c: {  	_ =	shalt  }
0x5d: {  	_ =	shalt  }
0x5e: {  	_ =	shalt  }
0x5f: {  	_ =	shalt  }
0x60: {  	_ =	shalt  }
0x61: {  	_ =	shalt  }
0x62: {  	_ =	shalt  }
0x63: {  	_ =	shalt  }
0x64: {  	_ =	shalt  }
0x65: {  	_ =	shalt  }
0x66: {  	_ =	shalt  }
0x67: {  	_ =	shalt  }
0x68: {  	_ =	shalt  }
0x69: {  	_ =	shalt  }
0x6a: {  	_ =	shalt  }
0x6b: {  	_ =	shalt  }
0x6c: {  	_ =	shalt  }
0x6d: {  	_ =	shalt  }
0x6e: {  	_ =	shalt  }
0x6f: {  	_ =	shalt  }
0x70: {  	_ =	shalt  }
0x71: {  	_ =	shalt  }
0x72: {  	_ =	shalt  }
0x73: {  	_ =	shalt  }
0x74: {  	_ =	shalt  }
0x75: {  	_ =	shalt  }
0x76: {  	_ =	shalt  }
0x77: {  	_ =	shalt  }
0x78: {  	_ =	shalt  }
0x79: {  	_ =	shalt  }
0x7a: {  	_ =	shalt  }
0x7b: {  	_ =	shalt  }
0x7c: {  	_ =	shalt  }
0x7d: {  	_ =	shalt  }
0x7e: {  	_ =	shalt  }
0x7f: {  	_ =	shalt  }
0x80: {  	_ =	shalt  }
0x81: {  	_ =	shalt  }
0x82: {  	_ =	shalt  }
0x83: {  	_ =	shalt  }
0x84: {  	_ =	shalt  }
0x85: {  	_ =	shalt  }
0x86: {  	_ =	shalt  }
0x87: {  	_ =	shalt  }
.Lfunc_end0:
.L_simem_size_0:
called_computation_lowered:
.L_overlay_start_0:
0x88: {  	s2 =	sld [smem:$0x3FD9]  }
0x89: {  	s3 =	sld [smem:$0x3FFE];
	_ =	sdelay $0x1  }
0x8a: {  	s1 =	srdreg.scid  }
0x8b: {  	s0 =	sand.u32 $0x1, s1  }
0x8c: {  	s16 =	sshll.u32 s0, $0xA;
	s2 =	sadd.s32 s3, s2  }
0x8d: {  	s2 =	sadd.s32 s2, s16  }
0x8e: {  	[smem:$0x3FBE] =	sst s2  }
0x8f: {  	_ = 	snop  }
0x90: {  	(tm) =	ssettm $0x1  }
0x91: {  	s17 =	sld [smem:$0x3FFB];
	_ =	sdelay $0x3  }
0x92: {  	_ =	strace s17  }
0x93: {  	s2 =	sld [smem:$0x3FFC];
	_ =	sdelay $0x3  }
0x94: {  	_ =	strace s2  }
0x95: {  	s2 =	sld [smem:$0x3FFD];
	_ =	sdelay $0x3  }
0x96: {  	_ =	strace s2  }
0x97: {  	_ =	strace $0x8FFFFFFF  }
0x98: {  	s18 =	sld [smem:$0x3FDB];
	_ =	sdelay $0x1  }
0x99: {  	s19 =	simm.s32 $_scs_section_size  }
0x9a: {  	s4 =	simm.s32 $_size__tile_overlayer_lowered;
	s5 =	simm.s32 $_tile_overlayer_lowered  }
0x9b: {  	s22 =	simm.s32 $0x1BFF;
	s21 =	sshll.u32 s5, $0x1;
	s2 =	sadd.s32 s19, s18  }
0x9c: {  	s6 =	simm.s32 $0x0;
	s20 =	sshll.u32 s4, $0x1;
	s4 =	sadd.s32 s21, s2  }
0x9d: {  	[timem:s6], [sflag:s22] =	dma.local [hbm:s4], s20  }
0x9e: {  	_ =	swait.ge [sflag:s22], s20  }
0x9f: {  	s3 =	ssub.s32 $0x0, s20;
	[sflag:s22] =	ssyncset.done $0x0  }
0xa0: {  	[sflag:s22] =	ssyncadd.s32 s3;
	_ =	sdelay $0x1  }
0xa1: {  	s23 =	simm.s32 $0x1B8B  }
0xa2: {  	_ =	swait.ge [sflag:s23], $0x1  }
0xa3: {  	[sflag:s23] =	ssyncset.done $0x0  }
0xa4: {  	s25 =	simm.s32 $0x1B8E;
	s24 =	sld [smem:$0x3FFE];
	[sflag:s23] =	ssyncadd.s32 $0xFFFFFFFF  }
0xa5: {  	s26 =	simm.s32 $execute0_lowered;
	[smem:$0x3FD2] =	sst s25  }
0xa6: {  	s4 =	sshll.u32 s26, $0x1;
	_ =	strace $0x80000049;
	[dreg:$0x1] =	wrdreg $0xFFFFFFFF  }
0xa7: {  	s28 =	simm.s32 $_size_execute0_lowered;
	s2 =	sadd.s32 s2, s4;
	[dreg:$0x0] =	wrdreg $0x0  }
0xa8: {  	s4 =	sshll.u32 s28, $0x1;
	[dreg:$0x2] =	wrdreg s2  }
0xa9: {  	[dreg:$0x3] =	wrdreg s4  }
0xaa: {  	[dreg:$0x4] =	wrdreg $0xC0  }
0xab: {  	_ =	task [dreg:s6], $0x5FFFF  }
0xac: {  	[dreg:$0x1] =	wrdreg $0xFFFFFFFF  }
0xad: {  	[dreg:$0x0] =	wrdreg $0x60  }
0xae: {  	[dreg:$0x2] =	wrdreg s24  }
0xaf: {  	[dreg:$0x3] =	wrdreg $0x154800  }
0xb0: {  	[dreg:$0x4] =	wrdreg $0x9  }
0xb1: {  	_ =	task.clear_ibuf [dreg:s6], $0x5FFFF;
	_ =	strace $0x90000049  }
0xb2: {  	s29 =	simm.s32 $0x9;
	_ =	strace $0x8000004B  }
0xb3: {  	_ =	swait.ge [sflag:s29], $0x1  }
0xb4: {  	[sflag:s29] =	ssyncadd.s32 $0xFFFFFFFF  }
0xb5: {  	_ =	strace $0x9000004B  }
0xb6: {  	_ =	sfence  }
0xb7: {  	s30 =	sld [smem:$0x0];
	_ =	sdelay $0x2  }
0xb8: {  	s31 =	sshll.u32 s1, $0xD;
	s1 =	sshrl.u32 s1, $0x2  }
0xb9: {  	s3 =	sand.u32 $0x4000, s31;
	s1 =	sadd.s32 s1, s30  }
0xba: {  	s0 =	sor.u32 s3, s0;
	s1 =	sshll.u32 s1, $0x11  }
0xbb: {  	s0 =	sor.u32 s1, s0  }
0xbc: {  	s0 =	sadd.s32 $0x8F2B, s0  }
0xbd: {  	[sflag:s0] =	ssyncadd.remote.s32 $0x1  }
0xbe: {  	_ =	sfence.sel $0xFFFF  }
0xbf: {  	[dreg:$0x0] =	wrdreg $0xFFFFFFFF;
	(pc) =	sbr.abs _section_cstart, $3  }
0xc0: {  	[dreg:$0x1] =	wrdreg $0xFFFFFFFF  }
0xc1: {  	_ =	task.clear_ibuf [dreg:s6], $0x2FFFF;
	_ =	strace $0x9FFFFFFF  }
0xc2: {  	(tm) =	ssettm $0x7FFFFFFF  }
0xc3: {  	_ =	shalt  }
tec
execute0_lowered:
.L_overlay_start_1:
0x0: {  	(tag) =	ssettag $0x1  }
0x1: {  	s0 =	rddreg [dreg:$0x0]  }
0x2: {  	s1 =	rddreg [dreg:$0x1]  }
0x3: {  	s2 =	srdreg.scid;
	s5 =	simm.s32 $0x0;
	s3 =	stileid.u32  }
0x4: {  	s2 =	sand.u32 $0x1, s2;
	[smem:$0x7FF] =	sst s5;
	s5 =	sadd.s32 $0xE1C00, s0  }
0x5: {  	s6 =	sadd.s32 $0x6C600, s0;
	s11 =	sadd.s32 $0x108E00, s0;
	s15 =	smul.u32 $0x138, s3  }
0x6: {  	s13 =	sadd.s32 $0x130000, s0;
	s16 =	sadd.s32 $0x157200, s0;
	s18 =	smul.u32 $0x27000, s3  }
0x7: {  	s23 =	sadd.s32 $0x9C000, s1;
	s4 =	sshll.u32 s2, $0x4;
	s12 =	smul.u32 $0x1388, s2  }
0x8: {  	_ =	strace $0x8000004A;
	s14 =	ssub.s32 $0x2, s2;
	s2 =	smul.u32 $0x9C400, s2  }
0x9: {  	[dreg:$0x7] =	wrdreg s23;
	s7 =	sor.u32 s3, s4;
	s17 =	sshrl.u32 s14, $0x1  }
0xa: {  	s9 =	sshll.u32 s7, $0x4;
	s14 =	ssub.s32 s14, s17;
	s21 =	sadd.s32 s15, s12  }
0xb: {  	s2 =	sshrl.u32 s2, $0x3;
	s9 =	sadd.s32 s9, s0;
	s31 =	smax.u32 s14, $0x1  }
0xc: {  	s22 =	sshll.u32 s21, $0x4;
	s9 =	sadd.s32 $0x2D000, s9;
	[dreg:$0x10] =	wrdreg s31  }
0xd: {  	s2 =	sadd.s32 $0x13800, s2;
	s24 =	sadd.s32 s11, s22;
	[dreg:$0x5] =	wrdreg s9  }
0xe: {  	s4 =	sadd.s32 $0xBAA00, s0;
	s25 =	sadd.s32 s11, s2;
	[dreg:$0x8] =	wrdreg s24  }
0xf: {  	s20 =	sshrl.u32 s18, $0x2;
	s26 =	sadd.s32 s13, s22;
	[dreg:$0x9] =	wrdreg s25  }
0x10: {  	s8 =	smul.u32 $0x540, s7;
	s28 =	sadd.s32 s13, s2;
	[dreg:$0xa] =	wrdreg s26  }
0x11: {  	s7 =	sadd.s32 $0x93800, s0;
	s29 =	sadd.s32 s16, s22;
	[dreg:$0xb] =	wrdreg s28  }
0x12: {  	s10 =	sadd.s32 s8, s0;
	s30 =	sadd.s32 s16, s2;
	[dreg:$0xc] =	wrdreg s29  }
0x13: {  	s8 =	sadd.s32 $0x3600, s0;
	s19 =	sadd.s32 $0x18000, s10;
	[dreg:$0xd] =	wrdreg s30  }
.Ltmp0:
0x14: {  	s10 =	sadd.s32 $0x22800, s10;
	[dreg:$0x3] =	wrdreg s19;
	(pc) =	sbr.rel .LBB2_1-.Ltmp0, $4  }
0x15: {  	s0 =	sadd.s32 $0x17E400, s0;
	s9 =	sadd.s32 s20, s1;
	[dreg:$0x4] =	wrdreg s10  }
0x16: {  	[dreg:$0x6] =	wrdreg s9;
	s9 =	sadd.s32 s0, s22  }
0x17: {  	p0 =	sne.s32 s3, $0xF;
	s0 =	sadd.s32 s0, s2;
	[dreg:$0xe] =	wrdreg s9  }
0x18: {  	s23 =	simm.s32 $0x3;
	s26 =	simm.s32 $0x0;
	[dreg:$0xf] =	wrdreg s0  }
.LBB2_16:
0x19: {  	_ =	swait.ge @!p3 [sflag:s11], $0x4000  }
0x1a: {  	s0 =	sshra.s32 @!p2 s9, $0x2;
	s2 =	simm.s32 @!p2 $0x80;
	[sflag:s11] =	ssyncset.done @!p3 $0x0  }
0x1b: {  	s3 =	simm.s32 @!p2 $0x11480;
	s0 =	sadd.s32 @!p2 $0x380, s0;
	[sflag:s11] =	ssyncadd.s32 @!p3 $0xFFFFC000  }
0x1c: {  	[tilespmem:s3], [sflag:$0x2] =	stream.indirect.gather @!p2 [hbm4b:s7+s2], $0x80, s0, s2, $0xb8;
	[tilespmem:$0x1F100] =	vst v63  }
.LBB2_17:
0x1d: {  	[bflag:$0x0] =	sbarrier.arrive $0xFFFF  }
0x1e: {  	s0 =	rddreg [dreg:$0xe]  }
0x1f: {  	[hbm:s0], [sflag:s28] =	dma.local [spmem:s29], $0x1380  }
0x20: {  	_ =	swait.ge [sflag:s23], $0x1380  }
0x21: {  	[sflag:s23] =	ssyncset.done $0x0  }
0x22: {  	s0 =	rddreg [dreg:$0xf];
	[sflag:s23] =	ssyncadd.s32 $0xFFFFEC80  }
0x23: {  	[hbm:s0], [sflag:s28] =	dma.local @!p0 [spmem:s30], $0x80  }
0x24: {  	s0 =	simm.s32 @!p0 $0x3  }
0x25: {  	_ =	swait.ge @!p0 [sflag:s0], $0x80  }
0x26: {  	s26 =	sadd.s32 $0x1, s26;
	s2 =	rddreg [dreg:$0x10]  }
0x27: {  	p1 =	sne.s32 s26, s2  }
.Ltmp1:
0x28: {  	_ = 	snop;
	(pc) =	sbr.rel @!p1 .LBB2_18-.Ltmp1, $3  }
0x29: {  	_ =	sdelay $0x1  }
0x2a: {  	[sflag:s0] =	ssyncset.done @!p0 $0x0  }
0x2b: {  	[sflag:s0] =	ssyncadd.s32 @!p0 $0xFFFFFF80  }
.LBB2_1:
0x2c: {  	s0 =	simm.s32 $0x0;
	s2 =	rddreg [dreg:$0x3]  }
0x2d: {  	[tilespmem:s0], [sflag:$0x3] =	stream.linear.gather [hbm4b:s2+s0], $0x2A00, $0x38;
	[tilespmem:$0x1F100] =	vst v63  }
0x2e: {  	_ =	swait.ge [sflag:s23], $0x2A00  }
0x2f: {  	[sflag:s23] =	ssyncset.done $0x0  }
0x30: {  	s3 =	simm.s32 $0x2A00;
	s15 =	rddreg [dreg:$0x4];
	[sflag:s23] =	ssyncadd.s32 $0xFFFFD600  }
0x31: {  	[tilespmem:s3], [sflag:$0x3] =	stream.linear.gather [hbm4b:s15+s0], $0x2A00, $0x38;
	[tilespmem:$0x1F100] =	vst v63  }
0x32: {  	_ =	swait.ge [sflag:s23], $0x2A00  }
0x33: {  	[sflag:s23] =	ssyncset.done $0x0  }
0x34: {  	s17 =	simm.s32 $0x5400;
	s16 =	rddreg [dreg:$0x5];
	[sflag:s23] =	ssyncadd.s32 $0xFFFFD600  }
0x35: {  	[tilespmem:s17], [sflag:$0x3] =	stream.linear.gather [hbm4b:s16+s0], $0x80, $0x38;
	[tilespmem:$0x1F100] =	vst v63  }
0x36: {  	_ =	swait.ge [sflag:s23], $0x80  }
0x37: {  	[sflag:s23] =	ssyncset.done $0x0  }
0x38: {  	[sflag:s23] =	ssyncadd.s32 $0xFFFFFF80  }
0x39: {  	v0 =	vld [tilespmem:$0x5400];
	_ =	sdelay $0x4  }
0x3a: {  	(v2sf) =	vpush v0, $0x0;
	_ =	sdelay $0xd  }
0x3b: {  	s19 =	stileid.u32  }
0x3c: {  	s2 =	sshll.u32 s19, $0x6;
	s20 =	rddreg [dreg:$0x6];
	s18 =	spop (v2sf)  }
0x3d: {  	s28 =	sor.u32 $0x1C03, s2;
	s29 =	sshrl.u32 s20, $0x3;
	s0 =	sadd.s32 $0xFF, s18  }
0x3e: {  	[spmem:s29], [sflag:s28] =	dma.local [hbm:s8], $0x1380  }
0x3f: {  	s2 =	simm.s32 @!p0 $0x3;
	s9 =	sshra.s32 s0, $0x1F;
	_ =	swait.ge [sflag:s23], $0x1380  }
0x40: {  	p1 =	slt.s32 s0, $0x1;
	s22 =	sand.u32 $0xFF, s0;
	s21 =	sshrl.u32 s9, $0x18  }
0x41: {  	[sflag:s23] =	ssyncset.done $0x0;
	p2 =	sne.s32 s22, $0x0;
	s3 =	rddreg [dreg:$0x7]  }
0x42: {  	[sflag:s23] =	ssyncadd.s32 $0xFFFFEC80;
	s30 =	sshrl.u32 @!p0 s3, $0x3;
	p1 =	por !p1, !p2  }
0x43: {  	[spmem:s30], [sflag:s28] =	dma.local @!p0 [hbm:s8], $0x100  }
0x44: {  	s9 =	simm.s32 $0x1;
	s0 =	sadd.s32 s21, s0;
	p1 =	por !p1, !p1  }
0x45: {  	s0 =	sshra.s32 s0, $0x8;
	_ =	swait.ge @!p0 [sflag:s2], $0x100;
	s9 =	simm.s32 @!p1 $0x0  }
0x46: {  	[sflag:s2] =	ssyncset.done @!p0 $0x0;
	s0 =	ssub.s32 s0, s9  }
0x47: {  	[sflag:s2] =	ssyncadd.s32 @!p0 $0xFFFFFF00;
	p5 =	slt.s32 s0, $0x1  }
0x48: {  	s31 =	sshll.u32 s0, $0x1;
	[bflag:$0x0] =	sbarrier.arrive $0xFFFF;
	s9 =	simm.s32 @!p5 $0x80  }
0x49: {  	s10 =	simm.s32 @!p5 $0x0;
	s11 =	simm.s32 @!p5 $0x5480;
	p3 =	seq.s32 @!p5 s0, $0x1  }
0x4a: {  	[tilespmem:s11], [sflag:$0x1] =	stream.indirect.gather @!p5 [hbm4b:s4+s9], $0x80, s10, s9, $0xb8;
	[tilespmem:$0x1F100] =	vst v63  }
0x4b: {  	s13 =	simm.s32 @!p5 $0x9480;
	s24 =	sadd.s32 $0x3, s31;
	p4 =	por p3, p5  }
0x4c: {  	[tilespmem:s13], [sflag:$0x2] =	stream.indirect.gather @!p5 [hbm4b:s4+s9], $0x80, s9, s9, $0xb8;
	[tilespmem:$0x1F100] =	vst v63  }
0x4d: {  	s14 =	simm.s32 @!p4 $0x80;
	s15 =	simm.s32 @!p4 $0x100;
	s16 =	simm.s32 @!p4 $0xD480  }
0x4e: {  	[tilespmem:s16], [sflag:$0x1] =	stream.indirect.gather @!p4 [hbm4b:s4+s14], $0x80, s15, s14, $0xb8;
	[tilespmem:$0x1F100] =	vst v63  }
0x4f: {  	s25 =	sshrl.u32 s24, $0x1E;
	s15 =	simm.s32 @!p4 $0x180;
	s16 =	simm.s32 @!p4 $0x11480  }
0x50: {  	[tilespmem:s16], [sflag:$0x2] =	stream.indirect.gather @!p4 [hbm4b:s4+s14], $0x80, s15, s14, $0xb8;
	[tilespmem:$0x1F100] =	vst v63  }
0x51: {  	p1 =	slt.s32 s0, $0xFFFFFFFF;
	s0 =	simm.s32 $0x1;
	s14 =	sadd.s32 s25, s24  }
0x52: {  	s0 =	simm.s32 @!p1 $0x0;
	s14 =	sshra.s32 s14, $0x2  }
0x53: {  	s0 =	ssub.s32 s14, s0  }
0x54: {  	p6 =	slt.s32 s0, $0x1  }
.Ltmp2:
0x55: {  	[dreg:$0x11] =	wrdreg s0;
	s0 =	simm.s32 @!p5 $0x0;
	(pc) =	sbr.rel @p6 .LBB2_5-.Ltmp2, $4  }
0x56: {  	s0 =	simm.s32 @p5 $0x1  }
0x57: {  	[smem:$0x7FC] =	sst s0;
	s0 =	simm.s32 @!p6 $0x0  }
0x58: {  	s0 =	simm.s32 @p6 $0x1  }
0x59: {  	[smem:$0x7FD] =	sst s0  }
0x5a: {  	s0 =	simm.s32 @!p3 $0x0  }
0x5b: {  	p1 =	sle.s32 s31, $0x0;
	s0 =	simm.s32 @p3 $0x1  }
0x5c: {  	s14 =	simm.s32 @!p1 $0x1;
	[smem:$0x7FB] =	sst s0  }
0x5d: {  	_ =	swait.ge @!p1 [sflag:s14], $0x4000  }
0x5e: {  	s15 =	simm.s32 @!p1 $0x3;
	s16 =	simm.s32 @!p1 $0x2A00;
	[sflag:s14] =	ssyncset.done @!p1 $0x0  }
0x5f: {  	s17 =	simm.s32 @!p1 $0x5480;
	[sflag:s14] =	ssyncadd.s32 @!p1 $0xFFFFC000;
	s14 =	simm.s32 @!p1 $0x80  }
0x60: {  	[spmem:s1] =	stream.indirect.scatter.add.f32 @!p1 [tilespmem:s17], [sflag:$0x3], $0x80, s16, s14, $0xb8;
	[tilespmem:$0x1F100] =	vst v63  }
0x61: {  	p2 =	sle.s32 @!p1 s31, $0x4;
	_ =	swait.ge @!p1 [sflag:s15], $0x4000  }
0x62: {  	p2 =	por p2, p1;
	[sflag:s15] =	ssyncset.done @!p1 $0x0  }
0x63: {  	s14 =	simm.s32 @!p2 $0x200;
	[sflag:s15] =	ssyncadd.s32 @!p1 $0xFFFFC000;
	p1 =	sle.s32 s31, $0x1  }
0x64: {  	s17 =	simm.s32 @!p2 $0x5480;
	s15 =	simm.s32 @!p2 $0x80;
	s16 =	simm.s32 @!p1 $0x2  }
0x65: {  	[tilespmem:s17], [sflag:$0x1] =	stream.indirect.gather @!p2 [hbm4b:s4+s15], $0x80, s14, s15, $0xb8;
	[tilespmem:$0x1F100] =	vst v63  }
0x66: {  	s14 =	simm.s32 @!p1 $0x2A80;
	_ =	swait.ge @!p1 [sflag:s16], $0x4000  }
0x67: {  	p2 =	sle.s32 @!p1 s31, $0x5;
	s15 =	simm.s32 @!p1 $0x3;
	[sflag:s16] =	ssyncset.done @!p1 $0x0  }
0x68: {  	s17 =	simm.s32 @!p1 $0x80;
	s18 =	simm.s32 @!p1 $0x9480;
	[sflag:s16] =	ssyncadd.s32 @!p1 $0xFFFFC000  }
0x69: {  	[spmem:s1] =	stream.indirect.scatter.add.f32 @!p1 [tilespmem:s18], [sflag:$0x3], $0x80, s14, s17, $0xb8;
	[tilespmem:$0x1F100] =	vst v63  }
0x6a: {  	p3 =	sle.s32 s31, $0x2;
	p2 =	por p2, p1;
	_ =	swait.ge @!p1 [sflag:s15], $0x4000  }
0x6b: {  	s16 =	simm.s32 @!p2 $0x280;
	s14 =	simm.s32 @!p2 $0x9480;
	[sflag:s15] =	ssyncset.done @!p1 $0x0  }
0x6c: {  	s17 =	simm.s32 @!p3 $0x1;
	[sflag:s15] =	ssyncadd.s32 @!p1 $0xFFFFC000;
	s15 =	simm.s32 @!p2 $0x80  }
0x6d: {  	[tilespmem:s14], [sflag:$0x2] =	stream.indirect.gather @!p2 [hbm4b:s4+s15], $0x80, s16, s15, $0xb8;
	[tilespmem:$0x1F100] =	vst v63  }
0x6e: {  	s18 =	simm.s32 @!p3 $0x3;
	_ =	swait.ge @!p3 [sflag:s17], $0x4000  }
0x6f: {  	p1 =	sle.s32 @!p3 s31, $0x6;
	s14 =	simm.s32 @!p3 $0x2B00;
	[sflag:s17] =	ssyncset.done @!p3 $0x0  }
0x70: {  	s15 =	simm.s32 @!p3 $0x80;
	s16 =	simm.s32 @!p3 $0xD480;
	[sflag:s17] =	ssyncadd.s32 @!p3 $0xFFFFC000  }
0x71: {  	[spmem:s1] =	stream.indirect.scatter.add.f32 @!p3 [tilespmem:s16], [sflag:$0x3], $0x80, s14, s15, $0xb8;
	[tilespmem:$0x1F100] =	vst v63  }
0x72: {  	p1 =	por p1, p3;
	_ =	swait.ge @!p3 [sflag:s18], $0x4000  }
0x73: {  	s14 =	simm.s32 @!p1 $0x300;
	s15 =	simm.s32 @!p1 $0x80;
	[sflag:s18] =	ssyncset.done @!p3 $0x0  }
0x74: {  	s16 =	simm.s32 @!p1 $0xD480;
	s25 =	rddreg [dreg:$0x11];
	[sflag:s18] =	ssyncadd.s32 @!p3 $0xFFFFC000  }
0x75: {  	[tilespmem:s16], [sflag:$0x1] =	stream.indirect.gather @!p1 [hbm4b:s4+s15], $0x80, s14, s15, $0xb8;
	[tilespmem:$0x1F100] =	vst v63  }
0x76: {  	p2 =	sle.s32 s31, $0x3;
	s14 =	sadd.s32 $0xFFFFFFFF, s25  }
0x77: {  	s17 =	simm.s32 @!p2 $0x2;
	s18 =	simm.s32 @!p2 $0x11480;
	p1 =	sne.s32 s14, $0x0  }
.Ltmp3:
0x78: {  	p3 =	sle.s32 @!p2 s31, $0x7;
	_ =	swait.ge @!p2 [sflag:s17], $0x4000;
	(pc) =	sbr.rel @!p1 .LBB2_4-.Ltmp3, $4  }
0x79: {  	s15 =	simm.s32 @!p2 $0x2B80;
	s16 =	simm.s32 @!p2 $0x80;
	[sflag:s17] =	ssyncset.done @!p2 $0x0  }
0x7a: {  	p6 =	por p3, p2;
	[sflag:s17] =	ssyncadd.s32 @!p2 $0xFFFFC000;
	s17 =	simm.s32 $0x0  }
0x7b: {  	[spmem:s1] =	stream.indirect.scatter.add.f32 @!p2 [tilespmem:s18], [sflag:$0x3], $0x80, s15, s16, $0xb8;
	[tilespmem:$0x1F100] =	vst v63  }
0x7c: {  	s15 =	simm.s32 $0x7;
	s18 =	simm.s32 @!p2 $0x3;
	s16 =	simm.s32 $0x800  }
.LBB2_3:
0x7d: {  	s14 =	sadd.s32 $0xFFFFFFFF, s14;
	_ =	swait.ge @!p2 [sflag:s18], $0x4000;
	s17 =	sshra.s32 @!p6 s17, $0x2  }
0x7e: {  	p5 =	sne.s32 s14, $0x0;
	[sflag:s18] =	ssyncset.done @!p2 $0x0;
	s17 =	sadd.s32 @!p6 $0x380, s17  }
0x7f: {  	s19 =	simm.s32 @!p6 $0x11480;
	[sflag:s18] =	ssyncadd.s32 @!p2 $0xFFFFC000;
	s18 =	simm.s32 @!p6 $0x80  }
0x80: {  	[tilespmem:s19], [sflag:$0x2] =	stream.indirect.gather @!p6 [hbm4b:s4+s18], $0x80, s17, s18, $0xb8;
	[tilespmem:$0x1F100] =	vst v63  }
0x81: {  	s18 =	smov.u32 s15;
	s17 =	smov.u32 s16  }
0x82: {  	s19 =	sadd.s32 $0xFFFFFFFD, s15  }
0x83: {  	p2 =	sge.s32 s19, s31;
	s19 =	sadd.s32 $0xFFFFFFFF, s15  }
0x84: {  	s24 =	simm.s32 @!p2 $0x1;
	s25 =	sshra.s32 @!p2 s16, $0x2;
	s20 =	simm.s32 @!p2 $0x3  }
0x85: {  	s21 =	sadd.s32 @!p2 $0x1, s15;
	s25 =	sadd.s32 @!p2 $0x2A00, s25;
	_ =	swait.ge @!p2 [sflag:s24], $0x4000  }
0x86: {  	p6 =	sge.s32 s19, s31;
	p1 =	sge.s32 @!p2 s21, s31;
	[sflag:s24] =	ssyncset.done @!p2 $0x0  }
0x87: {  	s19 =	simm.s32 @!p2 $0x80;
	s21 =	simm.s32 @!p2 $0x5480;
	[sflag:s24] =	ssyncadd.s32 @!p2 $0xFFFFC000  }
0x88: {  	[spmem:s1] =	stream.indirect.scatter.add.f32 @!p2 [tilespmem:s21], [sflag:$0x3], $0x80, s25, s19, $0xb8;
	[tilespmem:$0x1F100] =	vst v63  }
0x89: {  	p1 =	por p1, p2;
	s19 =	sshra.s32 @!p6 s16, $0x2;
	_ =	swait.ge @!p2 [sflag:s20], $0x4000  }
0x8a: {  	s24 =	sadd.s32 $0xFFFFFFFE, s15;
	s21 =	sshra.s32 @!p1 s16, $0x2;
	[sflag:s20] =	ssyncset.done @!p2 $0x0  }
0x8b: {  	[sflag:s20] =	ssyncadd.s32 @!p2 $0xFFFFC000;
	s20 =	sadd.s32 @!p1 $0x200, s21;
	p2 =	sge.s32 s24, s31  }
0x8c: {  	s21 =	simm.s32 @!p1 $0x80;
	s24 =	simm.s32 @!p2 $0x2;
	s25 =	sshra.s32 @!p2 s16, $0x2  }
0x8d: {  	s22 =	simm.s32 @!p1 $0x5480;
	s3 =	sadd.s32 @!p2 $0x2, s15;
	s25 =	sadd.s32 @!p2 $0x2A80, s25  }
0x8e: {  	p3 =	sge.s32 @!p2 s3, s31;
	s3 =	sadd.s32 @!p6 $0x2B00, s19;
	s19 =	sadd.s32 @!p6 $0x3, s15  }
0x8f: {  	[tilespmem:s22], [sflag:$0x1] =	stream.indirect.gather @!p1 [hbm4b:s4+s21], $0x80, s20, s21, $0xb8;
	[tilespmem:$0x1F100] =	vst v63  }
0x90: {  	s20 =	simm.s32 @!p2 $0x3;
	p1 =	por p3, p2;
	_ =	swait.ge @!p2 [sflag:s24], $0x4000  }
0x91: {  	s21 =	simm.s32 @!p2 $0x80;
	s22 =	simm.s32 @!p2 $0x9480;
	[sflag:s24] =	ssyncset.done @!p2 $0x0  }
0x92: {  	s12 =	simm.s32 @!p1 $0x9480;
	[sflag:s24] =	ssyncadd.s32 @!p2 $0xFFFFC000;
	s24 =	sshra.s32 @!p1 s16, $0x2  }
0x93: {  	[spmem:s1] =	stream.indirect.scatter.add.f32 @!p2 [tilespmem:s22], [sflag:$0x3], $0x80, s25, s21, $0xb8;
	[tilespmem:$0x1F100] =	vst v63  }
0x94: {  	s21 =	sadd.s32 @!p1 $0x280, s24;
	s22 =	simm.s32 @!p6 $0x1;
	_ =	swait.ge @!p2 [sflag:s20], $0x4000  }
0x95: {  	s15 =	sadd.s32 $0x4, s15;
	p3 =	sge.s32 @!p6 s19, s31;
	[sflag:s20] =	ssyncset.done @!p2 $0x0  }
0x96: {  	s19 =	simm.s32 @!p1 $0x80;
	p3 =	por p3, p6;
	[sflag:s20] =	ssyncadd.s32 @!p2 $0xFFFFC000  }
0x97: {  	[tilespmem:s12], [sflag:$0x2] =	stream.indirect.gather @!p1 [hbm4b:s4+s19], $0x80, s21, s19, $0xb8;
	[tilespmem:$0x1F100] =	vst v63  }
0x98: {  	s12 =	simm.s32 @!p6 $0x80;
	s19 =	simm.s32 @!p6 $0xD480;
	_ =	swait.ge @!p6 [sflag:s22], $0x4000  }
0x99: {  	s20 =	simm.s32 @!p6 $0x3;
	s21 =	sshra.s32 @!p3 s16, $0x2;
	[sflag:s22] =	ssyncset.done @!p6 $0x0  }
0x9a: {  	p2 =	sge.s32 s18, s31;
	s21 =	sadd.s32 @!p3 $0x300, s21;
	[sflag:s22] =	ssyncadd.s32 @!p6 $0xFFFFC000  }
0x9b: {  	[spmem:s1] =	stream.indirect.scatter.add.f32 @!p6 [tilespmem:s19], [sflag:$0x3], $0x80, s3, s12, $0xb8;
	[tilespmem:$0x1F100] =	vst v63  }
0x9c: {  	s3 =	simm.s32 @!p3 $0x80;
	s12 =	simm.s32 @!p3 $0xD480;
	_ =	swait.ge @!p6 [sflag:s20], $0x4000  }
0x9d: {  	s22 =	sshra.s32 @!p2 s16, $0x2;
	s19 =	simm.s32 @!p2 $0x2;
	[sflag:s20] =	ssyncset.done @!p6 $0x0  }
0x9e: {  	[sflag:s20] =	ssyncadd.s32 @!p6 $0xFFFFC000;
	s20 =	sadd.s32 @!p2 $0x2B80, s22;
	s22 =	sadd.s32 @!p2 $0x4, s18  }
0x9f: {  	[tilespmem:s12], [sflag:$0x1] =	stream.indirect.gather @!p3 [hbm4b:s4+s3], $0x80, s21, s3, $0xb8;
	[tilespmem:$0x1F100] =	vst v63  }
.Ltmp4:
0xa0: {  	_ = 	snop;
	(pc) =	sbr.rel @p5 .LBB2_3-.Ltmp4, $4  }
0xa1: {  	s3 =	simm.s32 @!p2 $0x80;
	s12 =	simm.s32 @!p2 $0x11480;
	_ =	swait.ge @!p2 [sflag:s19], $0x4000  }
0xa2: {  	s18 =	simm.s32 @!p2 $0x3;
	p1 =	sge.s32 @!p2 s22, s31;
	[sflag:s19] =	ssyncset.done @!p2 $0x0  }
0xa3: {  	s16 =	sadd.s32 $0x800, s16;
	p6 =	por p1, p2;
	[sflag:s19] =	ssyncadd.s32 @!p2 $0xFFFFC000  }
0xa4: {  	[spmem:s1] =	stream.indirect.scatter.add.f32 @!p2 [tilespmem:s12], [sflag:$0x3], $0x80, s20, s3, $0xb8;
	[tilespmem:$0x1F100] =	vst v63  }
.LBB2_4:
0xa5: {  	_ =	swait.ge @!p2 [sflag:s18], $0x4000  }
0xa6: {  	s0 =	sld [smem:$0x7FC]  }
0xa7: {  	s3 =	sshra.s32 @!p6 s17, $0x2;
	s24 =	sld [smem:$0x7FD]  }
0xa8: {  	s12 =	simm.s32 @!p6 $0x80;
	[sflag:s18] =	ssyncset.done @!p2 $0x0;
	s25 =	sld [smem:$0x7FB]  }
0xa9: {  	s14 =	simm.s32 @!p6 $0x11480;
	s3 =	sadd.s32 @!p6 $0x380, s3;
	[sflag:s18] =	ssyncadd.s32 @!p2 $0xFFFFC000  }
0xaa: {  	[tilespmem:s14], [sflag:$0x2] =	stream.indirect.gather @!p6 [hbm4b:s4+s12], $0x80, s3, s12, $0xb8;
	[tilespmem:$0x1F100] =	vst v63  }
0xab: {  	p5 =	seq.s32 s0, $0x1;
	p6 =	seq.s32 s24, $0x1;
	p3 =	seq.s32 s25, $0x1  }
.LBB2_5:
0xac: {  	[bflag:$0x0] =	sbarrier.arrive $0xFFFF  }
0xad: {  	s0 =	rddreg [dreg:$0x8]  }
0xae: {  	[hbm:s0], [sflag:s28] =	dma.local [spmem:s29], $0x1380  }
0xaf: {  	_ =	swait.ge [sflag:s23], $0x1380  }
0xb0: {  	[sflag:s23] =	ssyncset.done $0x0  }
0xb1: {  	[sflag:s23] =	ssyncadd.s32 $0xFFFFEC80  }
0xb2: {  	[bflag:$0x0] =	sbarrier.arrive @p0 $0xFFFF  }
0xb3: {  	s0 =	rddreg [dreg:$0x6]  }
0xb4: {  	s14 =	simm.s32 @p0 $0x3;
	s24 =	sshrl.u32 @p0 s0, $0x3  }
0xb5: {  	[spmem:s24], [sflag:s28] =	dma.local @p0 [hbm:s8], $0x1380  }
0xb6: {  	_ =	swait.ge @p0 [sflag:s14], $0x1380  }
0xb7: {  	[sflag:s14] =	ssyncset.done @p0 $0x0  }
0xb8: {  	s3 =	rddreg [dreg:$0x9];
	[sflag:s14] =	ssyncadd.s32 @p0 $0xFFFFEC80  }
0xb9: {  	[hbm:s3], [sflag:s28] =	dma.local @!p0 [spmem:s30], $0x80  }
0xba: {  	_ =	swait.ge @!p0 [sflag:s2], $0x80  }
0xbb: {  	[sflag:s2] =	ssyncset.done @!p0 $0x0  }
0xbc: {  	[sflag:s2] =	ssyncadd.s32 @!p0 $0xFFFFFF80  }
0xbd: {  	s25 =	sshrl.u32 @!p0 s0, $0x3;
	[bflag:$0x0] =	sbarrier.arrive @!p0 $0xFFFF  }
0xbe: {  	[spmem:s25], [sflag:s28] =	dma.local @!p0 [hbm:s8], $0x1380  }
0xbf: {  	_ =	swait.ge @!p0 [sflag:s2], $0x1380  }
0xc0: {  	[sflag:s2] =	ssyncset.done @!p0 $0x0  }
0xc1: {  	[sflag:s2] =	ssyncadd.s32 @!p0 $0xFFFFEC80  }
0xc2: {  	[spmem:s30], [sflag:s28] =	dma.local @!p0 [hbm:s8], $0x100  }
0xc3: {  	_ =	swait.ge @!p0 [sflag:s2], $0x100  }
0xc4: {  	[sflag:s2] =	ssyncset.done @!p0 $0x0  }
0xc5: {  	p1 =	por @!p5 $0x0, $0x0;
	[sflag:s2] =	ssyncadd.s32 @!p0 $0xFFFFFF00  }
0xc6: {  	p2 =	por @!p4 $0x1, $0x1;
	p3 =	por !p3, p5;
	[bflag:$0x0] =	sbarrier.arrive $0xFFFF  }
0xc7: {  	[tilespmem:s11], [sflag:$0x1] =	stream.indirect.gather @!p5 [hbm4b:s5+s9], $0x80, s10, s9, $0xb8;
	[tilespmem:$0x1F100] =	vst v63  }
0xc8: {  	p2 =	por @!p3 p1, p1;
	p3 =	por $0x0, $0x0  }
0xc9: {  	[tilespmem:s13], [sflag:$0x2] =	stream.indirect.gather @!p5 [hbm4b:s5+s9], $0x80, s9, s9, $0xb8;
	[tilespmem:$0x1F100] =	vst v63  }
.Ltmp5:
0xca: {  	p3 =	por @!p5 p2, p2;
	(pc) =	sbr.rel @p6 .LBB2_9-.Ltmp5, $4  }
0xcb: {  	s3 =	simm.s32 @p3 $0x100;
	s10 =	simm.s32 @p3 $0xD480;
	s9 =	simm.s32 @p3 $0x80  }
0xcc: {  	[tilespmem:s10], [sflag:$0x1] =	stream.indirect.gather @p3 [hbm4b:s5+s9], $0x80, s3, s9, $0xb8;
	[tilespmem:$0x1F100] =	vst v63  }
0xcd: {  	s15 =	simm.s32 @p3 $0x11480;
	s13 =	simm.s32 @p3 $0x180  }
0xce: {  	[tilespmem:s15], [sflag:$0x2] =	stream.indirect.gather @p3 [hbm4b:s5+s9], $0x80, s13, s9, $0xb8;
	[tilespmem:$0x1F100] =	vst v63  }
0xcf: {  	p1 =	sle.s32 s31, $0x0  }
0xd0: {  	s2 =	simm.s32 @!p1 $0x1  }
0xd1: {  	_ =	swait.ge @!p1 [sflag:s2], $0x4000  }
0xd2: {  	s3 =	simm.s32 @!p1 $0x3;
	s12 =	simm.s32 @!p1 $0x2A00;
	[sflag:s2] =	ssyncset.done @!p1 $0x0  }
0xd3: {  	s16 =	simm.s32 @!p1 $0x5480;
	[sflag:s2] =	ssyncadd.s32 @!p1 $0xFFFFC000;
	s2 =	simm.s32 @!p1 $0x80  }
0xd4: {  	[spmem:s1] =	stream.indirect.scatter.add.f32 @!p1 [tilespmem:s16], [sflag:$0x3], $0x80, s12, s2, $0xb8;
	[tilespmem:$0x1F100] =	vst v63  }
0xd5: {  	p2 =	sle.s32 @!p1 s31, $0x4;
	_ =	swait.ge @!p1 [sflag:s3], $0x4000  }
0xd6: {  	p2 =	por p2, p1;
	[sflag:s3] =	ssyncset.done @!p1 $0x0  }
0xd7: {  	s2 =	simm.s32 @!p2 $0x200;
	[sflag:s3] =	ssyncadd.s32 @!p1 $0xFFFFC000;
	p1 =	sle.s32 s31, $0x1  }
0xd8: {  	s16 =	simm.s32 @!p2 $0x5480;
	s3 =	simm.s32 @!p2 $0x80;
	s12 =	simm.s32 @!p1 $0x2  }
0xd9: {  	[tilespmem:s16], [sflag:$0x1] =	stream.indirect.gather @!p2 [hbm4b:s5+s3], $0x80, s2, s3, $0xb8;
	[tilespmem:$0x1F100] =	vst v63  }
0xda: {  	s2 =	simm.s32 @!p1 $0x2A80;
	_ =	swait.ge @!p1 [sflag:s12], $0x4000  }
0xdb: {  	p2 =	sle.s32 @!p1 s31, $0x5;
	s3 =	simm.s32 @!p1 $0x3;
	[sflag:s12] =	ssyncset.done @!p1 $0x0  }
0xdc: {  	s16 =	simm.s32 @!p1 $0x80;
	s17 =	simm.s32 @!p1 $0x9480;
	[sflag:s12] =	ssyncadd.s32 @!p1 $0xFFFFC000  }
0xdd: {  	[spmem:s1] =	stream.indirect.scatter.add.f32 @!p1 [tilespmem:s17], [sflag:$0x3], $0x80, s2, s16, $0xb8;
	[tilespmem:$0x1F100] =	vst v63  }
0xde: {  	p4 =	sle.s32 s31, $0x2;
	p2 =	por p2, p1;
	_ =	swait.ge @!p1 [sflag:s3], $0x4000  }
0xdf: {  	s12 =	simm.s32 @!p2 $0x280;
	s2 =	simm.s32 @!p2 $0x9480;
	[sflag:s3] =	ssyncset.done @!p1 $0x0  }
0xe0: {  	s16 =	simm.s32 @!p4 $0x1;
	[sflag:s3] =	ssyncadd.s32 @!p1 $0xFFFFC000;
	s3 =	simm.s32 @!p2 $0x80  }
0xe1: {  	[tilespmem:s2], [sflag:$0x2] =	stream.indirect.gather @!p2 [hbm4b:s5+s3], $0x80, s12, s3, $0xb8;
	[tilespmem:$0x1F100] =	vst v63  }
0xe2: {  	s17 =	simm.s32 @!p4 $0x3;
	_ =	swait.ge @!p4 [sflag:s16], $0x4000  }
0xe3: {  	p1 =	sle.s32 @!p4 s31, $0x6;
	s2 =	simm.s32 @!p4 $0x2B00;
	[sflag:s16] =	ssyncset.done @!p4 $0x0  }
0xe4: {  	s3 =	simm.s32 @!p4 $0x80;
	s12 =	simm.s32 @!p4 $0xD480;
	[sflag:s16] =	ssyncadd.s32 @!p4 $0xFFFFC000  }
0xe5: {  	[spmem:s1] =	stream.indirect.scatter.add.f32 @!p4 [tilespmem:s12], [sflag:$0x3], $0x80, s2, s3, $0xb8;
	[tilespmem:$0x1F100] =	vst v63  }
0xe6: {  	p1 =	por p1, p4;
	p2 =	sle.s32 s31, $0x3;
	_ =	swait.ge @!p4 [sflag:s17], $0x4000  }
0xe7: {  	s16 =	simm.s32 @!p2 $0x2;
	s2 =	simm.s32 @!p1 $0x300;
	[sflag:s17] =	ssyncset.done @!p4 $0x0  }
0xe8: {  	s3 =	simm.s32 @!p1 $0x80;
	s12 =	simm.s32 @!p1 $0xD480;
	[sflag:s17] =	ssyncadd.s32 @!p4 $0xFFFFC000  }
0xe9: {  	[tilespmem:s12], [sflag:$0x1] =	stream.indirect.gather @!p1 [hbm4b:s5+s3], $0x80, s2, s3, $0xb8;
	[tilespmem:$0x1F100] =	vst v63  }
0xea: {  	_ =	swait.ge @!p2 [sflag:s16], $0x4000  }
0xeb: {  	s0 =	rddreg [dreg:$0x11]  }
0xec: {  	s2 =	sadd.s32 $0xFFFFFFFF, s0  }
0xed: {  	p1 =	sne.s32 s2, $0x0  }
.Ltmp6:
0xee: {  	s18 =	simm.s32 @!p2 $0x11480;
	s19 =	simm.s32 @!p2 $0x3;
	(pc) =	sbr.rel @!p1 .LBB2_8-.Ltmp6, $4  }
0xef: {  	s17 =	simm.s32 $0x0;
	p4 =	sle.s32 @!p2 s31, $0x7;
	[sflag:s16] =	ssyncset.done @!p2 $0x0  }
0xf0: {  	s3 =	simm.s32 @!p2 $0x2B80;
	s12 =	simm.s32 @!p2 $0x80;
	[sflag:s16] =	ssyncadd.s32 @!p2 $0xFFFFC000  }
0xf1: {  	[spmem:s1] =	stream.indirect.scatter.add.f32 @!p2 [tilespmem:s18], [sflag:$0x3], $0x80, s3, s12, $0xb8;
	[tilespmem:$0x1F100] =	vst v63  }
0xf2: {  	p5 =	por p4, p2;
	s16 =	simm.s32 $0x7;
	s18 =	simm.s32 $0x800  }
.LBB2_7:
0xf3: {  	s2 =	sadd.s32 $0xFFFFFFFF, s2;
	_ =	swait.ge @!p2 [sflag:s19], $0x4000;
	s3 =	sshra.s32 @!p5 s17, $0x2  }
0xf4: {  	p4 =	sne.s32 s2, $0x0;
	[sflag:s19] =	ssyncset.done @!p2 $0x0;
	s3 =	sadd.s32 @!p5 $0x380, s3  }
0xf5: {  	s12 =	simm.s32 @!p5 $0x80;
	s17 =	simm.s32 @!p5 $0x11480;
	[sflag:s19] =	ssyncadd.s32 @!p2 $0xFFFFC000  }
0xf6: {  	[tilespmem:s17], [sflag:$0x2] =	stream.indirect.gather @!p5 [hbm4b:s5+s12], $0x80, s3, s12, $0xb8;
	[tilespmem:$0x1F100] =	vst v63  }
0xf7: {  	s19 =	smov.u32 s16;
	s17 =	smov.u32 s18  }
0xf8: {  	s3 =	sadd.s32 $0xFFFFFFFD, s16  }
0xf9: {  	p2 =	sge.s32 s3, s31;
	s3 =	sadd.s32 $0xFFFFFFFF, s16  }
0xfa: {  	s12 =	simm.s32 @!p2 $0x1;
	s20 =	sshra.s32 @!p2 s18, $0x2;
	s21 =	simm.s32 @!p2 $0x3  }
0xfb: {  	s22 =	sadd.s32 @!p2 $0x1, s16;
	s20 =	sadd.s32 @!p2 $0x2A00, s20;
	_ =	swait.ge @!p2 [sflag:s12], $0x4000  }
0xfc: {  	p5 =	sge.s32 s3, s31;
	p1 =	sge.s32 @!p2 s22, s31;
	[sflag:s12] =	ssyncset.done @!p2 $0x0  }
0xfd: {  	s3 =	simm.s32 @!p2 $0x80;
	[sflag:s12] =	ssyncadd.s32 @!p2 $0xFFFFC000;
	s12 =	simm.s32 @!p2 $0x5480  }
0xfe: {  	[spmem:s1] =	stream.indirect.scatter.add.f32 @!p2 [tilespmem:s12], [sflag:$0x3], $0x80, s20, s3, $0xb8;
	[tilespmem:$0x1F100] =	vst v63  }
0xff: {  	p1 =	por p1, p2;
	s3 =	sshra.s32 @!p5 s18, $0x2;
	_ =	swait.ge @!p2 [sflag:s21], $0x4000  }
0x100: {  	s12 =	sshra.s32 @!p1 s18, $0x2;
	s20 =	sadd.s32 $0xFFFFFFFE, s16;
	[sflag:s21] =	ssyncset.done @!p2 $0x0  }
0x101: {  	s12 =	sadd.s32 @!p1 $0x200, s12;
	[sflag:s21] =	ssyncadd.s32 @!p2 $0xFFFFC000;
	p2 =	sge.s32 s20, s31  }
0x102: {  	s20 =	simm.s32 @!p1 $0x80;
	s21 =	simm.s32 @!p2 $0x2;
	s22 =	sshra.s32 @!p2 s18, $0x2  }
0x103: {  	s0 =	simm.s32 @!p1 $0x5480;
	s10 =	sadd.s32 @!p2 $0x2, s16;
	s22 =	sadd.s32 @!p2 $0x2A80, s22  }
0x104: {  	s3 =	sadd.s32 @!p5 $0x2B00, s3;
	p6 =	sge.s32 @!p2 s10, s31;
	s10 =	sadd.s32 @!p5 $0x3, s16  }
0x105: {  	[tilespmem:s0], [sflag:$0x1] =	stream.indirect.gather @!p1 [hbm4b:s5+s20], $0x80, s12, s20, $0xb8;
	[tilespmem:$0x1F100] =	vst v63  }
0x106: {  	s0 =	simm.s32 @!p2 $0x3;
	p1 =	por p6, p2;
	_ =	swait.ge @!p2 [sflag:s21], $0x4000  }
0x107: {  	s12 =	simm.s32 @!p2 $0x80;
	s20 =	simm.s32 @!p2 $0x9480;
	[sflag:s21] =	ssyncset.done @!p2 $0x0  }
0x108: {  	s11 =	simm.s32 @!p1 $0x9480;
	[sflag:s21] =	ssyncadd.s32 @!p2 $0xFFFFC000;
	s21 =	sshra.s32 @!p1 s18, $0x2  }
0x109: {  	[spmem:s1] =	stream.indirect.scatter.add.f32 @!p2 [tilespmem:s20], [sflag:$0x3], $0x80, s22, s12, $0xb8;
	[tilespmem:$0x1F100] =	vst v63  }
0x10a: {  	s12 =	sadd.s32 @!p1 $0x280, s21;
	s20 =	simm.s32 @!p5 $0x1;
	_ =	swait.ge @!p2 [sflag:s0], $0x4000  }
0x10b: {  	s16 =	sadd.s32 $0x4, s16;
	p6 =	sge.s32 @!p5 s10, s31;
	[sflag:s0] =	ssyncset.done @!p2 $0x0  }
0x10c: {  	p6 =	por p6, p5;
	[sflag:s0] =	ssyncadd.s32 @!p2 $0xFFFFC000;
	s0 =	simm.s32 @!p1 $0x80  }
0x10d: {  	[tilespmem:s11], [sflag:$0x2] =	stream.indirect.gather @!p1 [hbm4b:s5+s0], $0x80, s12, s0, $0xb8;
	[tilespmem:$0x1F100] =	vst v63  }
0x10e: {  	s10 =	simm.s32 @!p5 $0xD480;
	s0 =	simm.s32 @!p5 $0x80;
	_ =	swait.ge @!p5 [sflag:s20], $0x4000  }
0x10f: {  	s11 =	simm.s32 @!p5 $0x3;
	s12 =	sshra.s32 @!p6 s18, $0x2;
	[sflag:s20] =	ssyncset.done @!p5 $0x0  }
0x110: {  	p2 =	sge.s32 s19, s31;
	s12 =	sadd.s32 @!p6 $0x300, s12;
	[sflag:s20] =	ssyncadd.s32 @!p5 $0xFFFFC000  }
0x111: {  	[spmem:s1] =	stream.indirect.scatter.add.f32 @!p5 [tilespmem:s10], [sflag:$0x3], $0x80, s3, s0, $0xb8;
	[tilespmem:$0x1F100] =	vst v63  }
0x112: {  	s0 =	simm.s32 @!p6 $0x80;
	s3 =	simm.s32 @!p6 $0xD480;
	_ =	swait.ge @!p5 [sflag:s11], $0x4000  }
0x113: {  	s20 =	sshra.s32 @!p2 s18, $0x2;
	s10 =	simm.s32 @!p2 $0x2;
	[sflag:s11] =	ssyncset.done @!p5 $0x0  }
0x114: {  	[sflag:s11] =	ssyncadd.s32 @!p5 $0xFFFFC000;
	s11 =	sadd.s32 @!p2 $0x2B80, s20;
	s20 =	sadd.s32 @!p2 $0x4, s19  }
0x115: {  	[tilespmem:s3], [sflag:$0x1] =	stream.indirect.gather @!p6 [hbm4b:s5+s0], $0x80, s12, s0, $0xb8;
	[tilespmem:$0x1F100] =	vst v63  }
.Ltmp7:
0x116: {  	_ = 	snop;
	(pc) =	sbr.rel @p4 .LBB2_7-.Ltmp7, $4  }
0x117: {  	s0 =	simm.s32 @!p2 $0x80;
	s3 =	simm.s32 @!p2 $0x11480;
	_ =	swait.ge @!p2 [sflag:s10], $0x4000  }
0x118: {  	s19 =	simm.s32 @!p2 $0x3;
	p1 =	sge.s32 @!p2 s20, s31;
	[sflag:s10] =	ssyncset.done @!p2 $0x0  }
0x119: {  	s18 =	sadd.s32 $0x800, s18;
	p5 =	por p1, p2;
	[sflag:s10] =	ssyncadd.s32 @!p2 $0xFFFFC000  }
0x11a: {  	[spmem:s1] =	stream.indirect.scatter.add.f32 @!p2 [tilespmem:s3], [sflag:$0x3], $0x80, s11, s0, $0xb8;
	[tilespmem:$0x1F100] =	vst v63  }
.LBB2_8:
0x11b: {  	_ =	swait.ge @!p2 [sflag:s19], $0x4000  }
0x11c: {  	s0 =	sshra.s32 @!p5 s17, $0x2;
	s2 =	simm.s32 @!p5 $0x80;
	s21 =	sld [smem:$0x7FC]  }
0x11d: {  	s3 =	simm.s32 @!p5 $0x11480;
	[sflag:s19] =	ssyncset.done @!p2 $0x0;
	s22 =	sld [smem:$0x7FD]  }
0x11e: {  	s10 =	simm.s32 @p3 $0xD480;
	s0 =	sadd.s32 @!p5 $0x380, s0;
	[sflag:s19] =	ssyncadd.s32 @!p2 $0xFFFFC000  }
0x11f: {  	[tilespmem:s3], [sflag:$0x2] =	stream.indirect.gather @!p5 [hbm4b:s5+s2], $0x80, s0, s2, $0xb8;
	[tilespmem:$0x1F100] =	vst v63  }
0x120: {  	s3 =	simm.s32 @p3 $0x100;
	p5 =	seq.s32 s21, $0x1;
	p6 =	seq.s32 s22, $0x1  }
.LBB2_9:
0x121: {  	[bflag:$0x0] =	sbarrier.arrive $0xFFFF  }
0x122: {  	s0 =	rddreg [dreg:$0xa]  }
0x123: {  	[hbm:s0], [sflag:s28] =	dma.local [spmem:s29], $0x1380  }
0x124: {  	_ =	swait.ge [sflag:s23], $0x1380  }
0x125: {  	[sflag:s23] =	ssyncset.done $0x0  }
0x126: {  	[sflag:s23] =	ssyncadd.s32 $0xFFFFEC80  }
0x127: {  	[bflag:$0x0] =	sbarrier.arrive @p0 $0xFFFF  }
0x128: {  	[spmem:s24], [sflag:s28] =	dma.local @p0 [hbm:s8], $0x1380  }
0x129: {  	_ =	swait.ge @p0 [sflag:s14], $0x1380  }
0x12a: {  	[sflag:s14] =	ssyncset.done @p0 $0x0  }
0x12b: {  	s2 =	simm.s32 @!p0 $0x3;
	s0 =	rddreg [dreg:$0xb];
	[sflag:s14] =	ssyncadd.s32 @p0 $0xFFFFEC80  }
0x12c: {  	[hbm:s0], [sflag:s28] =	dma.local @!p0 [spmem:s30], $0x80  }
0x12d: {  	_ =	swait.ge @!p0 [sflag:s2], $0x80  }
0x12e: {  	[sflag:s2] =	ssyncset.done @!p0 $0x0  }
0x12f: {  	[sflag:s2] =	ssyncadd.s32 @!p0 $0xFFFFFF80  }
0x130: {  	[bflag:$0x0] =	sbarrier.arrive @!p0 $0xFFFF  }
0x131: {  	[spmem:s25], [sflag:s28] =	dma.local @!p0 [hbm:s8], $0x1380  }
0x132: {  	_ =	swait.ge @!p0 [sflag:s2], $0x1380  }
0x133: {  	[sflag:s2] =	ssyncset.done @!p0 $0x0  }
0x134: {  	[sflag:s2] =	ssyncadd.s32 @!p0 $0xFFFFEC80  }
0x135: {  	[spmem:s30], [sflag:s28] =	dma.local @!p0 [hbm:s8], $0x100  }
0x136: {  	_ =	swait.ge @!p0 [sflag:s2], $0x100  }
0x137: {  	[sflag:s2] =	ssyncset.done @!p0 $0x0  }
0x138: {  	s11 =	simm.s32 @!p5 $0x0;
	[sflag:s2] =	ssyncadd.s32 @!p0 $0xFFFFFF00  }
0x139: {  	s17 =	simm.s32 @!p5 $0x5480;
	s14 =	simm.s32 @!p5 $0x80;
	[bflag:$0x0] =	sbarrier.arrive $0xFFFF  }
0x13a: {  	[tilespmem:s17], [sflag:$0x1] =	stream.indirect.gather @!p5 [hbm4b:s6+s14], $0x80, s11, s14, $0xb8;
	[tilespmem:$0x1F100] =	vst v63  }
0x13b: {  	s18 =	simm.s32 @!p5 $0x9480  }
0x13c: {  	[tilespmem:s18], [sflag:$0x2] =	stream.indirect.gather @!p5 [hbm4b:s6+s14], $0x80, s14, s14, $0xb8;
	[tilespmem:$0x1F100] =	vst v63  }
.Ltmp8:
0x13d: {  	_ = 	snop;
	(pc) =	sbr.rel @p6 .LBB2_13-.Ltmp8, $4  }
0x13e: {  	_ = 	snop  }
0x13f: {  	[tilespmem:s10], [sflag:$0x1] =	stream.indirect.gather @p3 [hbm4b:s6+s9], $0x80, s3, s9, $0xb8;
	[tilespmem:$0x1F100] =	vst v63  }
0x140: {  	_ = 	snop  }
0x141: {  	[tilespmem:s15], [sflag:$0x2] =	stream.indirect.gather @p3 [hbm4b:s6+s9], $0x80, s13, s9, $0xb8;
	[tilespmem:$0x1F100] =	vst v63  }
0x142: {  	p1 =	sle.s32 s31, $0x0  }
0x143: {  	[dreg:$0x12] =	wrdreg s11;
	s0 =	simm.s32 @!p1 $0x1  }
0x144: {  	_ =	swait.ge @!p1 [sflag:s0], $0x4000  }
0x145: {  	s3 =	simm.s32 @!p1 $0x3;
	s9 =	simm.s32 @!p1 $0x2A00;
	[sflag:s0] =	ssyncset.done @!p1 $0x0  }
0x146: {  	s10 =	simm.s32 @!p1 $0x5480;
	[sflag:s0] =	ssyncadd.s32 @!p1 $0xFFFFC000;
	s0 =	simm.s32 @!p1 $0x80  }
0x147: {  	[spmem:s1] =	stream.indirect.scatter.add.f32 @!p1 [tilespmem:s10], [sflag:$0x3], $0x80, s9, s0, $0xb8;
	[tilespmem:$0x1F100] =	vst v63  }
0x148: {  	p2 =	sle.s32 @!p1 s31, $0x4;
	_ =	swait.ge @!p1 [sflag:s3], $0x4000  }
0x149: {  	p2 =	por p2, p1;
	[sflag:s3] =	ssyncset.done @!p1 $0x0  }
0x14a: {  	s0 =	simm.s32 @!p2 $0x200;
	[sflag:s3] =	ssyncadd.s32 @!p1 $0xFFFFC000;
	p1 =	sle.s32 s31, $0x1  }
0x14b: {  	s10 =	simm.s32 @!p2 $0x5480;
	s3 =	simm.s32 @!p2 $0x80;
	s9 =	simm.s32 @!p1 $0x2  }
0x14c: {  	[tilespmem:s10], [sflag:$0x1] =	stream.indirect.gather @!p2 [hbm4b:s6+s3], $0x80, s0, s3, $0xb8;
	[tilespmem:$0x1F100] =	vst v63  }
0x14d: {  	s0 =	simm.s32 @!p1 $0x2A80;
	_ =	swait.ge @!p1 [sflag:s9], $0x4000  }
0x14e: {  	p2 =	sle.s32 @!p1 s31, $0x5;
	s3 =	simm.s32 @!p1 $0x3;
	[sflag:s9] =	ssyncset.done @!p1 $0x0  }
0x14f: {  	s10 =	simm.s32 @!p1 $0x80;
	s11 =	simm.s32 @!p1 $0x9480;
	[sflag:s9] =	ssyncadd.s32 @!p1 $0xFFFFC000  }
0x150: {  	[spmem:s1] =	stream.indirect.scatter.add.f32 @!p1 [tilespmem:s11], [sflag:$0x3], $0x80, s0, s10, $0xb8;
	[tilespmem:$0x1F100] =	vst v63  }
0x151: {  	p4 =	sle.s32 s31, $0x2;
	p2 =	por p2, p1;
	_ =	swait.ge @!p1 [sflag:s3], $0x4000  }
0x152: {  	s9 =	simm.s32 @!p2 $0x280;
	s0 =	simm.s32 @!p2 $0x9480;
	[sflag:s3] =	ssyncset.done @!p1 $0x0  }
0x153: {  	s10 =	simm.s32 @!p4 $0x1;
	[sflag:s3] =	ssyncadd.s32 @!p1 $0xFFFFC000;
	s3 =	simm.s32 @!p2 $0x80  }
0x154: {  	[tilespmem:s0], [sflag:$0x2] =	stream.indirect.gather @!p2 [hbm4b:s6+s3], $0x80, s9, s3, $0xb8;
	[tilespmem:$0x1F100] =	vst v63  }
0x155: {  	s11 =	simm.s32 @!p4 $0x3;
	_ =	swait.ge @!p4 [sflag:s10], $0x4000  }
0x156: {  	p1 =	sle.s32 @!p4 s31, $0x6;
	s0 =	simm.s32 @!p4 $0x2B00;
	[sflag:s10] =	ssyncset.done @!p4 $0x0  }
0x157: {  	s3 =	simm.s32 @!p4 $0x80;
	s9 =	simm.s32 @!p4 $0xD480;
	[sflag:s10] =	ssyncadd.s32 @!p4 $0xFFFFC000  }
0x158: {  	[spmem:s1] =	stream.indirect.scatter.add.f32 @!p4 [tilespmem:s9], [sflag:$0x3], $0x80, s0, s3, $0xb8;
	[tilespmem:$0x1F100] =	vst v63  }
0x159: {  	p1 =	por p1, p4;
	p2 =	sle.s32 s31, $0x3;
	_ =	swait.ge @!p4 [sflag:s11], $0x4000  }
0x15a: {  	s10 =	simm.s32 @!p2 $0x2;
	s0 =	simm.s32 @!p1 $0x300;
	[sflag:s11] =	ssyncset.done @!p4 $0x0  }
0x15b: {  	s3 =	simm.s32 @!p1 $0x80;
	s9 =	simm.s32 @!p1 $0xD480;
	[sflag:s11] =	ssyncadd.s32 @!p4 $0xFFFFC000  }
0x15c: {  	[tilespmem:s9], [sflag:$0x1] =	stream.indirect.gather @!p1 [hbm4b:s6+s3], $0x80, s0, s3, $0xb8;
	[tilespmem:$0x1F100] =	vst v63  }
0x15d: {  	_ =	swait.ge @!p2 [sflag:s10], $0x4000  }
0x15e: {  	s22 =	rddreg [dreg:$0x11]  }
0x15f: {  	s9 =	sadd.s32 $0xFFFFFFFF, s22  }
0x160: {  	p1 =	sne.s32 s9, $0x0  }
.Ltmp9:
0x161: {  	s13 =	simm.s32 $0x800;
	s12 =	simm.s32 @!p2 $0x11480;
	(pc) =	sbr.rel @!p1 .LBB2_12-.Ltmp9, $4  }
0x162: {  	s15 =	simm.s32 @!p2 $0x3;
	s11 =	simm.s32 $0x0;
	p4 =	sle.s32 @!p2 s31, $0x7  }
0x163: {  	s0 =	simm.s32 @!p2 $0x2B80;
	s3 =	simm.s32 @!p2 $0x80;
	[sflag:s10] =	ssyncset.done @!p2 $0x0  }
0x164: {  	p5 =	por p4, p2;
	[sflag:s10] =	ssyncadd.s32 @!p2 $0xFFFFC000;
	s10 =	simm.s32 $0x7  }
0x165: {  	[spmem:s1] =	stream.indirect.scatter.add.f32 @!p2 [tilespmem:s12], [sflag:$0x3], $0x80, s0, s3, $0xb8;
	[tilespmem:$0x1F100] =	vst v63  }
.LBB2_11:
0x166: {  	s9 =	sadd.s32 $0xFFFFFFFF, s9;
	_ =	swait.ge @!p2 [sflag:s15], $0x4000;
	s0 =	sshra.s32 @!p5 s11, $0x2  }
0x167: {  	p4 =	sne.s32 s9, $0x0;
	[sflag:s15] =	ssyncset.done @!p2 $0x0;
	s0 =	sadd.s32 @!p5 $0x380, s0  }
0x168: {  	s3 =	simm.s32 @!p5 $0x80;
	s11 =	simm.s32 @!p5 $0x11480;
	[sflag:s15] =	ssyncadd.s32 @!p2 $0xFFFFC000  }
0x169: {  	[tilespmem:s11], [sflag:$0x2] =	stream.indirect.gather @!p5 [hbm4b:s6+s3], $0x80, s0, s3, $0xb8;
	[tilespmem:$0x1F100] =	vst v63  }
0x16a: {  	s15 =	smov.u32 s10;
	s11 =	smov.u32 s13  }
0x16b: {  	s0 =	sadd.s32 $0xFFFFFFFD, s10  }
0x16c: {  	p2 =	sge.s32 s0, s31;
	s0 =	sadd.s32 $0xFFFFFFFF, s10  }
0x16d: {  	s3 =	simm.s32 @!p2 $0x1;
	s12 =	sshra.s32 @!p2 s13, $0x2;
	s19 =	simm.s32 @!p2 $0x3  }
0x16e: {  	s20 =	sadd.s32 @!p2 $0x1, s10;
	s12 =	sadd.s32 @!p2 $0x2A00, s12;
	_ =	swait.ge @!p2 [sflag:s3], $0x4000  }
0x16f: {  	p5 =	sge.s32 s0, s31;
	p1 =	sge.s32 @!p2 s20, s31;
	[sflag:s3] =	ssyncset.done @!p2 $0x0  }
0x170: {  	s0 =	simm.s32 @!p2 $0x80;
	[sflag:s3] =	ssyncadd.s32 @!p2 $0xFFFFC000;
	s3 =	simm.s32 @!p2 $0x5480  }
0x171: {  	[spmem:s1] =	stream.indirect.scatter.add.f32 @!p2 [tilespmem:s3], [sflag:$0x3], $0x80, s12, s0, $0xb8;
	[tilespmem:$0x1F100] =	vst v63  }
0x172: {  	p1 =	por p1, p2;
	s0 =	sshra.s32 @!p5 s13, $0x2;
	_ =	swait.ge @!p2 [sflag:s19], $0x4000  }
0x173: {  	s3 =	sshra.s32 @!p1 s13, $0x2;
	s12 =	sadd.s32 $0xFFFFFFFE, s10;
	[sflag:s19] =	ssyncset.done @!p2 $0x0  }
0x174: {  	s3 =	sadd.s32 @!p1 $0x200, s3;
	[sflag:s19] =	ssyncadd.s32 @!p2 $0xFFFFC000;
	p2 =	sge.s32 s12, s31  }
0x175: {  	s12 =	simm.s32 @!p1 $0x80;
	s19 =	simm.s32 @!p2 $0x2;
	s20 =	sshra.s32 @!p2 s13, $0x2  }
0x176: {  	s21 =	simm.s32 @!p1 $0x5480;
	s22 =	sadd.s32 @!p2 $0x2, s10;
	s20 =	sadd.s32 @!p2 $0x2A80, s20  }
0x177: {  	s0 =	sadd.s32 @!p5 $0x2B00, s0;
	p6 =	sge.s32 @!p2 s22, s31;
	s22 =	sadd.s32 @!p5 $0x3, s10  }
0x178: {  	[tilespmem:s21], [sflag:$0x1] =	stream.indirect.gather @!p1 [hbm4b:s6+s12], $0x80, s3, s12, $0xb8;
	[tilespmem:$0x1F100] =	vst v63  }
0x179: {  	s3 =	simm.s32 @!p2 $0x3;
	p1 =	por p6, p2;
	_ =	swait.ge @!p2 [sflag:s19], $0x4000  }
0x17a: {  	s12 =	simm.s32 @!p2 $0x80;
	s21 =	simm.s32 @!p2 $0x9480;
	[sflag:s19] =	ssyncset.done @!p2 $0x0  }
0x17b: {  	s16 =	simm.s32 @!p1 $0x9480;
	[sflag:s19] =	ssyncadd.s32 @!p2 $0xFFFFC000;
	s19 =	sshra.s32 @!p1 s13, $0x2  }
0x17c: {  	[spmem:s1] =	stream.indirect.scatter.add.f32 @!p2 [tilespmem:s21], [sflag:$0x3], $0x80, s20, s12, $0xb8;
	[tilespmem:$0x1F100] =	vst v63  }
0x17d: {  	s12 =	sadd.s32 @!p1 $0x280, s19;
	s19 =	simm.s32 @!p5 $0x1;
	_ =	swait.ge @!p2 [sflag:s3], $0x4000  }
0x17e: {  	s10 =	sadd.s32 $0x4, s10;
	p6 =	sge.s32 @!p5 s22, s31;
	[sflag:s3] =	ssyncset.done @!p2 $0x0  }
0x17f: {  	p6 =	por p6, p5;
	[sflag:s3] =	ssyncadd.s32 @!p2 $0xFFFFC000;
	s3 =	simm.s32 @!p1 $0x80  }
0x180: {  	[tilespmem:s16], [sflag:$0x2] =	stream.indirect.gather @!p1 [hbm4b:s6+s3], $0x80, s12, s3, $0xb8;
	[tilespmem:$0x1F100] =	vst v63  }
0x181: {  	s3 =	simm.s32 @!p5 $0x80;
	s12 =	simm.s32 @!p5 $0xD480;
	_ =	swait.ge @!p5 [sflag:s19], $0x4000  }
0x182: {  	s20 =	sshra.s32 @!p6 s13, $0x2;
	s16 =	simm.s32 @!p5 $0x3;
	[sflag:s19] =	ssyncset.done @!p5 $0x0  }
0x183: {  	p2 =	sge.s32 s15, s31;
	[sflag:s19] =	ssyncadd.s32 @!p5 $0xFFFFC000;
	s19 =	sadd.s32 @!p6 $0x300, s20  }
0x184: {  	[spmem:s1] =	stream.indirect.scatter.add.f32 @!p5 [tilespmem:s12], [sflag:$0x3], $0x80, s0, s3, $0xb8;
	[tilespmem:$0x1F100] =	vst v63  }
0x185: {  	s0 =	simm.s32 @!p6 $0x80;
	s3 =	simm.s32 @!p6 $0xD480;
	_ =	swait.ge @!p5 [sflag:s16], $0x4000  }
0x186: {  	s20 =	sshra.s32 @!p2 s13, $0x2;
	s12 =	simm.s32 @!p2 $0x2;
	[sflag:s16] =	ssyncset.done @!p5 $0x0  }
0x187: {  	[sflag:s16] =	ssyncadd.s32 @!p5 $0xFFFFC000;
	s16 =	sadd.s32 @!p2 $0x2B80, s20;
	s20 =	sadd.s32 @!p2 $0x4, s15  }
0x188: {  	[tilespmem:s3], [sflag:$0x1] =	stream.indirect.gather @!p6 [hbm4b:s6+s0], $0x80, s19, s0, $0xb8;
	[tilespmem:$0x1F100] =	vst v63  }
.Ltmp10:
0x189: {  	_ = 	snop;
	(pc) =	sbr.rel @p4 .LBB2_11-.Ltmp10, $4  }
0x18a: {  	s0 =	simm.s32 @!p2 $0x80;
	s3 =	simm.s32 @!p2 $0x11480;
	_ =	swait.ge @!p2 [sflag:s12], $0x4000  }
0x18b: {  	s15 =	simm.s32 @!p2 $0x3;
	p1 =	sge.s32 @!p2 s20, s31;
	[sflag:s12] =	ssyncset.done @!p2 $0x0  }
0x18c: {  	s13 =	sadd.s32 $0x800, s13;
	p5 =	por p1, p2;
	[sflag:s12] =	ssyncadd.s32 @!p2 $0xFFFFC000  }
0x18d: {  	[spmem:s1] =	stream.indirect.scatter.add.f32 @!p2 [tilespmem:s3], [sflag:$0x3], $0x80, s16, s0, $0xb8;
	[tilespmem:$0x1F100] =	vst v63  }
.LBB2_12:
0x18e: {  	_ =	swait.ge @!p2 [sflag:s15], $0x4000  }
0x18f: {  	s0 =	sshra.s32 @!p5 s11, $0x2;
	s21 =	sld [smem:$0x7FC]  }
0x190: {  	s3 =	simm.s32 @!p5 $0x80;
	[sflag:s15] =	ssyncset.done @!p2 $0x0;
	s22 =	sld [smem:$0x7FD]  }
0x191: {  	s9 =	simm.s32 @!p5 $0x11480;
	s0 =	sadd.s32 @!p5 $0x380, s0;
	[sflag:s15] =	ssyncadd.s32 @!p2 $0xFFFFC000  }
0x192: {  	[tilespmem:s9], [sflag:$0x2] =	stream.indirect.gather @!p5 [hbm4b:s6+s3], $0x80, s0, s3, $0xb8;
	[tilespmem:$0x1F100] =	vst v63  }
0x193: {  	s11 =	rddreg [dreg:$0x12];
	p5 =	seq.s32 s21, $0x1;
	p6 =	seq.s32 s22, $0x1  }
.LBB2_13:
0x194: {  	[bflag:$0x0] =	sbarrier.arrive $0xFFFF  }
0x195: {  	s0 =	rddreg [dreg:$0xc]  }
0x196: {  	[hbm:s0], [sflag:s28] =	dma.local [spmem:s29], $0x1380  }
0x197: {  	_ =	swait.ge [sflag:s23], $0x1380  }
0x198: {  	[sflag:s23] =	ssyncset.done $0x0  }
0x199: {  	[sflag:s23] =	ssyncadd.s32 $0xFFFFEC80  }
0x19a: {  	s0 =	simm.s32 @p0 $0x3;
	[bflag:$0x0] =	sbarrier.arrive @p0 $0xFFFF  }
0x19b: {  	[spmem:s24], [sflag:s28] =	dma.local @p0 [hbm:s8], $0x1380  }
0x19c: {  	_ =	swait.ge @p0 [sflag:s0], $0x1380  }
0x19d: {  	[sflag:s0] =	ssyncset.done @p0 $0x0  }
0x19e: {  	[sflag:s0] =	ssyncadd.s32 @p0 $0xFFFFEC80;
	s0 =	rddreg [dreg:$0xd]  }
0x19f: {  	[hbm:s0], [sflag:s28] =	dma.local @!p0 [spmem:s30], $0x80  }
0x1a0: {  	_ =	swait.ge @!p0 [sflag:s2], $0x80  }
0x1a1: {  	[sflag:s2] =	ssyncset.done @!p0 $0x0  }
0x1a2: {  	[sflag:s2] =	ssyncadd.s32 @!p0 $0xFFFFFF80  }
0x1a3: {  	[bflag:$0x0] =	sbarrier.arrive @!p0 $0xFFFF  }
0x1a4: {  	[spmem:s25], [sflag:s28] =	dma.local @!p0 [hbm:s8], $0x1380  }
0x1a5: {  	_ =	swait.ge @!p0 [sflag:s2], $0x1380  }
0x1a6: {  	[sflag:s2] =	ssyncset.done @!p0 $0x0  }
0x1a7: {  	[sflag:s2] =	ssyncadd.s32 @!p0 $0xFFFFEC80  }
0x1a8: {  	[spmem:s30], [sflag:s28] =	dma.local @!p0 [hbm:s8], $0x100  }
0x1a9: {  	_ =	swait.ge @!p0 [sflag:s2], $0x100  }
0x1aa: {  	[sflag:s2] =	ssyncset.done @!p0 $0x0  }
0x1ab: {  	[sflag:s2] =	ssyncadd.s32 @!p0 $0xFFFFFF00  }
0x1ac: {  	[bflag:$0x0] =	sbarrier.arrive $0xFFFF  }
0x1ad: {  	[tilespmem:s17], [sflag:$0x1] =	stream.indirect.gather @!p5 [hbm4b:s7+s14], $0x80, s11, s14, $0xb8;
	[tilespmem:$0x1F100] =	vst v63  }
0x1ae: {  	_ = 	snop  }
0x1af: {  	[tilespmem:s18], [sflag:$0x2] =	stream.indirect.gather @!p5 [hbm4b:s7+s14], $0x80, s14, s14, $0xb8;
	[tilespmem:$0x1F100] =	vst v63  }
.Ltmp11:
0x1b0: {  	_ = 	snop;
	(pc) =	sbr.rel @p6 .LBB2_17-.Ltmp11, $4  }
0x1b1: {  	s3 =	simm.s32 @p3 $0xD480;
	s0 =	simm.s32 @p3 $0x80;
	s2 =	simm.s32 @p3 $0x100  }
0x1b2: {  	[tilespmem:s3], [sflag:$0x1] =	stream.indirect.gather @p3 [hbm4b:s7+s0], $0x80, s2, s0, $0xb8;
	[tilespmem:$0x1F100] =	vst v63  }
0x1b3: {  	s2 =	simm.s32 @p3 $0x180;
	s3 =	simm.s32 @p3 $0x11480  }
0x1b4: {  	[tilespmem:s3], [sflag:$0x2] =	stream.indirect.gather @p3 [hbm4b:s7+s0], $0x80, s2, s0, $0xb8;
	[tilespmem:$0x1F100] =	vst v63  }
0x1b5: {  	p1 =	sle.s32 s31, $0x0  }
0x1b6: {  	s0 =	simm.s32 @!p1 $0x1  }
0x1b7: {  	s2 =	simm.s32 @!p1 $0x3;
	_ =	swait.ge @!p1 [sflag:s0], $0x4000  }
0x1b8: {  	s3 =	simm.s32 @!p1 $0x2A00;
	s9 =	simm.s32 @!p1 $0x5480;
	[sflag:s0] =	ssyncset.done @!p1 $0x0  }
0x1b9: {  	p2 =	sle.s32 @!p1 s31, $0x4;
	[sflag:s0] =	ssyncadd.s32 @!p1 $0xFFFFC000;
	s0 =	simm.s32 @!p1 $0x80  }
0x1ba: {  	[spmem:s1] =	stream.indirect.scatter.add.f32 @!p1 [tilespmem:s9], [sflag:$0x3], $0x80, s3, s0, $0xb8;
	[tilespmem:$0x1F100] =	vst v63  }
0x1bb: {  	p3 =	por p2, p1;
	p2 =	sle.s32 s31, $0x1;
	_ =	swait.ge @!p1 [sflag:s2], $0x4000  }
0x1bc: {  	s0 =	simm.s32 @!p3 $0x200;
	s3 =	simm.s32 @!p2 $0x2;
	[sflag:s2] =	ssyncset.done @!p1 $0x0  }
0x1bd: {  	s9 =	simm.s32 @!p3 $0x5480;
	[sflag:s2] =	ssyncadd.s32 @!p1 $0xFFFFC000;
	s2 =	simm.s32 @!p3 $0x80  }
0x1be: {  	[tilespmem:s9], [sflag:$0x1] =	stream.indirect.gather @!p3 [hbm4b:s7+s2], $0x80, s0, s2, $0xb8;
	[tilespmem:$0x1F100] =	vst v63  }
0x1bf: {  	s10 =	simm.s32 @!p2 $0x9480;
	_ =	swait.ge @!p2 [sflag:s3], $0x4000  }
0x1c0: {  	s0 =	simm.s32 @!p2 $0x2A80;
	p3 =	sle.s32 @!p2 s31, $0x5;
	[sflag:s3] =	ssyncset.done @!p2 $0x0  }
0x1c1: {  	s2 =	simm.s32 @!p2 $0x3;
	s9 =	simm.s32 @!p2 $0x80;
	[sflag:s3] =	ssyncadd.s32 @!p2 $0xFFFFC000  }
0x1c2: {  	[spmem:s1] =	stream.indirect.scatter.add.f32 @!p2 [tilespmem:s10], [sflag:$0x3], $0x80, s0, s9, $0xb8;
	[tilespmem:$0x1F100] =	vst v63  }
0x1c3: {  	p1 =	sle.s32 s31, $0x2;
	p3 =	por p3, p2;
	_ =	swait.ge @!p2 [sflag:s2], $0x4000  }
0x1c4: {  	s3 =	simm.s32 @!p3 $0x280;
	s0 =	simm.s32 @!p3 $0x9480;
	[sflag:s2] =	ssyncset.done @!p2 $0x0  }
0x1c5: {  	s9 =	simm.s32 @!p1 $0x1;
	[sflag:s2] =	ssyncadd.s32 @!p2 $0xFFFFC000;
	s2 =	simm.s32 @!p3 $0x80  }
0x1c6: {  	[tilespmem:s0], [sflag:$0x2] =	stream.indirect.gather @!p3 [hbm4b:s7+s2], $0x80, s3, s2, $0xb8;
	[tilespmem:$0x1F100] =	vst v63  }
0x1c7: {  	s10 =	simm.s32 @!p1 $0x3;
	_ =	swait.ge @!p1 [sflag:s9], $0x4000  }
0x1c8: {  	p2 =	sle.s32 @!p1 s31, $0x6;
	s0 =	simm.s32 @!p1 $0x2B00;
	[sflag:s9] =	ssyncset.done @!p1 $0x0  }
0x1c9: {  	s2 =	simm.s32 @!p1 $0x80;
	s3 =	simm.s32 @!p1 $0xD480;
	[sflag:s9] =	ssyncadd.s32 @!p1 $0xFFFFC000  }
0x1ca: {  	[spmem:s1] =	stream.indirect.scatter.add.f32 @!p1 [tilespmem:s3], [sflag:$0x3], $0x80, s0, s2, $0xb8;
	[tilespmem:$0x1F100] =	vst v63  }
0x1cb: {  	p2 =	por p2, p1;
	p3 =	sle.s32 s31, $0x3;
	_ =	swait.ge @!p1 [sflag:s10], $0x4000  }
0x1cc: {  	s11 =	simm.s32 @!p3 $0x2;
	s0 =	simm.s32 @!p2 $0x300;
	[sflag:s10] =	ssyncset.done @!p1 $0x0  }
0x1cd: {  	s2 =	simm.s32 @!p2 $0x80;
	s3 =	simm.s32 @!p2 $0xD480;
	[sflag:s10] =	ssyncadd.s32 @!p1 $0xFFFFC000  }
0x1ce: {  	[tilespmem:s3], [sflag:$0x1] =	stream.indirect.gather @!p2 [hbm4b:s7+s2], $0x80, s0, s2, $0xb8;
	[tilespmem:$0x1F100] =	vst v63  }
0x1cf: {  	_ =	swait.ge @!p3 [sflag:s11], $0x4000  }
0x1d0: {  	s25 =	rddreg [dreg:$0x11]  }
0x1d1: {  	s0 =	sadd.s32 $0xFFFFFFFF, s25  }
0x1d2: {  	p1 =	sne.s32 s0, $0x0  }
.Ltmp12:
0x1d3: {  	s9 =	simm.s32 $0x0;
	s10 =	simm.s32 @!p3 $0x11480;
	(pc) =	sbr.rel @!p1 .LBB2_16-.Ltmp12, $4  }
0x1d4: {  	s2 =	simm.s32 @!p3 $0x2B80;
	p2 =	sle.s32 @!p3 s31, $0x7;
	[sflag:s11] =	ssyncset.done @!p3 $0x0  }
0x1d5: {  	s3 =	simm.s32 @!p3 $0x80;
	p2 =	por p2, p3;
	[sflag:s11] =	ssyncadd.s32 @!p3 $0xFFFFC000  }
0x1d6: {  	[spmem:s1] =	stream.indirect.scatter.add.f32 @!p3 [tilespmem:s10], [sflag:$0x3], $0x80, s2, s3, $0xb8;
	[tilespmem:$0x1F100] =	vst v63  }
0x1d7: {  	s11 =	simm.s32 @!p3 $0x3;
	s2 =	simm.s32 $0x7;
	s10 =	simm.s32 $0x800  }
.LBB2_15:
0x1d8: {  	s0 =	sadd.s32 $0xFFFFFFFF, s0;
	_ =	swait.ge @!p3 [sflag:s11], $0x4000;
	s3 =	sshra.s32 @!p2 s9, $0x2  }
0x1d9: {  	p1 =	sne.s32 s0, $0x0;
	[sflag:s11] =	ssyncset.done @!p3 $0x0;
	s3 =	sadd.s32 @!p2 $0x380, s3  }
0x1da: {  	s9 =	simm.s32 @!p2 $0x80;
	[sflag:s11] =	ssyncadd.s32 @!p3 $0xFFFFC000;
	s11 =	simm.s32 @!p2 $0x11480  }
0x1db: {  	[tilespmem:s11], [sflag:$0x2] =	stream.indirect.gather @!p2 [hbm4b:s7+s9], $0x80, s3, s9, $0xb8;
	[tilespmem:$0x1F100] =	vst v63  }
0x1dc: {  	s11 =	smov.u32 s2;
	s9 =	smov.u32 s10  }
0x1dd: {  	s3 =	sadd.s32 $0xFFFFFFFD, s2  }
0x1de: {  	p3 =	sge.s32 s3, s31;
	s3 =	sadd.s32 $0xFFFFFFFF, s2  }
0x1df: {  	s12 =	simm.s32 @!p3 $0x1;
	s13 =	sshra.s32 @!p3 s10, $0x2;
	s14 =	simm.s32 @!p3 $0x3  }
0x1e0: {  	s15 =	sadd.s32 @!p3 $0x1, s2;
	s13 =	sadd.s32 @!p3 $0x2A00, s13;
	_ =	swait.ge @!p3 [sflag:s12], $0x4000  }
0x1e1: {  	p2 =	sge.s32 s3, s31;
	p4 =	sge.s32 @!p3 s15, s31;
	[sflag:s12] =	ssyncset.done @!p3 $0x0  }
0x1e2: {  	s3 =	simm.s32 @!p3 $0x80;
	[sflag:s12] =	ssyncadd.s32 @!p3 $0xFFFFC000;
	s12 =	simm.s32 @!p3 $0x5480  }
0x1e3: {  	[spmem:s1] =	stream.indirect.scatter.add.f32 @!p3 [tilespmem:s12], [sflag:$0x3], $0x80, s13, s3, $0xb8;
	[tilespmem:$0x1F100] =	vst v63  }
0x1e4: {  	p4 =	por p4, p3;
	s3 =	sshra.s32 @!p2 s10, $0x2;
	_ =	swait.ge @!p3 [sflag:s14], $0x4000  }
0x1e5: {  	s12 =	sshra.s32 @!p4 s10, $0x2;
	s13 =	sadd.s32 $0xFFFFFFFE, s2;
	[sflag:s14] =	ssyncset.done @!p3 $0x0  }
0x1e6: {  	s12 =	sadd.s32 @!p4 $0x200, s12;
	[sflag:s14] =	ssyncadd.s32 @!p3 $0xFFFFC000;
	p3 =	sge.s32 s13, s31  }
0x1e7: {  	s13 =	simm.s32 @!p4 $0x80;
	s14 =	simm.s32 @!p3 $0x2;
	s15 =	sshra.s32 @!p3 s10, $0x2  }
0x1e8: {  	s16 =	simm.s32 @!p4 $0x5480;
	s17 =	sadd.s32 @!p3 $0x2, s2;
	s15 =	sadd.s32 @!p3 $0x2A80, s15  }
0x1e9: {  	s3 =	sadd.s32 @!p2 $0x2B00, s3;
	p5 =	sge.s32 @!p3 s17, s31;
	s17 =	sadd.s32 @!p2 $0x3, s2  }
0x1ea: {  	[tilespmem:s16], [sflag:$0x1] =	stream.indirect.gather @!p4 [hbm4b:s7+s13], $0x80, s12, s13, $0xb8;
	[tilespmem:$0x1F100] =	vst v63  }
0x1eb: {  	p5 =	por p5, p3;
	s12 =	simm.s32 @!p3 $0x3;
	_ =	swait.ge @!p3 [sflag:s14], $0x4000  }
0x1ec: {  	s13 =	simm.s32 @!p3 $0x80;
	s16 =	simm.s32 @!p3 $0x9480;
	[sflag:s14] =	ssyncset.done @!p3 $0x0  }
0x1ed: {  	s18 =	simm.s32 @!p5 $0x9480;
	[sflag:s14] =	ssyncadd.s32 @!p3 $0xFFFFC000;
	s14 =	sshra.s32 @!p5 s10, $0x2  }
0x1ee: {  	[spmem:s1] =	stream.indirect.scatter.add.f32 @!p3 [tilespmem:s16], [sflag:$0x3], $0x80, s15, s13, $0xb8;
	[tilespmem:$0x1F100] =	vst v63  }
0x1ef: {  	s13 =	sadd.s32 @!p5 $0x280, s14;
	s14 =	simm.s32 @!p2 $0x1;
	_ =	swait.ge @!p3 [sflag:s12], $0x4000  }
0x1f0: {  	s2 =	sadd.s32 $0x4, s2;
	p4 =	sge.s32 @!p2 s17, s31;
	[sflag:s12] =	ssyncset.done @!p3 $0x0  }
0x1f1: {  	p4 =	por p4, p2;
	[sflag:s12] =	ssyncadd.s32 @!p3 $0xFFFFC000;
	s12 =	simm.s32 @!p5 $0x80  }
0x1f2: {  	[tilespmem:s18], [sflag:$0x2] =	stream.indirect.gather @!p5 [hbm4b:s7+s12], $0x80, s13, s12, $0xb8;
	[tilespmem:$0x1F100] =	vst v63  }
0x1f3: {  	s12 =	simm.s32 @!p2 $0x80;
	s13 =	simm.s32 @!p2 $0xD480;
	_ =	swait.ge @!p2 [sflag:s14], $0x4000  }
0x1f4: {  	s15 =	simm.s32 @!p2 $0x3;
	s16 =	sshra.s32 @!p4 s10, $0x2;
	[sflag:s14] =	ssyncset.done @!p2 $0x0  }
0x1f5: {  	p3 =	sge.s32 s11, s31;
	[sflag:s14] =	ssyncadd.s32 @!p2 $0xFFFFC000;
	s14 =	sadd.s32 @!p4 $0x300, s16  }
0x1f6: {  	[spmem:s1] =	stream.indirect.scatter.add.f32 @!p2 [tilespmem:s13], [sflag:$0x3], $0x80, s3, s12, $0xb8;
	[tilespmem:$0x1F100] =	vst v63  }
0x1f7: {  	s3 =	simm.s32 @!p4 $0x80;
	s12 =	simm.s32 @!p4 $0xD480;
	_ =	swait.ge @!p2 [sflag:s15], $0x4000  }
0x1f8: {  	s16 =	sshra.s32 @!p3 s10, $0x2;
	s13 =	simm.s32 @!p3 $0x2;
	[sflag:s15] =	ssyncset.done @!p2 $0x0  }
0x1f9: {  	[sflag:s15] =	ssyncadd.s32 @!p2 $0xFFFFC000;
	s15 =	sadd.s32 @!p3 $0x2B80, s16;
	s16 =	sadd.s32 @!p3 $0x4, s11  }
0x1fa: {  	[tilespmem:s12], [sflag:$0x1] =	stream.indirect.gather @!p4 [hbm4b:s7+s3], $0x80, s14, s3, $0xb8;
	[tilespmem:$0x1F100] =	vst v63  }
.Ltmp13:
0x1fb: {  	_ = 	snop;
	(pc) =	sbr.rel @p1 .LBB2_15-.Ltmp13, $4  }
0x1fc: {  	s3 =	simm.s32 @!p3 $0x80;
	s12 =	simm.s32 @!p3 $0x11480;
	_ =	swait.ge @!p3 [sflag:s13], $0x4000  }
0x1fd: {  	s11 =	simm.s32 @!p3 $0x3;
	p2 =	sge.s32 @!p3 s16, s31;
	[sflag:s13] =	ssyncset.done @!p3 $0x0  }
0x1fe: {  	s10 =	sadd.s32 $0x800, s10;
	p2 =	por p2, p3;
	[sflag:s13] =	ssyncadd.s32 @!p3 $0xFFFFC000  }
0x1ff: {  	[spmem:s1] =	stream.indirect.scatter.add.f32 @!p3 [tilespmem:s12], [sflag:$0x3], $0x80, s15, s3, $0xb8;
	[tilespmem:$0x1F100] =	vst v63  }
.Ltmp14:
0x200: {  	_ = 	snop;
	(pc) =	sbr.rel .LBB2_16-.Ltmp14, $1  }
0x201: {  	_ =	sdelay $0x3  }
.LBB2_18:
0x202: {  	_ =	sfence.sel $0x180000  }
0x203: {  	[bflag:$0x0] =	sbarrier.arrive $0xFFFF  }
0x204: {  	_ =	strace $0x9000004A  }
0x205: {  	s0 =	stileid.u32;
	[bflag:$0x2] =	sbarrier.arrive $0xFFFF  }
0x206: {  	p0 =	sne.s32 s0, $0x0;
	s0 =	rddreg [dreg:$0x2]  }
0x207: {  	s0 =	sadd.s32 @!p0 $0x100000, s0  }
0x208: {  	[sflag:s0] =	ssyncadd.tile.s32 @!p0 $0x1;
	_ =	shalt  }
.Lfunc_end2:
_tile_overlayer_lowered:
.L_overlay_start_2:
0x209: {  	(tag) =	ssettag $0x2  }
0x20a: {  	s0 =	rddreg [dreg:$0x0];
	s2 =	stileid.u32  }
0x20b: {  	s1 =	rddreg [dreg:$0x1];
	p0 =	sne.s32 s2, $0x0  }
0x20c: {  	s3 =	rddreg [dreg:$0x2];
	[bflag:$0x3] =	sbarrier.arrive $0xFFFF;
	s2 =	simm.s32 @!p0 $0x1C03  }
0x20d: {  	[timem:s3], [sflag:s2] =	dma.local @!p0 [hbm:s0], s1  }
0x20e: {  	s0 =	simm.s32 @!p0 $0x3  }
0x20f: {  	_ =	swait.ge @!p0 [sflag:s0], s1  }
0x210: {  	s1 =	ssub.s32 @!p0 $0x0, s1;
	[sflag:s0] =	ssyncset.done @!p0 $0x0  }
0x211: {  	[sflag:s0] =	ssyncadd.s32 @!p0 s1  }
0x212: {  	[bflag:$0x3] =	sbarrier.arrive $0xFFFF  }
0x213: {  	_ =	shalt  }

// kernel: kernel.5.cloned.1.call-start
scs
__scs_entry_jumppad:
0x0: {  	(pc) =	sbr.rel $0x88, $3  }
0x1: {  	(tag) =	ssettag $0x0;
	lr =	simm.s32 $0x1  }
0x2: {  	[smem:$0x3F97] =	sst lr;
	_ =	strace $0xD0000000  }
0x3: {  	_ = 	snop  }
0x4: {  	_ = 	snop  }
0x5: {  	_ = 	snop  }
0x6: {  	_ = 	snop  }
0x7: {  	_ = 	snop  }
__scs_overlays_trampoline_lowered:
0x8: {  	[smem:$0x3FA6] =	sst s0  }
0x9: {  	[smem:$0x3FA7] =	sst s1  }
0xa: {  	[smem:$0x3FA8] =	sst s2  }
0xb: {  	[smem:$0x3FA9] =	sst s3  }
0xc: {  	[smem:$0x3FAA] =	sst s4  }
0xd: {  	[smem:$0x3FAB] =	sst s5  }
0xe: {  	[smem:$0x3FAC] =	sst s6  }
0xf: {  	[smem:$0x3FAD] =	sst s7  }
0x10: {  	[smem:$0x3FAE] =	sst s8  }
0x11: {  	[smem:$0x3FAF] =	sst s9;
	s0 =	simm.s32 @!p0 $0x0  }
0x12: {  	s1 =	sld [smem:$0x3F95];
	s0 =	simm.s32 @p0 $0x1  }
0x13: {  	[smem:$0x3FB0] =	sst s0;
	s0 =	simm.s32 @!p1 $0x0  }
0x14: {  	s2 =	sld [smem:$0x3F94];
	s0 =	simm.s32 @p1 $0x1  }
0x15: {  	[smem:$0x3FB1] =	sst s0;
	s0 =	simm.s32 @!p2 $0x0  }
0x16: {  	s3 =	sld [smem:$0x3FDB];
	s0 =	simm.s32 @p2 $0x1  }
0x17: {  	s4 =	simm.s32 $0x1BF5;
	[smem:$0x3FB3] =	sst s0  }
0x18: {  	s0 =	sld [smem:$0x3F96];
	_ =	swait.ge [sflag:s4], $0x0  }
0x19: {  	s7 =	sld [smem:$0x3F97]  }
0x1a: {  	s8 =	sadd.s32 $0xFFFFE003, lr  }
0x1b: {  	s9 =	sadd.s32 $0xFFFFFEF7, lr;
	s5 =	simm.s32 $0xFFFFFFFF;
	p2 =	slt.u32 s8, $0xFFFFF086  }
0x1c: {  	p1 =	slt.u32 s9, $0xF7A;
	s5 =	simm.s32 @!p2 $0x0  }
0x1d: {  	s5 =	simm.s32 @p1 $0x1;
	p0 =	seq.s32 s7, s2  }
0x1e: {  	s7 =	smul.u32 @!p0 $0xF7A, s2;
	p2 =	seq.s32 @!p0 s5, $0x0  }
0x1f: {  	s9 =	smul.u32 $0xF7A, s1;
	s8 =	simm.s32 @!p0 $0x1BF5;
	p2 =	por !p2, p0  }
0x20: {  	[sflag:s8] =	ssyncset.s32 @!p0 $0xFFFFF086;
	s6 =	sadd.s32 @!p0 s3, s7;
	s7 =	simm.s32 @!p0 $0x108  }
0x21: {  	s3 =	sadd.s32 s3, s9;
	s6 =	sadd.s32 @!p0 $0x88, s6;
	s7 =	simm.s32 @p2 $0x1082  }
0x22: {  	[simem:s7], [sflag:s8] =	dma.local @!p0 [hbm:s6], $0xF7A  }
0x23: {  	s9 =	sor.u32 $0xD0000000, s2;
	s6 =	simm.s32 $0x108;
	_ =	swait.ge @!p0 [sflag:s8], $0x0  }
0x24: {  	s3 =	sadd.s32 $0x88, s3;
	s6 =	simm.s32 @!p1 $0x1082;
	[sflag:s4] =	ssyncset.s32 $0xFFFFF086  }
0x25: {  	[simem:s6], [sflag:s4] =	dma.local [hbm:s3], $0xF7A  }
0x26: {  	[smem:$0x3F97] =	sst s1;
	(tag) =	ssettag s2;
	_ =	strace s9  }
0x27: {  	s1 =	sld [smem:$0x3FA7]  }
0x28: {  	s2 =	sld [smem:$0x3FA8]  }
0x29: {  	s4 =	sld [smem:$0x3FAA]  }
0x2a: {  	p0 =	seq.s32 s5, $0x0;
	s5 =	sld [smem:$0x3FAB]  }
0x2b: {  	s6 =	sld [smem:$0x3FAC]  }
0x2c: {  	s7 =	sld [smem:$0x3FAD]  }
0x2d: {  	s3 =	simm.s32 $0x108;
	s8 =	sld [smem:$0x3FAE]  }
0x2e: {  	s3 =	simm.s32 @!p0 $0x1082;
	s9 =	sld [smem:$0x3FAF]  }
0x2f: {  	lr =	sadd.s32 s0, s3;
	s0 =	sld [smem:$0x3FA6]  }
0x30: {  	s3 =	sld [smem:$0x3FA9]  }
0x31: {  	[smem:$0x3FB2] =	sst s10  }
0x32: {  	s10 =	sld [smem:$0x3FB0];
	_ =	sdelay $0x3  }
0x33: {  	p0 =	seq.s32 s10, $0x1;
	s10 =	sld [smem:$0x3FB2];
	_ =	sdelay $0x3  }
0x34: {  	[smem:$0x3FB2] =	sst s10  }
0x35: {  	s10 =	sld [smem:$0x3FB1];
	_ =	sdelay $0x3  }
0x36: {  	p1 =	seq.s32 s10, $0x1;
	s10 =	sld [smem:$0x3FB2];
	_ =	sdelay $0x3  }
0x37: {  	[smem:$0x3FB2] =	sst s10  }
0x38: {  	s10 =	sld [smem:$0x3FB3]  }
0x39: {  	_ = 	snop;
	(pc) =	sbr.ind lr, $3  }
0x3a: {  	_ = 	snop  }
0x3b: {  	_ = 	snop  }
0x3c: {  	p2 =	seq.s32 s10, $0x1;
	s10 =	sld [smem:$0x3FB2]  }
0x3d: {  	_ =	shalt  }
0x3e: {  	_ =	shalt  }
0x3f: {  	_ =	shalt  }
0x40: {  	_ =	shalt  }
0x41: {  	_ =	shalt  }
0x42: {  	_ =	shalt  }
0x43: {  	_ =	shalt  }
0x44: {  	_ =	shalt  }
0x45: {  	_ =	shalt  }
0x46: {  	_ =	shalt  }
0x47: {  	_ =	shalt  }
0x48: {  	_ =	shalt  }
0x49: {  	_ =	shalt  }
0x4a: {  	_ =	shalt  }
0x4b: {  	_ =	shalt  }
0x4c: {  	_ =	shalt  }
0x4d: {  	_ =	shalt  }
0x4e: {  	_ =	shalt  }
0x4f: {  	_ =	shalt  }
0x50: {  	_ =	shalt  }
0x51: {  	_ =	shalt  }
0x52: {  	_ =	shalt  }
0x53: {  	_ =	shalt  }
0x54: {  	_ =	shalt  }
0x55: {  	_ =	shalt  }
0x56: {  	_ =	shalt  }
0x57: {  	_ =	shalt  }
0x58: {  	_ =	shalt  }
0x59: {  	_ =	shalt  }
0x5a: {  	_ =	shalt  }
0x5b: {  	_ =	shalt  }
0x5c: {  	_ =	shalt  }
0x5d: {  	_ =	shalt  }
0x5e: {  	_ =	shalt  }
0x5f: {  	_ =	shalt  }
0x60: {  	_ =	shalt  }
0x61: {  	_ =	shalt  }
0x62: {  	_ =	shalt  }
0x63: {  	_ =	shalt  }
0x64: {  	_ =	shalt  }
0x65: {  	_ =	shalt  }
0x66: {  	_ =	shalt  }
0x67: {  	_ =	shalt  }
0x68: {  	_ =	shalt  }
0x69: {  	_ =	shalt  }
0x6a: {  	_ =	shalt  }
0x6b: {  	_ =	shalt  }
0x6c: {  	_ =	shalt  }
0x6d: {  	_ =	shalt  }
0x6e: {  	_ =	shalt  }
0x6f: {  	_ =	shalt  }
0x70: {  	_ =	shalt  }
0x71: {  	_ =	shalt  }
0x72: {  	_ =	shalt  }
0x73: {  	_ =	shalt  }
0x74: {  	_ =	shalt  }
0x75: {  	_ =	shalt  }
0x76: {  	_ =	shalt  }
0x77: {  	_ =	shalt  }
0x78: {  	_ =	shalt  }
0x79: {  	_ =	shalt  }
0x7a: {  	_ =	shalt  }
0x7b: {  	_ =	shalt  }
0x7c: {  	_ =	shalt  }
0x7d: {  	_ =	shalt  }
0x7e: {  	_ =	shalt  }
0x7f: {  	_ =	shalt  }
0x80: {  	_ =	shalt  }
0x81: {  	_ =	shalt  }
0x82: {  	_ =	shalt  }
0x83: {  	_ =	shalt  }
0x84: {  	_ =	shalt  }
0x85: {  	_ =	shalt  }
0x86: {  	_ =	shalt  }
0x87: {  	_ =	shalt  }
.Lfunc_end0:
.L_simem_size_0:
called_computation.1_lowered:
.L_overlay_start_0:
0x88: {  	s2 =	sld [smem:$0x3FD9]  }
0x89: {  	s3 =	sld [smem:$0x3FFE];
	_ =	sdelay $0x1  }
0x8a: {  	s1 =	srdreg.scid  }
0x8b: {  	s0 =	sand.u32 $0x1, s1  }
0x8c: {  	s16 =	sshll.u32 s0, $0xA;
	s2 =	sadd.s32 s3, s2  }
0x8d: {  	s2 =	sadd.s32 s2, s16  }
0x8e: {  	[smem:$0x3FBE] =	sst s2  }
0x8f: {  	_ = 	snop  }
0x90: {  	(tm) =	ssettm $0x1  }
0x91: {  	s17 =	sld [smem:$0x3FFB];
	_ =	sdelay $0x3  }
0x92: {  	_ =	strace s17  }
0x93: {  	s2 =	sld [smem:$0x3FFC];
	_ =	sdelay $0x3  }
0x94: {  	_ =	strace s2  }
0x95: {  	s2 =	sld [smem:$0x3FFD];
	_ =	sdelay $0x3  }
0x96: {  	_ =	strace s2  }
0x97: {  	_ =	strace $0x8FFFFFFF  }
0x98: {  	s18 =	sld [smem:$0x3FDB];
	_ =	sdelay $0x1  }
0x99: {  	s19 =	simm.s32 $_scs_section_size  }
0x9a: {  	s4 =	simm.s32 $_size__tile_overlayer_lowered;
	s5 =	simm.s32 $_tile_overlayer_lowered  }
0x9b: {  	s22 =	simm.s32 $0x1BFF;
	s21 =	sshll.u32 s5, $0x1;
	s2 =	sadd.s32 s19, s18  }
0x9c: {  	s6 =	simm.s32 $0x0;
	s20 =	sshll.u32 s4, $0x1;
	s4 =	sadd.s32 s21, s2  }
0x9d: {  	[timem:s6], [sflag:s22] =	dma.local [hbm:s4], s20  }
0x9e: {  	_ =	swait.ge [sflag:s22], s20  }
0x9f: {  	s3 =	ssub.s32 $0x0, s20;
	[sflag:s22] =	ssyncset.done $0x0  }
0xa0: {  	[sflag:s22] =	ssyncadd.s32 s3;
	_ =	sdelay $0x1  }
0xa1: {  	s23 =	simm.s32 $0x1B8B  }
0xa2: {  	_ =	swait.ge [sflag:s23], $0x1  }
0xa3: {  	[sflag:s23] =	ssyncset.done $0x0  }
0xa4: {  	s25 =	simm.s32 $0x1B8E;
	s24 =	sld [smem:$0x3FFE];
	[sflag:s23] =	ssyncadd.s32 $0xFFFFFFFF  }
0xa5: {  	s26 =	simm.s32 $execute0_lowered;
	[smem:$0x3FD2] =	sst s25  }
0xa6: {  	s4 =	sshll.u32 s26, $0x1;
	_ =	strace $0x80000046;
	[dreg:$0x1] =	wrdreg $0xFFFFFFFF  }
0xa7: {  	s28 =	simm.s32 $_size_execute0_lowered;
	s2 =	sadd.s32 s2, s4;
	[dreg:$0x0] =	wrdreg $0x0  }
0xa8: {  	s4 =	sshll.u32 s28, $0x1;
	[dreg:$0x2] =	wrdreg s2  }
0xa9: {  	[dreg:$0x3] =	wrdreg s4  }
0xaa: {  	[dreg:$0x4] =	wrdreg $0xC0  }
0xab: {  	_ =	task [dreg:s6], $0x5FFFF  }
0xac: {  	[dreg:$0x1] =	wrdreg $0xFFFFFFFF  }
0xad: {  	[dreg:$0x0] =	wrdreg $0x60  }
0xae: {  	[dreg:$0x2] =	wrdreg s24  }
0xaf: {  	[dreg:$0x3] =	wrdreg $0x9  }
0xb0: {  	_ =	task.clear_ibuf [dreg:s6], $0x4FFFF;
	_ =	strace $0x90000046  }
0xb1: {  	s29 =	simm.s32 $0x9;
	_ =	strace $0x80000048  }
0xb2: {  	_ =	swait.ge [sflag:s29], $0x1  }
0xb3: {  	[sflag:s29] =	ssyncadd.s32 $0xFFFFFFFF  }
0xb4: {  	_ =	strace $0x90000048  }
0xb5: {  	_ =	sfence  }
0xb6: {  	s30 =	sld [smem:$0x0];
	_ =	sdelay $0x2  }
0xb7: {  	s31 =	sshll.u32 s1, $0xD;
	s1 =	sshrl.u32 s1, $0x2  }
0xb8: {  	s3 =	sand.u32 $0x4000, s31;
	s1 =	sadd.s32 s1, s30  }
0xb9: {  	s0 =	sor.u32 s3, s0;
	s1 =	sshll.u32 s1, $0x11  }
0xba: {  	s0 =	sor.u32 s1, s0  }
0xbb: {  	s0 =	sadd.s32 $0x8F2B, s0  }
0xbc: {  	[sflag:s0] =	ssyncadd.remote.s32 $0x1  }
0xbd: {  	_ =	sfence.sel $0xFFFF  }
0xbe: {  	[dreg:$0x0] =	wrdreg $0xFFFFFFFF;
	(pc) =	sbr.abs _section_cstart, $3  }
0xbf: {  	[dreg:$0x1] =	wrdreg $0xFFFFFFFF  }
0xc0: {  	_ =	task.clear_ibuf [dreg:s6], $0x2FFFF;
	_ =	strace $0x9FFFFFFF  }
0xc1: {  	(tm) =	ssettm $0x7FFFFFFF  }
tec
execute0_lowered:
.L_overlay_start_1:
0x0: {  	(tag) =	ssettag $0x1  }
0x1: {  	s0 =	srdreg.scid;
	s13 =	stileid.u32  }
0x2: {  	s1 =	rddreg [dreg:$0x0];
	s4 =	simm.s32 $0x0;
	s19 =	simm.s32 $0x11E80  }
0x3: {  	s20 =	simm.s32 $0x80;
	s21 =	simm.s32 $0x5000;
	s22 =	simm.s32 $0x5400  }
0x4: {  	s28 =	simm.s32 $0x6800;
	s29 =	simm.s32 $0x6C00;
	s2 =	smul.u32 $0x280, s13  }
0x5: {  	s30 =	simm.s32 $0x7000;
	s0 =	sand.u32 $0x1, s0;
	s25 =	smul.u32 $0x500, s13  }
0x6: {  	s31 =	simm.s32 $0x7400;
	[smem:$0x7FF] =	sst s4;
	s3 =	smul.u32 $0x2800, s0  }
0x7: {  	s6 =	sadd.s32 $0x3600, s1;
	s10 =	sadd.s32 $0xD600, s1;
	s7 =	smul.u32 $0x5000, s0  }
0x8: {  	s23 =	sshll.u32 s0, $0x4;
	_ =	strace $0x80000047;
	s14 =	smul.u32 $0x28000, s0  }
0x9: {  	s24 =	ssub.s32 $0x2, s0;
	s0 =	smul.u32 $0x1388, s0;
	s4 =	sor.u32 s13, s23  }
0xa: {  	s12 =	sshrl.u32 s24, $0x1;
	s13 =	smul.u32 $0x2800, s13;
	s23 =	simm.s32 $0x5800  }
0xb: {  	s3 =	sadd.s32 s2, s3;
	s5 =	smul.u32 $0x540, s4;
	s9 =	sshll.u32 s4, $0x4  }
0xc: {  	s12 =	ssub.s32 s24, s12;
	s26 =	smul.u32 $0x500, s4;
	s2 =	sor.u32 s2, s14  }
0xd: {  	s14 =	simm.s32 $0x2800;
	s24 =	simm.s32 $0x5C00;
	v0 =	vmov s0;
	s0 =	simm.s32 $0x0  }
0xe: {  	s3 =	sshrl.u32 s3, $0x3;
	s13 =	sshrl.u32 s13, $0x3;
	s2 =	sshrl.u32 s2, $0x3  }
0xf: {  	s12 =	smax.u32 s12, $0x1;
	s11 =	sadd.s32 s3, s1;
	s8 =	sadd.s32 s5, s1  }
0x10: {  	s1 =	sadd.s32 s9, s1;
	s3 =	sadd.s32 s6, s25;
	s5 =	sadd.s32 s10, s26  }
0x11: {  	s6 =	sadd.s32 s6, s13;
	s10 =	sadd.s32 s10, s2;
	s13 =	simm.s32 $0x1  }
0x12: {  	s25 =	simm.s32 $0x6000;
	s26 =	simm.s32 $0x6400;
	s4 =	sadd.s32 s7, s3  }
0x13: {  	v1 =	vimm.f32 $0.0e+00;
	s6 =	sadd.s32 $0x5000, s6;
	s7 =	sadd.s32 $0x18000, s8;
	s8 =	sadd.s32 $0x22800, s8  }
0x14: {  	v2 =	vimm.f32 $1.000000000e+00;
	v3 =	vimm.s32 $0x0;
	v4 =	vimm.s32 $0x1388;
	s9 =	sadd.s32 $0x2D000, s1;
	s11 =	sadd.s32 $0x17600, s11;
	s1 =	simm.s32 $0x7800  }
.LBB2_1:
0x15: {  	s2 =	simm.s32 $0x40;
	s15 =	simm.s32 $0x0  }
.LBB2_2:
0x16: {  	p0 =	sne.s32 s2, $0x9FC0;
	[tilespmem:s15+$0x2800] =	vst v1;
	s15 =	smov.u32 s2;
	s2 =	sadd.s32 $0x40, s2  }
.Ltmp0:
0x17: {  	(pc) =	sbr.rel @p0 .LBB2_2-.Ltmp0, $2  }
0x18: {  	_ =	sdelay $0x2  }
0x19: {  	s15 =	sshra.s32 s15, $0x2  }
0x1a: {  	[tilespmem:s15+$0x2800] =	vst v1;
	s2 =	simm.s32 $0x0  }
0x1b: {  	[tilespmem:s2], [sflag:$0x1] =	stream.linear.gather [hbm4b:s4+s2], $0x2800, $0x38;
	[tilespmem:$0x11F00] =	vst v63  }
0x1c: {  	_ =	swait.ge [sflag:s13], $0x2800  }
0x1d: {  	[sflag:s13] =	ssyncset.done $0x0  }
0x1e: {  	[sflag:s13] =	ssyncadd.s32 $0xFFFFD800  }
.LBB2_4:
0x1f: {  	s15 =	sshra.s32 s2, $0x2  }
0x20: {  	v5 =	vld [tilespmem:s15+$0x0];
	_ =	sdelay $0x7  }
0x21: {  	[tilespmem:v5+s14+$0x0] =	vst.idx.add.f32.msk $0xffff, v2  }
0x22: {  	v5 =	vld [tilespmem:s15+$0x10];
	_ =	sdelay $0x7  }
0x23: {  	[tilespmem:v5+s14+$0x0] =	vst.idx.add.f32.msk $0xffff, v2  }
0x24: {  	v5 =	vld [tilespmem:s15+$0x20];
	_ =	sdelay $0x7  }
0x25: {  	[tilespmem:v5+s14+$0x0] =	vst.idx.add.f32.msk $0xffff, v2  }
0x26: {  	v5 =	vld [tilespmem:s15+$0x30];
	_ =	sdelay $0x7  }
0x27: {  	[tilespmem:v5+s14+$0x0] =	vst.idx.add.f32.msk $0xffff, v2  }
0x28: {  	v5 =	vld [tilespmem:s15+$0x40];
	_ =	sdelay $0x7  }
0x29: {  	[tilespmem:v5+s14+$0x0] =	vst.idx.add.f32.msk $0xffff, v2  }
0x2a: {  	v5 =	vld [tilespmem:s15+$0x50];
	_ =	sdelay $0x7  }
0x2b: {  	[tilespmem:v5+s14+$0x0] =	vst.idx.add.f32.msk $0xffff, v2  }
0x2c: {  	v5 =	vld [tilespmem:s15+$0x60];
	_ =	sdelay $0x7  }
0x2d: {  	[tilespmem:v5+s14+$0x0] =	vst.idx.add.f32.msk $0xffff, v2  }
0x2e: {  	v5 =	vld [tilespmem:s15+$0x70];
	_ =	sdelay $0x2  }
0x2f: {  	p0 =	sne.s32 s2, $0x9E00  }
.Ltmp1:
0x30: {  	_ = 	snop;
	(pc) =	sbr.rel @p0 .LBB2_4-.Ltmp1, $2  }
0x31: {  	_ =	sdelay $0x2  }
0x32: {  	s2 =	sadd.s32 $0x200, s2;
	[tilespmem:v5+s14+$0x0] =	vst.idx.add.f32.msk $0xffff, v2  }
0x33: {  	s15 =	simm.s32 $0x0  }
0x34: {  	[hbm4b:s5+s15] =	stream.linear.scatter [tilespmem:s14], [sflag:$0x1], $0x2800, $0x38;
	[tilespmem:$0x11F00] =	vst v63  }
0x35: {  	_ =	swait.ge [sflag:s13], $0x2800  }
0x36: {  	[sflag:s13] =	ssyncset.done $0x0  }
0x37: {  	s2 =	simm.s32 $0x7A80;
	[sflag:s13] =	ssyncadd.s32 $0xFFFFD800  }
0x38: {  	[tilespmem:s2], [sflag:$0x1] =	stream.linear.gather [hbm4b:s3+s15], $0x2800, $0x38;
	[tilespmem:$0x11F00] =	vst v63  }
0x39: {  	_ =	swait.ge [sflag:s13], $0x2800  }
0x3a: {  	[sflag:s13] =	ssyncset.done $0x0  }
0x3b: {  	s18 =	simm.s32 $0xA280;
	[sflag:s13] =	ssyncadd.s32 $0xFFFFD800  }
0x3c: {  	[tilespmem:s18], [sflag:$0x1] =	stream.linear.gather [hbm4b:s6+s15], $0x2800, $0x38;
	[tilespmem:$0x11F00] =	vst v63  }
0x3d: {  	_ =	swait.ge [sflag:s13], $0x2800  }
0x3e: {  	[sflag:s13] =	ssyncset.done $0x0  }
0x3f: {  	s16 =	simm.s32 $0x0;
	s2 =	simm.s32 $0x40;
	[sflag:s13] =	ssyncadd.s32 $0xFFFFD800  }
.LBB2_6:
0x40: {  	p0 =	sne.s32 s2, $0xA7C0;
	[tilespmem:s16+$0xCA80] =	vst v3;
	s17 =	smov.u32 s2;
	s2 =	sadd.s32 $0x40, s2  }
.Ltmp2:
0x41: {  	[tilespmem:s16+$0xF480] =	vst v4;
	(pc) =	sbr.rel @p0 .LBB2_6-.Ltmp2, $2  }
0x42: {  	_ =	sdelay $0x2  }
0x43: {  	s16 =	sshra.s32 s17, $0x2  }
0x44: {  	[tilespmem:s16+$0xCA80] =	vst v3  }
0x45: {  	[tilespmem:s16+$0xF480] =	vst v4;
	s2 =	simm.s32 $0x0  }
0x46: {  	v5 =	vld [tilespmem:s2+$0xA280];
	_ =	sdelay $0x1  }
0x47: {  	v6 =	vld [tilespmem:s2+$0x7A80];
	_ =	sdelay $0x2  }
0x48: {  	v5 =	vsub.s32 v5, v0  }
0x49: {  	vm0 =	vlt.u32 v5, $0x1388  }
0x4a: {  	[tilespmem:s15+$0xCA80] =	vst.msk vm0, v6;
	v6 =	vmpcnt.ones.xlane vm0  }
0x4b: {  	[tilespmem:s15+$0xF480] =	vst.msk vm0, v5  }
0x4c: {  	v5 =	vld [tilespmem:s2+$0xA290];
	(v2sf) =	vpush v6, $0x0;
	_ =	sdelay $0x4  }
0x4d: {  	v5 =	vsub.s32 v5, v0  }
0x4e: {  	vm9 =	vlt.u32 v5, $0x1388  }
0x4f: {  	v6 =	vmpcnt.ones.xlane vm9;
	_ =	sdelay $0x1  }
0x50: {  	(v2sf) =	vpush v6, $0x0;
	_ =	sdelay $0x2  }
0x51: {  	v6 =	vld [tilespmem:s2+$0x7A90];
	_ =	sdelay $0x2  }
0x52: {  	s16 =	spop (v2sf)  }
0x53: {  	s15 =	sadd.s32 $0x0, s16  }
0x54: {  	[tilespmem:s15+$0xCA80] =	vst.msk vm9, v6  }
0x55: {  	[tilespmem:s15+$0xF480] =	vst.msk vm9, v5  }
0x56: {  	v5 =	vld [tilespmem:s2+$0xA2A0];
	_ =	sdelay $0x1  }
0x57: {  	v6 =	vld [tilespmem:s2+$0x7AA0];
	_ =	sdelay $0x2  }
0x58: {  	v5 =	vsub.s32 v5, v0;
	s17 =	spop (v2sf)  }
0x59: {  	s15 =	sadd.s32 s15, s17;
	vm10 =	vlt.u32 v5, $0x1388  }
0x5a: {  	[tilespmem:s15+$0xCA80] =	vst.msk vm10, v6;
	v6 =	vmpcnt.ones.xlane vm10  }
0x5b: {  	[tilespmem:s15+$0xF480] =	vst.msk vm10, v5  }
0x5c: {  	v5 =	vld [tilespmem:s2+$0xA2B0];
	(v2sf) =	vpush v6, $0x0;
	_ =	sdelay $0x4  }
0x5d: {  	v5 =	vsub.s32 v5, v0  }
0x5e: {  	vm11 =	vlt.u32 v5, $0x1388  }
0x5f: {  	v6 =	vmpcnt.ones.xlane vm11;
	_ =	sdelay $0x1  }
0x60: {  	(v2sf) =	vpush v6, $0x0;
	_ =	sdelay $0x2  }
0x61: {  	v6 =	vld [tilespmem:s2+$0x7AB0];
	_ =	sdelay $0x2  }
0x62: {  	s18 =	spop (v2sf)  }
0x63: {  	s15 =	sadd.s32 s15, s18  }
0x64: {  	[tilespmem:s15+$0xCA80] =	vst.msk vm11, v6  }
0x65: {  	[tilespmem:s15+$0xF480] =	vst.msk vm11, v5  }
0x66: {  	v5 =	vld [tilespmem:s2+$0xA2C0];
	_ =	sdelay $0x1  }
0x67: {  	v6 =	vld [tilespmem:s2+$0x7AC0];
	_ =	sdelay $0x2  }
0x68: {  	v5 =	vsub.s32 v5, v0;
	s17 =	spop (v2sf)  }
0x69: {  	s15 =	sadd.s32 s15, s17;
	vm12 =	vlt.u32 v5, $0x1388  }
0x6a: {  	[tilespmem:s15+$0xCA80] =	vst.msk vm12, v6;
	v6 =	vmpcnt.ones.xlane vm12  }
0x6b: {  	[tilespmem:s15+$0xF480] =	vst.msk vm12, v5  }
0x6c: {  	v5 =	vld [tilespmem:s2+$0xA2D0];
	(v2sf) =	vpush v6, $0x0;
	_ =	sdelay $0x4  }
0x6d: {  	v5 =	vsub.s32 v5, v0  }
0x6e: {  	vm13 =	vlt.u32 v5, $0x1388  }
0x6f: {  	v6 =	vmpcnt.ones.xlane vm13;
	_ =	sdelay $0x1  }
0x70: {  	(v2sf) =	vpush v6, $0x0;
	_ =	sdelay $0x2  }
0x71: {  	v6 =	vld [tilespmem:s2+$0x7AD0];
	_ =	sdelay $0x2  }
0x72: {  	s18 =	spop (v2sf)  }
0x73: {  	s15 =	sadd.s32 s15, s18  }
0x74: {  	[tilespmem:s15+$0xCA80] =	vst.msk vm13, v6  }
0x75: {  	[tilespmem:s15+$0xF480] =	vst.msk vm13, v5  }
0x76: {  	v5 =	vld [tilespmem:s2+$0xA2E0];
	_ =	sdelay $0x1  }
0x77: {  	v6 =	vld [tilespmem:s2+$0x7AE0];
	_ =	sdelay $0x2  }
0x78: {  	v5 =	vsub.s32 v5, v0;
	s17 =	spop (v2sf)  }
0x79: {  	s15 =	sadd.s32 s15, s17;
	vm14 =	vlt.u32 v5, $0x1388  }
0x7a: {  	[tilespmem:s15+$0xCA80] =	vst.msk vm14, v6;
	v6 =	vmpcnt.ones.xlane vm14  }
0x7b: {  	[tilespmem:s15+$0xF480] =	vst.msk vm14, v5  }
0x7c: {  	v5 =	vld [tilespmem:s2+$0xA2F0];
	(v2sf) =	vpush v6, $0x0;
	_ =	sdelay $0x4  }
0x7d: {  	v5 =	vsub.s32 v5, v0  }
0x7e: {  	vm15 =	vlt.u32 v5, $0x1388  }
0x7f: {  	v6 =	vmpcnt.ones.xlane vm15;
	_ =	sdelay $0x1  }
0x80: {  	(v2sf) =	vpush v6, $0x0;
	_ =	sdelay $0x2  }
0x81: {  	v6 =	vld [tilespmem:s2+$0x7AF0];
	_ =	sdelay $0x2  }
0x82: {  	s18 =	spop (v2sf)  }
0x83: {  	s17 =	sadd.s32 s15, s18  }
0x84: {  	[tilespmem:s17+$0xCA80] =	vst.msk vm15, v6  }
0x85: {  	s2 =	simm.s32 $0x80;
	[tilespmem:s17+$0xF480] =	vst.msk vm15, v5  }
0x86: {  	v5 =	vld [tilespmem:s2+$0xA280];
	_ =	sdelay $0x2  }
0x87: {  	v6 =	vld [tilespmem:s2+$0x7A80];
	_ =	sdelay $0x1  }
0x88: {  	s15 =	simm.s32 $0x400;
	v5 =	vsub.s32 v5, v0;
	s16 =	spop (v2sf)  }
.LBB2_8:
0x89: {  	p0 =	sne.s32 s15, $0x9E00  }
0x8a: {  	vm0 =	vlt.u32 v5, $0x1388;
	s17 =	sadd.s32 s17, s16;
	s16 =	smov.u32 s15;
	s15 =	sadd.s32 $0x200, s15  }
0x8b: {  	[tilespmem:s17+$0xCA80] =	vst.msk vm0, v6;
	v6 =	vmpcnt.ones.xlane vm0  }
0x8c: {  	[tilespmem:s17+$0xF480] =	vst.msk vm0, v5  }
0x8d: {  	v5 =	vld [tilespmem:s2+$0xA290];
	(v2sf) =	vpush v6, $0x0;
	_ =	sdelay $0x4  }
0x8e: {  	v5 =	vsub.s32 v5, v0  }
0x8f: {  	vm0 =	vlt.u32 v5, $0x1388  }
0x90: {  	v6 =	vmpcnt.ones.xlane vm0;
	_ =	sdelay $0x1  }
0x91: {  	(v2sf) =	vpush v6, $0x0;
	_ =	sdelay $0x2  }
0x92: {  	v6 =	vld [tilespmem:s2+$0x7A90];
	_ =	sdelay $0x2  }
0x93: {  	s18 =	spop (v2sf)  }
0x94: {  	s17 =	sadd.s32 s17, s18  }
0x95: {  	[tilespmem:s17+$0xCA80] =	vst.msk vm0, v6  }
0x96: {  	[tilespmem:s17+$0xF480] =	vst.msk vm0, v5  }
0x97: {  	v5 =	vld [tilespmem:s2+$0xA2A0];
	_ =	sdelay $0x1  }
0x98: {  	v6 =	vld [tilespmem:s2+$0x7AA0];
	_ =	sdelay $0x2  }
0x99: {  	v5 =	vsub.s32 v5, v0;
	s18 =	spop (v2sf)  }
0x9a: {  	s17 =	sadd.s32 s17, s18;
	vm0 =	vlt.u32 v5, $0x1388  }
0x9b: {  	[tilespmem:s17+$0xCA80] =	vst.msk vm0, v6;
	v6 =	vmpcnt.ones.xlane vm0  }
0x9c: {  	[tilespmem:s17+$0xF480] =	vst.msk vm0, v5  }
0x9d: {  	v5 =	vld [tilespmem:s2+$0xA2B0];
	(v2sf) =	vpush v6, $0x0;
	_ =	sdelay $0x4  }
0x9e: {  	v5 =	vsub.s32 v5, v0  }
0x9f: {  	vm0 =	vlt.u32 v5, $0x1388  }
0xa0: {  	v6 =	vmpcnt.ones.xlane vm0;
	_ =	sdelay $0x1  }
0xa1: {  	(v2sf) =	vpush v6, $0x0;
	_ =	sdelay $0x2  }
0xa2: {  	v6 =	vld [tilespmem:s2+$0x7AB0];
	_ =	sdelay $0x2  }
0xa3: {  	s18 =	spop (v2sf)  }
0xa4: {  	s17 =	sadd.s32 s17, s18  }
0xa5: {  	[tilespmem:s17+$0xCA80] =	vst.msk vm0, v6  }
0xa6: {  	[tilespmem:s17+$0xF480] =	vst.msk vm0, v5  }
0xa7: {  	v5 =	vld [tilespmem:s2+$0xA2C0];
	_ =	sdelay $0x1  }
0xa8: {  	v6 =	vld [tilespmem:s2+$0x7AC0];
	_ =	sdelay $0x2  }
0xa9: {  	v5 =	vsub.s32 v5, v0;
	s18 =	spop (v2sf)  }
0xaa: {  	s17 =	sadd.s32 s17, s18;
	vm0 =	vlt.u32 v5, $0x1388  }
0xab: {  	[tilespmem:s17+$0xCA80] =	vst.msk vm0, v6;
	v6 =	vmpcnt.ones.xlane vm0  }
0xac: {  	[tilespmem:s17+$0xF480] =	vst.msk vm0, v5  }
0xad: {  	v5 =	vld [tilespmem:s2+$0xA2D0];
	(v2sf) =	vpush v6, $0x0  }
0xae: {  	v6 =	vld [tilespmem:s2+$0x7AD0];
	_ =	sdelay $0x3  }
0xaf: {  	v5 =	vsub.s32 v5, v0  }
0xb0: {  	vm0 =	vlt.u32 v5, $0x1388  }
0xb1: {  	v7 =	vmpcnt.ones.xlane vm0;
	_ =	sdelay $0x1  }
0xb2: {  	(v2sf) =	vpush v7, $0x0;
	_ =	sdelay $0x5  }
0xb3: {  	s18 =	spop (v2sf)  }
0xb4: {  	s17 =	sadd.s32 s17, s18  }
0xb5: {  	[tilespmem:s17+$0xCA80] =	vst.msk vm0, v6  }
0xb6: {  	[tilespmem:s17+$0xF480] =	vst.msk vm0, v5  }
0xb7: {  	v5 =	vld [tilespmem:s2+$0xA2E0]  }
0xb8: {  	v6 =	vld [tilespmem:s2+$0x7AE0];
	_ =	sdelay $0x3  }
0xb9: {  	v5 =	vsub.s32 v5, v0;
	s18 =	spop (v2sf)  }
0xba: {  	s17 =	sadd.s32 s17, s18;
	vm0 =	vlt.u32 v5, $0x1388  }
0xbb: {  	[tilespmem:s17+$0xCA80] =	vst.msk vm0, v6;
	v6 =	vmpcnt.ones.xlane vm0  }
0xbc: {  	[tilespmem:s17+$0xF480] =	vst.msk vm0, v5  }
0xbd: {  	v5 =	vld [tilespmem:s2+$0xA2F0];
	(v2sf) =	vpush v6, $0x0  }
0xbe: {  	v6 =	vld [tilespmem:s2+$0x7AF0];
	_ =	sdelay $0x3  }
0xbf: {  	v5 =	vsub.s32 v5, v0  }
0xc0: {  	vm0 =	vlt.u32 v5, $0x1388  }
0xc1: {  	v7 =	vmpcnt.ones.xlane vm0;
	_ =	sdelay $0x1  }
0xc2: {  	(v2sf) =	vpush v7, $0x0;
	_ =	sdelay $0x5  }
0xc3: {  	s2 =	spop (v2sf)  }
0xc4: {  	s17 =	sadd.s32 s17, s2  }
0xc5: {  	[tilespmem:s17+$0xCA80] =	vst.msk vm0, v6  }
0xc6: {  	s2 =	sshra.s32 s16, $0x2;
	[tilespmem:s17+$0xF480] =	vst.msk vm0, v5  }
0xc7: {  	v5 =	vld [tilespmem:s2+$0xA280]  }
.Ltmp3:
0xc8: {  	(pc) =	sbr.rel @p0 .LBB2_8-.Ltmp3, $2  }
0xc9: {  	v6 =	vld [tilespmem:s2+$0x7A80];
	_ =	sdelay $0x2  }
0xca: {  	v5 =	vsub.s32 v5, v0;
	s16 =	spop (v2sf)  }
0xcb: {  	vm0 =	vlt.u32 v5, $0x1388;
	s15 =	sadd.s32 s17, s16  }
0xcc: {  	[tilespmem:s15+$0xCA80] =	vst.msk vm0, v6;
	v6 =	vmpcnt.ones.xlane vm0  }
0xcd: {  	[tilespmem:s15+$0xF480] =	vst.msk vm0, v5  }
0xce: {  	v5 =	vld [tilespmem:s2+$0xA290];
	(v2sf) =	vpush v6, $0x0;
	_ =	sdelay $0x4  }
0xcf: {  	v5 =	vsub.s32 v5, v0  }
0xd0: {  	vm9 =	vlt.u32 v5, $0x1388  }
0xd1: {  	v6 =	vmpcnt.ones.xlane vm9;
	_ =	sdelay $0x1  }
0xd2: {  	(v2sf) =	vpush v6, $0x0;
	_ =	sdelay $0x2  }
0xd3: {  	v6 =	vld [tilespmem:s2+$0x7A90];
	_ =	sdelay $0x2  }
0xd4: {  	s17 =	spop (v2sf)  }
0xd5: {  	s15 =	sadd.s32 s15, s17  }
0xd6: {  	[tilespmem:s15+$0xCA80] =	vst.msk vm9, v6  }
0xd7: {  	[tilespmem:s15+$0xF480] =	vst.msk vm9, v5  }
0xd8: {  	v5 =	vld [tilespmem:s2+$0xA2A0];
	_ =	sdelay $0x1  }
0xd9: {  	v6 =	vld [tilespmem:s2+$0x7AA0];
	_ =	sdelay $0x2  }
0xda: {  	v5 =	vsub.s32 v5, v0;
	s18 =	spop (v2sf)  }
0xdb: {  	s15 =	sadd.s32 s15, s18;
	vm10 =	vlt.u32 v5, $0x1388  }
0xdc: {  	[tilespmem:s15+$0xCA80] =	vst.msk vm10, v6;
	v6 =	vmpcnt.ones.xlane vm10  }
0xdd: {  	[tilespmem:s15+$0xF480] =	vst.msk vm10, v5  }
0xde: {  	v5 =	vld [tilespmem:s2+$0xA2B0];
	(v2sf) =	vpush v6, $0x0;
	_ =	sdelay $0x4  }
0xdf: {  	v5 =	vsub.s32 v5, v0  }
0xe0: {  	vm11 =	vlt.u32 v5, $0x1388  }
0xe1: {  	v6 =	vmpcnt.ones.xlane vm11;
	_ =	sdelay $0x1  }
0xe2: {  	(v2sf) =	vpush v6, $0x0;
	_ =	sdelay $0x2  }
0xe3: {  	v6 =	vld [tilespmem:s2+$0x7AB0];
	_ =	sdelay $0x2  }
0xe4: {  	s17 =	spop (v2sf)  }
0xe5: {  	s15 =	sadd.s32 s15, s17  }
0xe6: {  	[tilespmem:s15+$0xCA80] =	vst.msk vm11, v6  }
0xe7: {  	[tilespmem:s15+$0xF480] =	vst.msk vm11, v5  }
0xe8: {  	v5 =	vld [tilespmem:s2+$0xA2C0];
	_ =	sdelay $0x1  }
0xe9: {  	v6 =	vld [tilespmem:s2+$0x7AC0];
	_ =	sdelay $0x2  }
0xea: {  	v5 =	vsub.s32 v5, v0;
	s18 =	spop (v2sf)  }
0xeb: {  	s15 =	sadd.s32 s15, s18;
	vm12 =	vlt.u32 v5, $0x1388  }
0xec: {  	[tilespmem:s15+$0xCA80] =	vst.msk vm12, v6;
	v6 =	vmpcnt.ones.xlane vm12  }
0xed: {  	[tilespmem:s15+$0xF480] =	vst.msk vm12, v5  }
0xee: {  	v5 =	vld [tilespmem:s2+$0xA2D0];
	(v2sf) =	vpush v6, $0x0;
	_ =	sdelay $0x4  }
0xef: {  	v5 =	vsub.s32 v5, v0  }
0xf0: {  	vm13 =	vlt.u32 v5, $0x1388  }
0xf1: {  	v6 =	vmpcnt.ones.xlane vm13;
	_ =	sdelay $0x1  }
0xf2: {  	(v2sf) =	vpush v6, $0x0;
	_ =	sdelay $0x2  }
0xf3: {  	v6 =	vld [tilespmem:s2+$0x7AD0];
	_ =	sdelay $0x2  }
0xf4: {  	s17 =	spop (v2sf)  }
0xf5: {  	s15 =	sadd.s32 s15, s17  }
0xf6: {  	[tilespmem:s15+$0xCA80] =	vst.msk vm13, v6  }
0xf7: {  	[tilespmem:s15+$0xF480] =	vst.msk vm13, v5  }
0xf8: {  	v5 =	vld [tilespmem:s2+$0xA2E0];
	_ =	sdelay $0x1  }
0xf9: {  	v6 =	vld [tilespmem:s2+$0x7AE0];
	_ =	sdelay $0x2  }
0xfa: {  	v5 =	vsub.s32 v5, v0;
	s18 =	spop (v2sf)  }
0xfb: {  	s15 =	sadd.s32 s15, s18;
	vm14 =	vlt.u32 v5, $0x1388  }
0xfc: {  	[tilespmem:s15+$0xCA80] =	vst.msk vm14, v6  }
0xfd: {  	[tilespmem:s15+$0xF480] =	vst.msk vm14, v5  }
0xfe: {  	v5 =	vld [tilespmem:s2+$0xA2F0];
	_ =	sdelay $0x4  }
0xff: {  	v5 =	vsub.s32 v5, v0  }
0x100: {  	v6 =	vmpcnt.ones.xlane vm14;
	vm15 =	vlt.u32 v5, $0x1388  }
0x101: {  	v7 =	vmpcnt.ones.xlane vm15  }
0x102: {  	(v2sf) =	vpush v6, $0x0  }
0x103: {  	(v2sf) =	vpush v7, $0x0;
	_ =	sdelay $0xa  }
0x104: {  	v6 =	vld [tilespmem:s2+$0x7AF0];
	_ =	sdelay $0x2  }
0x105: {  	s16 =	spop (v2sf)  }
0x106: {  	s2 =	sadd.s32 s15, s16;
	s17 =	spop (v2sf)  }
0x107: {  	[tilespmem:s2+$0xCA80] =	vst.msk vm15, v6;
	s15 =	sadd.s32 s2, s17  }
0x108: {  	[tilespmem:s2+$0xF480] =	vst.msk vm15, v5;
	v5 =	vmov s15  }
0x109: {  	s18 =	simm.s32 $0xCA80;
	s2 =	simm.s32 $0x0;
	[tilespmem:$0x11E80] =	vst v5  }
0x10a: {  	[hbm4b:s7+s2] =	stream.linear.scatter [tilespmem:s18], [sflag:$0x1], $0x2A00, $0x38;
	[tilespmem:$0x11F00] =	vst v63  }
0x10b: {  	_ =	swait.ge [sflag:s13], $0x2A00  }
0x10c: {  	[sflag:s13] =	ssyncset.done $0x0  }
0x10d: {  	s16 =	simm.s32 $0xF480;
	[sflag:s13] =	ssyncadd.s32 $0xFFFFD600  }
0x10e: {  	[hbm4b:s8+s2] =	stream.linear.scatter [tilespmem:s16], [sflag:$0x1], $0x2A00, $0x38;
	[tilespmem:$0x11F00] =	vst v63  }
0x10f: {  	_ =	swait.ge [sflag:s13], $0x2A00  }
0x110: {  	[sflag:s13] =	ssyncset.done $0x0  }
0x111: {  	[sflag:s13] =	ssyncadd.s32 $0xFFFFD600  }
0x112: {  	[hbm4b:s9+s2] =	stream.linear.scatter [tilespmem:s19], [sflag:$0x1], $0x80, $0x38;
	[tilespmem:$0x11F00] =	vst v63  }
0x113: {  	_ =	swait.ge [sflag:s13], $0x80  }
0x114: {  	[sflag:s13] =	ssyncset.done $0x0  }
0x115: {  	[sflag:s13] =	ssyncadd.s32 $0xFFFFFF80  }
0x116: {  	[bflag:$0x0] =	sbarrier.arrive $0xFFFF  }
0x117: {  	[tilespmem:s21], [sflag:$0x1] =	stream.strided.gather [hbm4b:s10+s20], $0x400, s14, s20, $0x38;
	[tilespmem:$0x11F00] =	vst v63  }
0x118: {  	s17 =	sadd.s32 $0x10, s10  }
0x119: {  	[tilespmem:s22], [sflag:$0x1] =	stream.strided.gather [hbm4b:s17+s20], $0x400, s14, s20, $0x38;
	[tilespmem:$0x11F00] =	vst v63  }
0x11a: {  	s18 =	sadd.s32 $0x20, s10  }
0x11b: {  	[tilespmem:s23], [sflag:$0x1] =	stream.strided.gather [hbm4b:s18+s20], $0x400, s14, s20, $0x38;
	[tilespmem:$0x11F00] =	vst v63  }
0x11c: {  	s16 =	sadd.s32 $0x30, s10  }
0x11d: {  	[tilespmem:s24], [sflag:$0x1] =	stream.strided.gather [hbm4b:s16+s20], $0x400, s14, s20, $0x38;
	[tilespmem:$0x11F00] =	vst v63  }
0x11e: {  	s17 =	sadd.s32 $0x40, s10  }
0x11f: {  	[tilespmem:s25], [sflag:$0x1] =	stream.strided.gather [hbm4b:s17+s20], $0x400, s14, s20, $0x38;
	[tilespmem:$0x11F00] =	vst v63  }
0x120: {  	s18 =	sadd.s32 $0x2800, s10  }
0x121: {  	[tilespmem:s26], [sflag:$0x1] =	stream.strided.gather [hbm4b:s18+s20], $0x400, s14, s20, $0x38;
	[tilespmem:$0x11F00] =	vst v63  }
0x122: {  	s16 =	sadd.s32 $0x2810, s10  }
0x123: {  	[tilespmem:s28], [sflag:$0x1] =	stream.strided.gather [hbm4b:s16+s20], $0x400, s14, s20, $0x38;
	[tilespmem:$0x11F00] =	vst v63  }
0x124: {  	s17 =	sadd.s32 $0x2820, s10  }
0x125: {  	[tilespmem:s29], [sflag:$0x1] =	stream.strided.gather [hbm4b:s17+s20], $0x400, s14, s20, $0x38;
	[tilespmem:$0x11F00] =	vst v63  }
0x126: {  	s18 =	sadd.s32 $0x2830, s10  }
0x127: {  	[tilespmem:s30], [sflag:$0x1] =	stream.strided.gather [hbm4b:s18+s20], $0x400, s14, s20, $0x38;
	[tilespmem:$0x11F00] =	vst v63  }
0x128: {  	s16 =	sadd.s32 $0x2840, s10  }
0x129: {  	[tilespmem:s31], [sflag:$0x1] =	stream.strided.gather [hbm4b:s16+s20], $0x400, s14, s20, $0x38;
	[tilespmem:$0x11F00] =	vst v63  }
0x12a: {  	_ =	swait.ge [sflag:s13], $0x2800  }
0x12b: {  	s17 =	sand.u32 $0x70, s2;
	s2 =	sand.u32 $0x1C00, s2;
	[sflag:s13] =	ssyncset.done $0x0  }
0x12c: {  	s2 =	sor.u32 s17, s2;
	[sflag:s13] =	ssyncadd.s32 $0xFFFFD800  }
0x12d: {  	v5 =	vld [tilespmem:s2+$0x5000];
	_ =	sdelay $0x1  }
0x12e: {  	v6 =	vld [tilespmem:s2+$0x5080];
	_ =	sdelay $0x1  }
0x12f: {  	v7 =	vld [tilespmem:s2+$0x5100]  }
0x130: {  	v5 =	vadd.f32 $0.0e+00, v5  }
0x131: {  	v8 =	vld [tilespmem:s2+$0x5180]  }
0x132: {  	v5 =	vadd.f32 v6, v5  }
0x133: {  	v6 =	vld [tilespmem:s2+$0x5200]  }
0x134: {  	v5 =	vadd.f32 v7, v5  }
0x135: {  	v7 =	vld [tilespmem:s2+$0x5280]  }
0x136: {  	v5 =	vadd.f32 v8, v5  }
0x137: {  	v60 =	vld [tilespmem:s2+$0x5300]  }
0x138: {  	v5 =	vadd.f32 v6, v5  }
0x139: {  	v6 =	vld [tilespmem:s2+$0x5380]  }
0x13a: {  	v5 =	vadd.f32 v7, v5  }
0x13b: {  	v7 =	vld [tilespmem:s2+$0x6400]  }
0x13c: {  	v5 =	vadd.f32 v60, v5  }
0x13d: {  	v61 =	vld [tilespmem:s2+$0x6480]  }
0x13e: {  	v5 =	vadd.f32 v6, v5  }
0x13f: {  	v6 =	vld [tilespmem:s2+$0x6500]  }
0x140: {  	v5 =	vadd.f32 v7, v5  }
0x141: {  	v7 =	vld [tilespmem:s2+$0x6580]  }
0x142: {  	v5 =	vadd.f32 v61, v5  }
0x143: {  	v62 =	vld [tilespmem:s2+$0x6600]  }
0x144: {  	v5 =	vadd.f32 v6, v5  }
0x145: {  	v6 =	vld [tilespmem:s2+$0x6680]  }
0x146: {  	v5 =	vadd.f32 v7, v5  }
0x147: {  	v7 =	vld [tilespmem:s2+$0x6700]  }
0x148: {  	v5 =	vadd.f32 v62, v5  }
0x149: {  	v63 =	vld [tilespmem:s2+$0x6780]  }
0x14a: {  	v5 =	vadd.f32 v6, v5;
	_ =	sdelay $0x1  }
0x14b: {  	v5 =	vadd.f32 v7, v5  }
0x14c: {  	s18 =	simm.s32 $0x10  }
0x14d: {  	s15 =	simm.s32 $0x80;
	s17 =	sand.u32 $0x70, s18;
	v5 =	vadd.f32 v63, v5  }
0x14e: {  	s18 =	sand.u32 $0x1C00, s15;
	s16 =	simm.s32 $0x20;
	s2 =	simm.s32 $0x7800  }
.LBB2_10:
0x14f: {  	p0 =	sne.s32 s16, $0x270;
	s17 =	sor.u32 s17, s18;
	[tilespmem:s2+$0x0] =	vst v5  }
0x150: {  	v5 =	vld [tilespmem:s17+$0x5000];
	_ =	sdelay $0x1  }
0x151: {  	v6 =	vld [tilespmem:s17+$0x5080];
	_ =	sdelay $0x1  }
0x152: {  	v7 =	vld [tilespmem:s17+$0x5100]  }
0x153: {  	v5 =	vadd.f32 $0.0e+00, v5  }
0x154: {  	v8 =	vld [tilespmem:s17+$0x5180]  }
0x155: {  	v5 =	vadd.f32 v6, v5  }
0x156: {  	v6 =	vld [tilespmem:s17+$0x5200]  }
0x157: {  	v5 =	vadd.f32 v7, v5  }
0x158: {  	v7 =	vld [tilespmem:s17+$0x5280]  }
0x159: {  	v5 =	vadd.f32 v8, v5  }
0x15a: {  	v8 =	vld [tilespmem:s17+$0x5300]  }
0x15b: {  	v5 =	vadd.f32 v6, v5  }
0x15c: {  	v6 =	vld [tilespmem:s17+$0x5380]  }
0x15d: {  	v5 =	vadd.f32 v7, v5  }
0x15e: {  	v7 =	vld [tilespmem:s17+$0x6400]  }
0x15f: {  	v5 =	vadd.f32 v8, v5  }
0x160: {  	v8 =	vld [tilespmem:s17+$0x6480]  }
0x161: {  	v5 =	vadd.f32 v6, v5  }
0x162: {  	v6 =	vld [tilespmem:s17+$0x6500]  }
0x163: {  	v5 =	vadd.f32 v7, v5  }
0x164: {  	v7 =	vld [tilespmem:s17+$0x6580]  }
0x165: {  	v5 =	vadd.f32 v8, v5  }
0x166: {  	v8 =	vld [tilespmem:s17+$0x6600]  }
0x167: {  	v5 =	vadd.f32 v6, v5  }
0x168: {  	v6 =	vld [tilespmem:s17+$0x6680]  }
0x169: {  	v5 =	vadd.f32 v7, v5  }
0x16a: {  	v7 =	vld [tilespmem:s17+$0x6700]  }
0x16b: {  	v5 =	vadd.f32 v8, v5  }
0x16c: {  	v8 =	vld [tilespmem:s17+$0x6780]  }
0x16d: {  	v5 =	vadd.f32 v6, v5  }
.Ltmp4:
0x16e: {  	(pc) =	sbr.rel @p0 .LBB2_10-.Ltmp4, $3  }
0x16f: {  	v5 =	vadd.f32 v7, v5;
	_ =	sdelay $0x1  }
0x170: {  	s15 =	sadd.s32 $0x80, s15;
	s2 =	sadd.s32 $0x10, s2;
	v5 =	vadd.f32 v8, v5  }
0x171: {  	s18 =	sand.u32 $0x1C00, s15;
	s17 =	sand.u32 $0x70, s16;
	s16 =	sadd.s32 $0x10, s16  }
0x172: {  	s15 =	sor.u32 s17, s18;
	[tilespmem:s2+$0x0] =	vst v5  }
0x173: {  	v5 =	vld [tilespmem:s15+$0x5000];
	_ =	sdelay $0x1  }
0x174: {  	v6 =	vld [tilespmem:s15+$0x5080];
	_ =	sdelay $0x1  }
0x175: {  	v7 =	vld [tilespmem:s15+$0x5100]  }
0x176: {  	v5 =	vadd.f32 $0.0e+00, v5  }
0x177: {  	v8 =	vld [tilespmem:s15+$0x5180]  }
0x178: {  	v5 =	vadd.f32 v6, v5  }
0x179: {  	v6 =	vld [tilespmem:s15+$0x5200]  }
0x17a: {  	v5 =	vadd.f32 v7, v5  }
0x17b: {  	v7 =	vld [tilespmem:s15+$0x5280]  }
0x17c: {  	v5 =	vadd.f32 v8, v5  }
0x17d: {  	v60 =	vld [tilespmem:s15+$0x5300]  }
0x17e: {  	v5 =	vadd.f32 v6, v5  }
0x17f: {  	v6 =	vld [tilespmem:s15+$0x5380]  }
0x180: {  	v5 =	vadd.f32 v7, v5  }
0x181: {  	v7 =	vld [tilespmem:s15+$0x6400]  }
0x182: {  	v5 =	vadd.f32 v60, v5  }
0x183: {  	v61 =	vld [tilespmem:s15+$0x6480]  }
0x184: {  	v5 =	vadd.f32 v6, v5  }
0x185: {  	v6 =	vld [tilespmem:s15+$0x6500]  }
0x186: {  	v5 =	vadd.f32 v7, v5  }
0x187: {  	v7 =	vld [tilespmem:s15+$0x6580]  }
0x188: {  	v5 =	vadd.f32 v61, v5  }
0x189: {  	v62 =	vld [tilespmem:s15+$0x6600]  }
0x18a: {  	v5 =	vadd.f32 v6, v5  }
0x18b: {  	v6 =	vld [tilespmem:s15+$0x6680]  }
0x18c: {  	v5 =	vadd.f32 v7, v5  }
0x18d: {  	v7 =	vld [tilespmem:s15+$0x6700]  }
0x18e: {  	v5 =	vadd.f32 v62, v5  }
0x18f: {  	v63 =	vld [tilespmem:s15+$0x6780]  }
0x190: {  	v5 =	vadd.f32 v6, v5;
	_ =	sdelay $0x1  }
0x191: {  	v5 =	vadd.f32 v7, v5;
	_ =	sdelay $0x1  }
0x192: {  	s0 =	sadd.s32 $0x1, s0;
	v5 =	vadd.f32 v63, v5  }
0x193: {  	s17 =	sadd.s32 $0x10, s2;
	p0 =	sne.s32 s0, s12  }
.Ltmp5:
0x194: {  	s18 =	simm.s32 $0x0;
	[tilespmem:s17+$0x0] =	vst v5;
	(pc) =	sbr.rel @p0 .LBB2_1-.Ltmp5, $4  }
0x195: {  	[hbm4b:s11+s18] =	stream.linear.scatter [tilespmem:s1], [sflag:$0x1], $0x280, $0x38;
	[tilespmem:$0x11F00] =	vst v63  }
0x196: {  	_ =	swait.ge [sflag:s13], $0x280  }
0x197: {  	[sflag:s13] =	ssyncset.done $0x0  }
0x198: {  	[sflag:s13] =	ssyncadd.s32 $0xFFFFFD80  }
0x199: {  	_ =	sfence.sel $0x180000  }
0x19a: {  	[bflag:$0x0] =	sbarrier.arrive $0xFFFF  }
0x19b: {  	_ =	strace $0x90000047  }
0x19c: {  	s0 =	stileid.u32;
	[bflag:$0x2] =	sbarrier.arrive $0xFFFF  }
0x19d: {  	p0 =	sne.s32 s0, $0x0;
	s0 =	rddreg [dreg:$0x1]  }
0x19e: {  	s0 =	sadd.s32 @!p0 $0x100000, s0  }
0x19f: {  	[sflag:s0] =	ssyncadd.tile.s32 @!p0 $0x1;
	_ =	shalt  }
.Lfunc_end2:
_tile_overlayer_lowered:
.L_overlay_start_2:
0x1a0: {  	(tag) =	ssettag $0x2  }
0x1a1: {  	s0 =	rddreg [dreg:$0x0];
	s2 =	stileid.u32  }
0x1a2: {  	s1 =	rddreg [dreg:$0x1];
	p0 =	sne.s32 s2, $0x0  }
0x1a3: {  	s3 =	rddreg [dreg:$0x2];
	[bflag:$0x3] =	sbarrier.arrive $0xFFFF;
	s2 =	simm.s32 @!p0 $0x1C01  }
0x1a4: {  	[timem:s3], [sflag:s2] =	dma.local @!p0 [hbm:s0], s1  }
0x1a5: {  	s0 =	simm.s32 @!p0 $0x1  }
0x1a6: {  	_ =	swait.ge @!p0 [sflag:s0], s1  }
0x1a7: {  	s1 =	ssub.s32 @!p0 $0x0, s1;
	[sflag:s0] =	ssyncset.done @!p0 $0x0  }
0x1a8: {  	[sflag:s0] =	ssyncadd.s32 @!p0 s1  }
0x1a9: {  	[bflag:$0x3] =	sbarrier.arrive $0xFFFF  }
0x1aa: {  	_ =	shalt  }

</sc_bundles>
